<compile_context>
chip_gen: v7x
topology: tpu7x:2x2x1
jax: 0.10.2.dev20260603
libtpu: 0.0.44.dev20260713+nightly
codegen_flags: <defaults>
</compile_context>

<pallas_src>
import functools

import jax
import jax.numpy as jnp
from jax import lax
from jax.experimental import pallas as pl
from jax.experimental.pallas import tpu as pltpu
from jax.experimental.pallas import tpu_sc as plsc

N = 50000
E = 800000
H = 4
C = 16
EPS = 1e-5

NC = 2
NS = 16
PKW = 48
ALDW = 16
K = 112
ET = E // NS
NCHUNK = 447
PT = NCHUNK * K
NNUM = N + 8
NDEN = 6256
WB = 80
NWB = N // WB
DW = 50
NWD = (N // 8) // DW


def _edge_body(pack0, pack1, ald0, ald1, eidx_h,
               accn0, accn1, accd0, accd1,
               num_sh, den_sh, idx0, idx1, dsts0, dsts1, dst40, dst41,
               rows0, rows1, ald_0, ald_1, msgv, denv,
               sidx0, sidx1, srow, sald, ssc):
    c = lax.axis_index("c")
    s = lax.axis_index("s")
    zeros16 = jnp.zeros((16,), jnp.float32)
    iota16 = lax.iota(jnp.int32, 16)
    idxb = (idx0, idx1)
    dstsb = (dsts0, dsts1)
    dst4b = (dst40, dst41)
    rowsb = (rows0, rows1)
    aldb = (ald_0, ald_1)

    def zrow(i, _):
        msgv[i, pl.ds(0, 16)] = zeros16
        msgv[i, pl.ds(16, 16)] = zeros16
        denv[i, pl.ds(0, 16)] = zeros16
        return 0
    lax.fori_loop(0, K, zrow, 0)

    def zacc(j, _):
        @pl.when(j % NS == s)
        def _():
            pltpu.sync_copy(msgv.at[pl.ds(0, WB)], num_sh.at[pl.ds(j * WB, WB)])
        return 0
    lax.fori_loop(0, NWB, zacc, 0)

    def zaccd(j, _):
        @pl.when(j % NS == s)
        def _():
            pltpu.sync_copy(denv.at[pl.ds(0, DW)], den_sh.at[pl.ds(j * DW, DW)])
        return 0
    lax.fori_loop(0, NWD, zaccd, 0)

    @pl.when(s == 0)
    def _():
        pltpu.sync_copy(msgv.at[pl.ds(0, 8)], num_sh.at[pl.ds(N, 8)])
        pltpu.sync_copy(denv.at[pl.ds(0, 16)], den_sh.at[pl.ds(NDEN - 16, 16)])
    plsc.subcore_barrier()

    sidxb = (sidx0, sidx1)

    def idx_slice(k):
        return eidx_h.at[:, pl.ds(s * PT + k * K, K)]

    def start_idx(k, p):
        pltpu.async_copy(idx_slice(k), idxb[p], sidxb[p])

    def wait_idx(k, p):
        pltpu.make_async_copy(idx_slice(k), idxb[p], sidxb[p]).wait()

    GSPLIT = ((0, 32), (32, 32), (64, 32), (96, 16))
    GA = K // 2

    def start_gather(p):
        @pl.when(c == 0)
        def _():
            for o, n in GSPLIT:
                pltpu.async_copy(pack0.at[idxb[p].at[0, pl.ds(o, n)]],
                                 rowsb[p].at[pl.ds(o, n)], srow)
            for q in range(2):
                pltpu.async_copy(ald0.at[idxb[p].at[1, pl.ds(q * GA, GA)]],
                                 aldb[p].at[pl.ds(q * GA, GA)], sald)

        @pl.when(c == 1)
        def _():
            for o, n in GSPLIT:
                pltpu.async_copy(pack1.at[idxb[p].at[0, pl.ds(o, n)]],
                                 rowsb[p].at[pl.ds(o, n)], srow)
            for q in range(2):
                pltpu.async_copy(ald1.at[idxb[p].at[1, pl.ds(q * GA, GA)]],
                                 aldb[p].at[pl.ds(q * GA, GA)], sald)

    def wait_gather(p):
        for o, n in GSPLIT:
            pltpu.make_async_copy(pack0.at[idxb[p].at[0, pl.ds(o, n)]],
                                  rowsb[p].at[pl.ds(o, n)], srow).wait()
        for q in range(2):
            pltpu.make_async_copy(ald0.at[idxb[p].at[1, pl.ds(q * GA, GA)]],
                                  aldb[p].at[pl.ds(q * GA, GA)], sald).wait()

    def start_scatter(p):
        pltpu.async_copy(msgv, num_sh.at[dstsb[p]], ssc, add=True)
        pltpu.async_copy(denv, den_sh.at[dst4b[p]], ssc, add=True)

    def wait_scatter(p):
        pltpu.make_async_copy(msgv, num_sh.at[dstsb[p]], ssc).wait()
        pltpu.make_async_copy(denv, den_sh.at[dst4b[p]], ssc).wait()

    def copy_dst(p):
        def cp(g, _):
            dstm = idxb[p][1, pl.ds(g * 16, 16)]
            dstsb[p][pl.ds(g * 16, 16)] = dstm
            dst4b[p][pl.ds(g * 16, 16)] = lax.shift_right_logical(dstm, 3)
            return 0
        lax.fori_loop(0, K // 16, cp, 0)

    def compute(p):
        def grp(g, _):
            e16 = g * 16 + iota16
            dstm = dstsb[p][pl.ds(g * 16, 16)]
            colbase = lax.shift_left(
                lax.bitwise_and(dstm, jnp.full((16,), 7, jnp.int32)), 1)
            ws = []
            for hh in range(2):
                als = plsc.load_gather(
                    rowsb[p], [e16, jnp.full((16,), 32 + hh, jnp.int32)])
                ad = plsc.load_gather(
                    aldb[p], [e16, jnp.full((16,), hh, jnp.int32)])
                e = als + ad
                e = jnp.where(e > 0, e, 0.2 * e)
                ws.append(jnp.exp(e))
            for hh in range(2):
                plsc.store_scatter(denv, [e16, colbase + hh], ws[hh])
            hvs = [plsc.load_gather(rowsb[p],
                                    [e16, jnp.full((16,), col, jnp.int32)])
                   for col in range(32)]
            for col in range(32):
                cc = jnp.full((16,), col, jnp.int32)
                plsc.store_scatter(msgv, [e16, cc], ws[col // 16] * hvs[col])
            return 0
        lax.fori_loop(0, K // 16, grp, 0)

    def rezero_den():
        def zden(i, _):
            denv[i, pl.ds(0, 16)] = zeros16
            return 0
        lax.fori_loop(0, K, zden, 0)

    start_idx(0, 0)
    start_idx(1, 1)
    wait_idx(0, 0)
    start_gather(0)

    def pipe(k, p, first):
        wait_gather(p)
        wait_idx(k + 1, 1 - p)
        start_gather(1 - p)
        copy_dst(p)

        @pl.when(k + 2 < NCHUNK)
        def _():
            start_idx(k + 2, p)
        if not first:
            wait_scatter(1 - p)
            rezero_den()
        compute(p)
        start_scatter(p)

    pipe(0, 0, True)
    pipe(1, 1, False)

    def dbl(k2, _):
        k = 2 * k2
        pipe(k, 0, False)
        pipe(k + 1, 1, False)
        return 0
    lax.fori_loop(1, (NCHUNK - 1) // 2, dbl, 0)

    wait_gather(0)
    copy_dst(0)
    wait_scatter(1)
    rezero_den()
    compute(0)
    start_scatter(0)
    wait_scatter(0)
    plsc.subcore_barrier()

    def wb(j, _):
        @pl.when(j % NS == s)
        def _():
            r0 = j * WB
            pltpu.sync_copy(num_sh.at[pl.ds(r0, WB)], msgv.at[pl.ds(0, WB)])

            @pl.when(c == 0)
            def _():
                pltpu.sync_copy(msgv.at[pl.ds(0, WB)], accn0.at[pl.ds(r0, WB)])

            @pl.when(c == 1)
            def _():
                pltpu.sync_copy(msgv.at[pl.ds(0, WB)], accn1.at[pl.ds(r0, WB)])
        return 0
    lax.fori_loop(0, NWB, wb, 0)

    def wbd(j, _):
        @pl.when(j % NS == s)
        def _():
            r0 = j * DW
            pltpu.sync_copy(den_sh.at[pl.ds(r0, DW)], denv.at[pl.ds(0, DW)])

            @pl.when(c == 0)
            def _():
                pltpu.sync_copy(denv.at[pl.ds(0, DW)], accd0.at[pl.ds(r0, DW)])

            @pl.when(c == 1)
            def _():
                pltpu.sync_copy(denv.at[pl.ds(0, DW)], accd1.at[pl.ds(r0, DW)])
        return 0
    lax.fori_loop(0, NWD, wbd, 0)


@jax.jit
def _edge_pass(pack0, pack1, ald0, ald1, eidx):
    mesh = plsc.VectorSubcoreMesh(core_axis_name="c", subcore_axis_name="s")
    f = pl.kernel(
        _edge_body,
        out_type=(jax.ShapeDtypeStruct((N, 32), jnp.float32),
                  jax.ShapeDtypeStruct((N, 32), jnp.float32),
                  jax.ShapeDtypeStruct((N // 8, 16), jnp.float32),
                  jax.ShapeDtypeStruct((N // 8, 16), jnp.float32)),
        mesh=mesh,
        compiler_params=pltpu.CompilerParams(
            needs_layout_passes=False, use_tc_tiling_on_sc=False),
        scratch_types=[
            pltpu.VMEM_SHARED((NNUM, 32), jnp.float32),
            pltpu.VMEM_SHARED((NDEN, 16), jnp.float32),
            pltpu.VMEM((2, K), jnp.int32),
            pltpu.VMEM((2, K), jnp.int32),
            pltpu.VMEM((K,), jnp.int32),
            pltpu.VMEM((K,), jnp.int32),
            pltpu.VMEM((K,), jnp.int32),
            pltpu.VMEM((K,), jnp.int32),
            pltpu.VMEM((K, PKW), jnp.float32),
            pltpu.VMEM((K, PKW), jnp.float32),
            pltpu.VMEM((K, ALDW), jnp.float32),
            pltpu.VMEM((K, ALDW), jnp.float32),
            pltpu.VMEM((K, 32), jnp.float32),
            pltpu.VMEM((K, 16), jnp.float32),
            pltpu.SemaphoreType.DMA,
            pltpu.SemaphoreType.DMA,
            pltpu.SemaphoreType.DMA,
            pltpu.SemaphoreType.DMA,
            pltpu.SemaphoreType.DMA,
        ],
    )
    return f(pack0, pack1, ald0, ald1, eidx)


_BM = 1000


def _mm(x, W, b=None, act=None):
    n, kd = x.shape
    md = W.shape[1]

    if b is not None:
        def body(x_ref, w_ref, b_ref, o_ref):
            acc = jnp.dot(x_ref[...], w_ref[...],
                          preferred_element_type=jnp.float32)
            acc = acc + b_ref[...]
            if act == "relu":
                acc = jnp.maximum(acc, 0.0)
            o_ref[...] = acc
        args = (x, W, b.reshape(1, md))
        in_specs = [
            pl.BlockSpec((_BM, kd), lambda i: (i, 0)),
            pl.BlockSpec((kd, md), lambda i: (0, 0)),
            pl.BlockSpec((1, md), lambda i: (0, 0)),
        ]
    else:
        def body(x_ref, w_ref, o_ref):
            acc = jnp.dot(x_ref[...], w_ref[...],
                          preferred_element_type=jnp.float32)
            if act == "relu":
                acc = jnp.maximum(acc, 0.0)
            o_ref[...] = acc
        args = (x, W)
        in_specs = [
            pl.BlockSpec((_BM, kd), lambda i: (i, 0)),
            pl.BlockSpec((kd, md), lambda i: (0, 0)),
        ]
    return pl.pallas_call(
        body,
        grid=(n // _BM,),
        in_specs=in_specs,
        out_specs=pl.BlockSpec((_BM, md), lambda i: (i, 0)),
        out_shape=jax.ShapeDtypeStruct((n, md), jnp.float32),
    )(*args)


def _colstats(x):
    n, d = x.shape

    def body(x_ref, o_ref):
        i = pl.program_id(0)

        @pl.when(i == 0)
        def _():
            o_ref[...] = jnp.zeros_like(o_ref)
        xb = x_ref[...]
        o_ref[0:1, :] += jnp.sum(xb, axis=0, keepdims=True)
        o_ref[1:2, :] += jnp.sum(xb * xb, axis=0, keepdims=True)

    return pl.pallas_call(
        body,
        grid=(n // _BM,),
        in_specs=[pl.BlockSpec((_BM, d), lambda i: (i, 0))],
        out_specs=pl.BlockSpec((2, d), lambda i: (0, 0)),
        out_shape=jax.ShapeDtypeStruct((2, d), jnp.float32),
    )(x)


def _bn_pallas(x, g, b):
    st = _colstats(x)
    n = x.shape[0]
    m = st[0] / n
    v = st[1] / n - m * m
    return (x - m) / jnp.sqrt(v + EPS) * g + b


def _pack_mats(Wg, a_s, a_d):
    HC = H * C
    Ms, Ds = [], []
    for c in range(NC):
        P = jnp.zeros((HC, PKW), jnp.float32)
        P = P.at[c * 32:(c + 1) * 32, 0:32].set(jnp.eye(32))
        for hh in range(2):
            head = c * 2 + hh
            P = P.at[head * C:(head + 1) * C, 32 + hh].set(a_s[head])
        D = jnp.zeros((HC, ALDW), jnp.float32)
        for hh in range(2):
            head = c * 2 + hh
            D = D.at[head * C:(head + 1) * C, hh].set(a_d[head])
        Ms.append(Wg @ P)
        Ds.append(Wg @ D)
    return Ms, Ds


def _gat_sc(x, eidx, Wg, a_s, a_d, b, concat):
    Ms, Ds = _pack_mats(Wg, a_s, a_d)
    Dcat = jnp.concatenate([Ds[0], Ds[1]], axis=1)
    ald = _mm(x, Dcat)
    accn0, accn1, accd0, accd1 = _edge_pass(
        _mm(x, Ms[0]), _mm(x, Ms[1]), ald[:, :ALDW], ald[:, ALDW:], eidx)
    num = jnp.concatenate([accn0, accn1], axis=1)
    den = jnp.concatenate([accd0.reshape(N, 2),
                           accd1.reshape(N, 2)], axis=1)
    out = num.reshape(N, H, C) / (den[:, :, None] + 1e-16)
    if concat:
        out = out.reshape(N, H * C)
    else:
        out = out.mean(axis=1)
    return out + b


def _bn(x, g, b):
    m = x.mean(0)
    v = x.var(0)
    return (x - m) / jnp.sqrt(v + EPS) * g + b


def kernel(X, edge_index, W_in, b_in, Wg0, as0, ad0, bg0, g0, be0,
           Wg1, as1, ad1, bg1, g1, be1, Wo1, bo1, Wo2, bo2):
    pad = jnp.broadcast_to(
        jnp.array([0, N], jnp.int32).reshape(2, 1, 1), (2, NS, PT - ET))
    eidx = jnp.concatenate(
        [edge_index.reshape(2, NS, ET), pad], axis=2).reshape(2, NS * PT)
    x = _mm(X, W_in, b_in)
    x = _gat_sc(x, eidx, Wg0, as0, ad0, bg0, True)
    x = _bn_pallas(x, g0, be0)
    x = jax.nn.relu(x)
    x = _gat_sc(x, eidx, Wg1, as1, ad1, bg1, False)
    x = _bn_pallas(x, g1, be1)
    h = _mm(x, Wo1, bo1, act="relu")
    Wo2p = jnp.pad(Wo2, ((0, 0), (0, 7)))
    bo2p = jnp.pad(bo2, (0, 7))
    out = _mm(h, Wo2p, bo2p)[:, 0:1]
    return out

# --- scband reference (transcript-rebuilt; emitter-appended) ---
"""Pipeline reference for scband-gat-50680614093543 (READ-ONLY COPY).

The authoritative reference and input builder live on the scoring server;
editing this copy changes nothing except your own understanding.
"""

import jax, jax.numpy as jnp
import numpy as np

N = 50000
E = 800000
IN_DIM = 128
H = 4
C = 16
EPS = 1e-5


def setup_inputs(seed: int = 0) -> dict:
    key = jax.random.key(seed)
    ks = jax.random.split(key, 24)
    def nrm(k, shape, scale=0.05):
        return jax.random.normal(k, shape, dtype=jnp.float32) * scale
    inp = {
        "X": jax.random.normal(ks[0], (N, IN_DIM), dtype=jnp.float32),
        "edge_index": jax.random.randint(ks[1], (2, E), 0, N, dtype=jnp.int32),
        # input projection 128 -> 64 (= hidden_channels[0] * heads[0])
        "W_in": nrm(ks[2], (IN_DIM, H * C)),
        "b_in": jnp.zeros((H * C,), dtype=jnp.float32),
        # GAT layer 0: in 64 -> 16 per head, 4 heads, concat=True
        "Wg0": nrm(ks[3], (H * C, H * C)),
        "as0": nrm(ks[4], (H, C)),
        "ad0": nrm(ks[5], (H, C)),
        "bg0": jnp.zeros((H * C,), dtype=jnp.float32),
        "g0": jnp.ones((H * C,), dtype=jnp.float32),
        "be0": jnp.zeros((H * C,), dtype=jnp.float32),
        # GAT layer 1: in 64 -> 16 per head, 4 heads, concat=False (mean over heads)
        "Wg1": nrm(ks[6], (H * C, H * C)),
        "as1": nrm(ks[7], (H, C)),
        "ad1": nrm(ks[8], (H, C)),
        "bg1": jnp.zeros((C,), dtype=jnp.float32),
        "g1": jnp.ones((C,), dtype=jnp.float32),
        "be1": jnp.zeros((C,), dtype=jnp.float32),
        # OutputLayer MLP: 16 -> 64 -> n_steps(=1)
        "Wo1": nrm(ks[9], (C, 64)),
        "bo1": jnp.zeros((64,), dtype=jnp.float32),
        "Wo2": nrm(ks[10], (64, 1)),
        "bo2": jnp.zeros((1,), dtype=jnp.float32),
    }
    return inp


def _gat(x, src, dst, Wg, a_s, a_d, b, concat):
    h = (x @ Wg).reshape(N, H, C)
    al_s = (h * a_s[None]).sum(-1)  # [N, H]
    al_d = (h * a_d[None]).sum(-1)  # [N, H]
    e = al_s[src] + al_d[dst]       # [E, H]
    e = jnp.where(e > 0, e, 0.2 * e)  # LeakyReLU(0.2)
    emax = jax.ops.segment_max(e, dst, num_segments=N)
    emax = jnp.where(jnp.isfinite(emax), emax, 0.0)
    ex = jnp.exp(e - emax[dst])
    den = jax.ops.segment_sum(ex, dst, num_segments=N)
    alpha = ex / (den[dst] + 1e-16)
    msg = h[src] * alpha[:, :, None]  # [E, H, C]
    out = jax.ops.segment_sum(msg, dst, num_segments=N)
    if concat:
        out = out.reshape(N, H * C)
    else:
        out = out.mean(axis=1)
    return out + b


def _bn(x, g, b):
    m = x.mean(0)
    v = x.var(0)
    return (x - m) / jnp.sqrt(v + EPS) * g + b


def reference(X, edge_index, W_in, b_in, Wg0, as0, ad0, bg0, g0, be0,
              Wg1, as1, ad1, bg1, g1, be1, Wo1, bo1, Wo2, bo2):
    src = edge_index[0]
    dst = edge_index[1]
    x = X @ W_in + b_in
    x = _gat(x, src, dst, Wg0, as0, ad0, bg0, True)
    x = _bn(x, g0, be0)
    x = jax.nn.relu(x)
    x = _gat(x, src, dst, Wg1, as1, ad1, bg1, False)
    x = _bn(x, g1, be1)
    h = jax.nn.relu(x @ Wo1 + bo1)
    out = h @ Wo2 + bo2
    return out

if __name__ == "__main__":
    import jax
    _d = setup_inputs()
    print(jax.jit(kernel)(*tuple(_d.values())))

</pallas_src>

<mosaic_0001>
#map = affine_map<(d0, d1) -> (0, 0)>
module attributes {stable_mosaic.version = 14 : i64} {
  func.func @_edge_body(%arg0: i32, %arg1: i32, %arg2: memref<50000x48xf32, #tpu.memory_space<hbm>>, %arg3: memref<50000x48xf32, #tpu.memory_space<hbm>>, %arg4: memref<50000x16xf32, #tpu.memory_space<hbm>>, %arg5: memref<50000x16xf32, #tpu.memory_space<hbm>>, %arg6: memref<2x801024xi32, #tpu.memory_space<hbm>>, %arg7: memref<50000x32xf32, #tpu.memory_space<hbm>>, %arg8: memref<50000x32xf32, #tpu.memory_space<hbm>>, %arg9: memref<6250x16xf32, #tpu.memory_space<hbm>>, %arg10: memref<6250x16xf32, #tpu.memory_space<hbm>>, %arg11: memref<50008x32xf32, #tpu.memory_space<vmem_shared>>, %arg12: memref<6256x16xf32, #tpu.memory_space<vmem_shared>>, %arg13: memref<2x112xi32, #tpu.memory_space<vmem>>, %arg14: memref<2x112xi32, #tpu.memory_space<vmem>>, %arg15: memref<112xi32, #tpu.memory_space<vmem>>, %arg16: memref<112xi32, #tpu.memory_space<vmem>>, %arg17: memref<112xi32, #tpu.memory_space<vmem>>, %arg18: memref<112xi32, #tpu.memory_space<vmem>>, %arg19: memref<112x48xf32, #tpu.memory_space<vmem>>, %arg20: memref<112x48xf32, #tpu.memory_space<vmem>>, %arg21: memref<112x16xf32, #tpu.memory_space<vmem>>, %arg22: memref<112x16xf32, #tpu.memory_space<vmem>>, %arg23: memref<112x32xf32, #tpu.memory_space<vmem>>, %arg24: memref<112x16xf32, #tpu.memory_space<vmem>>, %arg25: memref<!tpu.dma_semaphore, #tpu.memory_space<semaphore_mem>>, %arg26: memref<!tpu.dma_semaphore, #tpu.memory_space<semaphore_mem>>, %arg27: memref<!tpu.dma_semaphore, #tpu.memory_space<semaphore_mem>>, %arg28: memref<!tpu.dma_semaphore, #tpu.memory_space<semaphore_mem>>, %arg29: memref<!tpu.dma_semaphore, #tpu.memory_space<semaphore_mem>>) attributes {dimension_semantics = [#tpu.dimension_semantics<core_parallel>, #tpu.dimension_semantics<subcore_parallel>], iteration_bounds = array<i64: 2, 16>, scalar_prefetch = 0 : i64, scratch_operands = 19 : i64, tpu.core_type = #tpu.core_type<sc_vector_subcore>, window_params = [{transform_indices = #map}, {transform_indices = #map}, {transform_indices = #map}, {transform_indices = #map}, {transform_indices = #map}, {transform_indices = #map}, {transform_indices = #map}, {transform_indices = #map}, {transform_indices = #map}]} {
    %broadcast_in_dim3A = arith.constant 0.000000e+00 : f32
    %broadcast_in_dim3A_0 = vector.broadcast %broadcast_in_dim3A : f32 to vector<16xf32>
    %iota3A = tpu.iota {dimensions = array<i32: 0>} : vector<16xi32>
    %scan3A = arith.constant 0 : i32
    %scan3A_1 = arith.constant 0 : i32
    %scan3A_2 = arith.constant 112 : i32
    %scan3A_3 = arith.addi %scan3A_1, %scan3A_2 : i32
    %scan3A_4 = arith.constant 1 : i32
    %scan3A_5 = scf.for %scan3A_399 = %scan3A_1 to %scan3A_3 step %scan3A_4 iter_args(%scan3A_400 = %scan3A) -> (i32)  : i32 {
      %swap3A = arith.index_cast %scan3A_399 : i32 to index
      %swap3A_401 = arith.constant 0 : index
      %swap3A_402 = tpu.vector_load %arg23[%swap3A, %swap3A_401] {strides = array<i32>} : memref<112x32xf32, #tpu.memory_space<vmem>>, vector<16xf32>,
      tpu.vector_store %arg23[%swap3A, %swap3A_401], %broadcast_in_dim3A_0 {strides = array<i32>} : memref<112x32xf32, #tpu.memory_space<vmem>>, vector<16xf32>,
      %swap3A_403 = arith.index_cast %scan3A_399 : i32 to index
      %swap3A_404 = arith.constant 16 : index
      %swap3A_405 = tpu.vector_load %arg23[%swap3A_403, %swap3A_404] {strides = array<i32>} : memref<112x32xf32, #tpu.memory_space<vmem>>, vector<16xf32>,
      tpu.vector_store %arg23[%swap3A_403, %swap3A_404], %broadcast_in_dim3A_0 {strides = array<i32>} : memref<112x32xf32, #tpu.memory_space<vmem>>, vector<16xf32>,
      %swap3A_406 = arith.index_cast %scan3A_399 : i32 to index
      %swap3A_407 = arith.constant 0 : index
      %swap3A_408 = tpu.vector_load %arg24[%swap3A_406, %swap3A_407] {strides = array<i32>} : memref<112x16xf32, #tpu.memory_space<vmem>>, vector<16xf32>,
      tpu.vector_store %arg24[%swap3A_406, %swap3A_407], %broadcast_in_dim3A_0 {strides = array<i32>} : memref<112x16xf32, #tpu.memory_space<vmem>>, vector<16xf32>,
      %scan3A_409 = arith.constant 0 : i32
      scf.yield %scan3A_409 : i32
    }
    %scan3A_6 = arith.constant 112 : i32
    %scan3A_7 = arith.constant 0 : i32
    %scan3A_8 = arith.constant 0 : i32
    %scan3A_9 = arith.constant 625 : i32
    %scan3A_10 = arith.addi %scan3A_8, %scan3A_9 : i32
    %scan3A_11 = arith.constant 1 : i32
    %scan3A_12 = scf.for %scan3A_399 = %scan3A_8 to %scan3A_10 step %scan3A_11 iter_args(%scan3A_400 = %scan3A_7) -> (i32)  : i32 {
      %jit3A = arith.constant 16 : i32
      %eq3A_401 = arith.constant 0 : i32
      %eq3A_402 = arith.cmpi eq, %jit3A, %eq3A_401 : i32
      %jit3A_403 = arith.constant 1 : i32
      %select_n3A = arith.select %eq3A_402, %jit3A_403, %jit3A : i32
      %rem3A = arith.remsi %scan3A_399, %select_n3A : i32
      %ne3A = arith.constant 0 : i32
      %ne3A_404 = arith.cmpi ne, %rem3A, %ne3A : i32
      %lt3A = arith.constant 0 : i32
      %lt3A_405 = arith.cmpi slt, %rem3A, %lt3A : i32
      %lt3A_406 = arith.constant 0 : i32
      %lt3A_407 = arith.cmpi slt, %select_n3A, %lt3A_406 : i32
      %ne3A_408 = arith.xori %lt3A_405, %lt3A_407 : i1
      %and3A = arith.andi %ne3A_408, %ne3A_404 : i1
      %add3A_409 = arith.addi %rem3A, %select_n3A : i32
      %select_n3A_410 = arith.select %and3A, %add3A_409, %rem3A : i32
      %eq3A_411 = arith.cmpi eq, %select_n3A_410, %arg1 : i32
      %convert_element_type3A_412 = arith.extui %eq3A_411 : i1 to i32
      %cond3A_413 = arith.constant 0 : i32
      %cond3A_414 = arith.cmpi ne, %convert_element_type3A_412, %cond3A_413 : i32
      scf.if %cond3A_414 {
        %mul3A_416 = arith.constant 80 : i32
        %mul3A_417 = arith.muli %scan3A_399, %mul3A_416 : i32
        "tpu.region"() ({
          %run_scoped3A = tpu.sem_alloc : memref<!tpu.dma_semaphore, #tpu.memory_space<semaphore_mem>>
          %dma_start3A_418 = arith.constant 0 : i32
          %dma_start3A_419 = arith.constant 0 : i32
          %dma_start3A_420 = tpu.memref_slice %arg23[%dma_start3A_418, %dma_start3A_419] : memref<112x32xf32, #tpu.memory_space<vmem>> -> memref<80x32xf32, #tpu.memory_space<vmem>>
          %dma_start3A_421 = arith.constant 0 : i32
          %dma_start3A_422 = tpu.memref_slice %arg11[%mul3A_417, %dma_start3A_421] : memref<50008x32xf32, #tpu.memory_space<vmem_shared>> -> memref<80x32xf32, #tpu.memory_space<vmem_shared>>
          %dma_start3A_423 = arith.constant 0 : i32
          %dma_start3A_424 = tpu.memref_slice %arg11[%mul3A_417, %dma_start3A_423] : memref<50008x32xf32, #tpu.memory_space<vmem_shared>> -> memref<80x32xf32, #tpu.memory_space<vmem_shared>>
          %dma_start3A_425 = arith.constant 0 : i32
          %dma_start3A_426 = arith.constant 0 : i32
          %dma_start3A_427 = tpu.memref_slice %arg23[%dma_start3A_425, %dma_start3A_426] : memref<112x32xf32, #tpu.memory_space<vmem>> -> memref<80x32xf32, #tpu.memory_space<vmem>>
          tpu.enqueue_dma source(%dma_start3A_427 : memref<80x32xf32, #tpu.memory_space<vmem>>) target(%dma_start3A_424 : memref<80x32xf32, #tpu.memory_space<vmem_shared>>) target_semaphore(%run_scoped3A : memref<!tpu.dma_semaphore, #tpu.memory_space<semaphore_mem>>)
          %dma_wait3A_428 = arith.constant 0 : i32
          %dma_wait3A_429 = arith.constant 0 : i32
          %dma_wait3A_430 = tpu.memref_slice %arg23[%dma_wait3A_428, %dma_wait3A_429] : memref<112x32xf32, #tpu.memory_space<vmem>> -> memref<80x32xf32, #tpu.memory_space<vmem>>
          %dma_wait3A_431 = arith.constant 0 : i32
          %dma_wait3A_432 = tpu.memref_slice %arg11[%mul3A_417, %dma_wait3A_431] : memref<50008x32xf32, #tpu.memory_space<vmem_shared>> -> memref<80x32xf32, #tpu.memory_space<vmem_shared>>
          %dma_wait3A_433 = arith.constant 0 : i32
          %dma_wait3A_434 = tpu.memref_slice %arg11[%mul3A_417, %dma_wait3A_433] : memref<50008x32xf32, #tpu.memory_space<vmem_shared>> -> memref<80x32xf32, #tpu.memory_space<vmem_shared>>
          %dma_wait3A_435 = arith.constant 0 : i32
          %dma_wait3A_436 = arith.constant 0 : i32
          %dma_wait3A_437 = tpu.memref_slice %arg23[%dma_wait3A_435, %dma_wait3A_436] : memref<112x32xf32, #tpu.memory_space<vmem>> -> memref<80x32xf32, #tpu.memory_space<vmem>>
          tpu.wait_dma2 semaphore(%run_scoped3A : memref<!tpu.dma_semaphore, #tpu.memory_space<semaphore_mem>>) src(%dma_wait3A_437 : memref<80x32xf32, #tpu.memory_space<vmem>>) dst(%dma_wait3A_434 : memref<80x32xf32, #tpu.memory_space<vmem_shared>>)
          tpu.yield
        }) : () -> ()
      } else {
      }
      %scan3A_415 = arith.constant 0 : i32
      scf.yield %scan3A_415 : i32
    }
    %scan3A_13 = arith.constant 625 : i32
    %scan3A_14 = arith.constant 0 : i32
    %scan3A_15 = arith.constant 0 : i32
    %scan3A_16 = arith.constant 125 : i32
    %scan3A_17 = arith.addi %scan3A_15, %scan3A_16 : i32
    %scan3A_18 = arith.constant 1 : i32
    %scan3A_19 = scf.for %scan3A_399 = %scan3A_15 to %scan3A_17 step %scan3A_18 iter_args(%scan3A_400 = %scan3A_14) -> (i32)  : i32 {
      %jit3A = arith.constant 16 : i32
      %eq3A_401 = arith.constant 0 : i32
      %eq3A_402 = arith.cmpi eq, %jit3A, %eq3A_401 : i32
      %jit3A_403 = arith.constant 1 : i32
      %select_n3A = arith.select %eq3A_402, %jit3A_403, %jit3A : i32
      %rem3A = arith.remsi %scan3A_399, %select_n3A : i32
      %ne3A = arith.constant 0 : i32
      %ne3A_404 = arith.cmpi ne, %rem3A, %ne3A : i32
      %lt3A = arith.constant 0 : i32
      %lt3A_405 = arith.cmpi slt, %rem3A, %lt3A : i32
      %lt3A_406 = arith.constant 0 : i32
      %lt3A_407 = arith.cmpi slt, %select_n3A, %lt3A_406 : i32
      %ne3A_408 = arith.xori %lt3A_405, %lt3A_407 : i1
      %and3A = arith.andi %ne3A_408, %ne3A_404 : i1
      %add3A_409 = arith.addi %rem3A, %select_n3A : i32
      %select_n3A_410 = arith.select %and3A, %add3A_409, %rem3A : i32
      %eq3A_411 = arith.cmpi eq, %select_n3A_410, %arg1 : i32
      %convert_element_type3A_412 = arith.extui %eq3A_411 : i1 to i32
      %cond3A_413 = arith.constant 0 : i32
      %cond3A_414 = arith.cmpi ne, %convert_element_type3A_412, %cond3A_413 : i32
      scf.if %cond3A_414 {
        %mul3A_416 = arith.constant 50 : i32
        %mul3A_417 = arith.muli %scan3A_399, %mul3A_416 : i32
        "tpu.region"() ({
          %run_scoped3A = tpu.sem_alloc : memref<!tpu.dma_semaphore, #tpu.memory_space<semaphore_mem>>
          %dma_start3A_418 = arith.constant 0 : i32
          %dma_start3A_419 = arith.constant 0 : i32
          %dma_start3A_420 = tpu.memref_slice %arg24[%dma_start3A_418, %dma_start3A_419] : memref<112x16xf32, #tpu.memory_space<vmem>> -> memref<50x16xf32, #tpu.memory_space<vmem>>
          %dma_start3A_421 = arith.constant 0 : i32
          %dma_start3A_422 = tpu.memref_slice %arg12[%mul3A_417, %dma_start3A_421] : memref<6256x16xf32, #tpu.memory_space<vmem_shared>> -> memref<50x16xf32, #tpu.memory_space<vmem_shared>>
          %dma_start3A_423 = arith.constant 0 : i32
          %dma_start3A_424 = tpu.memref_slice %arg12[%mul3A_417, %dma_start3A_423] : memref<6256x16xf32, #tpu.memory_space<vmem_shared>> -> memref<50x16xf32, #tpu.memory_space<vmem_shared>>
          %dma_start3A_425 = arith.constant 0 : i32
          %dma_start3A_426 = arith.constant 0 : i32
          %dma_start3A_427 = tpu.memref_slice %arg24[%dma_start3A_425, %dma_start3A_426] : memref<112x16xf32, #tpu.memory_space<vmem>> -> memref<50x16xf32, #tpu.memory_space<vmem>>
          tpu.enqueue_dma source(%dma_start3A_427 : memref<50x16xf32, #tpu.memory_space<vmem>>) target(%dma_start3A_424 : memref<50x16xf32, #tpu.memory_space<vmem_shared>>) target_semaphore(%run_scoped3A : memref<!tpu.dma_semaphore, #tpu.memory_space<semaphore_mem>>)
          %dma_wait3A_428 = arith.constant 0 : i32
          %dma_wait3A_429 = arith.constant 0 : i32
          %dma_wait3A_430 = tpu.memref_slice %arg24[%dma_wait3A_428, %dma_wait3A_429] : memref<112x16xf32, #tpu.memory_space<vmem>> -> memref<50x16xf32, #tpu.memory_space<vmem>>
          %dma_wait3A_431 = arith.constant 0 : i32
          %dma_wait3A_432 = tpu.memref_slice %arg12[%mul3A_417, %dma_wait3A_431] : memref<6256x16xf32, #tpu.memory_space<vmem_shared>> -> memref<50x16xf32, #tpu.memory_space<vmem_shared>>
          %dma_wait3A_433 = arith.constant 0 : i32
          %dma_wait3A_434 = tpu.memref_slice %arg12[%mul3A_417, %dma_wait3A_433] : memref<6256x16xf32, #tpu.memory_space<vmem_shared>> -> memref<50x16xf32, #tpu.memory_space<vmem_shared>>
          %dma_wait3A_435 = arith.constant 0 : i32
          %dma_wait3A_436 = arith.constant 0 : i32
          %dma_wait3A_437 = tpu.memref_slice %arg24[%dma_wait3A_435, %dma_wait3A_436] : memref<112x16xf32, #tpu.memory_space<vmem>> -> memref<50x16xf32, #tpu.memory_space<vmem>>
          tpu.wait_dma2 semaphore(%run_scoped3A : memref<!tpu.dma_semaphore, #tpu.memory_space<semaphore_mem>>) src(%dma_wait3A_437 : memref<50x16xf32, #tpu.memory_space<vmem>>) dst(%dma_wait3A_434 : memref<50x16xf32, #tpu.memory_space<vmem_shared>>)
          tpu.yield
        }) : () -> ()
      } else {
      }
      %scan3A_415 = arith.constant 0 : i32
      scf.yield %scan3A_415 : i32
    }
    %scan3A_20 = arith.constant 125 : i32
    %eq3A = arith.constant 0 : i32
    %eq3A_21 = arith.cmpi eq, %arg1, %eq3A : i32
    %convert_element_type3A = arith.extui %eq3A_21 : i1 to i32
    %cond3A = arith.constant 0 : i32
    %cond3A_22 = arith.cmpi ne, %convert_element_type3A, %cond3A : i32
    scf.if %cond3A_22 {
      "tpu.region"() ({
        %run_scoped3A = tpu.sem_alloc : memref<!tpu.dma_semaphore, #tpu.memory_space<semaphore_mem>>
        %dma_start3A_399 = arith.constant 0 : i32
        %dma_start3A_400 = arith.constant 0 : i32
        %dma_start3A_401 = tpu.memref_slice %arg23[%dma_start3A_399, %dma_start3A_400] : memref<112x32xf32, #tpu.memory_space<vmem>> -> memref<8x32xf32, #tpu.memory_space<vmem>>
        %dma_start3A_402 = arith.constant 50000 : i32
        %dma_start3A_403 = arith.constant 0 : i32
        %dma_start3A_404 = tpu.memref_slice %arg11[%dma_start3A_402, %dma_start3A_403] : memref<50008x32xf32, #tpu.memory_space<vmem_shared>> -> memref<8x32xf32, #tpu.memory_space<vmem_shared>>
        %dma_start3A_405 = arith.constant 50000 : i32
        %dma_start3A_406 = arith.constant 0 : i32
        %dma_start3A_407 = tpu.memref_slice %arg11[%dma_start3A_405, %dma_start3A_406] : memref<50008x32xf32, #tpu.memory_space<vmem_shared>> -> memref<8x32xf32, #tpu.memory_space<vmem_shared>>
        %dma_start3A_408 = arith.constant 0 : i32
        %dma_start3A_409 = arith.constant 0 : i32
        %dma_start3A_410 = tpu.memref_slice %arg23[%dma_start3A_408, %dma_start3A_409] : memref<112x32xf32, #tpu.memory_space<vmem>> -> memref<8x32xf32, #tpu.memory_space<vmem>>
        tpu.enqueue_dma source(%dma_start3A_410 : memref<8x32xf32, #tpu.memory_space<vmem>>) target(%dma_start3A_407 : memref<8x32xf32, #tpu.memory_space<vmem_shared>>) target_semaphore(%run_scoped3A : memref<!tpu.dma_semaphore, #tpu.memory_space<semaphore_mem>>)
        %dma_wait3A_411 = arith.constant 0 : i32
        %dma_wait3A_412 = arith.constant 0 : i32
        %dma_wait3A_413 = tpu.memref_slice %arg23[%dma_wait3A_411, %dma_wait3A_412] : memref<112x32xf32, #tpu.memory_space<vmem>> -> memref<8x32xf32, #tpu.memory_space<vmem>>
        %dma_wait3A_414 = arith.constant 50000 : i32
        %dma_wait3A_415 = arith.constant 0 : i32
        %dma_wait3A_416 = tpu.memref_slice %arg11[%dma_wait3A_414, %dma_wait3A_415] : memref<50008x32xf32, #tpu.memory_space<vmem_shared>> -> memref<8x32xf32, #tpu.memory_space<vmem_shared>>
        %dma_wait3A_417 = arith.constant 50000 : i32
        %dma_wait3A_418 = arith.constant 0 : i32
        %dma_wait3A_419 = tpu.memref_slice %arg11[%dma_wait3A_417, %dma_wait3A_418] : memref<50008x32xf32, #tpu.memory_space<vmem_shared>> -> memref<8x32xf32, #tpu.memory_space<vmem_shared>>
        %dma_wait3A_420 = arith.constant 0 : i32
        %dma_wait3A_421 = arith.constant 0 : i32
        %dma_wait3A_422 = tpu.memref_slice %arg23[%dma_wait3A_420, %dma_wait3A_421] : memref<112x32xf32, #tpu.memory_space<vmem>> -> memref<8x32xf32, #tpu.memory_space<vmem>>
        tpu.wait_dma2 semaphore(%run_scoped3A : memref<!tpu.dma_semaphore, #tpu.memory_space<semaphore_mem>>) src(%dma_wait3A_422 : memref<8x32xf32, #tpu.memory_space<vmem>>) dst(%dma_wait3A_419 : memref<8x32xf32, #tpu.memory_space<vmem_shared>>)
        tpu.yield
      }) : () -> ()
      "tpu.region"() ({
        %run_scoped3A = tpu.sem_alloc : memref<!tpu.dma_semaphore, #tpu.memory_space<semaphore_mem>>
        %dma_start3A_399 = arith.constant 0 : i32
        %dma_start3A_400 = arith.constant 0 : i32
        %dma_start3A_401 = tpu.memref_slice %arg24[%dma_start3A_399, %dma_start3A_400] : memref<112x16xf32, #tpu.memory_space<vmem>> -> memref<16x16xf32, #tpu.memory_space<vmem>>
        %dma_start3A_402 = arith.constant 6240 : i32
        %dma_start3A_403 = arith.constant 0 : i32
        %dma_start3A_404 = tpu.memref_slice %arg12[%dma_start3A_402, %dma_start3A_403] : memref<6256x16xf32, #tpu.memory_space<vmem_shared>> -> memref<16x16xf32, #tpu.memory_space<vmem_shared>>
        %dma_start3A_405 = arith.constant 6240 : i32
        %dma_start3A_406 = arith.constant 0 : i32
        %dma_start3A_407 = tpu.memref_slice %arg12[%dma_start3A_405, %dma_start3A_406] : memref<6256x16xf32, #tpu.memory_space<vmem_shared>> -> memref<16x16xf32, #tpu.memory_space<vmem_shared>>
        %dma_start3A_408 = arith.constant 0 : i32
        %dma_start3A_409 = arith.constant 0 : i32
        %dma_start3A_410 = tpu.memref_slice %arg24[%dma_start3A_408, %dma_start3A_409] : memref<112x16xf32, #tpu.memory_space<vmem>> -> memref<16x16xf32, #tpu.memory_space<vmem>>
        tpu.enqueue_dma source(%dma_start3A_410 : memref<16x16xf32, #tpu.memory_space<vmem>>) target(%dma_start3A_407 : memref<16x16xf32, #tpu.memory_space<vmem_shared>>) target_semaphore(%run_scoped3A : memref<!tpu.dma_semaphore, #tpu.memory_space<semaphore_mem>>)
        %dma_wait3A_411 = arith.constant 0 : i32
        %dma_wait3A_412 = arith.constant 0 : i32
        %dma_wait3A_413 = tpu.memref_slice %arg24[%dma_wait3A_411, %dma_wait3A_412] : memref<112x16xf32, #tpu.memory_space<vmem>> -> memref<16x16xf32, #tpu.memory_space<vmem>>
        %dma_wait3A_414 = arith.constant 6240 : i32
        %dma_wait3A_415 = arith.constant 0 : i32
        %dma_wait3A_416 = tpu.memref_slice %arg12[%dma_wait3A_414, %dma_wait3A_415] : memref<6256x16xf32, #tpu.memory_space<vmem_shared>> -> memref<16x16xf32, #tpu.memory_space<vmem_shared>>
        %dma_wait3A_417 = arith.constant 6240 : i32
        %dma_wait3A_418 = arith.constant 0 : i32
        %dma_wait3A_419 = tpu.memref_slice %arg12[%dma_wait3A_417, %dma_wait3A_418] : memref<6256x16xf32, #tpu.memory_space<vmem_shared>> -> memref<16x16xf32, #tpu.memory_space<vmem_shared>>
        %dma_wait3A_420 = arith.constant 0 : i32
        %dma_wait3A_421 = arith.constant 0 : i32
        %dma_wait3A_422 = tpu.memref_slice %arg24[%dma_wait3A_420, %dma_wait3A_421] : memref<112x16xf32, #tpu.memory_space<vmem>> -> memref<16x16xf32, #tpu.memory_space<vmem>>
        tpu.wait_dma2 semaphore(%run_scoped3A : memref<!tpu.dma_semaphore, #tpu.memory_space<semaphore_mem>>) src(%dma_wait3A_422 : memref<16x16xf32, #tpu.memory_space<vmem>>) dst(%dma_wait3A_419 : memref<16x16xf32, #tpu.memory_space<vmem_shared>>)
        tpu.yield
      }) : () -> ()
    } else {
    }
    %barrier3A = arith.constant 0 : index
    tpu.barrier barrier_id(%barrier3A)
    %mul3A = arith.constant 50064 : i32
    %mul3A_23 = arith.muli %arg1, %mul3A : i32
    %add3A = arith.constant 0 : i32
    %add3A_24 = arith.addi %mul3A_23, %add3A : i32
    %dma_start3A = arith.constant 0 : i32
    %dma_start3A_25 = tpu.memref_slice %arg6[%dma_start3A, %add3A_24] : memref<2x801024xi32, #tpu.memory_space<hbm>> -> memref<2x112xi32, #tpu.memory_space<hbm>>
    %dma_start3A_26 = arith.constant 0 : i32
    %dma_start3A_27 = tpu.memref_slice %arg6[%dma_start3A_26, %add3A_24] : memref<2x801024xi32, #tpu.memory_space<hbm>> -> memref<2x112xi32, #tpu.memory_space<hbm>>
    tpu.enqueue_dma source(%dma_start3A_27 : memref<2x112xi32, #tpu.memory_space<hbm>>) target(%arg13 : memref<2x112xi32, #tpu.memory_space<vmem>>) target_semaphore(%arg25 : memref<!tpu.dma_semaphore, #tpu.memory_space<semaphore_mem>>)
    %mul3A_28 = arith.constant 50064 : i32
    %mul3A_29 = arith.muli %arg1, %mul3A_28 : i32
    %add3A_30 = arith.constant 112 : i32
    %add3A_31 = arith.addi %mul3A_29, %add3A_30 : i32
    %dma_start3A_32 = arith.constant 0 : i32
    %dma_start3A_33 = tpu.memref_slice %arg6[%dma_start3A_32, %add3A_31] : memref<2x801024xi32, #tpu.memory_space<hbm>> -> memref<2x112xi32, #tpu.memory_space<hbm>>
    %dma_start3A_34 = arith.constant 0 : i32
    %dma_start3A_35 = tpu.memref_slice %arg6[%dma_start3A_34, %add3A_31] : memref<2x801024xi32, #tpu.memory_space<hbm>> -> memref<2x112xi32, #tpu.memory_space<hbm>>
    tpu.enqueue_dma source(%dma_start3A_35 : memref<2x112xi32, #tpu.memory_space<hbm>>) target(%arg14 : memref<2x112xi32, #tpu.memory_space<vmem>>) target_semaphore(%arg26 : memref<!tpu.dma_semaphore, #tpu.memory_space<semaphore_mem>>)
    %mul3A_36 = arith.constant 50064 : i32
    %mul3A_37 = arith.muli %arg1, %mul3A_36 : i32
    %add3A_38 = arith.constant 0 : i32
    %add3A_39 = arith.addi %mul3A_37, %add3A_38 : i32
    %dma_wait3A = arith.constant 0 : i32
    %dma_wait3A_40 = tpu.memref_slice %arg6[%dma_wait3A, %add3A_39] : memref<2x801024xi32, #tpu.memory_space<hbm>> -> memref<2x112xi32, #tpu.memory_space<hbm>>
    %dma_wait3A_41 = arith.constant 0 : i32
    %dma_wait3A_42 = tpu.memref_slice %arg6[%dma_wait3A_41, %add3A_39] : memref<2x801024xi32, #tpu.memory_space<hbm>> -> memref<2x112xi32, #tpu.memory_space<hbm>>
    tpu.wait_dma2 semaphore(%arg25 : memref<!tpu.dma_semaphore, #tpu.memory_space<semaphore_mem>>) src(%dma_wait3A_42 : memref<2x112xi32, #tpu.memory_space<hbm>>) dst(%arg13 : memref<2x112xi32, #tpu.memory_space<vmem>>)
    %eq3A_43 = arith.constant 0 : i32
    %eq3A_44 = arith.cmpi eq, %arg0, %eq3A_43 : i32
    %convert_element_type3A_45 = arith.extui %eq3A_44 : i1 to i32
    %cond3A_46 = arith.constant 0 : i32
    %cond3A_47 = arith.cmpi ne, %convert_element_type3A_45, %cond3A_46 : i32
    scf.if %cond3A_47 {
      %dma_start3A_399 = arith.constant 0 : i32
      %dma_start3A_400 = arith.constant 0 : i32
      %dma_start3A_401 = arith.constant 0 : i32
      %dma_start3A_402 = tpu.memref_slice %arg19[%dma_start3A_400, %dma_start3A_401] : memref<112x48xf32, #tpu.memory_space<vmem>> -> memref<32x48xf32, #tpu.memory_space<vmem>>
      %dma_start3A_403 = arith.constant 0 : i32
      %dma_start3A_404 = tpu.memref_slice %arg13[%dma_start3A_399, %dma_start3A_403] : memref<2x112xi32, #tpu.memory_space<vmem>> -> memref<1x32xi32, #tpu.memory_space<vmem>>
      %dma_start3A_405 = tpu.memref_squeeze %dma_start3A_404 : memref<1x32xi32, #tpu.memory_space<vmem>> -> memref<32xi32, #tpu.memory_space<vmem>>
      %dma_start3A_406 = arith.constant 0 : i32
      %dma_start3A_407 = arith.constant 0 : i32
      %dma_start3A_408 = tpu.memref_slice %arg2[%dma_start3A_406, %dma_start3A_407] : memref<50000x48xf32, #tpu.memory_space<hbm>> -> memref<50000x48xf32, #tpu.memory_space<hbm>>
      tpu.enqueue_indirect_dma source(%dma_start3A_408 : memref<50000x48xf32, #tpu.memory_space<hbm>>) target(%dma_start3A_402 : memref<32x48xf32, #tpu.memory_space<vmem>>) offsets(%dma_start3A_405 : memref<32xi32, #tpu.memory_space<vmem>>) semaphore(%arg27 : memref<!tpu.dma_semaphore, #tpu.memory_space<semaphore_mem>>)
      %dma_start3A_409 = arith.constant 0 : i32
      %dma_start3A_410 = arith.constant 32 : i32
      %dma_start3A_411 = arith.constant 0 : i32
      %dma_start3A_412 = tpu.memref_slice %arg19[%dma_start3A_410, %dma_start3A_411] : memref<112x48xf32, #tpu.memory_space<vmem>> -> memref<32x48xf32, #tpu.memory_space<vmem>>
      %dma_start3A_413 = arith.constant 32 : i32
      %dma_start3A_414 = tpu.memref_slice %arg13[%dma_start3A_409, %dma_start3A_413] : memref<2x112xi32, #tpu.memory_space<vmem>> -> memref<1x32xi32, #tpu.memory_space<vmem>>
      %dma_start3A_415 = tpu.memref_squeeze %dma_start3A_414 : memref<1x32xi32, #tpu.memory_space<vmem>> -> memref<32xi32, #tpu.memory_space<vmem>>
      %dma_start3A_416 = arith.constant 0 : i32
      %dma_start3A_417 = arith.constant 0 : i32
      %dma_start3A_418 = tpu.memref_slice %arg2[%dma_start3A_416, %dma_start3A_417] : memref<50000x48xf32, #tpu.memory_space<hbm>> -> memref<50000x48xf32, #tpu.memory_space<hbm>>
      tpu.enqueue_indirect_dma source(%dma_start3A_418 : memref<50000x48xf32, #tpu.memory_space<hbm>>) target(%dma_start3A_412 : memref<32x48xf32, #tpu.memory_space<vmem>>) offsets(%dma_start3A_415 : memref<32xi32, #tpu.memory_space<vmem>>) semaphore(%arg27 : memref<!tpu.dma_semaphore, #tpu.memory_space<semaphore_mem>>)
      %dma_start3A_419 = arith.constant 0 : i32
      %dma_start3A_420 = arith.constant 64 : i32
      %dma_start3A_421 = arith.constant 0 : i32
      %dma_start3A_422 = tpu.memref_slice %arg19[%dma_start3A_420, %dma_start3A_421] : memref<112x48xf32, #tpu.memory_space<vmem>> -> memref<32x48xf32, #tpu.memory_space<vmem>>
      %dma_start3A_423 = arith.constant 64 : i32
      %dma_start3A_424 = tpu.memref_slice %arg13[%dma_start3A_419, %dma_start3A_423] : memref<2x112xi32, #tpu.memory_space<vmem>> -> memref<1x32xi32, #tpu.memory_space<vmem>>
      %dma_start3A_425 = tpu.memref_squeeze %dma_start3A_424 : memref<1x32xi32, #tpu.memory_space<vmem>> -> memref<32xi32, #tpu.memory_space<vmem>>
      %dma_start3A_426 = arith.constant 0 : i32
      %dma_start3A_427 = arith.constant 0 : i32
      %dma_start3A_428 = tpu.memref_slice %arg2[%dma_start3A_426, %dma_start3A_427] : memref<50000x48xf32, #tpu.memory_space<hbm>> -> memref<50000x48xf32, #tpu.memory_space<hbm>>
      tpu.enqueue_indirect_dma source(%dma_start3A_428 : memref<50000x48xf32, #tpu.memory_space<hbm>>) target(%dma_start3A_422 : memref<32x48xf32, #tpu.memory_space<vmem>>) offsets(%dma_start3A_425 : memref<32xi32, #tpu.memory_space<vmem>>) semaphore(%arg27 : memref<!tpu.dma_semaphore, #tpu.memory_space<semaphore_mem>>)
      %dma_start3A_429 = arith.constant 0 : i32
      %dma_start3A_430 = arith.constant 96 : i32
      %dma_start3A_431 = arith.constant 0 : i32
      %dma_start3A_432 = tpu.memref_slice %arg19[%dma_start3A_430, %dma_start3A_431] : memref<112x48xf32, #tpu.memory_space<vmem>> -> memref<16x48xf32, #tpu.memory_space<vmem>>
      %dma_start3A_433 = arith.constant 96 : i32
      %dma_start3A_434 = tpu.memref_slice %arg13[%dma_start3A_429, %dma_start3A_433] : memref<2x112xi32, #tpu.memory_space<vmem>> -> memref<1x16xi32, #tpu.memory_space<vmem>>
      %dma_start3A_435 = tpu.memref_squeeze %dma_start3A_434 : memref<1x16xi32, #tpu.memory_space<vmem>> -> memref<16xi32, #tpu.memory_space<vmem>>
      %dma_start3A_436 = arith.constant 0 : i32
      %dma_start3A_437 = arith.constant 0 : i32
      %dma_start3A_438 = tpu.memref_slice %arg2[%dma_start3A_436, %dma_start3A_437] : memref<50000x48xf32, #tpu.memory_space<hbm>> -> memref<50000x48xf32, #tpu.memory_space<hbm>>
      tpu.enqueue_indirect_dma source(%dma_start3A_438 : memref<50000x48xf32, #tpu.memory_space<hbm>>) target(%dma_start3A_432 : memref<16x48xf32, #tpu.memory_space<vmem>>) offsets(%dma_start3A_435 : memref<16xi32, #tpu.memory_space<vmem>>) semaphore(%arg27 : memref<!tpu.dma_semaphore, #tpu.memory_space<semaphore_mem>>)
      %dma_start3A_439 = arith.constant 1 : i32
      %dma_start3A_440 = arith.constant 0 : i32
      %dma_start3A_441 = arith.constant 0 : i32
      %dma_start3A_442 = tpu.memref_slice %arg21[%dma_start3A_440, %dma_start3A_441] : memref<112x16xf32, #tpu.memory_space<vmem>> -> memref<56x16xf32, #tpu.memory_space<vmem>>
      %dma_start3A_443 = arith.constant 0 : i32
      %dma_start3A_444 = tpu.memref_slice %arg13[%dma_start3A_439, %dma_start3A_443] : memref<2x112xi32, #tpu.memory_space<vmem>> -> memref<1x56xi32, #tpu.memory_space<vmem>>
      %dma_start3A_445 = tpu.memref_squeeze %dma_start3A_444 : memref<1x56xi32, #tpu.memory_space<vmem>> -> memref<56xi32, #tpu.memory_space<vmem>>
      %dma_start3A_446 = arith.constant 0 : i32
      %dma_start3A_447 = arith.constant 0 : i32
      %dma_start3A_448 = tpu.memref_slice %arg4[%dma_start3A_446, %dma_start3A_447] : memref<50000x16xf32, #tpu.memory_space<hbm>> -> memref<50000x16xf32, #tpu.memory_space<hbm>>
      tpu.enqueue_indirect_dma source(%dma_start3A_448 : memref<50000x16xf32, #tpu.memory_space<hbm>>) target(%dma_start3A_442 : memref<56x16xf32, #tpu.memory_space<vmem>>) offsets(%dma_start3A_445 : memref<56xi32, #tpu.memory_space<vmem>>) semaphore(%arg28 : memref<!tpu.dma_semaphore, #tpu.memory_space<semaphore_mem>>)
      %dma_start3A_449 = arith.constant 1 : i32
      %dma_start3A_450 = arith.constant 56 : i32
      %dma_start3A_451 = arith.constant 0 : i32
      %dma_start3A_452 = tpu.memref_slice %arg21[%dma_start3A_450, %dma_start3A_451] : memref<112x16xf32, #tpu.memory_space<vmem>> -> memref<56x16xf32, #tpu.memory_space<vmem>>
      %dma_start3A_453 = arith.constant 56 : i32
      %dma_start3A_454 = tpu.memref_slice %arg13[%dma_start3A_449, %dma_start3A_453] : memref<2x112xi32, #tpu.memory_space<vmem>> -> memref<1x56xi32, #tpu.memory_space<vmem>>
      %dma_start3A_455 = tpu.memref_squeeze %dma_start3A_454 : memref<1x56xi32, #tpu.memory_space<vmem>> -> memref<56xi32, #tpu.memory_space<vmem>>
      %dma_start3A_456 = arith.constant 0 : i32
      %dma_start3A_457 = arith.constant 0 : i32
      %dma_start3A_458 = tpu.memref_slice %arg4[%dma_start3A_456, %dma_start3A_457] : memref<50000x16xf32, #tpu.memory_space<hbm>> -> memref<50000x16xf32, #tpu.memory_space<hbm>>
      tpu.enqueue_indirect_dma source(%dma_start3A_458 : memref<50000x16xf32, #tpu.memory_space<hbm>>) target(%dma_start3A_452 : memref<56x16xf32, #tpu.memory_space<vmem>>) offsets(%dma_start3A_455 : memref<56xi32, #tpu.memory_space<vmem>>) semaphore(%arg28 : memref<!tpu.dma_semaphore, #tpu.memory_space<semaphore_mem>>)
    } else {
    }
    %eq3A_48 = arith.constant 1 : i32
    %eq3A_49 = arith.cmpi eq, %arg0, %eq3A_48 : i32
    %convert_element_type3A_50 = arith.extui %eq3A_49 : i1 to i32
    %cond3A_51 = arith.constant 0 : i32
    %cond3A_52 = arith.cmpi ne, %convert_element_type3A_50, %cond3A_51 : i32
    scf.if %cond3A_52 {
      %dma_start3A_399 = arith.constant 0 : i32
      %dma_start3A_400 = arith.constant 0 : i32
      %dma_start3A_401 = arith.constant 0 : i32
      %dma_start3A_402 = tpu.memref_slice %arg19[%dma_start3A_400, %dma_start3A_401] : memref<112x48xf32, #tpu.memory_space<vmem>> -> memref<32x48xf32, #tpu.memory_space<vmem>>
      %dma_start3A_403 = arith.constant 0 : i32
      %dma_start3A_404 = tpu.memref_slice %arg13[%dma_start3A_399, %dma_start3A_403] : memref<2x112xi32, #tpu.memory_space<vmem>> -> memref<1x32xi32, #tpu.memory_space<vmem>>
      %dma_start3A_405 = tpu.memref_squeeze %dma_start3A_404 : memref<1x32xi32, #tpu.memory_space<vmem>> -> memref<32xi32, #tpu.memory_space<vmem>>
      %dma_start3A_406 = arith.constant 0 : i32
      %dma_start3A_407 = arith.constant 0 : i32
      %dma_start3A_408 = tpu.memref_slice %arg3[%dma_start3A_406, %dma_start3A_407] : memref<50000x48xf32, #tpu.memory_space<hbm>> -> memref<50000x48xf32, #tpu.memory_space<hbm>>
      tpu.enqueue_indirect_dma source(%dma_start3A_408 : memref<50000x48xf32, #tpu.memory_space<hbm>>) target(%dma_start3A_402 : memref<32x48xf32, #tpu.memory_space<vmem>>) offsets(%dma_start3A_405 : memref<32xi32, #tpu.memory_space<vmem>>) semaphore(%arg27 : memref<!tpu.dma_semaphore, #tpu.memory_space<semaphore_mem>>)
      %dma_start3A_409 = arith.constant 0 : i32
      %dma_start3A_410 = arith.constant 32 : i32
      %dma_start3A_411 = arith.constant 0 : i32
      %dma_start3A_412 = tpu.memref_slice %arg19[%dma_start3A_410, %dma_start3A_411] : memref<112x48xf32, #tpu.memory_space<vmem>> -> memref<32x48xf32, #tpu.memory_space<vmem>>
      %dma_start3A_413 = arith.constant 32 : i32
      %dma_start3A_414 = tpu.memref_slice %arg13[%dma_start3A_409, %dma_start3A_413] : memref<2x112xi32, #tpu.memory_space<vmem>> -> memref<1x32xi32, #tpu.memory_space<vmem>>
      %dma_start3A_415 = tpu.memref_squeeze %dma_start3A_414 : memref<1x32xi32, #tpu.memory_space<vmem>> -> memref<32xi32, #tpu.memory_space<vmem>>
      %dma_start3A_416 = arith.constant 0 : i32
      %dma_start3A_417 = arith.constant 0 : i32
      %dma_start3A_418 = tpu.memref_slice %arg3[%dma_start3A_416, %dma_start3A_417] : memref<50000x48xf32, #tpu.memory_space<hbm>> -> memref<50000x48xf32, #tpu.memory_space<hbm>>
      tpu.enqueue_indirect_dma source(%dma_start3A_418 : memref<50000x48xf32, #tpu.memory_space<hbm>>) target(%dma_start3A_412 : memref<32x48xf32, #tpu.memory_space<vmem>>) offsets(%dma_start3A_415 : memref<32xi32, #tpu.memory_space<vmem>>) semaphore(%arg27 : memref<!tpu.dma_semaphore, #tpu.memory_space<semaphore_mem>>)
      %dma_start3A_419 = arith.constant 0 : i32
      %dma_start3A_420 = arith.constant 64 : i32
      %dma_start3A_421 = arith.constant 0 : i32
      %dma_start3A_422 = tpu.memref_slice %arg19[%dma_start3A_420, %dma_start3A_421] : memref<112x48xf32, #tpu.memory_space<vmem>> -> memref<32x48xf32, #tpu.memory_space<vmem>>
      %dma_start3A_423 = arith.constant 64 : i32
      %dma_start3A_424 = tpu.memref_slice %arg13[%dma_start3A_419, %dma_start3A_423] : memref<2x112xi32, #tpu.memory_space<vmem>> -> memref<1x32xi32, #tpu.memory_space<vmem>>
      %dma_start3A_425 = tpu.memref_squeeze %dma_start3A_424 : memref<1x32xi32, #tpu.memory_space<vmem>> -> memref<32xi32, #tpu.memory_space<vmem>>
      %dma_start3A_426 = arith.constant 0 : i32
      %dma_start3A_427 = arith.constant 0 : i32
      %dma_start3A_428 = tpu.memref_slice %arg3[%dma_start3A_426, %dma_start3A_427] : memref<50000x48xf32, #tpu.memory_space<hbm>> -> memref<50000x48xf32, #tpu.memory_space<hbm>>
      tpu.enqueue_indirect_dma source(%dma_start3A_428 : memref<50000x48xf32, #tpu.memory_space<hbm>>) target(%dma_start3A_422 : memref<32x48xf32, #tpu.memory_space<vmem>>) offsets(%dma_start3A_425 : memref<32xi32, #tpu.memory_space<vmem>>) semaphore(%arg27 : memref<!tpu.dma_semaphore, #tpu.memory_space<semaphore_mem>>)
      %dma_start3A_429 = arith.constant 0 : i32
      %dma_start3A_430 = arith.constant 96 : i32
      %dma_start3A_431 = arith.constant 0 : i32
      %dma_start3A_432 = tpu.memref_slice %arg19[%dma_start3A_430, %dma_start3A_431] : memref<112x48xf32, #tpu.memory_space<vmem>> -> memref<16x48xf32, #tpu.memory_space<vmem>>
      %dma_start3A_433 = arith.constant 96 : i32
      %dma_start3A_434 = tpu.memref_slice %arg13[%dma_start3A_429, %dma_start3A_433] : memref<2x112xi32, #tpu.memory_space<vmem>> -> memref<1x16xi32, #tpu.memory_space<vmem>>
      %dma_start3A_435 = tpu.memref_squeeze %dma_start3A_434 : memref<1x16xi32, #tpu.memory_space<vmem>> -> memref<16xi32, #tpu.memory_space<vmem>>
      %dma_start3A_436 = arith.constant 0 : i32
      %dma_start3A_437 = arith.constant 0 : i32
      %dma_start3A_438 = tpu.memref_slice %arg3[%dma_start3A_436, %dma_start3A_437] : memref<50000x48xf32, #tpu.memory_space<hbm>> -> memref<50000x48xf32, #tpu.memory_space<hbm>>
      tpu.enqueue_indirect_dma source(%dma_start3A_438 : memref<50000x48xf32, #tpu.memory_space<hbm>>) target(%dma_start3A_432 : memref<16x48xf32, #tpu.memory_space<vmem>>) offsets(%dma_start3A_435 : memref<16xi32, #tpu.memory_space<vmem>>) semaphore(%arg27 : memref<!tpu.dma_semaphore, #tpu.memory_space<semaphore_mem>>)
      %dma_start3A_439 = arith.constant 1 : i32
      %dma_start3A_440 = arith.constant 0 : i32
      %dma_start3A_441 = arith.constant 0 : i32
      %dma_start3A_442 = tpu.memref_slice %arg21[%dma_start3A_440, %dma_start3A_441] : memref<112x16xf32, #tpu.memory_space<vmem>> -> memref<56x16xf32, #tpu.memory_space<vmem>>
      %dma_start3A_443 = arith.constant 0 : i32
      %dma_start3A_444 = tpu.memref_slice %arg13[%dma_start3A_439, %dma_start3A_443] : memref<2x112xi32, #tpu.memory_space<vmem>> -> memref<1x56xi32, #tpu.memory_space<vmem>>
      %dma_start3A_445 = tpu.memref_squeeze %dma_start3A_444 : memref<1x56xi32, #tpu.memory_space<vmem>> -> memref<56xi32, #tpu.memory_space<vmem>>
      %dma_start3A_446 = arith.constant 0 : i32
      %dma_start3A_447 = arith.constant 0 : i32
      %dma_start3A_448 = tpu.memref_slice %arg5[%dma_start3A_446, %dma_start3A_447] : memref<50000x16xf32, #tpu.memory_space<hbm>> -> memref<50000x16xf32, #tpu.memory_space<hbm>>
      tpu.enqueue_indirect_dma source(%dma_start3A_448 : memref<50000x16xf32, #tpu.memory_space<hbm>>) target(%dma_start3A_442 : memref<56x16xf32, #tpu.memory_space<vmem>>) offsets(%dma_start3A_445 : memref<56xi32, #tpu.memory_space<vmem>>) semaphore(%arg28 : memref<!tpu.dma_semaphore, #tpu.memory_space<semaphore_mem>>)
      %dma_start3A_449 = arith.constant 1 : i32
      %dma_start3A_450 = arith.constant 56 : i32
      %dma_start3A_451 = arith.constant 0 : i32
      %dma_start3A_452 = tpu.memref_slice %arg21[%dma_start3A_450, %dma_start3A_451] : memref<112x16xf32, #tpu.memory_space<vmem>> -> memref<56x16xf32, #tpu.memory_space<vmem>>
      %dma_start3A_453 = arith.constant 56 : i32
      %dma_start3A_454 = tpu.memref_slice %arg13[%dma_start3A_449, %dma_start3A_453] : memref<2x112xi32, #tpu.memory_space<vmem>> -> memref<1x56xi32, #tpu.memory_space<vmem>>
      %dma_start3A_455 = tpu.memref_squeeze %dma_start3A_454 : memref<1x56xi32, #tpu.memory_space<vmem>> -> memref<56xi32, #tpu.memory_space<vmem>>
      %dma_start3A_456 = arith.constant 0 : i32
      %dma_start3A_457 = arith.constant 0 : i32
      %dma_start3A_458 = tpu.memref_slice %arg5[%dma_start3A_456, %dma_start3A_457] : memref<50000x16xf32, #tpu.memory_space<hbm>> -> memref<50000x16xf32, #tpu.memory_space<hbm>>
      tpu.enqueue_indirect_dma source(%dma_start3A_458 : memref<50000x16xf32, #tpu.memory_space<hbm>>) target(%dma_start3A_452 : memref<56x16xf32, #tpu.memory_space<vmem>>) offsets(%dma_start3A_455 : memref<56xi32, #tpu.memory_space<vmem>>) semaphore(%arg28 : memref<!tpu.dma_semaphore, #tpu.memory_space<semaphore_mem>>)
    } else {
    }
    %dma_wait3A_53 = arith.constant 0 : i32
    %dma_wait3A_54 = arith.constant 0 : i32
    %dma_wait3A_55 = arith.constant 0 : i32
    %dma_wait3A_56 = tpu.memref_slice %arg19[%dma_wait3A_54, %dma_wait3A_55] : memref<112x48xf32, #tpu.memory_space<vmem>> -> memref<32x48xf32, #tpu.memory_space<vmem>>
    %dma_wait3A_57 = arith.constant 0 : i32
    %dma_wait3A_58 = tpu.memref_slice %arg13[%dma_wait3A_53, %dma_wait3A_57] : memref<2x112xi32, #tpu.memory_space<vmem>> -> memref<1x32xi32, #tpu.memory_space<vmem>>
    %dma_wait3A_59 = tpu.memref_squeeze %dma_wait3A_58 : memref<1x32xi32, #tpu.memory_space<vmem>> -> memref<32xi32, #tpu.memory_space<vmem>>
    %dma_wait3A_60 = arith.constant 0 : i32
    %dma_wait3A_61 = arith.constant 0 : i32
    %dma_wait3A_62 = tpu.memref_slice %arg2[%dma_wait3A_60, %dma_wait3A_61] : memref<50000x48xf32, #tpu.memory_space<hbm>> -> memref<50000x48xf32, #tpu.memory_space<hbm>>
    tpu.wait_indirect_dma semaphore(%arg27 : memref<!tpu.dma_semaphore, #tpu.memory_space<semaphore_mem>>) src(%dma_wait3A_62 : memref<50000x48xf32, #tpu.memory_space<hbm>>) dst(%dma_wait3A_56 : memref<32x48xf32, #tpu.memory_space<vmem>>)
    %dma_wait3A_63 = arith.constant 0 : i32
    %dma_wait3A_64 = arith.constant 32 : i32
    %dma_wait3A_65 = arith.constant 0 : i32
    %dma_wait3A_66 = tpu.memref_slice %arg19[%dma_wait3A_64, %dma_wait3A_65] : memref<112x48xf32, #tpu.memory_space<vmem>> -> memref<32x48xf32, #tpu.memory_space<vmem>>
    %dma_wait3A_67 = arith.constant 32 : i32
    %dma_wait3A_68 = tpu.memref_slice %arg13[%dma_wait3A_63, %dma_wait3A_67] : memref<2x112xi32, #tpu.memory_space<vmem>> -> memref<1x32xi32, #tpu.memory_space<vmem>>
    %dma_wait3A_69 = tpu.memref_squeeze %dma_wait3A_68 : memref<1x32xi32, #tpu.memory_space<vmem>> -> memref<32xi32, #tpu.memory_space<vmem>>
    %dma_wait3A_70 = arith.constant 0 : i32
    %dma_wait3A_71 = arith.constant 0 : i32
    %dma_wait3A_72 = tpu.memref_slice %arg2[%dma_wait3A_70, %dma_wait3A_71] : memref<50000x48xf32, #tpu.memory_space<hbm>> -> memref<50000x48xf32, #tpu.memory_space<hbm>>
    tpu.wait_indirect_dma semaphore(%arg27 : memref<!tpu.dma_semaphore, #tpu.memory_space<semaphore_mem>>) src(%dma_wait3A_72 : memref<50000x48xf32, #tpu.memory_space<hbm>>) dst(%dma_wait3A_66 : memref<32x48xf32, #tpu.memory_space<vmem>>)
    %dma_wait3A_73 = arith.constant 0 : i32
    %dma_wait3A_74 = arith.constant 64 : i32
    %dma_wait3A_75 = arith.constant 0 : i32
    %dma_wait3A_76 = tpu.memref_slice %arg19[%dma_wait3A_74, %dma_wait3A_75] : memref<112x48xf32, #tpu.memory_space<vmem>> -> memref<32x48xf32, #tpu.memory_space<vmem>>
    %dma_wait3A_77 = arith.constant 64 : i32
    %dma_wait3A_78 = tpu.memref_slice %arg13[%dma_wait3A_73, %dma_wait3A_77] : memref<2x112xi32, #tpu.memory_space<vmem>> -> memref<1x32xi32, #tpu.memory_space<vmem>>
    %dma_wait3A_79 = tpu.memref_squeeze %dma_wait3A_78 : memref<1x32xi32, #tpu.memory_space<vmem>> -> memref<32xi32, #tpu.memory_space<vmem>>
    %dma_wait3A_80 = arith.constant 0 : i32
    %dma_wait3A_81 = arith.constant 0 : i32
    %dma_wait3A_82 = tpu.memref_slice %arg2[%dma_wait3A_80, %dma_wait3A_81] : memref<50000x48xf32, #tpu.memory_space<hbm>> -> memref<50000x48xf32, #tpu.memory_space<hbm>>
    tpu.wait_indirect_dma semaphore(%arg27 : memref<!tpu.dma_semaphore, #tpu.memory_space<semaphore_mem>>) src(%dma_wait3A_82 : memref<50000x48xf32, #tpu.memory_space<hbm>>) dst(%dma_wait3A_76 : memref<32x48xf32, #tpu.memory_space<vmem>>)
    %dma_wait3A_83 = arith.constant 0 : i32
    %dma_wait3A_84 = arith.constant 96 : i32
    %dma_wait3A_85 = arith.constant 0 : i32
    %dma_wait3A_86 = tpu.memref_slice %arg19[%dma_wait3A_84, %dma_wait3A_85] : memref<112x48xf32, #tpu.memory_space<vmem>> -> memref<16x48xf32, #tpu.memory_space<vmem>>
    %dma_wait3A_87 = arith.constant 96 : i32
    %dma_wait3A_88 = tpu.memref_slice %arg13[%dma_wait3A_83, %dma_wait3A_87] : memref<2x112xi32, #tpu.memory_space<vmem>> -> memref<1x16xi32, #tpu.memory_space<vmem>>
    %dma_wait3A_89 = tpu.memref_squeeze %dma_wait3A_88 : memref<1x16xi32, #tpu.memory_space<vmem>> -> memref<16xi32, #tpu.memory_space<vmem>>
    %dma_wait3A_90 = arith.constant 0 : i32
    %dma_wait3A_91 = arith.constant 0 : i32
    %dma_wait3A_92 = tpu.memref_slice %arg2[%dma_wait3A_90, %dma_wait3A_91] : memref<50000x48xf32, #tpu.memory_space<hbm>> -> memref<50000x48xf32, #tpu.memory_space<hbm>>
    tpu.wait_indirect_dma semaphore(%arg27 : memref<!tpu.dma_semaphore, #tpu.memory_space<semaphore_mem>>) src(%dma_wait3A_92 : memref<50000x48xf32, #tpu.memory_space<hbm>>) dst(%dma_wait3A_86 : memref<16x48xf32, #tpu.memory_space<vmem>>)
    %dma_wait3A_93 = arith.constant 1 : i32
    %dma_wait3A_94 = arith.constant 0 : i32
    %dma_wait3A_95 = arith.constant 0 : i32
    %dma_wait3A_96 = tpu.memref_slice %arg21[%dma_wait3A_94, %dma_wait3A_95] : memref<112x16xf32, #tpu.memory_space<vmem>> -> memref<56x16xf32, #tpu.memory_space<vmem>>
    %dma_wait3A_97 = arith.constant 0 : i32
    %dma_wait3A_98 = tpu.memref_slice %arg13[%dma_wait3A_93, %dma_wait3A_97] : memref<2x112xi32, #tpu.memory_space<vmem>> -> memref<1x56xi32, #tpu.memory_space<vmem>>
    %dma_wait3A_99 = tpu.memref_squeeze %dma_wait3A_98 : memref<1x56xi32, #tpu.memory_space<vmem>> -> memref<56xi32, #tpu.memory_space<vmem>>
    %dma_wait3A_100 = arith.constant 0 : i32
    %dma_wait3A_101 = arith.constant 0 : i32
    %dma_wait3A_102 = tpu.memref_slice %arg4[%dma_wait3A_100, %dma_wait3A_101] : memref<50000x16xf32, #tpu.memory_space<hbm>> -> memref<50000x16xf32, #tpu.memory_space<hbm>>
    tpu.wait_indirect_dma semaphore(%arg28 : memref<!tpu.dma_semaphore, #tpu.memory_space<semaphore_mem>>) src(%dma_wait3A_102 : memref<50000x16xf32, #tpu.memory_space<hbm>>) dst(%dma_wait3A_96 : memref<56x16xf32, #tpu.memory_space<vmem>>)
    %dma_wait3A_103 = arith.constant 1 : i32
    %dma_wait3A_104 = arith.constant 56 : i32
    %dma_wait3A_105 = arith.constant 0 : i32
    %dma_wait3A_106 = tpu.memref_slice %arg21[%dma_wait3A_104, %dma_wait3A_105] : memref<112x16xf32, #tpu.memory_space<vmem>> -> memref<56x16xf32, #tpu.memory_space<vmem>>
    %dma_wait3A_107 = arith.constant 56 : i32
    %dma_wait3A_108 = tpu.memref_slice %arg13[%dma_wait3A_103, %dma_wait3A_107] : memref<2x112xi32, #tpu.memory_space<vmem>> -> memref<1x56xi32, #tpu.memory_space<vmem>>
    %dma_wait3A_109 = tpu.memref_squeeze %dma_wait3A_108 : memref<1x56xi32, #tpu.memory_space<vmem>> -> memref<56xi32, #tpu.memory_space<vmem>>
    %dma_wait3A_110 = arith.constant 0 : i32
    %dma_wait3A_111 = arith.constant 0 : i32
    %dma_wait3A_112 = tpu.memref_slice %arg4[%dma_wait3A_110, %dma_wait3A_111] : memref<50000x16xf32, #tpu.memory_space<hbm>> -> memref<50000x16xf32, #tpu.memory_space<hbm>>
    tpu.wait_indirect_dma semaphore(%arg28 : memref<!tpu.dma_semaphore, #tpu.memory_space<semaphore_mem>>) src(%dma_wait3A_112 : memref<50000x16xf32, #tpu.memory_space<hbm>>) dst(%dma_wait3A_106 : memref<56x16xf32, #tpu.memory_space<vmem>>)
    %mul3A_113 = arith.constant 50064 : i32
    %mul3A_114 = arith.muli %arg1, %mul3A_113 : i32
    %add3A_115 = arith.constant 112 : i32
    %add3A_116 = arith.addi %mul3A_114, %add3A_115 : i32
    %dma_wait3A_117 = arith.constant 0 : i32
    %dma_wait3A_118 = tpu.memref_slice %arg6[%dma_wait3A_117, %add3A_116] : memref<2x801024xi32, #tpu.memory_space<hbm>> -> memref<2x112xi32, #tpu.memory_space<hbm>>
    %dma_wait3A_119 = arith.constant 0 : i32
    %dma_wait3A_120 = tpu.memref_slice %arg6[%dma_wait3A_119, %add3A_116] : memref<2x801024xi32, #tpu.memory_space<hbm>> -> memref<2x112xi32, #tpu.memory_space<hbm>>
    tpu.wait_dma2 semaphore(%arg26 : memref<!tpu.dma_semaphore, #tpu.memory_space<semaphore_mem>>) src(%dma_wait3A_120 : memref<2x112xi32, #tpu.memory_space<hbm>>) dst(%arg14 : memref<2x112xi32, #tpu.memory_space<vmem>>)
    %eq3A_121 = arith.constant 0 : i32
    %eq3A_122 = arith.cmpi eq, %arg0, %eq3A_121 : i32
    %convert_element_type3A_123 = arith.extui %eq3A_122 : i1 to i32
    %cond3A_124 = arith.constant 0 : i32
    %cond3A_125 = arith.cmpi ne, %convert_element_type3A_123, %cond3A_124 : i32
    scf.if %cond3A_125 {
      %dma_start3A_399 = arith.constant 0 : i32
      %dma_start3A_400 = arith.constant 0 : i32
      %dma_start3A_401 = arith.constant 0 : i32
      %dma_start3A_402 = tpu.memref_slice %arg20[%dma_start3A_400, %dma_start3A_401] : memref<112x48xf32, #tpu.memory_space<vmem>> -> memref<32x48xf32, #tpu.memory_space<vmem>>
      %dma_start3A_403 = arith.constant 0 : i32
      %dma_start3A_404 = tpu.memref_slice %arg14[%dma_start3A_399, %dma_start3A_403] : memref<2x112xi32, #tpu.memory_space<vmem>> -> memref<1x32xi32, #tpu.memory_space<vmem>>
      %dma_start3A_405 = tpu.memref_squeeze %dma_start3A_404 : memref<1x32xi32, #tpu.memory_space<vmem>> -> memref<32xi32, #tpu.memory_space<vmem>>
      %dma_start3A_406 = arith.constant 0 : i32
      %dma_start3A_407 = arith.constant 0 : i32
      %dma_start3A_408 = tpu.memref_slice %arg2[%dma_start3A_406, %dma_start3A_407] : memref<50000x48xf32, #tpu.memory_space<hbm>> -> memref<50000x48xf32, #tpu.memory_space<hbm>>
      tpu.enqueue_indirect_dma source(%dma_start3A_408 : memref<50000x48xf32, #tpu.memory_space<hbm>>) target(%dma_start3A_402 : memref<32x48xf32, #tpu.memory_space<vmem>>) offsets(%dma_start3A_405 : memref<32xi32, #tpu.memory_space<vmem>>) semaphore(%arg27 : memref<!tpu.dma_semaphore, #tpu.memory_space<semaphore_mem>>)
      %dma_start3A_409 = arith.constant 0 : i32
      %dma_start3A_410 = arith.constant 32 : i32
      %dma_start3A_411 = arith.constant 0 : i32
      %dma_start3A_412 = tpu.memref_slice %arg20[%dma_start3A_410, %dma_start3A_411] : memref<112x48xf32, #tpu.memory_space<vmem>> -> memref<32x48xf32, #tpu.memory_space<vmem>>
      %dma_start3A_413 = arith.constant 32 : i32
      %dma_start3A_414 = tpu.memref_slice %arg14[%dma_start3A_409, %dma_start3A_413] : memref<2x112xi32, #tpu.memory_space<vmem>> -> memref<1x32xi32, #tpu.memory_space<vmem>>
      %dma_start3A_415 = tpu.memref_squeeze %dma_start3A_414 : memref<1x32xi32, #tpu.memory_space<vmem>> -> memref<32xi32, #tpu.memory_space<vmem>>
      %dma_start3A_416 = arith.constant 0 : i32
      %dma_start3A_417 = arith.constant 0 : i32
      %dma_start3A_418 = tpu.memref_slice %arg2[%dma_start3A_416, %dma_start3A_417] : memref<50000x48xf32, #tpu.memory_space<hbm>> -> memref<50000x48xf32, #tpu.memory_space<hbm>>
      tpu.enqueue_indirect_dma source(%dma_start3A_418 : memref<50000x48xf32, #tpu.memory_space<hbm>>) target(%dma_start3A_412 : memref<32x48xf32, #tpu.memory_space<vmem>>) offsets(%dma_start3A_415 : memref<32xi32, #tpu.memory_space<vmem>>) semaphore(%arg27 : memref<!tpu.dma_semaphore, #tpu.memory_space<semaphore_mem>>)
      %dma_start3A_419 = arith.constant 0 : i32
      %dma_start3A_420 = arith.constant 64 : i32
      %dma_start3A_421 = arith.constant 0 : i32
      %dma_start3A_422 = tpu.memref_slice %arg20[%dma_start3A_420, %dma_start3A_421] : memref<112x48xf32, #tpu.memory_space<vmem>> -> memref<32x48xf32, #tpu.memory_space<vmem>>
      %dma_start3A_423 = arith.constant 64 : i32
      %dma_start3A_424 = tpu.memref_slice %arg14[%dma_start3A_419, %dma_start3A_423] : memref<2x112xi32, #tpu.memory_space<vmem>> -> memref<1x32xi32, #tpu.memory_space<vmem>>
      %dma_start3A_425 = tpu.memref_squeeze %dma_start3A_424 : memref<1x32xi32, #tpu.memory_space<vmem>> -> memref<32xi32, #tpu.memory_space<vmem>>
      %dma_start3A_426 = arith.constant 0 : i32
      %dma_start3A_427 = arith.constant 0 : i32
      %dma_start3A_428 = tpu.memref_slice %arg2[%dma_start3A_426, %dma_start3A_427] : memref<50000x48xf32, #tpu.memory_space<hbm>> -> memref<50000x48xf32, #tpu.memory_space<hbm>>
      tpu.enqueue_indirect_dma source(%dma_start3A_428 : memref<50000x48xf32, #tpu.memory_space<hbm>>) target(%dma_start3A_422 : memref<32x48xf32, #tpu.memory_space<vmem>>) offsets(%dma_start3A_425 : memref<32xi32, #tpu.memory_space<vmem>>) semaphore(%arg27 : memref<!tpu.dma_semaphore, #tpu.memory_space<semaphore_mem>>)
      %dma_start3A_429 = arith.constant 0 : i32
      %dma_start3A_430 = arith.constant 96 : i32
      %dma_start3A_431 = arith.constant 0 : i32
      %dma_start3A_432 = tpu.memref_slice %arg20[%dma_start3A_430, %dma_start3A_431] : memref<112x48xf32, #tpu.memory_space<vmem>> -> memref<16x48xf32, #tpu.memory_space<vmem>>
      %dma_start3A_433 = arith.constant 96 : i32
      %dma_start3A_434 = tpu.memref_slice %arg14[%dma_start3A_429, %dma_start3A_433] : memref<2x112xi32, #tpu.memory_space<vmem>> -> memref<1x16xi32, #tpu.memory_space<vmem>>
      %dma_start3A_435 = tpu.memref_squeeze %dma_start3A_434 : memref<1x16xi32, #tpu.memory_space<vmem>> -> memref<16xi32, #tpu.memory_space<vmem>>
      %dma_start3A_436 = arith.constant 0 : i32
      %dma_start3A_437 = arith.constant 0 : i32
      %dma_start3A_438 = tpu.memref_slice %arg2[%dma_start3A_436, %dma_start3A_437] : memref<50000x48xf32, #tpu.memory_space<hbm>> -> memref<50000x48xf32, #tpu.memory_space<hbm>>
      tpu.enqueue_indirect_dma source(%dma_start3A_438 : memref<50000x48xf32, #tpu.memory_space<hbm>>) target(%dma_start3A_432 : memref<16x48xf32, #tpu.memory_space<vmem>>) offsets(%dma_start3A_435 : memref<16xi32, #tpu.memory_space<vmem>>) semaphore(%arg27 : memref<!tpu.dma_semaphore, #tpu.memory_space<semaphore_mem>>)
      %dma_start3A_439 = arith.constant 1 : i32
      %dma_start3A_440 = arith.constant 0 : i32
      %dma_start3A_441 = arith.constant 0 : i32
      %dma_start3A_442 = tpu.memref_slice %arg22[%dma_start3A_440, %dma_start3A_441] : memref<112x16xf32, #tpu.memory_space<vmem>> -> memref<56x16xf32, #tpu.memory_space<vmem>>
      %dma_start3A_443 = arith.constant 0 : i32
      %dma_start3A_444 = tpu.memref_slice %arg14[%dma_start3A_439, %dma_start3A_443] : memref<2x112xi32, #tpu.memory_space<vmem>> -> memref<1x56xi32, #tpu.memory_space<vmem>>
      %dma_start3A_445 = tpu.memref_squeeze %dma_start3A_444 : memref<1x56xi32, #tpu.memory_space<vmem>> -> memref<56xi32, #tpu.memory_space<vmem>>
      %dma_start3A_446 = arith.constant 0 : i32
      %dma_start3A_447 = arith.constant 0 : i32
      %dma_start3A_448 = tpu.memref_slice %arg4[%dma_start3A_446, %dma_start3A_447] : memref<50000x16xf32, #tpu.memory_space<hbm>> -> memref<50000x16xf32, #tpu.memory_space<hbm>>
      tpu.enqueue_indirect_dma source(%dma_start3A_448 : memref<50000x16xf32, #tpu.memory_space<hbm>>) target(%dma_start3A_442 : memref<56x16xf32, #tpu.memory_space<vmem>>) offsets(%dma_start3A_445 : memref<56xi32, #tpu.memory_space<vmem>>) semaphore(%arg28 : memref<!tpu.dma_semaphore, #tpu.memory_space<semaphore_mem>>)
      %dma_start3A_449 = arith.constant 1 : i32
      %dma_start3A_450 = arith.constant 56 : i32
      %dma_start3A_451 = arith.constant 0 : i32
      %dma_start3A_452 = tpu.memref_slice %arg22[%dma_start3A_450, %dma_start3A_451] : memref<112x16xf32, #tpu.memory_space<vmem>> -> memref<56x16xf32, #tpu.memory_space<vmem>>
      %dma_start3A_453 = arith.constant 56 : i32
      %dma_start3A_454 = tpu.memref_slice %arg14[%dma_start3A_449, %dma_start3A_453] : memref<2x112xi32, #tpu.memory_space<vmem>> -> memref<1x56xi32, #tpu.memory_space<vmem>>
      %dma_start3A_455 = tpu.memref_squeeze %dma_start3A_454 : memref<1x56xi32, #tpu.memory_space<vmem>> -> memref<56xi32, #tpu.memory_space<vmem>>
      %dma_start3A_456 = arith.constant 0 : i32
      %dma_start3A_457 = arith.constant 0 : i32
      %dma_start3A_458 = tpu.memref_slice %arg4[%dma_start3A_456, %dma_start3A_457] : memref<50000x16xf32, #tpu.memory_space<hbm>> -> memref<50000x16xf32, #tpu.memory_space<hbm>>
      tpu.enqueue_indirect_dma source(%dma_start3A_458 : memref<50000x16xf32, #tpu.memory_space<hbm>>) target(%dma_start3A_452 : memref<56x16xf32, #tpu.memory_space<vmem>>) offsets(%dma_start3A_455 : memref<56xi32, #tpu.memory_space<vmem>>) semaphore(%arg28 : memref<!tpu.dma_semaphore, #tpu.memory_space<semaphore_mem>>)
    } else {
    }
    %eq3A_126 = arith.constant 1 : i32
    %eq3A_127 = arith.cmpi eq, %arg0, %eq3A_126 : i32
    %convert_element_type3A_128 = arith.extui %eq3A_127 : i1 to i32
    %cond3A_129 = arith.constant 0 : i32
    %cond3A_130 = arith.cmpi ne, %convert_element_type3A_128, %cond3A_129 : i32
    scf.if %cond3A_130 {
      %dma_start3A_399 = arith.constant 0 : i32
      %dma_start3A_400 = arith.constant 0 : i32
      %dma_start3A_401 = arith.constant 0 : i32
      %dma_start3A_402 = tpu.memref_slice %arg20[%dma_start3A_400, %dma_start3A_401] : memref<112x48xf32, #tpu.memory_space<vmem>> -> memref<32x48xf32, #tpu.memory_space<vmem>>
      %dma_start3A_403 = arith.constant 0 : i32
      %dma_start3A_404 = tpu.memref_slice %arg14[%dma_start3A_399, %dma_start3A_403] : memref<2x112xi32, #tpu.memory_space<vmem>> -> memref<1x32xi32, #tpu.memory_space<vmem>>
      %dma_start3A_405 = tpu.memref_squeeze %dma_start3A_404 : memref<1x32xi32, #tpu.memory_space<vmem>> -> memref<32xi32, #tpu.memory_space<vmem>>
      %dma_start3A_406 = arith.constant 0 : i32
      %dma_start3A_407 = arith.constant 0 : i32
      %dma_start3A_408 = tpu.memref_slice %arg3[%dma_start3A_406, %dma_start3A_407] : memref<50000x48xf32, #tpu.memory_space<hbm>> -> memref<50000x48xf32, #tpu.memory_space<hbm>>
      tpu.enqueue_indirect_dma source(%dma_start3A_408 : memref<50000x48xf32, #tpu.memory_space<hbm>>) target(%dma_start3A_402 : memref<32x48xf32, #tpu.memory_space<vmem>>) offsets(%dma_start3A_405 : memref<32xi32, #tpu.memory_space<vmem>>) semaphore(%arg27 : memref<!tpu.dma_semaphore, #tpu.memory_space<semaphore_mem>>)
      %dma_start3A_409 = arith.constant 0 : i32
      %dma_start3A_410 = arith.constant 32 : i32
      %dma_start3A_411 = arith.constant 0 : i32
      %dma_start3A_412 = tpu.memref_slice %arg20[%dma_start3A_410, %dma_start3A_411] : memref<112x48xf32, #tpu.memory_space<vmem>> -> memref<32x48xf32, #tpu.memory_space<vmem>>
      %dma_start3A_413 = arith.constant 32 : i32
      %dma_start3A_414 = tpu.memref_slice %arg14[%dma_start3A_409, %dma_start3A_413] : memref<2x112xi32, #tpu.memory_space<vmem>> -> memref<1x32xi32, #tpu.memory_space<vmem>>
      %dma_start3A_415 = tpu.memref_squeeze %dma_start3A_414 : memref<1x32xi32, #tpu.memory_space<vmem>> -> memref<32xi32, #tpu.memory_space<vmem>>
      %dma_start3A_416 = arith.constant 0 : i32
      %dma_start3A_417 = arith.constant 0 : i32
      %dma_start3A_418 = tpu.memref_slice %arg3[%dma_start3A_416, %dma_start3A_417] : memref<50000x48xf32, #tpu.memory_space<hbm>> -> memref<50000x48xf32, #tpu.memory_space<hbm>>
      tpu.enqueue_indirect_dma source(%dma_start3A_418 : memref<50000x48xf32, #tpu.memory_space<hbm>>) target(%dma_start3A_412 : memref<32x48xf32, #tpu.memory_space<vmem>>) offsets(%dma_start3A_415 : memref<32xi32, #tpu.memory_space<vmem>>) semaphore(%arg27 : memref<!tpu.dma_semaphore, #tpu.memory_space<semaphore_mem>>)
      %dma_start3A_419 = arith.constant 0 : i32
      %dma_start3A_420 = arith.constant 64 : i32
      %dma_start3A_421 = arith.constant 0 : i32
      %dma_start3A_422 = tpu.memref_slice %arg20[%dma_start3A_420, %dma_start3A_421] : memref<112x48xf32, #tpu.memory_space<vmem>> -> memref<32x48xf32, #tpu.memory_space<vmem>>
      %dma_start3A_423 = arith.constant 64 : i32
      %dma_start3A_424 = tpu.memref_slice %arg14[%dma_start3A_419, %dma_start3A_423] : memref<2x112xi32, #tpu.memory_space<vmem>> -> memref<1x32xi32, #tpu.memory_space<vmem>>
      %dma_start3A_425 = tpu.memref_squeeze %dma_start3A_424 : memref<1x32xi32, #tpu.memory_space<vmem>> -> memref<32xi32, #tpu.memory_space<vmem>>
      %dma_start3A_426 = arith.constant 0 : i32
      %dma_start3A_427 = arith.constant 0 : i32
      %dma_start3A_428 = tpu.memref_slice %arg3[%dma_start3A_426, %dma_start3A_427] : memref<50000x48xf32, #tpu.memory_space<hbm>> -> memref<50000x48xf32, #tpu.memory_space<hbm>>
      tpu.enqueue_indirect_dma source(%dma_start3A_428 : memref<50000x48xf32, #tpu.memory_space<hbm>>) target(%dma_start3A_422 : memref<32x48xf32, #tpu.memory_space<vmem>>) offsets(%dma_start3A_425 : memref<32xi32, #tpu.memory_space<vmem>>) semaphore(%arg27 : memref<!tpu.dma_semaphore, #tpu.memory_space<semaphore_mem>>)
      %dma_start3A_429 = arith.constant 0 : i32
      %dma_start3A_430 = arith.constant 96 : i32
      %dma_start3A_431 = arith.constant 0 : i32
      %dma_start3A_432 = tpu.memref_slice %arg20[%dma_start3A_430, %dma_start3A_431] : memref<112x48xf32, #tpu.memory_space<vmem>> -> memref<16x48xf32, #tpu.memory_space<vmem>>
      %dma_start3A_433 = arith.constant 96 : i32
      %dma_start3A_434 = tpu.memref_slice %arg14[%dma_start3A_429, %dma_start3A_433] : memref<2x112xi32, #tpu.memory_space<vmem>> -> memref<1x16xi32, #tpu.memory_space<vmem>>
      %dma_start3A_435 = tpu.memref_squeeze %dma_start3A_434 : memref<1x16xi32, #tpu.memory_space<vmem>> -> memref<16xi32, #tpu.memory_space<vmem>>
      %dma_start3A_436 = arith.constant 0 : i32
      %dma_start3A_437 = arith.constant 0 : i32
      %dma_start3A_438 = tpu.memref_slice %arg3[%dma_start3A_436, %dma_start3A_437] : memref<50000x48xf32, #tpu.memory_space<hbm>> -> memref<50000x48xf32, #tpu.memory_space<hbm>>
      tpu.enqueue_indirect_dma source(%dma_start3A_438 : memref<50000x48xf32, #tpu.memory_space<hbm>>) target(%dma_start3A_432 : memref<16x48xf32, #tpu.memory_space<vmem>>) offsets(%dma_start3A_435 : memref<16xi32, #tpu.memory_space<vmem>>) semaphore(%arg27 : memref<!tpu.dma_semaphore, #tpu.memory_space<semaphore_mem>>)
      %dma_start3A_439 = arith.constant 1 : i32
      %dma_start3A_440 = arith.constant 0 : i32
      %dma_start3A_441 = arith.constant 0 : i32
      %dma_start3A_442 = tpu.memref_slice %arg22[%dma_start3A_440, %dma_start3A_441] : memref<112x16xf32, #tpu.memory_space<vmem>> -> memref<56x16xf32, #tpu.memory_space<vmem>>
      %dma_start3A_443 = arith.constant 0 : i32
      %dma_start3A_444 = tpu.memref_slice %arg14[%dma_start3A_439, %dma_start3A_443] : memref<2x112xi32, #tpu.memory_space<vmem>> -> memref<1x56xi32, #tpu.memory_space<vmem>>
      %dma_start3A_445 = tpu.memref_squeeze %dma_start3A_444 : memref<1x56xi32, #tpu.memory_space<vmem>> -> memref<56xi32, #tpu.memory_space<vmem>>
      %dma_start3A_446 = arith.constant 0 : i32
      %dma_start3A_447 = arith.constant 0 : i32
      %dma_start3A_448 = tpu.memref_slice %arg5[%dma_start3A_446, %dma_start3A_447] : memref<50000x16xf32, #tpu.memory_space<hbm>> -> memref<50000x16xf32, #tpu.memory_space<hbm>>
      tpu.enqueue_indirect_dma source(%dma_start3A_448 : memref<50000x16xf32, #tpu.memory_space<hbm>>) target(%dma_start3A_442 : memref<56x16xf32, #tpu.memory_space<vmem>>) offsets(%dma_start3A_445 : memref<56xi32, #tpu.memory_space<vmem>>) semaphore(%arg28 : memref<!tpu.dma_semaphore, #tpu.memory_space<semaphore_mem>>)
      %dma_start3A_449 = arith.constant 1 : i32
      %dma_start3A_450 = arith.constant 56 : i32
      %dma_start3A_451 = arith.constant 0 : i32
      %dma_start3A_452 = tpu.memref_slice %arg22[%dma_start3A_450, %dma_start3A_451] : memref<112x16xf32, #tpu.memory_space<vmem>> -> memref<56x16xf32, #tpu.memory_space<vmem>>
      %dma_start3A_453 = arith.constant 56 : i32
      %dma_start3A_454 = tpu.memref_slice %arg14[%dma_start3A_449, %dma_start3A_453] : memref<2x112xi32, #tpu.memory_space<vmem>> -> memref<1x56xi32, #tpu.memory_space<vmem>>
      %dma_start3A_455 = tpu.memref_squeeze %dma_start3A_454 : memref<1x56xi32, #tpu.memory_space<vmem>> -> memref<56xi32, #tpu.memory_space<vmem>>
      %dma_start3A_456 = arith.constant 0 : i32
      %dma_start3A_457 = arith.constant 0 : i32
      %dma_start3A_458 = tpu.memref_slice %arg5[%dma_start3A_456, %dma_start3A_457] : memref<50000x16xf32, #tpu.memory_space<hbm>> -> memref<50000x16xf32, #tpu.memory_space<hbm>>
      tpu.enqueue_indirect_dma source(%dma_start3A_458 : memref<50000x16xf32, #tpu.memory_space<hbm>>) target(%dma_start3A_452 : memref<56x16xf32, #tpu.memory_space<vmem>>) offsets(%dma_start3A_455 : memref<56xi32, #tpu.memory_space<vmem>>) semaphore(%arg28 : memref<!tpu.dma_semaphore, #tpu.memory_space<semaphore_mem>>)
    } else {
    }
    %scan3A_131 = arith.constant 0 : i32
    %scan3A_132 = arith.constant 0 : i32
    %scan3A_133 = arith.constant 7 : i32
    %scan3A_134 = arith.addi %scan3A_132, %scan3A_133 : i32
    %scan3A_135 = arith.constant 1 : i32
    %scan3A_136 = scf.for %scan3A_399 = %scan3A_132 to %scan3A_134 step %scan3A_135 iter_args(%scan3A_400 = %scan3A_131) -> (i32)  : i32 {
      %mul3A_401 = arith.constant 16 : i32
      %mul3A_402 = arith.muli %scan3A_399, %mul3A_401 : i32
      %get3A = arith.constant 1 : i32
      %get3A_403 = arith.index_cast %get3A : i32 to index
      %get3A_404 = arith.index_cast %mul3A_402 : i32 to index
      %get3A_405 = tpu.vector_load %arg13[%get3A_403, %get3A_404] {strides = array<i32>} : memref<2x112xi32, #tpu.memory_space<vmem>>, vector<16xi32>,
      %mul3A_406 = arith.constant 16 : i32
      %mul3A_407 = arith.muli %scan3A_399, %mul3A_406 : i32
      %swap3A = arith.index_cast %mul3A_407 : i32 to index
      %swap3A_408 = tpu.vector_load %arg15[%swap3A] {strides = array<i32>} : memref<112xi32, #tpu.memory_space<vmem>>, vector<16xi32>,
      tpu.vector_store %arg15[%swap3A], %get3A_405 {strides = array<i32>} : memref<112xi32, #tpu.memory_space<vmem>>, vector<16xi32>,
      %shift_right_logical3A = arith.constant 3 : i32
      %shift_right_logical3A_409 = vector.broadcast %shift_right_logical3A : i32 to vector<16xi32>
      %shift_right_logical3A_410 = arith.shrui %get3A_405, %shift_right_logical3A_409 : vector<16xi32>
      %mul3A_411 = arith.constant 16 : i32
      %mul3A_412 = arith.muli %scan3A_399, %mul3A_411 : i32
      %swap3A_413 = arith.index_cast %mul3A_412 : i32 to index
      %swap3A_414 = tpu.vector_load %arg17[%swap3A_413] {strides = array<i32>} : memref<112xi32, #tpu.memory_space<vmem>>, vector<16xi32>,
      tpu.vector_store %arg17[%swap3A_413], %shift_right_logical3A_410 {strides = array<i32>} : memref<112xi32, #tpu.memory_space<vmem>>, vector<16xi32>,
      %scan3A_415 = arith.constant 0 : i32
      scf.yield %scan3A_415 : i32
    }
    %scan3A_137 = arith.constant 7 : i32
    %mul3A_138 = arith.constant 50064 : i32
    %mul3A_139 = arith.muli %arg1, %mul3A_138 : i32
    %add3A_140 = arith.constant 224 : i32
    %add3A_141 = arith.addi %mul3A_139, %add3A_140 : i32
    %dma_start3A_142 = arith.constant 0 : i32
    %dma_start3A_143 = tpu.memref_slice %arg6[%dma_start3A_142, %add3A_141] : memref<2x801024xi32, #tpu.memory_space<hbm>> -> memref<2x112xi32, #tpu.memory_space<hbm>>
    %dma_start3A_144 = arith.constant 0 : i32
    %dma_start3A_145 = tpu.memref_slice %arg6[%dma_start3A_144, %add3A_141] : memref<2x801024xi32, #tpu.memory_space<hbm>> -> memref<2x112xi32, #tpu.memory_space<hbm>>
    tpu.enqueue_dma source(%dma_start3A_145 : memref<2x112xi32, #tpu.memory_space<hbm>>) target(%arg13 : memref<2x112xi32, #tpu.memory_space<vmem>>) target_semaphore(%arg25 : memref<!tpu.dma_semaphore, #tpu.memory_space<semaphore_mem>>)
    %scan3A_146 = arith.constant 0 : i32
    %scan3A_147 = arith.constant 0 : i32
    %scan3A_148 = arith.constant 7 : i32
    %scan3A_149 = arith.addi %scan3A_147, %scan3A_148 : i32
    %scan3A_150 = arith.constant 1 : i32
    %scan3A_151 = scf.for %scan3A_399 = %scan3A_147 to %scan3A_149 step %scan3A_150 iter_args(%scan3A_400 = %scan3A_146) -> (i32)  : i32 {
      %mul3A_401 = arith.constant 16 : i32
      %mul3A_402 = arith.muli %scan3A_399, %mul3A_401 : i32
      %add3A_403 = vector.broadcast %mul3A_402 : i32 to vector<16xi32>
      %add3A_404 = arith.addi %add3A_403, %iota3A : vector<16xi32>
      %mul3A_405 = arith.constant 16 : i32
      %mul3A_406 = arith.muli %scan3A_399, %mul3A_405 : i32
      %get3A = arith.index_cast %mul3A_406 : i32 to index
      %get3A_407 = tpu.vector_load %arg15[%get3A] {strides = array<i32>} : memref<112xi32, #tpu.memory_space<vmem>>, vector<16xi32>,
      %broadcast_in_dim3A_408 = arith.constant 7 : i32
      %broadcast_in_dim3A_409 = vector.broadcast %broadcast_in_dim3A_408 : i32 to vector<16xi32>
      %and3A = arith.andi %get3A_407, %broadcast_in_dim3A_409 : vector<16xi32>
      %shift_left3A = arith.constant 1 : i32
      %shift_left3A_410 = vector.broadcast %shift_left3A : i32 to vector<16xi32>
      %shift_left3A_411 = arith.shli %and3A, %shift_left3A_410 : vector<16xi32>
      %broadcast_in_dim3A_412 = arith.constant 32 : i32
      %broadcast_in_dim3A_413 = vector.broadcast %broadcast_in_dim3A_412 : i32 to vector<16xi32>
      %gather3A = tpu.vector_load_idx %arg19[%add3A_404, %broadcast_in_dim3A_413] : memref<112x48xf32, #tpu.memory_space<vmem>>[vector<16xi32>, vector<16xi32>], vector<16xf32>,
      %broadcast_in_dim3A_414 = arith.constant 0 : i32
      %broadcast_in_dim3A_415 = vector.broadcast %broadcast_in_dim3A_414 : i32 to vector<16xi32>
      %gather3A_416 = tpu.vector_load_idx %arg21[%add3A_404, %broadcast_in_dim3A_415] : memref<112x16xf32, #tpu.memory_space<vmem>>[vector<16xi32>, vector<16xi32>], vector<16xf32>,
      %add3A_417 = arith.addf %gather3A, %gather3A_416 : vector<16xf32>
      %gt3A = arith.constant 0.000000e+00 : f32
      %gt3A_418 = vector.broadcast %gt3A : f32 to vector<16xf32>
      %gt3A_419 = arith.cmpf ogt, %add3A_417, %gt3A_418 : vector<16xf32>
      %mul3A_420 = arith.constant 2.000000e-01 : f32
      %mul3A_421 = vector.broadcast %mul3A_420 : f32 to vector<16xf32>
      %mul3A_422 = arith.mulf %mul3A_421, %add3A_417 : vector<16xf32>
      %select_n3A = arith.select %gt3A_419, %add3A_417, %mul3A_422 : vector<16xi1>, vector<16xf32>
      %exp3A = math.exp %select_n3A : vector<16xf32>
      %broadcast_in_dim3A_423 = arith.constant 33 : i32
      %broadcast_in_dim3A_424 = vector.broadcast %broadcast_in_dim3A_423 : i32 to vector<16xi32>
      %gather3A_425 = tpu.vector_load_idx %arg19[%add3A_404, %broadcast_in_dim3A_424] : memref<112x48xf32, #tpu.memory_space<vmem>>[vector<16xi32>, vector<16xi32>], vector<16xf32>,
      %broadcast_in_dim3A_426 = arith.constant 1 : i32
      %broadcast_in_dim3A_427 = vector.broadcast %broadcast_in_dim3A_426 : i32 to vector<16xi32>
      %gather3A_428 = tpu.vector_load_idx %arg21[%add3A_404, %broadcast_in_dim3A_427] : memref<112x16xf32, #tpu.memory_space<vmem>>[vector<16xi32>, vector<16xi32>], vector<16xf32>,
      %add3A_429 = arith.addf %gather3A_425, %gather3A_428 : vector<16xf32>
      %gt3A_430 = arith.constant 0.000000e+00 : f32
      %gt3A_431 = vector.broadcast %gt3A_430 : f32 to vector<16xf32>
      %gt3A_432 = arith.cmpf ogt, %add3A_429, %gt3A_431 : vector<16xf32>
      %mul3A_433 = arith.constant 2.000000e-01 : f32
      %mul3A_434 = vector.broadcast %mul3A_433 : f32 to vector<16xf32>
      %mul3A_435 = arith.mulf %mul3A_434, %add3A_429 : vector<16xf32>
      %select_n3A_436 = arith.select %gt3A_432, %add3A_429, %mul3A_435 : vector<16xi1>, vector<16xf32>
      %exp3A_437 = math.exp %select_n3A_436 : vector<16xf32>
      %add3A_438 = arith.constant 0 : i32
      %add3A_439 = vector.broadcast %add3A_438 : i32 to vector<16xi32>
      %add3A_440 = arith.addi %shift_left3A_411, %add3A_439 : vector<16xi32>
      tpu.vector_store_idx %arg24[%add3A_404, %add3A_440], %exp3A : memref<112x16xf32, #tpu.memory_space<vmem>>[vector<16xi32>, vector<16xi32>], vector<16xf32>,
      %add3A_441 = arith.constant 1 : i32
      %add3A_442 = vector.broadcast %add3A_441 : i32 to vector<16xi32>
      %add3A_443 = arith.addi %shift_left3A_411, %add3A_442 : vector<16xi32>
      tpu.vector_store_idx %arg24[%add3A_404, %add3A_443], %exp3A_437 : memref<112x16xf32, #tpu.memory_space<vmem>>[vector<16xi32>, vector<16xi32>], vector<16xf32>,
      %broadcast_in_dim3A_444 = arith.constant 0 : i32
      %broadcast_in_dim3A_445 = vector.broadcast %broadcast_in_dim3A_444 : i32 to vector<16xi32>
      %gather3A_446 = tpu.vector_load_idx %arg19[%add3A_404, %broadcast_in_dim3A_445] : memref<112x48xf32, #tpu.memory_space<vmem>>[vector<16xi32>, vector<16xi32>], vector<16xf32>,
      %broadcast_in_dim3A_447 = arith.constant 1 : i32
      %broadcast_in_dim3A_448 = vector.broadcast %broadcast_in_dim3A_447 : i32 to vector<16xi32>
      %gather3A_449 = tpu.vector_load_idx %arg19[%add3A_404, %broadcast_in_dim3A_448] : memref<112x48xf32, #tpu.memory_space<vmem>>[vector<16xi32>, vector<16xi32>], vector<16xf32>,
      %broadcast_in_dim3A_450 = arith.constant 2 : i32
      %broadcast_in_dim3A_451 = vector.broadcast %broadcast_in_dim3A_450 : i32 to vector<16xi32>
      %gather3A_452 = tpu.vector_load_idx %arg19[%add3A_404, %broadcast_in_dim3A_451] : memref<112x48xf32, #tpu.memory_space<vmem>>[vector<16xi32>, vector<16xi32>], vector<16xf32>,
      %broadcast_in_dim3A_453 = arith.constant 3 : i32
      %broadcast_in_dim3A_454 = vector.broadcast %broadcast_in_dim3A_453 : i32 to vector<16xi32>
      %gather3A_455 = tpu.vector_load_idx %arg19[%add3A_404, %broadcast_in_dim3A_454] : memref<112x48xf32, #tpu.memory_space<vmem>>[vector<16xi32>, vector<16xi32>], vector<16xf32>,
      %broadcast_in_dim3A_456 = arith.constant 4 : i32
      %broadcast_in_dim3A_457 = vector.broadcast %broadcast_in_dim3A_456 : i32 to vector<16xi32>
      %gather3A_458 = tpu.vector_load_idx %arg19[%add3A_404, %broadcast_in_dim3A_457] : memref<112x48xf32, #tpu.memory_space<vmem>>[vector<16xi32>, vector<16xi32>], vector<16xf32>,
      %broadcast_in_dim3A_459 = arith.constant 5 : i32
      %broadcast_in_dim3A_460 = vector.broadcast %broadcast_in_dim3A_459 : i32 to vector<16xi32>
      %gather3A_461 = tpu.vector_load_idx %arg19[%add3A_404, %broadcast_in_dim3A_460] : memref<112x48xf32, #tpu.memory_space<vmem>>[vector<16xi32>, vector<16xi32>], vector<16xf32>,
      %broadcast_in_dim3A_462 = arith.constant 6 : i32
      %broadcast_in_dim3A_463 = vector.broadcast %broadcast_in_dim3A_462 : i32 to vector<16xi32>
      %gather3A_464 = tpu.vector_load_idx %arg19[%add3A_404, %broadcast_in_dim3A_463] : memref<112x48xf32, #tpu.memory_space<vmem>>[vector<16xi32>, vector<16xi32>], vector<16xf32>,
      %broadcast_in_dim3A_465 = arith.constant 7 : i32
      %broadcast_in_dim3A_466 = vector.broadcast %broadcast_in_dim3A_465 : i32 to vector<16xi32>
      %gather3A_467 = tpu.vector_load_idx %arg19[%add3A_404, %broadcast_in_dim3A_466] : memref<112x48xf32, #tpu.memory_space<vmem>>[vector<16xi32>, vector<16xi32>], vector<16xf32>,
      %broadcast_in_dim3A_468 = arith.constant 8 : i32
      %broadcast_in_dim3A_469 = vector.broadcast %broadcast_in_dim3A_468 : i32 to vector<16xi32>
      %gather3A_470 = tpu.vector_load_idx %arg19[%add3A_404, %broadcast_in_dim3A_469] : memref<112x48xf32, #tpu.memory_space<vmem>>[vector<16xi32>, vector<16xi32>], vector<16xf32>,
      %broadcast_in_dim3A_471 = arith.constant 9 : i32
      %broadcast_in_dim3A_472 = vector.broadcast %broadcast_in_dim3A_471 : i32 to vector<16xi32>
      %gather3A_473 = tpu.vector_load_idx %arg19[%add3A_404, %broadcast_in_dim3A_472] : memref<112x48xf32, #tpu.memory_space<vmem>>[vector<16xi32>, vector<16xi32>], vector<16xf32>,
      %broadcast_in_dim3A_474 = arith.constant 10 : i32
      %broadcast_in_dim3A_475 = vector.broadcast %broadcast_in_dim3A_474 : i32 to vector<16xi32>
      %gather3A_476 = tpu.vector_load_idx %arg19[%add3A_404, %broadcast_in_dim3A_475] : memref<112x48xf32, #tpu.memory_space<vmem>>[vector<16xi32>, vector<16xi32>], vector<16xf32>,
      %broadcast_in_dim3A_477 = arith.constant 11 : i32
      %broadcast_in_dim3A_478 = vector.broadcast %broadcast_in_dim3A_477 : i32 to vector<16xi32>
      %gather3A_479 = tpu.vector_load_idx %arg19[%add3A_404, %broadcast_in_dim3A_478] : memref<112x48xf32, #tpu.memory_space<vmem>>[vector<16xi32>, vector<16xi32>], vector<16xf32>,
      %broadcast_in_dim3A_480 = arith.constant 12 : i32
      %broadcast_in_dim3A_481 = vector.broadcast %broadcast_in_dim3A_480 : i32 to vector<16xi32>
      %gather3A_482 = tpu.vector_load_idx %arg19[%add3A_404, %broadcast_in_dim3A_481] : memref<112x48xf32, #tpu.memory_space<vmem>>[vector<16xi32>, vector<16xi32>], vector<16xf32>,
      %broadcast_in_dim3A_483 = arith.constant 13 : i32
      %broadcast_in_dim3A_484 = vector.broadcast %broadcast_in_dim3A_483 : i32 to vector<16xi32>
      %gather3A_485 = tpu.vector_load_idx %arg19[%add3A_404, %broadcast_in_dim3A_484] : memref<112x48xf32, #tpu.memory_space<vmem>>[vector<16xi32>, vector<16xi32>], vector<16xf32>,
      %broadcast_in_dim3A_486 = arith.constant 14 : i32
      %broadcast_in_dim3A_487 = vector.broadcast %broadcast_in_dim3A_486 : i32 to vector<16xi32>
      %gather3A_488 = tpu.vector_load_idx %arg19[%add3A_404, %broadcast_in_dim3A_487] : memref<112x48xf32, #tpu.memory_space<vmem>>[vector<16xi32>, vector<16xi32>], vector<16xf32>,
      %broadcast_in_dim3A_489 = arith.constant 15 : i32
      %broadcast_in_dim3A_490 = vector.broadcast %broadcast_in_dim3A_489 : i32 to vector<16xi32>
      %gather3A_491 = tpu.vector_load_idx %arg19[%add3A_404, %broadcast_in_dim3A_490] : memref<112x48xf32, #tpu.memory_space<vmem>>[vector<16xi32>, vector<16xi32>], vector<16xf32>,
      %broadcast_in_dim3A_492 = arith.constant 16 : i32
      %broadcast_in_dim3A_493 = vector.broadcast %broadcast_in_dim3A_492 : i32 to vector<16xi32>
      %gather3A_494 = tpu.vector_load_idx %arg19[%add3A_404, %broadcast_in_dim3A_493] : memref<112x48xf32, #tpu.memory_space<vmem>>[vector<16xi32>, vector<16xi32>], vector<16xf32>,
      %broadcast_in_dim3A_495 = arith.constant 17 : i32
      %broadcast_in_dim3A_496 = vector.broadcast %broadcast_in_dim3A_495 : i32 to vector<16xi32>
      %gather3A_497 = tpu.vector_load_idx %arg19[%add3A_404, %broadcast_in_dim3A_496] : memref<112x48xf32, #tpu.memory_space<vmem>>[vector<16xi32>, vector<16xi32>], vector<16xf32>,
      %broadcast_in_dim3A_498 = arith.constant 18 : i32
      %broadcast_in_dim3A_499 = vector.broadcast %broadcast_in_dim3A_498 : i32 to vector<16xi32>
      %gather3A_500 = tpu.vector_load_idx %arg19[%add3A_404, %broadcast_in_dim3A_499] : memref<112x48xf32, #tpu.memory_space<vmem>>[vector<16xi32>, vector<16xi32>], vector<16xf32>,
      %broadcast_in_dim3A_501 = arith.constant 19 : i32
      %broadcast_in_dim3A_502 = vector.broadcast %broadcast_in_dim3A_501 : i32 to vector<16xi32>
      %gather3A_503 = tpu.vector_load_idx %arg19[%add3A_404, %broadcast_in_dim3A_502] : memref<112x48xf32, #tpu.memory_space<vmem>>[vector<16xi32>, vector<16xi32>], vector<16xf32>,
      %broadcast_in_dim3A_504 = arith.constant 20 : i32
      %broadcast_in_dim3A_505 = vector.broadcast %broadcast_in_dim3A_504 : i32 to vector<16xi32>
      %gather3A_506 = tpu.vector_load_idx %arg19[%add3A_404, %broadcast_in_dim3A_505] : memref<112x48xf32, #tpu.memory_space<vmem>>[vector<16xi32>, vector<16xi32>], vector<16xf32>,
      %broadcast_in_dim3A_507 = arith.constant 21 : i32
      %broadcast_in_dim3A_508 = vector.broadcast %broadcast_in_dim3A_507 : i32 to vector<16xi32>
      %gather3A_509 = tpu.vector_load_idx %arg19[%add3A_404, %broadcast_in_dim3A_508] : memref<112x48xf32, #tpu.memory_space<vmem>>[vector<16xi32>, vector<16xi32>], vector<16xf32>,
      %broadcast_in_dim3A_510 = arith.constant 22 : i32
      %broadcast_in_dim3A_511 = vector.broadcast %broadcast_in_dim3A_510 : i32 to vector<16xi32>
      %gather3A_512 = tpu.vector_load_idx %arg19[%add3A_404, %broadcast_in_dim3A_511] : memref<112x48xf32, #tpu.memory_space<vmem>>[vector<16xi32>, vector<16xi32>], vector<16xf32>,
      %broadcast_in_dim3A_513 = arith.constant 23 : i32
      %broadcast_in_dim3A_514 = vector.broadcast %broadcast_in_dim3A_513 : i32 to vector<16xi32>
      %gather3A_515 = tpu.vector_load_idx %arg19[%add3A_404, %broadcast_in_dim3A_514] : memref<112x48xf32, #tpu.memory_space<vmem>>[vector<16xi32>, vector<16xi32>], vector<16xf32>,
      %broadcast_in_dim3A_516 = arith.constant 24 : i32
      %broadcast_in_dim3A_517 = vector.broadcast %broadcast_in_dim3A_516 : i32 to vector<16xi32>
      %gather3A_518 = tpu.vector_load_idx %arg19[%add3A_404, %broadcast_in_dim3A_517] : memref<112x48xf32, #tpu.memory_space<vmem>>[vector<16xi32>, vector<16xi32>], vector<16xf32>,
      %broadcast_in_dim3A_519 = arith.constant 25 : i32
      %broadcast_in_dim3A_520 = vector.broadcast %broadcast_in_dim3A_519 : i32 to vector<16xi32>
      %gather3A_521 = tpu.vector_load_idx %arg19[%add3A_404, %broadcast_in_dim3A_520] : memref<112x48xf32, #tpu.memory_space<vmem>>[vector<16xi32>, vector<16xi32>], vector<16xf32>,
      %broadcast_in_dim3A_522 = arith.constant 26 : i32
      %broadcast_in_dim3A_523 = vector.broadcast %broadcast_in_dim3A_522 : i32 to vector<16xi32>
      %gather3A_524 = tpu.vector_load_idx %arg19[%add3A_404, %broadcast_in_dim3A_523] : memref<112x48xf32, #tpu.memory_space<vmem>>[vector<16xi32>, vector<16xi32>], vector<16xf32>,
      %broadcast_in_dim3A_525 = arith.constant 27 : i32
      %broadcast_in_dim3A_526 = vector.broadcast %broadcast_in_dim3A_525 : i32 to vector<16xi32>
      %gather3A_527 = tpu.vector_load_idx %arg19[%add3A_404, %broadcast_in_dim3A_526] : memref<112x48xf32, #tpu.memory_space<vmem>>[vector<16xi32>, vector<16xi32>], vector<16xf32>,
      %broadcast_in_dim3A_528 = arith.constant 28 : i32
      %broadcast_in_dim3A_529 = vector.broadcast %broadcast_in_dim3A_528 : i32 to vector<16xi32>
      %gather3A_530 = tpu.vector_load_idx %arg19[%add3A_404, %broadcast_in_dim3A_529] : memref<112x48xf32, #tpu.memory_space<vmem>>[vector<16xi32>, vector<16xi32>], vector<16xf32>,
      %broadcast_in_dim3A_531 = arith.constant 29 : i32
      %broadcast_in_dim3A_532 = vector.broadcast %broadcast_in_dim3A_531 : i32 to vector<16xi32>
      %gather3A_533 = tpu.vector_load_idx %arg19[%add3A_404, %broadcast_in_dim3A_532] : memref<112x48xf32, #tpu.memory_space<vmem>>[vector<16xi32>, vector<16xi32>], vector<16xf32>,
      %broadcast_in_dim3A_534 = arith.constant 30 : i32
      %broadcast_in_dim3A_535 = vector.broadcast %broadcast_in_dim3A_534 : i32 to vector<16xi32>
      %gather3A_536 = tpu.vector_load_idx %arg19[%add3A_404, %broadcast_in_dim3A_535] : memref<112x48xf32, #tpu.memory_space<vmem>>[vector<16xi32>, vector<16xi32>], vector<16xf32>,
      %broadcast_in_dim3A_537 = arith.constant 31 : i32
      %broadcast_in_dim3A_538 = vector.broadcast %broadcast_in_dim3A_537 : i32 to vector<16xi32>
      %gather3A_539 = tpu.vector_load_idx %arg19[%add3A_404, %broadcast_in_dim3A_538] : memref<112x48xf32, #tpu.memory_space<vmem>>[vector<16xi32>, vector<16xi32>], vector<16xf32>,
      %broadcast_in_dim3A_540 = arith.constant 0 : i32
      %broadcast_in_dim3A_541 = vector.broadcast %broadcast_in_dim3A_540 : i32 to vector<16xi32>
      %mul3A_542 = arith.mulf %exp3A, %gather3A_446 : vector<16xf32>
      tpu.vector_store_idx %arg23[%add3A_404, %broadcast_in_dim3A_541], %mul3A_542 : memref<112x32xf32, #tpu.memory_space<vmem>>[vector<16xi32>, vector<16xi32>], vector<16xf32>,
      %broadcast_in_dim3A_543 = arith.constant 1 : i32
      %broadcast_in_dim3A_544 = vector.broadcast %broadcast_in_dim3A_543 : i32 to vector<16xi32>
      %mul3A_545 = arith.mulf %exp3A, %gather3A_449 : vector<16xf32>
      tpu.vector_store_idx %arg23[%add3A_404, %broadcast_in_dim3A_544], %mul3A_545 : memref<112x32xf32, #tpu.memory_space<vmem>>[vector<16xi32>, vector<16xi32>], vector<16xf32>,
      %broadcast_in_dim3A_546 = arith.constant 2 : i32
      %broadcast_in_dim3A_547 = vector.broadcast %broadcast_in_dim3A_546 : i32 to vector<16xi32>
      %mul3A_548 = arith.mulf %exp3A, %gather3A_452 : vector<16xf32>
      tpu.vector_store_idx %arg23[%add3A_404, %broadcast_in_dim3A_547], %mul3A_548 : memref<112x32xf32, #tpu.memory_space<vmem>>[vector<16xi32>, vector<16xi32>], vector<16xf32>,
      %broadcast_in_dim3A_549 = arith.constant 3 : i32
      %broadcast_in_dim3A_550 = vector.broadcast %broadcast_in_dim3A_549 : i32 to vector<16xi32>
      %mul3A_551 = arith.mulf %exp3A, %gather3A_455 : vector<16xf32>
      tpu.vector_store_idx %arg23[%add3A_404, %broadcast_in_dim3A_550], %mul3A_551 : memref<112x32xf32, #tpu.memory_space<vmem>>[vector<16xi32>, vector<16xi32>], vector<16xf32>,
      %broadcast_in_dim3A_552 = arith.constant 4 : i32
      %broadcast_in_dim3A_553 = vector.broadcast %broadcast_in_dim3A_552 : i32 to vector<16xi32>
      %mul3A_554 = arith.mulf %exp3A, %gather3A_458 : vector<16xf32>
      tpu.vector_store_idx %arg23[%add3A_404, %broadcast_in_dim3A_553], %mul3A_554 : memref<112x32xf32, #tpu.memory_space<vmem>>[vector<16xi32>, vector<16xi32>], vector<16xf32>,
      %broadcast_in_dim3A_555 = arith.constant 5 : i32
      %broadcast_in_dim3A_556 = vector.broadcast %broadcast_in_dim3A_555 : i32 to vector<16xi32>
      %mul3A_557 = arith.mulf %exp3A, %gather3A_461 : vector<16xf32>
      tpu.vector_store_idx %arg23[%add3A_404, %broadcast_in_dim3A_556], %mul3A_557 : memref<112x32xf32, #tpu.memory_space<vmem>>[vector<16xi32>, vector<16xi32>], vector<16xf32>,
      %broadcast_in_dim3A_558 = arith.constant 6 : i32
      %broadcast_in_dim3A_559 = vector.broadcast %broadcast_in_dim3A_558 : i32 to vector<16xi32>
      %mul3A_560 = arith.mulf %exp3A, %gather3A_464 : vector<16xf32>
      tpu.vector_store_idx %arg23[%add3A_404, %broadcast_in_dim3A_559], %mul3A_560 : memref<112x32xf32, #tpu.memory_space<vmem>>[vector<16xi32>, vector<16xi32>], vector<16xf32>,
      %broadcast_in_dim3A_561 = arith.constant 7 : i32
      %broadcast_in_dim3A_562 = vector.broadcast %broadcast_in_dim3A_561 : i32 to vector<16xi32>
      %mul3A_563 = arith.mulf %exp3A, %gather3A_467 : vector<16xf32>
      tpu.vector_store_idx %arg23[%add3A_404, %broadcast_in_dim3A_562], %mul3A_563 : memref<112x32xf32, #tpu.memory_space<vmem>>[vector<16xi32>, vector<16xi32>], vector<16xf32>,
      %broadcast_in_dim3A_564 = arith.constant 8 : i32
      %broadcast_in_dim3A_565 = vector.broadcast %broadcast_in_dim3A_564 : i32 to vector<16xi32>
      %mul3A_566 = arith.mulf %exp3A, %gather3A_470 : vector<16xf32>
      tpu.vector_store_idx %arg23[%add3A_404, %broadcast_in_dim3A_565], %mul3A_566 : memref<112x32xf32, #tpu.memory_space<vmem>>[vector<16xi32>, vector<16xi32>], vector<16xf32>,
      %broadcast_in_dim3A_567 = arith.constant 9 : i32
      %broadcast_in_dim3A_568 = vector.broadcast %broadcast_in_dim3A_567 : i32 to vector<16xi32>
      %mul3A_569 = arith.mulf %exp3A, %gather3A_473 : vector<16xf32>
      tpu.vector_store_idx %arg23[%add3A_404, %broadcast_in_dim3A_568], %mul3A_569 : memref<112x32xf32, #tpu.memory_space<vmem>>[vector<16xi32>, vector<16xi32>], vector<16xf32>,
      %broadcast_in_dim3A_570 = arith.constant 10 : i32
      %broadcast_in_dim3A_571 = vector.broadcast %broadcast_in_dim3A_570 : i32 to vector<16xi32>
      %mul3A_572 = arith.mulf %exp3A, %gather3A_476 : vector<16xf32>
      tpu.vector_store_idx %arg23[%add3A_404, %broadcast_in_dim3A_571], %mul3A_572 : memref<112x32xf32, #tpu.memory_space<vmem>>[vector<16xi32>, vector<16xi32>], vector<16xf32>,
      %broadcast_in_dim3A_573 = arith.constant 11 : i32
      %broadcast_in_dim3A_574 = vector.broadcast %broadcast_in_dim3A_573 : i32 to vector<16xi32>
      %mul3A_575 = arith.mulf %exp3A, %gather3A_479 : vector<16xf32>
      tpu.vector_store_idx %arg23[%add3A_404, %broadcast_in_dim3A_574], %mul3A_575 : memref<112x32xf32, #tpu.memory_space<vmem>>[vector<16xi32>, vector<16xi32>], vector<16xf32>,
      %broadcast_in_dim3A_576 = arith.constant 12 : i32
      %broadcast_in_dim3A_577 = vector.broadcast %broadcast_in_dim3A_576 : i32 to vector<16xi32>
      %mul3A_578 = arith.mulf %exp3A, %gather3A_482 : vector<16xf32>
      tpu.vector_store_idx %arg23[%add3A_404, %broadcast_in_dim3A_577], %mul3A_578 : memref<112x32xf32, #tpu.memory_space<vmem>>[vector<16xi32>, vector<16xi32>], vector<16xf32>,
      %broadcast_in_dim3A_579 = arith.constant 13 : i32
      %broadcast_in_dim3A_580 = vector.broadcast %broadcast_in_dim3A_579 : i32 to vector<16xi32>
      %mul3A_581 = arith.mulf %exp3A, %gather3A_485 : vector<16xf32>
      tpu.vector_store_idx %arg23[%add3A_404, %broadcast_in_dim3A_580], %mul3A_581 : memref<112x32xf32, #tpu.memory_space<vmem>>[vector<16xi32>, vector<16xi32>], vector<16xf32>,
      %broadcast_in_dim3A_582 = arith.constant 14 : i32
      %broadcast_in_dim3A_583 = vector.broadcast %broadcast_in_dim3A_582 : i32 to vector<16xi32>
      %mul3A_584 = arith.mulf %exp3A, %gather3A_488 : vector<16xf32>
      tpu.vector_store_idx %arg23[%add3A_404, %broadcast_in_dim3A_583], %mul3A_584 : memref<112x32xf32, #tpu.memory_space<vmem>>[vector<16xi32>, vector<16xi32>], vector<16xf32>,
      %broadcast_in_dim3A_585 = arith.constant 15 : i32
      %broadcast_in_dim3A_586 = vector.broadcast %broadcast_in_dim3A_585 : i32 to vector<16xi32>
      %mul3A_587 = arith.mulf %exp3A, %gather3A_491 : vector<16xf32>
      tpu.vector_store_idx %arg23[%add3A_404, %broadcast_in_dim3A_586], %mul3A_587 : memref<112x32xf32, #tpu.memory_space<vmem>>[vector<16xi32>, vector<16xi32>], vector<16xf32>,
      %broadcast_in_dim3A_588 = arith.constant 16 : i32
      %broadcast_in_dim3A_589 = vector.broadcast %broadcast_in_dim3A_588 : i32 to vector<16xi32>
      %mul3A_590 = arith.mulf %exp3A_437, %gather3A_494 : vector<16xf32>
      tpu.vector_store_idx %arg23[%add3A_404, %broadcast_in_dim3A_589], %mul3A_590 : memref<112x32xf32, #tpu.memory_space<vmem>>[vector<16xi32>, vector<16xi32>], vector<16xf32>,
      %broadcast_in_dim3A_591 = arith.constant 17 : i32
      %broadcast_in_dim3A_592 = vector.broadcast %broadcast_in_dim3A_591 : i32 to vector<16xi32>
      %mul3A_593 = arith.mulf %exp3A_437, %gather3A_497 : vector<16xf32>
      tpu.vector_store_idx %arg23[%add3A_404, %broadcast_in_dim3A_592], %mul3A_593 : memref<112x32xf32, #tpu.memory_space<vmem>>[vector<16xi32>, vector<16xi32>], vector<16xf32>,
      %broadcast_in_dim3A_594 = arith.constant 18 : i32
      %broadcast_in_dim3A_595 = vector.broadcast %broadcast_in_dim3A_594 : i32 to vector<16xi32>
      %mul3A_596 = arith.mulf %exp3A_437, %gather3A_500 : vector<16xf32>
      tpu.vector_store_idx %arg23[%add3A_404, %broadcast_in_dim3A_595], %mul3A_596 : memref<112x32xf32, #tpu.memory_space<vmem>>[vector<16xi32>, vector<16xi32>], vector<16xf32>,
      %broadcast_in_dim3A_597 = arith.constant 19 : i32
      %broadcast_in_dim3A_598 = vector.broadcast %broadcast_in_dim3A_597 : i32 to vector<16xi32>
      %mul3A_599 = arith.mulf %exp3A_437, %gather3A_503 : vector<16xf32>
      tpu.vector_store_idx %arg23[%add3A_404, %broadcast_in_dim3A_598], %mul3A_599 : memref<112x32xf32, #tpu.memory_space<vmem>>[vector<16xi32>, vector<16xi32>], vector<16xf32>,
      %broadcast_in_dim3A_600 = arith.constant 20 : i32
      %broadcast_in_dim3A_601 = vector.broadcast %broadcast_in_dim3A_600 : i32 to vector<16xi32>
      %mul3A_602 = arith.mulf %exp3A_437, %gather3A_506 : vector<16xf32>
      tpu.vector_store_idx %arg23[%add3A_404, %broadcast_in_dim3A_601], %mul3A_602 : memref<112x32xf32, #tpu.memory_space<vmem>>[vector<16xi32>, vector<16xi32>], vector<16xf32>,
      %broadcast_in_dim3A_603 = arith.constant 21 : i32
      %broadcast_in_dim3A_604 = vector.broadcast %broadcast_in_dim3A_603 : i32 to vector<16xi32>
      %mul3A_605 = arith.mulf %exp3A_437, %gather3A_509 : vector<16xf32>
      tpu.vector_store_idx %arg23[%add3A_404, %broadcast_in_dim3A_604], %mul3A_605 : memref<112x32xf32, #tpu.memory_space<vmem>>[vector<16xi32>, vector<16xi32>], vector<16xf32>,
      %broadcast_in_dim3A_606 = arith.constant 22 : i32
      %broadcast_in_dim3A_607 = vector.broadcast %broadcast_in_dim3A_606 : i32 to vector<16xi32>
      %mul3A_608 = arith.mulf %exp3A_437, %gather3A_512 : vector<16xf32>
      tpu.vector_store_idx %arg23[%add3A_404, %broadcast_in_dim3A_607], %mul3A_608 : memref<112x32xf32, #tpu.memory_space<vmem>>[vector<16xi32>, vector<16xi32>], vector<16xf32>,
      %broadcast_in_dim3A_609 = arith.constant 23 : i32
      %broadcast_in_dim3A_610 = vector.broadcast %broadcast_in_dim3A_609 : i32 to vector<16xi32>
      %mul3A_611 = arith.mulf %exp3A_437, %gather3A_515 : vector<16xf32>
      tpu.vector_store_idx %arg23[%add3A_404, %broadcast_in_dim3A_610], %mul3A_611 : memref<112x32xf32, #tpu.memory_space<vmem>>[vector<16xi32>, vector<16xi32>], vector<16xf32>,
      %broadcast_in_dim3A_612 = arith.constant 24 : i32
      %broadcast_in_dim3A_613 = vector.broadcast %broadcast_in_dim3A_612 : i32 to vector<16xi32>
      %mul3A_614 = arith.mulf %exp3A_437, %gather3A_518 : vector<16xf32>
      tpu.vector_store_idx %arg23[%add3A_404, %broadcast_in_dim3A_613], %mul3A_614 : memref<112x32xf32, #tpu.memory_space<vmem>>[vector<16xi32>, vector<16xi32>], vector<16xf32>,
      %broadcast_in_dim3A_615 = arith.constant 25 : i32
      %broadcast_in_dim3A_616 = vector.broadcast %broadcast_in_dim3A_615 : i32 to vector<16xi32>
      %mul3A_617 = arith.mulf %exp3A_437, %gather3A_521 : vector<16xf32>
      tpu.vector_store_idx %arg23[%add3A_404, %broadcast_in_dim3A_616], %mul3A_617 : memref<112x32xf32, #tpu.memory_space<vmem>>[vector<16xi32>, vector<16xi32>], vector<16xf32>,
      %broadcast_in_dim3A_618 = arith.constant 26 : i32
      %broadcast_in_dim3A_619 = vector.broadcast %broadcast_in_dim3A_618 : i32 to vector<16xi32>
      %mul3A_620 = arith.mulf %exp3A_437, %gather3A_524 : vector<16xf32>
      tpu.vector_store_idx %arg23[%add3A_404, %broadcast_in_dim3A_619], %mul3A_620 : memref<112x32xf32, #tpu.memory_space<vmem>>[vector<16xi32>, vector<16xi32>], vector<16xf32>,
      %broadcast_in_dim3A_621 = arith.constant 27 : i32
      %broadcast_in_dim3A_622 = vector.broadcast %broadcast_in_dim3A_621 : i32 to vector<16xi32>
      %mul3A_623 = arith.mulf %exp3A_437, %gather3A_527 : vector<16xf32>
      tpu.vector_store_idx %arg23[%add3A_404, %broadcast_in_dim3A_622], %mul3A_623 : memref<112x32xf32, #tpu.memory_space<vmem>>[vector<16xi32>, vector<16xi32>], vector<16xf32>,
      %broadcast_in_dim3A_624 = arith.constant 28 : i32
      %broadcast_in_dim3A_625 = vector.broadcast %broadcast_in_dim3A_624 : i32 to vector<16xi32>
      %mul3A_626 = arith.mulf %exp3A_437, %gather3A_530 : vector<16xf32>
      tpu.vector_store_idx %arg23[%add3A_404, %broadcast_in_dim3A_625], %mul3A_626 : memref<112x32xf32, #tpu.memory_space<vmem>>[vector<16xi32>, vector<16xi32>], vector<16xf32>,
      %broadcast_in_dim3A_627 = arith.constant 29 : i32
      %broadcast_in_dim3A_628 = vector.broadcast %broadcast_in_dim3A_627 : i32 to vector<16xi32>
      %mul3A_629 = arith.mulf %exp3A_437, %gather3A_533 : vector<16xf32>
      tpu.vector_store_idx %arg23[%add3A_404, %broadcast_in_dim3A_628], %mul3A_629 : memref<112x32xf32, #tpu.memory_space<vmem>>[vector<16xi32>, vector<16xi32>], vector<16xf32>,
      %broadcast_in_dim3A_630 = arith.constant 30 : i32
      %broadcast_in_dim3A_631 = vector.broadcast %broadcast_in_dim3A_630 : i32 to vector<16xi32>
      %mul3A_632 = arith.mulf %exp3A_437, %gather3A_536 : vector<16xf32>
      tpu.vector_store_idx %arg23[%add3A_404, %broadcast_in_dim3A_631], %mul3A_632 : memref<112x32xf32, #tpu.memory_space<vmem>>[vector<16xi32>, vector<16xi32>], vector<16xf32>,
      %broadcast_in_dim3A_633 = arith.constant 31 : i32
      %broadcast_in_dim3A_634 = vector.broadcast %broadcast_in_dim3A_633 : i32 to vector<16xi32>
      %mul3A_635 = arith.mulf %exp3A_437, %gather3A_539 : vector<16xf32>
      tpu.vector_store_idx %arg23[%add3A_404, %broadcast_in_dim3A_634], %mul3A_635 : memref<112x32xf32, #tpu.memory_space<vmem>>[vector<16xi32>, vector<16xi32>], vector<16xf32>,
      %scan3A_636 = arith.constant 0 : i32
      scf.yield %scan3A_636 : i32
    }
    %scan3A_152 = arith.constant 7 : i32
    %dma_start3A_153 = arith.constant 0 : i32
    %dma_start3A_154 = arith.constant 0 : i32
    %dma_start3A_155 = tpu.memref_slice %arg11[%dma_start3A_153, %dma_start3A_154] : memref<50008x32xf32, #tpu.memory_space<vmem_shared>> -> memref<50008x32xf32, #tpu.memory_space<vmem_shared>>
    tpu.enqueue_indirect_dma source(%arg23 : memref<112x32xf32, #tpu.memory_space<vmem>>) target(%dma_start3A_155 : memref<50008x32xf32, #tpu.memory_space<vmem_shared>>) offsets(%arg15 : memref<112xi32, #tpu.memory_space<vmem>>) semaphore(%arg29 : memref<!tpu.dma_semaphore, #tpu.memory_space<semaphore_mem>>) {add = true}
    %dma_start3A_156 = arith.constant 0 : i32
    %dma_start3A_157 = arith.constant 0 : i32
    %dma_start3A_158 = tpu.memref_slice %arg12[%dma_start3A_156, %dma_start3A_157] : memref<6256x16xf32, #tpu.memory_space<vmem_shared>> -> memref<6256x16xf32, #tpu.memory_space<vmem_shared>>
    tpu.enqueue_indirect_dma source(%arg24 : memref<112x16xf32, #tpu.memory_space<vmem>>) target(%dma_start3A_158 : memref<6256x16xf32, #tpu.memory_space<vmem_shared>>) offsets(%arg17 : memref<112xi32, #tpu.memory_space<vmem>>) semaphore(%arg29 : memref<!tpu.dma_semaphore, #tpu.memory_space<semaphore_mem>>) {add = true}
    %dma_wait3A_159 = arith.constant 0 : i32
    %dma_wait3A_160 = arith.constant 0 : i32
    %dma_wait3A_161 = arith.constant 0 : i32
    %dma_wait3A_162 = tpu.memref_slice %arg20[%dma_wait3A_160, %dma_wait3A_161] : memref<112x48xf32, #tpu.memory_space<vmem>> -> memref<32x48xf32, #tpu.memory_space<vmem>>
    %dma_wait3A_163 = arith.constant 0 : i32
    %dma_wait3A_164 = tpu.memref_slice %arg14[%dma_wait3A_159, %dma_wait3A_163] : memref<2x112xi32, #tpu.memory_space<vmem>> -> memref<1x32xi32, #tpu.memory_space<vmem>>
    %dma_wait3A_165 = tpu.memref_squeeze %dma_wait3A_164 : memref<1x32xi32, #tpu.memory_space<vmem>> -> memref<32xi32, #tpu.memory_space<vmem>>
    %dma_wait3A_166 = arith.constant 0 : i32
    %dma_wait3A_167 = arith.constant 0 : i32
    %dma_wait3A_168 = tpu.memref_slice %arg2[%dma_wait3A_166, %dma_wait3A_167] : memref<50000x48xf32, #tpu.memory_space<hbm>> -> memref<50000x48xf32, #tpu.memory_space<hbm>>
    tpu.wait_indirect_dma semaphore(%arg27 : memref<!tpu.dma_semaphore, #tpu.memory_space<semaphore_mem>>) src(%dma_wait3A_168 : memref<50000x48xf32, #tpu.memory_space<hbm>>) dst(%dma_wait3A_162 : memref<32x48xf32, #tpu.memory_space<vmem>>)
    %dma_wait3A_169 = arith.constant 0 : i32
    %dma_wait3A_170 = arith.constant 32 : i32
    %dma_wait3A_171 = arith.constant 0 : i32
    %dma_wait3A_172 = tpu.memref_slice %arg20[%dma_wait3A_170, %dma_wait3A_171] : memref<112x48xf32, #tpu.memory_space<vmem>> -> memref<32x48xf32, #tpu.memory_space<vmem>>
    %dma_wait3A_173 = arith.constant 32 : i32
    %dma_wait3A_174 = tpu.memref_slice %arg14[%dma_wait3A_169, %dma_wait3A_173] : memref<2x112xi32, #tpu.memory_space<vmem>> -> memref<1x32xi32, #tpu.memory_space<vmem>>
    %dma_wait3A_175 = tpu.memref_squeeze %dma_wait3A_174 : memref<1x32xi32, #tpu.memory_space<vmem>> -> memref<32xi32, #tpu.memory_space<vmem>>
    %dma_wait3A_176 = arith.constant 0 : i32
    %dma_wait3A_177 = arith.constant 0 : i32
    %dma_wait3A_178 = tpu.memref_slice %arg2[%dma_wait3A_176, %dma_wait3A_177] : memref<50000x48xf32, #tpu.memory_space<hbm>> -> memref<50000x48xf32, #tpu.memory_space<hbm>>
    tpu.wait_indirect_dma semaphore(%arg27 : memref<!tpu.dma_semaphore, #tpu.memory_space<semaphore_mem>>) src(%dma_wait3A_178 : memref<50000x48xf32, #tpu.memory_space<hbm>>) dst(%dma_wait3A_172 : memref<32x48xf32, #tpu.memory_space<vmem>>)
    %dma_wait3A_179 = arith.constant 0 : i32
    %dma_wait3A_180 = arith.constant 64 : i32
    %dma_wait3A_181 = arith.constant 0 : i32
    %dma_wait3A_182 = tpu.memref_slice %arg20[%dma_wait3A_180, %dma_wait3A_181] : memref<112x48xf32, #tpu.memory_space<vmem>> -> memref<32x48xf32, #tpu.memory_space<vmem>>
    %dma_wait3A_183 = arith.constant 64 : i32
    %dma_wait3A_184 = tpu.memref_slice %arg14[%dma_wait3A_179, %dma_wait3A_183] : memref<2x112xi32, #tpu.memory_space<vmem>> -> memref<1x32xi32, #tpu.memory_space<vmem>>
    %dma_wait3A_185 = tpu.memref_squeeze %dma_wait3A_184 : memref<1x32xi32, #tpu.memory_space<vmem>> -> memref<32xi32, #tpu.memory_space<vmem>>
    %dma_wait3A_186 = arith.constant 0 : i32
    %dma_wait3A_187 = arith.constant 0 : i32
    %dma_wait3A_188 = tpu.memref_slice %arg2[%dma_wait3A_186, %dma_wait3A_187] : memref<50000x48xf32, #tpu.memory_space<hbm>> -> memref<50000x48xf32, #tpu.memory_space<hbm>>
    tpu.wait_indirect_dma semaphore(%arg27 : memref<!tpu.dma_semaphore, #tpu.memory_space<semaphore_mem>>) src(%dma_wait3A_188 : memref<50000x48xf32, #tpu.memory_space<hbm>>) dst(%dma_wait3A_182 : memref<32x48xf32, #tpu.memory_space<vmem>>)
    %dma_wait3A_189 = arith.constant 0 : i32
    %dma_wait3A_190 = arith.constant 96 : i32
    %dma_wait3A_191 = arith.constant 0 : i32
    %dma_wait3A_192 = tpu.memref_slice %arg20[%dma_wait3A_190, %dma_wait3A_191] : memref<112x48xf32, #tpu.memory_space<vmem>> -> memref<16x48xf32, #tpu.memory_space<vmem>>
    %dma_wait3A_193 = arith.constant 96 : i32
    %dma_wait3A_194 = tpu.memref_slice %arg14[%dma_wait3A_189, %dma_wait3A_193] : memref<2x112xi32, #tpu.memory_space<vmem>> -> memref<1x16xi32, #tpu.memory_space<vmem>>
    %dma_wait3A_195 = tpu.memref_squeeze %dma_wait3A_194 : memref<1x16xi32, #tpu.memory_space<vmem>> -> memref<16xi32, #tpu.memory_space<vmem>>
    %dma_wait3A_196 = arith.constant 0 : i32
    %dma_wait3A_197 = arith.constant 0 : i32
    %dma_wait3A_198 = tpu.memref_slice %arg2[%dma_wait3A_196, %dma_wait3A_197] : memref<50000x48xf32, #tpu.memory_space<hbm>> -> memref<50000x48xf32, #tpu.memory_space<hbm>>
    tpu.wait_indirect_dma semaphore(%arg27 : memref<!tpu.dma_semaphore, #tpu.memory_space<semaphore_mem>>) src(%dma_wait3A_198 : memref<50000x48xf32, #tpu.memory_space<hbm>>) dst(%dma_wait3A_192 : memref<16x48xf32, #tpu.memory_space<vmem>>)
    %dma_wait3A_199 = arith.constant 1 : i32
    %dma_wait3A_200 = arith.constant 0 : i32
    %dma_wait3A_201 = arith.constant 0 : i32
    %dma_wait3A_202 = tpu.memref_slice %arg22[%dma_wait3A_200, %dma_wait3A_201] : memref<112x16xf32, #tpu.memory_space<vmem>> -> memref<56x16xf32, #tpu.memory_space<vmem>>
    %dma_wait3A_203 = arith.constant 0 : i32
    %dma_wait3A_204 = tpu.memref_slice %arg14[%dma_wait3A_199, %dma_wait3A_203] : memref<2x112xi32, #tpu.memory_space<vmem>> -> memref<1x56xi32, #tpu.memory_space<vmem>>
    %dma_wait3A_205 = tpu.memref_squeeze %dma_wait3A_204 : memref<1x56xi32, #tpu.memory_space<vmem>> -> memref<56xi32, #tpu.memory_space<vmem>>
    %dma_wait3A_206 = arith.constant 0 : i32
    %dma_wait3A_207 = arith.constant 0 : i32
    %dma_wait3A_208 = tpu.memref_slice %arg4[%dma_wait3A_206, %dma_wait3A_207] : memref<50000x16xf32, #tpu.memory_space<hbm>> -> memref<50000x16xf32, #tpu.memory_space<hbm>>
    tpu.wait_indirect_dma semaphore(%arg28 : memref<!tpu.dma_semaphore, #tpu.memory_space<semaphore_mem>>) src(%dma_wait3A_208 : memref<50000x16xf32, #tpu.memory_space<hbm>>) dst(%dma_wait3A_202 : memref<56x16xf32, #tpu.memory_space<vmem>>)
    %dma_wait3A_209 = arith.constant 1 : i32
    %dma_wait3A_210 = arith.constant 56 : i32
    %dma_wait3A_211 = arith.constant 0 : i32
    %dma_wait3A_212 = tpu.memref_slice %arg22[%dma_wait3A_210, %dma_wait3A_211] : memref<112x16xf32, #tpu.memory_space<vmem>> -> memref<56x16xf32, #tpu.memory_space<vmem>>
    %dma_wait3A_213 = arith.constant 56 : i32
    %dma_wait3A_214 = tpu.memref_slice %arg14[%dma_wait3A_209, %dma_wait3A_213] : memref<2x112xi32, #tpu.memory_space<vmem>> -> memref<1x56xi32, #tpu.memory_space<vmem>>
    %dma_wait3A_215 = tpu.memref_squeeze %dma_wait3A_214 : memref<1x56xi32, #tpu.memory_space<vmem>> -> memref<56xi32, #tpu.memory_space<vmem>>
    %dma_wait3A_216 = arith.constant 0 : i32
    %dma_wait3A_217 = arith.constant 0 : i32
    %dma_wait3A_218 = tpu.memref_slice %arg4[%dma_wait3A_216, %dma_wait3A_217] : memref<50000x16xf32, #tpu.memory_space<hbm>> -> memref<50000x16xf32, #tpu.memory_space<hbm>>
    tpu.wait_indirect_dma semaphore(%arg28 : memref<!tpu.dma_semaphore, #tpu.memory_space<semaphore_mem>>) src(%dma_wait3A_218 : memref<50000x16xf32, #tpu.memory_space<hbm>>) dst(%dma_wait3A_212 : memref<56x16xf32, #tpu.memory_space<vmem>>)
    %mul3A_219 = arith.constant 50064 : i32
    %mul3A_220 = arith.muli %arg1, %mul3A_219 : i32
    %add3A_221 = arith.constant 224 : i32
    %add3A_222 = arith.addi %mul3A_220, %add3A_221 : i32
    %dma_wait3A_223 = arith.constant 0 : i32
    %dma_wait3A_224 = tpu.memref_slice %arg6[%dma_wait3A_223, %add3A_222] : memref<2x801024xi32, #tpu.memory_space<hbm>> -> memref<2x112xi32, #tpu.memory_space<hbm>>
    %dma_wait3A_225 = arith.constant 0 : i32
    %dma_wait3A_226 = tpu.memref_slice %arg6[%dma_wait3A_225, %add3A_222] : memref<2x801024xi32, #tpu.memory_space<hbm>> -> memref<2x112xi32, #tpu.memory_space<hbm>>
    tpu.wait_dma2 semaphore(%arg25 : memref<!tpu.dma_semaphore, #tpu.memory_space<semaphore_mem>>) src(%dma_wait3A_226 : memref<2x112xi32, #tpu.memory_space<hbm>>) dst(%arg13 : memref<2x112xi32, #tpu.memory_space<vmem>>)
    %eq3A_227 = arith.constant 0 : i32
    %eq3A_228 = arith.cmpi eq, %arg0, %eq3A_227 : i32
    %convert_element_type3A_229 = arith.extui %eq3A_228 : i1 to i32
    %cond3A_230 = arith.constant 0 : i32
    %cond3A_231 = arith.cmpi ne, %convert_element_type3A_229, %cond3A_230 : i32
    scf.if %cond3A_231 {
      %dma_start3A_399 = arith.constant 0 : i32
      %dma_start3A_400 = arith.constant 0 : i32
      %dma_start3A_401 = arith.constant 0 : i32
      %dma_start3A_402 = tpu.memref_slice %arg19[%dma_start3A_400, %dma_start3A_401] : memref<112x48xf32, #tpu.memory_space<vmem>> -> memref<32x48xf32, #tpu.memory_space<vmem>>
      %dma_start3A_403 = arith.constant 0 : i32
      %dma_start3A_404 = tpu.memref_slice %arg13[%dma_start3A_399, %dma_start3A_403] : memref<2x112xi32, #tpu.memory_space<vmem>> -> memref<1x32xi32, #tpu.memory_space<vmem>>
      %dma_start3A_405 = tpu.memref_squeeze %dma_start3A_404 : memref<1x32xi32, #tpu.memory_space<vmem>> -> memref<32xi32, #tpu.memory_space<vmem>>
      %dma_start3A_406 = arith.constant 0 : i32
      %dma_start3A_407 = arith.constant 0 : i32
      %dma_start3A_408 = tpu.memref_slice %arg2[%dma_start3A_406, %dma_start3A_407] : memref<50000x48xf32, #tpu.memory_space<hbm>> -> memref<50000x48xf32, #tpu.memory_space<hbm>>
      tpu.enqueue_indirect_dma source(%dma_start3A_408 : memref<50000x48xf32, #tpu.memory_space<hbm>>) target(%dma_start3A_402 : memref<32x48xf32, #tpu.memory_space<vmem>>) offsets(%dma_start3A_405 : memref<32xi32, #tpu.memory_space<vmem>>) semaphore(%arg27 : memref<!tpu.dma_semaphore, #tpu.memory_space<semaphore_mem>>)
      %dma_start3A_409 = arith.constant 0 : i32
      %dma_start3A_410 = arith.constant 32 : i32
      %dma_start3A_411 = arith.constant 0 : i32
      %dma_start3A_412 = tpu.memref_slice %arg19[%dma_start3A_410, %dma_start3A_411] : memref<112x48xf32, #tpu.memory_space<vmem>> -> memref<32x48xf32, #tpu.memory_space<vmem>>
      %dma_start3A_413 = arith.constant 32 : i32
      %dma_start3A_414 = tpu.memref_slice %arg13[%dma_start3A_409, %dma_start3A_413] : memref<2x112xi32, #tpu.memory_space<vmem>> -> memref<1x32xi32, #tpu.memory_space<vmem>>
      %dma_start3A_415 = tpu.memref_squeeze %dma_start3A_414 : memref<1x32xi32, #tpu.memory_space<vmem>> -> memref<32xi32, #tpu.memory_space<vmem>>
      %dma_start3A_416 = arith.constant 0 : i32
      %dma_start3A_417 = arith.constant 0 : i32
      %dma_start3A_418 = tpu.memref_slice %arg2[%dma_start3A_416, %dma_start3A_417] : memref<50000x48xf32, #tpu.memory_space<hbm>> -> memref<50000x48xf32, #tpu.memory_space<hbm>>
      tpu.enqueue_indirect_dma source(%dma_start3A_418 : memref<50000x48xf32, #tpu.memory_space<hbm>>) target(%dma_start3A_412 : memref<32x48xf32, #tpu.memory_space<vmem>>) offsets(%dma_start3A_415 : memref<32xi32, #tpu.memory_space<vmem>>) semaphore(%arg27 : memref<!tpu.dma_semaphore, #tpu.memory_space<semaphore_mem>>)
      %dma_start3A_419 = arith.constant 0 : i32
      %dma_start3A_420 = arith.constant 64 : i32
      %dma_start3A_421 = arith.constant 0 : i32
      %dma_start3A_422 = tpu.memref_slice %arg19[%dma_start3A_420, %dma_start3A_421] : memref<112x48xf32, #tpu.memory_space<vmem>> -> memref<32x48xf32, #tpu.memory_space<vmem>>
      %dma_start3A_423 = arith.constant 64 : i32
      %dma_start3A_424 = tpu.memref_slice %arg13[%dma_start3A_419, %dma_start3A_423] : memref<2x112xi32, #tpu.memory_space<vmem>> -> memref<1x32xi32, #tpu.memory_space<vmem>>
      %dma_start3A_425 = tpu.memref_squeeze %dma_start3A_424 : memref<1x32xi32, #tpu.memory_space<vmem>> -> memref<32xi32, #tpu.memory_space<vmem>>
      %dma_start3A_426 = arith.constant 0 : i32
      %dma_start3A_427 = arith.constant 0 : i32
      %dma_start3A_428 = tpu.memref_slice %arg2[%dma_start3A_426, %dma_start3A_427] : memref<50000x48xf32, #tpu.memory_space<hbm>> -> memref<50000x48xf32, #tpu.memory_space<hbm>>
      tpu.enqueue_indirect_dma source(%dma_start3A_428 : memref<50000x48xf32, #tpu.memory_space<hbm>>) target(%dma_start3A_422 : memref<32x48xf32, #tpu.memory_space<vmem>>) offsets(%dma_start3A_425 : memref<32xi32, #tpu.memory_space<vmem>>) semaphore(%arg27 : memref<!tpu.dma_semaphore, #tpu.memory_space<semaphore_mem>>)
      %dma_start3A_429 = arith.constant 0 : i32
      %dma_start3A_430 = arith.constant 96 : i32
      %dma_start3A_431 = arith.constant 0 : i32
      %dma_start3A_432 = tpu.memref_slice %arg19[%dma_start3A_430, %dma_start3A_431] : memref<112x48xf32, #tpu.memory_space<vmem>> -> memref<16x48xf32, #tpu.memory_space<vmem>>
      %dma_start3A_433 = arith.constant 96 : i32
      %dma_start3A_434 = tpu.memref_slice %arg13[%dma_start3A_429, %dma_start3A_433] : memref<2x112xi32, #tpu.memory_space<vmem>> -> memref<1x16xi32, #tpu.memory_space<vmem>>
      %dma_start3A_435 = tpu.memref_squeeze %dma_start3A_434 : memref<1x16xi32, #tpu.memory_space<vmem>> -> memref<16xi32, #tpu.memory_space<vmem>>
      %dma_start3A_436 = arith.constant 0 : i32
      %dma_start3A_437 = arith.constant 0 : i32
      %dma_start3A_438 = tpu.memref_slice %arg2[%dma_start3A_436, %dma_start3A_437] : memref<50000x48xf32, #tpu.memory_space<hbm>> -> memref<50000x48xf32, #tpu.memory_space<hbm>>
      tpu.enqueue_indirect_dma source(%dma_start3A_438 : memref<50000x48xf32, #tpu.memory_space<hbm>>) target(%dma_start3A_432 : memref<16x48xf32, #tpu.memory_space<vmem>>) offsets(%dma_start3A_435 : memref<16xi32, #tpu.memory_space<vmem>>) semaphore(%arg27 : memref<!tpu.dma_semaphore, #tpu.memory_space<semaphore_mem>>)
      %dma_start3A_439 = arith.constant 1 : i32
      %dma_start3A_440 = arith.constant 0 : i32
      %dma_start3A_441 = arith.constant 0 : i32
      %dma_start3A_442 = tpu.memref_slice %arg21[%dma_start3A_440, %dma_start3A_441] : memref<112x16xf32, #tpu.memory_space<vmem>> -> memref<56x16xf32, #tpu.memory_space<vmem>>
      %dma_start3A_443 = arith.constant 0 : i32
      %dma_start3A_444 = tpu.memref_slice %arg13[%dma_start3A_439, %dma_start3A_443] : memref<2x112xi32, #tpu.memory_space<vmem>> -> memref<1x56xi32, #tpu.memory_space<vmem>>
      %dma_start3A_445 = tpu.memref_squeeze %dma_start3A_444 : memref<1x56xi32, #tpu.memory_space<vmem>> -> memref<56xi32, #tpu.memory_space<vmem>>
      %dma_start3A_446 = arith.constant 0 : i32
      %dma_start3A_447 = arith.constant 0 : i32
      %dma_start3A_448 = tpu.memref_slice %arg4[%dma_start3A_446, %dma_start3A_447] : memref<50000x16xf32, #tpu.memory_space<hbm>> -> memref<50000x16xf32, #tpu.memory_space<hbm>>
      tpu.enqueue_indirect_dma source(%dma_start3A_448 : memref<50000x16xf32, #tpu.memory_space<hbm>>) target(%dma_start3A_442 : memref<56x16xf32, #tpu.memory_space<vmem>>) offsets(%dma_start3A_445 : memref<56xi32, #tpu.memory_space<vmem>>) semaphore(%arg28 : memref<!tpu.dma_semaphore, #tpu.memory_space<semaphore_mem>>)
      %dma_start3A_449 = arith.constant 1 : i32
      %dma_start3A_450 = arith.constant 56 : i32
      %dma_start3A_451 = arith.constant 0 : i32
      %dma_start3A_452 = tpu.memref_slice %arg21[%dma_start3A_450, %dma_start3A_451] : memref<112x16xf32, #tpu.memory_space<vmem>> -> memref<56x16xf32, #tpu.memory_space<vmem>>
      %dma_start3A_453 = arith.constant 56 : i32
      %dma_start3A_454 = tpu.memref_slice %arg13[%dma_start3A_449, %dma_start3A_453] : memref<2x112xi32, #tpu.memory_space<vmem>> -> memref<1x56xi32, #tpu.memory_space<vmem>>
      %dma_start3A_455 = tpu.memref_squeeze %dma_start3A_454 : memref<1x56xi32, #tpu.memory_space<vmem>> -> memref<56xi32, #tpu.memory_space<vmem>>
      %dma_start3A_456 = arith.constant 0 : i32
      %dma_start3A_457 = arith.constant 0 : i32
      %dma_start3A_458 = tpu.memref_slice %arg4[%dma_start3A_456, %dma_start3A_457] : memref<50000x16xf32, #tpu.memory_space<hbm>> -> memref<50000x16xf32, #tpu.memory_space<hbm>>
      tpu.enqueue_indirect_dma source(%dma_start3A_458 : memref<50000x16xf32, #tpu.memory_space<hbm>>) target(%dma_start3A_452 : memref<56x16xf32, #tpu.memory_space<vmem>>) offsets(%dma_start3A_455 : memref<56xi32, #tpu.memory_space<vmem>>) semaphore(%arg28 : memref<!tpu.dma_semaphore, #tpu.memory_space<semaphore_mem>>)
    } else {
    }
    %eq3A_232 = arith.constant 1 : i32
    %eq3A_233 = arith.cmpi eq, %arg0, %eq3A_232 : i32
    %convert_element_type3A_234 = arith.extui %eq3A_233 : i1 to i32
    %cond3A_235 = arith.constant 0 : i32
    %cond3A_236 = arith.cmpi ne, %convert_element_type3A_234, %cond3A_235 : i32
    scf.if %cond3A_236 {
      %dma_start3A_399 = arith.constant 0 : i32
      %dma_start3A_400 = arith.constant 0 : i32
      %dma_start3A_401 = arith.constant 0 : i32
      %dma_start3A_402 = tpu.memref_slice %arg19[%dma_start3A_400, %dma_start3A_401] : memref<112x48xf32, #tpu.memory_space<vmem>> -> memref<32x48xf32, #tpu.memory_space<vmem>>
      %dma_start3A_403 = arith.constant 0 : i32
      %dma_start3A_404 = tpu.memref_slice %arg13[%dma_start3A_399, %dma_start3A_403] : memref<2x112xi32, #tpu.memory_space<vmem>> -> memref<1x32xi32, #tpu.memory_space<vmem>>
      %dma_start3A_405 = tpu.memref_squeeze %dma_start3A_404 : memref<1x32xi32, #tpu.memory_space<vmem>> -> memref<32xi32, #tpu.memory_space<vmem>>
      %dma_start3A_406 = arith.constant 0 : i32
      %dma_start3A_407 = arith.constant 0 : i32
      %dma_start3A_408 = tpu.memref_slice %arg3[%dma_start3A_406, %dma_start3A_407] : memref<50000x48xf32, #tpu.memory_space<hbm>> -> memref<50000x48xf32, #tpu.memory_space<hbm>>
      tpu.enqueue_indirect_dma source(%dma_start3A_408 : memref<50000x48xf32, #tpu.memory_space<hbm>>) target(%dma_start3A_402 : memref<32x48xf32, #tpu.memory_space<vmem>>) offsets(%dma_start3A_405 : memref<32xi32, #tpu.memory_space<vmem>>) semaphore(%arg27 : memref<!tpu.dma_semaphore, #tpu.memory_space<semaphore_mem>>)
      %dma_start3A_409 = arith.constant 0 : i32
      %dma_start3A_410 = arith.constant 32 : i32
      %dma_start3A_411 = arith.constant 0 : i32
      %dma_start3A_412 = tpu.memref_slice %arg19[%dma_start3A_410, %dma_start3A_411] : memref<112x48xf32, #tpu.memory_space<vmem>> -> memref<32x48xf32, #tpu.memory_space<vmem>>
      %dma_start3A_413 = arith.constant 32 : i32
      %dma_start3A_414 = tpu.memref_slice %arg13[%dma_start3A_409, %dma_start3A_413] : memref<2x112xi32, #tpu.memory_space<vmem>> -> memref<1x32xi32, #tpu.memory_space<vmem>>
      %dma_start3A_415 = tpu.memref_squeeze %dma_start3A_414 : memref<1x32xi32, #tpu.memory_space<vmem>> -> memref<32xi32, #tpu.memory_space<vmem>>
      %dma_start3A_416 = arith.constant 0 : i32
      %dma_start3A_417 = arith.constant 0 : i32
      %dma_start3A_418 = tpu.memref_slice %arg3[%dma_start3A_416, %dma_start3A_417] : memref<50000x48xf32, #tpu.memory_space<hbm>> -> memref<50000x48xf32, #tpu.memory_space<hbm>>
      tpu.enqueue_indirect_dma source(%dma_start3A_418 : memref<50000x48xf32, #tpu.memory_space<hbm>>) target(%dma_start3A_412 : memref<32x48xf32, #tpu.memory_space<vmem>>) offsets(%dma_start3A_415 : memref<32xi32, #tpu.memory_space<vmem>>) semaphore(%arg27 : memref<!tpu.dma_semaphore, #tpu.memory_space<semaphore_mem>>)
      %dma_start3A_419 = arith.constant 0 : i32
      %dma_start3A_420 = arith.constant 64 : i32
      %dma_start3A_421 = arith.constant 0 : i32
      %dma_start3A_422 = tpu.memref_slice %arg19[%dma_start3A_420, %dma_start3A_421] : memref<112x48xf32, #tpu.memory_space<vmem>> -> memref<32x48xf32, #tpu.memory_space<vmem>>
      %dma_start3A_423 = arith.constant 64 : i32
      %dma_start3A_424 = tpu.memref_slice %arg13[%dma_start3A_419, %dma_start3A_423] : memref<2x112xi32, #tpu.memory_space<vmem>> -> memref<1x32xi32, #tpu.memory_space<vmem>>
      %dma_start3A_425 = tpu.memref_squeeze %dma_start3A_424 : memref<1x32xi32, #tpu.memory_space<vmem>> -> memref<32xi32, #tpu.memory_space<vmem>>
      %dma_start3A_426 = arith.constant 0 : i32
      %dma_start3A_427 = arith.constant 0 : i32
      %dma_start3A_428 = tpu.memref_slice %arg3[%dma_start3A_426, %dma_start3A_427] : memref<50000x48xf32, #tpu.memory_space<hbm>> -> memref<50000x48xf32, #tpu.memory_space<hbm>>
      tpu.enqueue_indirect_dma source(%dma_start3A_428 : memref<50000x48xf32, #tpu.memory_space<hbm>>) target(%dma_start3A_422 : memref<32x48xf32, #tpu.memory_space<vmem>>) offsets(%dma_start3A_425 : memref<32xi32, #tpu.memory_space<vmem>>) semaphore(%arg27 : memref<!tpu.dma_semaphore, #tpu.memory_space<semaphore_mem>>)
      %dma_start3A_429 = arith.constant 0 : i32
      %dma_start3A_430 = arith.constant 96 : i32
      %dma_start3A_431 = arith.constant 0 : i32
      %dma_start3A_432 = tpu.memref_slice %arg19[%dma_start3A_430, %dma_start3A_431] : memref<112x48xf32, #tpu.memory_space<vmem>> -> memref<16x48xf32, #tpu.memory_space<vmem>>
      %dma_start3A_433 = arith.constant 96 : i32
      %dma_start3A_434 = tpu.memref_slice %arg13[%dma_start3A_429, %dma_start3A_433] : memref<2x112xi32, #tpu.memory_space<vmem>> -> memref<1x16xi32, #tpu.memory_space<vmem>>
      %dma_start3A_435 = tpu.memref_squeeze %dma_start3A_434 : memref<1x16xi32, #tpu.memory_space<vmem>> -> memref<16xi32, #tpu.memory_space<vmem>>
      %dma_start3A_436 = arith.constant 0 : i32
      %dma_start3A_437 = arith.constant 0 : i32
      %dma_start3A_438 = tpu.memref_slice %arg3[%dma_start3A_436, %dma_start3A_437] : memref<50000x48xf32, #tpu.memory_space<hbm>> -> memref<50000x48xf32, #tpu.memory_space<hbm>>
      tpu.enqueue_indirect_dma source(%dma_start3A_438 : memref<50000x48xf32, #tpu.memory_space<hbm>>) target(%dma_start3A_432 : memref<16x48xf32, #tpu.memory_space<vmem>>) offsets(%dma_start3A_435 : memref<16xi32, #tpu.memory_space<vmem>>) semaphore(%arg27 : memref<!tpu.dma_semaphore, #tpu.memory_space<semaphore_mem>>)
      %dma_start3A_439 = arith.constant 1 : i32
      %dma_start3A_440 = arith.constant 0 : i32
      %dma_start3A_441 = arith.constant 0 : i32
      %dma_start3A_442 = tpu.memref_slice %arg21[%dma_start3A_440, %dma_start3A_441] : memref<112x16xf32, #tpu.memory_space<vmem>> -> memref<56x16xf32, #tpu.memory_space<vmem>>
      %dma_start3A_443 = arith.constant 0 : i32
      %dma_start3A_444 = tpu.memref_slice %arg13[%dma_start3A_439, %dma_start3A_443] : memref<2x112xi32, #tpu.memory_space<vmem>> -> memref<1x56xi32, #tpu.memory_space<vmem>>
      %dma_start3A_445 = tpu.memref_squeeze %dma_start3A_444 : memref<1x56xi32, #tpu.memory_space<vmem>> -> memref<56xi32, #tpu.memory_space<vmem>>
      %dma_start3A_446 = arith.constant 0 : i32
      %dma_start3A_447 = arith.constant 0 : i32
      %dma_start3A_448 = tpu.memref_slice %arg5[%dma_start3A_446, %dma_start3A_447] : memref<50000x16xf32, #tpu.memory_space<hbm>> -> memref<50000x16xf32, #tpu.memory_space<hbm>>
      tpu.enqueue_indirect_dma source(%dma_start3A_448 : memref<50000x16xf32, #tpu.memory_space<hbm>>) target(%dma_start3A_442 : memref<56x16xf32, #tpu.memory_space<vmem>>) offsets(%dma_start3A_445 : memref<56xi32, #tpu.memory_space<vmem>>) semaphore(%arg28 : memref<!tpu.dma_semaphore, #tpu.memory_space<semaphore_mem>>)
      %dma_start3A_449 = arith.constant 1 : i32
      %dma_start3A_450 = arith.constant 56 : i32
      %dma_start3A_451 = arith.constant 0 : i32
      %dma_start3A_452 = tpu.memref_slice %arg21[%dma_start3A_450, %dma_start3A_451] : memref<112x16xf32, #tpu.memory_space<vmem>> -> memref<56x16xf32, #tpu.memory_space<vmem>>
      %dma_start3A_453 = arith.constant 56 : i32
      %dma_start3A_454 = tpu.memref_slice %arg13[%dma_start3A_449, %dma_start3A_453] : memref<2x112xi32, #tpu.memory_space<vmem>> -> memref<1x56xi32, #tpu.memory_space<vmem>>
      %dma_start3A_455 = tpu.memref_squeeze %dma_start3A_454 : memref<1x56xi32, #tpu.memory_space<vmem>> -> memref<56xi32, #tpu.memory_space<vmem>>
      %dma_start3A_456 = arith.constant 0 : i32
      %dma_start3A_457 = arith.constant 0 : i32
      %dma_start3A_458 = tpu.memref_slice %arg5[%dma_start3A_456, %dma_start3A_457] : memref<50000x16xf32, #tpu.memory_space<hbm>> -> memref<50000x16xf32, #tpu.memory_space<hbm>>
      tpu.enqueue_indirect_dma source(%dma_start3A_458 : memref<50000x16xf32, #tpu.memory_space<hbm>>) target(%dma_start3A_452 : memref<56x16xf32, #tpu.memory_space<vmem>>) offsets(%dma_start3A_455 : memref<56xi32, #tpu.memory_space<vmem>>) semaphore(%arg28 : memref<!tpu.dma_semaphore, #tpu.memory_space<semaphore_mem>>)
    } else {
    }
    %scan3A_237 = arith.constant 0 : i32
    %scan3A_238 = arith.constant 0 : i32
    %scan3A_239 = arith.constant 7 : i32
    %scan3A_240 = arith.addi %scan3A_238, %scan3A_239 : i32
    %scan3A_241 = arith.constant 1 : i32
    %scan3A_242 = scf.for %scan3A_399 = %scan3A_238 to %scan3A_240 step %scan3A_241 iter_args(%scan3A_400 = %scan3A_237) -> (i32)  : i32 {
      %mul3A_401 = arith.constant 16 : i32
      %mul3A_402 = arith.muli %scan3A_399, %mul3A_401 : i32
      %get3A = arith.constant 1 : i32
      %get3A_403 = arith.index_cast %get3A : i32 to index
      %get3A_404 = arith.index_cast %mul3A_402 : i32 to index
      %get3A_405 = tpu.vector_load %arg14[%get3A_403, %get3A_404] {strides = array<i32>} : memref<2x112xi32, #tpu.memory_space<vmem>>, vector<16xi32>,
      %mul3A_406 = arith.constant 16 : i32
      %mul3A_407 = arith.muli %scan3A_399, %mul3A_406 : i32
      %swap3A = arith.index_cast %mul3A_407 : i32 to index
      %swap3A_408 = tpu.vector_load %arg16[%swap3A] {strides = array<i32>} : memref<112xi32, #tpu.memory_space<vmem>>, vector<16xi32>,
      tpu.vector_store %arg16[%swap3A], %get3A_405 {strides = array<i32>} : memref<112xi32, #tpu.memory_space<vmem>>, vector<16xi32>,
      %shift_right_logical3A = arith.constant 3 : i32
      %shift_right_logical3A_409 = vector.broadcast %shift_right_logical3A : i32 to vector<16xi32>
      %shift_right_logical3A_410 = arith.shrui %get3A_405, %shift_right_logical3A_409 : vector<16xi32>
      %mul3A_411 = arith.constant 16 : i32
      %mul3A_412 = arith.muli %scan3A_399, %mul3A_411 : i32
      %swap3A_413 = arith.index_cast %mul3A_412 : i32 to index
      %swap3A_414 = tpu.vector_load %arg18[%swap3A_413] {strides = array<i32>} : memref<112xi32, #tpu.memory_space<vmem>>, vector<16xi32>,
      tpu.vector_store %arg18[%swap3A_413], %shift_right_logical3A_410 {strides = array<i32>} : memref<112xi32, #tpu.memory_space<vmem>>, vector<16xi32>,
      %scan3A_415 = arith.constant 0 : i32
      scf.yield %scan3A_415 : i32
    }
    %scan3A_243 = arith.constant 7 : i32
    %mul3A_244 = arith.constant 50064 : i32
    %mul3A_245 = arith.muli %arg1, %mul3A_244 : i32
    %add3A_246 = arith.constant 336 : i32
    %add3A_247 = arith.addi %mul3A_245, %add3A_246 : i32
    %dma_start3A_248 = arith.constant 0 : i32
    %dma_start3A_249 = tpu.memref_slice %arg6[%dma_start3A_248, %add3A_247] : memref<2x801024xi32, #tpu.memory_space<hbm>> -> memref<2x112xi32, #tpu.memory_space<hbm>>
    %dma_start3A_250 = arith.constant 0 : i32
    %dma_start3A_251 = tpu.memref_slice %arg6[%dma_start3A_250, %add3A_247] : memref<2x801024xi32, #tpu.memory_space<hbm>> -> memref<2x112xi32, #tpu.memory_space<hbm>>
    tpu.enqueue_dma source(%dma_start3A_251 : memref<2x112xi32, #tpu.memory_space<hbm>>) target(%arg14 : memref<2x112xi32, #tpu.memory_space<vmem>>) target_semaphore(%arg26 : memref<!tpu.dma_semaphore, #tpu.memory_space<semaphore_mem>>)
    %dma_wait3A_252 = arith.constant 0 : i32
    %dma_wait3A_253 = arith.constant 0 : i32
    %dma_wait3A_254 = tpu.memref_slice %arg11[%dma_wait3A_252, %dma_wait3A_253] : memref<50008x32xf32, #tpu.memory_space<vmem_shared>> -> memref<50008x32xf32, #tpu.memory_space<vmem_shared>>
    tpu.wait_indirect_dma semaphore(%arg29 : memref<!tpu.dma_semaphore, #tpu.memory_space<semaphore_mem>>) src(%arg23 : memref<112x32xf32, #tpu.memory_space<vmem>>) dst(%dma_wait3A_254 : memref<50008x32xf32, #tpu.memory_space<vmem_shared>>)
    %dma_wait3A_255 = arith.constant 0 : i32
    %dma_wait3A_256 = arith.constant 0 : i32
    %dma_wait3A_257 = tpu.memref_slice %arg12[%dma_wait3A_255, %dma_wait3A_256] : memref<6256x16xf32, #tpu.memory_space<vmem_shared>> -> memref<6256x16xf32, #tpu.memory_space<vmem_shared>>
    tpu.wait_indirect_dma semaphore(%arg29 : memref<!tpu.dma_semaphore, #tpu.memory_space<semaphore_mem>>) src(%arg24 : memref<112x16xf32, #tpu.memory_space<vmem>>) dst(%dma_wait3A_257 : memref<6256x16xf32, #tpu.memory_space<vmem_shared>>)
    %scan3A_258 = arith.constant 0 : i32
    %scan3A_259 = arith.constant 0 : i32
    %scan3A_260 = arith.constant 112 : i32
    %scan3A_261 = arith.addi %scan3A_259, %scan3A_260 : i32
    %scan3A_262 = arith.constant 1 : i32
    %scan3A_263 = scf.for %scan3A_399 = %scan3A_259 to %scan3A_261 step %scan3A_262 iter_args(%scan3A_400 = %scan3A_258) -> (i32)  : i32 {
      %swap3A = arith.index_cast %scan3A_399 : i32 to index
      %swap3A_401 = arith.constant 0 : index
      %swap3A_402 = tpu.vector_load %arg24[%swap3A, %swap3A_401] {strides = array<i32>} : memref<112x16xf32, #tpu.memory_space<vmem>>, vector<16xf32>,
      tpu.vector_store %arg24[%swap3A, %swap3A_401], %broadcast_in_dim3A_0 {strides = array<i32>} : memref<112x16xf32, #tpu.memory_space<vmem>>, vector<16xf32>,
      %scan3A_403 = arith.constant 0 : i32
      scf.yield %scan3A_403 : i32
    }
    %scan3A_264 = arith.constant 112 : i32
    %scan3A_265 = arith.constant 0 : i32
    %scan3A_266 = arith.constant 0 : i32
    %scan3A_267 = arith.constant 7 : i32
    %scan3A_268 = arith.addi %scan3A_266, %scan3A_267 : i32
    %scan3A_269 = arith.constant 1 : i32
    %scan3A_270 = scf.for %scan3A_399 = %scan3A_266 to %scan3A_268 step %scan3A_269 iter_args(%scan3A_400 = %scan3A_265) -> (i32)  : i32 {
      %mul3A_401 = arith.constant 16 : i32
      %mul3A_402 = arith.muli %scan3A_399, %mul3A_401 : i32
      %add3A_403 = vector.broadcast %mul3A_402 : i32 to vector<16xi32>
      %add3A_404 = arith.addi %add3A_403, %iota3A : vector<16xi32>
      %mul3A_405 = arith.constant 16 : i32
      %mul3A_406 = arith.muli %scan3A_399, %mul3A_405 : i32
      %get3A = arith.index_cast %mul3A_406 : i32 to index
      %get3A_407 = tpu.vector_load %arg16[%get3A] {strides = array<i32>} : memref<112xi32, #tpu.memory_space<vmem>>, vector<16xi32>,
      %broadcast_in_dim3A_408 = arith.constant 7 : i32
      %broadcast_in_dim3A_409 = vector.broadcast %broadcast_in_dim3A_408 : i32 to vector<16xi32>
      %and3A = arith.andi %get3A_407, %broadcast_in_dim3A_409 : vector<16xi32>
      %shift_left3A = arith.constant 1 : i32
      %shift_left3A_410 = vector.broadcast %shift_left3A : i32 to vector<16xi32>
      %shift_left3A_411 = arith.shli %and3A, %shift_left3A_410 : vector<16xi32>
      %broadcast_in_dim3A_412 = arith.constant 32 : i32
      %broadcast_in_dim3A_413 = vector.broadcast %broadcast_in_dim3A_412 : i32 to vector<16xi32>
      %gather3A = tpu.vector_load_idx %arg20[%add3A_404, %broadcast_in_dim3A_413] : memref<112x48xf32, #tpu.memory_space<vmem>>[vector<16xi32>, vector<16xi32>], vector<16xf32>,
      %broadcast_in_dim3A_414 = arith.constant 0 : i32
      %broadcast_in_dim3A_415 = vector.broadcast %broadcast_in_dim3A_414 : i32 to vector<16xi32>
      %gather3A_416 = tpu.vector_load_idx %arg22[%add3A_404, %broadcast_in_dim3A_415] : memref<112x16xf32, #tpu.memory_space<vmem>>[vector<16xi32>, vector<16xi32>], vector<16xf32>,
      %add3A_417 = arith.addf %gather3A, %gather3A_416 : vector<16xf32>
      %gt3A = arith.constant 0.000000e+00 : f32
      %gt3A_418 = vector.broadcast %gt3A : f32 to vector<16xf32>
      %gt3A_419 = arith.cmpf ogt, %add3A_417, %gt3A_418 : vector<16xf32>
      %mul3A_420 = arith.constant 2.000000e-01 : f32
      %mul3A_421 = vector.broadcast %mul3A_420 : f32 to vector<16xf32>
      %mul3A_422 = arith.mulf %mul3A_421, %add3A_417 : vector<16xf32>
      %select_n3A = arith.select %gt3A_419, %add3A_417, %mul3A_422 : vector<16xi1>, vector<16xf32>
      %exp3A = math.exp %select_n3A : vector<16xf32>
      %broadcast_in_dim3A_423 = arith.constant 33 : i32
      %broadcast_in_dim3A_424 = vector.broadcast %broadcast_in_dim3A_423 : i32 to vector<16xi32>
      %gather3A_425 = tpu.vector_load_idx %arg20[%add3A_404, %broadcast_in_dim3A_424] : memref<112x48xf32, #tpu.memory_space<vmem>>[vector<16xi32>, vector<16xi32>], vector<16xf32>,
      %broadcast_in_dim3A_426 = arith.constant 1 : i32
      %broadcast_in_dim3A_427 = vector.broadcast %broadcast_in_dim3A_426 : i32 to vector<16xi32>
      %gather3A_428 = tpu.vector_load_idx %arg22[%add3A_404, %broadcast_in_dim3A_427] : memref<112x16xf32, #tpu.memory_space<vmem>>[vector<16xi32>, vector<16xi32>], vector<16xf32>,
      %add3A_429 = arith.addf %gather3A_425, %gather3A_428 : vector<16xf32>
      %gt3A_430 = arith.constant 0.000000e+00 : f32
      %gt3A_431 = vector.broadcast %gt3A_430 : f32 to vector<16xf32>
      %gt3A_432 = arith.cmpf ogt, %add3A_429, %gt3A_431 : vector<16xf32>
      %mul3A_433 = arith.constant 2.000000e-01 : f32
      %mul3A_434 = vector.broadcast %mul3A_433 : f32 to vector<16xf32>
      %mul3A_435 = arith.mulf %mul3A_434, %add3A_429 : vector<16xf32>
      %select_n3A_436 = arith.select %gt3A_432, %add3A_429, %mul3A_435 : vector<16xi1>, vector<16xf32>
      %exp3A_437 = math.exp %select_n3A_436 : vector<16xf32>
      %add3A_438 = arith.constant 0 : i32
      %add3A_439 = vector.broadcast %add3A_438 : i32 to vector<16xi32>
      %add3A_440 = arith.addi %shift_left3A_411, %add3A_439 : vector<16xi32>
      tpu.vector_store_idx %arg24[%add3A_404, %add3A_440], %exp3A : memref<112x16xf32, #tpu.memory_space<vmem>>[vector<16xi32>, vector<16xi32>], vector<16xf32>,
      %add3A_441 = arith.constant 1 : i32
      %add3A_442 = vector.broadcast %add3A_441 : i32 to vector<16xi32>
      %add3A_443 = arith.addi %shift_left3A_411, %add3A_442 : vector<16xi32>
      tpu.vector_store_idx %arg24[%add3A_404, %add3A_443], %exp3A_437 : memref<112x16xf32, #tpu.memory_space<vmem>>[vector<16xi32>, vector<16xi32>], vector<16xf32>,
      %broadcast_in_dim3A_444 = arith.constant 0 : i32
      %broadcast_in_dim3A_445 = vector.broadcast %broadcast_in_dim3A_444 : i32 to vector<16xi32>
      %gather3A_446 = tpu.vector_load_idx %arg20[%add3A_404, %broadcast_in_dim3A_445] : memref<112x48xf32, #tpu.memory_space<vmem>>[vector<16xi32>, vector<16xi32>], vector<16xf32>,
      %broadcast_in_dim3A_447 = arith.constant 1 : i32
      %broadcast_in_dim3A_448 = vector.broadcast %broadcast_in_dim3A_447 : i32 to vector<16xi32>
      %gather3A_449 = tpu.vector_load_idx %arg20[%add3A_404, %broadcast_in_dim3A_448] : memref<112x48xf32, #tpu.memory_space<vmem>>[vector<16xi32>, vector<16xi32>], vector<16xf32>,
      %broadcast_in_dim3A_450 = arith.constant 2 : i32
      %broadcast_in_dim3A_451 = vector.broadcast %broadcast_in_dim3A_450 : i32 to vector<16xi32>
      %gather3A_452 = tpu.vector_load_idx %arg20[%add3A_404, %broadcast_in_dim3A_451] : memref<112x48xf32, #tpu.memory_space<vmem>>[vector<16xi32>, vector<16xi32>], vector<16xf32>,
      %broadcast_in_dim3A_453 = arith.constant 3 : i32
      %broadcast_in_dim3A_454 = vector.broadcast %broadcast_in_dim3A_453 : i32 to vector<16xi32>
      %gather3A_455 = tpu.vector_load_idx %arg20[%add3A_404, %broadcast_in_dim3A_454] : memref<112x48xf32, #tpu.memory_space<vmem>>[vector<16xi32>, vector<16xi32>], vector<16xf32>,
      %broadcast_in_dim3A_456 = arith.constant 4 : i32
      %broadcast_in_dim3A_457 = vector.broadcast %broadcast_in_dim3A_456 : i32 to vector<16xi32>
      %gather3A_458 = tpu.vector_load_idx %arg20[%add3A_404, %broadcast_in_dim3A_457] : memref<112x48xf32, #tpu.memory_space<vmem>>[vector<16xi32>, vector<16xi32>], vector<16xf32>,
      %broadcast_in_dim3A_459 = arith.constant 5 : i32
      %broadcast_in_dim3A_460 = vector.broadcast %broadcast_in_dim3A_459 : i32 to vector<16xi32>
      %gather3A_461 = tpu.vector_load_idx %arg20[%add3A_404, %broadcast_in_dim3A_460] : memref<112x48xf32, #tpu.memory_space<vmem>>[vector<16xi32>, vector<16xi32>], vector<16xf32>,
      %broadcast_in_dim3A_462 = arith.constant 6 : i32
      %broadcast_in_dim3A_463 = vector.broadcast %broadcast_in_dim3A_462 : i32 to vector<16xi32>
      %gather3A_464 = tpu.vector_load_idx %arg20[%add3A_404, %broadcast_in_dim3A_463] : memref<112x48xf32, #tpu.memory_space<vmem>>[vector<16xi32>, vector<16xi32>], vector<16xf32>,
      %broadcast_in_dim3A_465 = arith.constant 7 : i32
      %broadcast_in_dim3A_466 = vector.broadcast %broadcast_in_dim3A_465 : i32 to vector<16xi32>
      %gather3A_467 = tpu.vector_load_idx %arg20[%add3A_404, %broadcast_in_dim3A_466] : memref<112x48xf32, #tpu.memory_space<vmem>>[vector<16xi32>, vector<16xi32>], vector<16xf32>,
      %broadcast_in_dim3A_468 = arith.constant 8 : i32
      %broadcast_in_dim3A_469 = vector.broadcast %broadcast_in_dim3A_468 : i32 to vector<16xi32>
      %gather3A_470 = tpu.vector_load_idx %arg20[%add3A_404, %broadcast_in_dim3A_469] : memref<112x48xf32, #tpu.memory_space<vmem>>[vector<16xi32>, vector<16xi32>], vector<16xf32>,
      %broadcast_in_dim3A_471 = arith.constant 9 : i32
      %broadcast_in_dim3A_472 = vector.broadcast %broadcast_in_dim3A_471 : i32 to vector<16xi32>
      %gather3A_473 = tpu.vector_load_idx %arg20[%add3A_404, %broadcast_in_dim3A_472] : memref<112x48xf32, #tpu.memory_space<vmem>>[vector<16xi32>, vector<16xi32>], vector<16xf32>,
      %broadcast_in_dim3A_474 = arith.constant 10 : i32
      %broadcast_in_dim3A_475 = vector.broadcast %broadcast_in_dim3A_474 : i32 to vector<16xi32>
      %gather3A_476 = tpu.vector_load_idx %arg20[%add3A_404, %broadcast_in_dim3A_475] : memref<112x48xf32, #tpu.memory_space<vmem>>[vector<16xi32>, vector<16xi32>], vector<16xf32>,
      %broadcast_in_dim3A_477 = arith.constant 11 : i32
      %broadcast_in_dim3A_478 = vector.broadcast %broadcast_in_dim3A_477 : i32 to vector<16xi32>
      %gather3A_479 = tpu.vector_load_idx %arg20[%add3A_404, %broadcast_in_dim3A_478] : memref<112x48xf32, #tpu.memory_space<vmem>>[vector<16xi32>, vector<16xi32>], vector<16xf32>,
      %broadcast_in_dim3A_480 = arith.constant 12 : i32
      %broadcast_in_dim3A_481 = vector.broadcast %broadcast_in_dim3A_480 : i32 to vector<16xi32>
      %gather3A_482 = tpu.vector_load_idx %arg20[%add3A_404, %broadcast_in_dim3A_481] : memref<112x48xf32, #tpu.memory_space<vmem>>[vector<16xi32>, vector<16xi32>], vector<16xf32>,
      %broadcast_in_dim3A_483 = arith.constant 13 : i32
      %broadcast_in_dim3A_484 = vector.broadcast %broadcast_in_dim3A_483 : i32 to vector<16xi32>
      %gather3A_485 = tpu.vector_load_idx %arg20[%add3A_404, %broadcast_in_dim3A_484] : memref<112x48xf32, #tpu.memory_space<vmem>>[vector<16xi32>, vector<16xi32>], vector<16xf32>,
      %broadcast_in_dim3A_486 = arith.constant 14 : i32
      %broadcast_in_dim3A_487 = vector.broadcast %broadcast_in_dim3A_486 : i32 to vector<16xi32>
      %gather3A_488 = tpu.vector_load_idx %arg20[%add3A_404, %broadcast_in_dim3A_487] : memref<112x48xf32, #tpu.memory_space<vmem>>[vector<16xi32>, vector<16xi32>], vector<16xf32>,
      %broadcast_in_dim3A_489 = arith.constant 15 : i32
      %broadcast_in_dim3A_490 = vector.broadcast %broadcast_in_dim3A_489 : i32 to vector<16xi32>
      %gather3A_491 = tpu.vector_load_idx %arg20[%add3A_404, %broadcast_in_dim3A_490] : memref<112x48xf32, #tpu.memory_space<vmem>>[vector<16xi32>, vector<16xi32>], vector<16xf32>,
      %broadcast_in_dim3A_492 = arith.constant 16 : i32
      %broadcast_in_dim3A_493 = vector.broadcast %broadcast_in_dim3A_492 : i32 to vector<16xi32>
      %gather3A_494 = tpu.vector_load_idx %arg20[%add3A_404, %broadcast_in_dim3A_493] : memref<112x48xf32, #tpu.memory_space<vmem>>[vector<16xi32>, vector<16xi32>], vector<16xf32>,
      %broadcast_in_dim3A_495 = arith.constant 17 : i32
      %broadcast_in_dim3A_496 = vector.broadcast %broadcast_in_dim3A_495 : i32 to vector<16xi32>
      %gather3A_497 = tpu.vector_load_idx %arg20[%add3A_404, %broadcast_in_dim3A_496] : memref<112x48xf32, #tpu.memory_space<vmem>>[vector<16xi32>, vector<16xi32>], vector<16xf32>,
      %broadcast_in_dim3A_498 = arith.constant 18 : i32
      %broadcast_in_dim3A_499 = vector.broadcast %broadcast_in_dim3A_498 : i32 to vector<16xi32>
      %gather3A_500 = tpu.vector_load_idx %arg20[%add3A_404, %broadcast_in_dim3A_499] : memref<112x48xf32, #tpu.memory_space<vmem>>[vector<16xi32>, vector<16xi32>], vector<16xf32>,
      %broadcast_in_dim3A_501 = arith.constant 19 : i32
      %broadcast_in_dim3A_502 = vector.broadcast %broadcast_in_dim3A_501 : i32 to vector<16xi32>
      %gather3A_503 = tpu.vector_load_idx %arg20[%add3A_404, %broadcast_in_dim3A_502] : memref<112x48xf32, #tpu.memory_space<vmem>>[vector<16xi32>, vector<16xi32>], vector<16xf32>,
      %broadcast_in_dim3A_504 = arith.constant 20 : i32
      %broadcast_in_dim3A_505 = vector.broadcast %broadcast_in_dim3A_504 : i32 to vector<16xi32>
      %gather3A_506 = tpu.vector_load_idx %arg20[%add3A_404, %broadcast_in_dim3A_505] : memref<112x48xf32, #tpu.memory_space<vmem>>[vector<16xi32>, vector<16xi32>], vector<16xf32>,
      %broadcast_in_dim3A_507 = arith.constant 21 : i32
      %broadcast_in_dim3A_508 = vector.broadcast %broadcast_in_dim3A_507 : i32 to vector<16xi32>
      %gather3A_509 = tpu.vector_load_idx %arg20[%add3A_404, %broadcast_in_dim3A_508] : memref<112x48xf32, #tpu.memory_space<vmem>>[vector<16xi32>, vector<16xi32>], vector<16xf32>,
      %broadcast_in_dim3A_510 = arith.constant 22 : i32
      %broadcast_in_dim3A_511 = vector.broadcast %broadcast_in_dim3A_510 : i32 to vector<16xi32>
      %gather3A_512 = tpu.vector_load_idx %arg20[%add3A_404, %broadcast_in_dim3A_511] : memref<112x48xf32, #tpu.memory_space<vmem>>[vector<16xi32>, vector<16xi32>], vector<16xf32>,
      %broadcast_in_dim3A_513 = arith.constant 23 : i32
      %broadcast_in_dim3A_514 = vector.broadcast %broadcast_in_dim3A_513 : i32 to vector<16xi32>
      %gather3A_515 = tpu.vector_load_idx %arg20[%add3A_404, %broadcast_in_dim3A_514] : memref<112x48xf32, #tpu.memory_space<vmem>>[vector<16xi32>, vector<16xi32>], vector<16xf32>,
      %broadcast_in_dim3A_516 = arith.constant 24 : i32
      %broadcast_in_dim3A_517 = vector.broadcast %broadcast_in_dim3A_516 : i32 to vector<16xi32>
      %gather3A_518 = tpu.vector_load_idx %arg20[%add3A_404, %broadcast_in_dim3A_517] : memref<112x48xf32, #tpu.memory_space<vmem>>[vector<16xi32>, vector<16xi32>], vector<16xf32>,
      %broadcast_in_dim3A_519 = arith.constant 25 : i32
      %broadcast_in_dim3A_520 = vector.broadcast %broadcast_in_dim3A_519 : i32 to vector<16xi32>
      %gather3A_521 = tpu.vector_load_idx %arg20[%add3A_404, %broadcast_in_dim3A_520] : memref<112x48xf32, #tpu.memory_space<vmem>>[vector<16xi32>, vector<16xi32>], vector<16xf32>,
      %broadcast_in_dim3A_522 = arith.constant 26 : i32
      %broadcast_in_dim3A_523 = vector.broadcast %broadcast_in_dim3A_522 : i32 to vector<16xi32>
      %gather3A_524 = tpu.vector_load_idx %arg20[%add3A_404, %broadcast_in_dim3A_523] : memref<112x48xf32, #tpu.memory_space<vmem>>[vector<16xi32>, vector<16xi32>], vector<16xf32>,
      %broadcast_in_dim3A_525 = arith.constant 27 : i32
      %broadcast_in_dim3A_526 = vector.broadcast %broadcast_in_dim3A_525 : i32 to vector<16xi32>
      %gather3A_527 = tpu.vector_load_idx %arg20[%add3A_404, %broadcast_in_dim3A_526] : memref<112x48xf32, #tpu.memory_space<vmem>>[vector<16xi32>, vector<16xi32>], vector<16xf32>,
      %broadcast_in_dim3A_528 = arith.constant 28 : i32
      %broadcast_in_dim3A_529 = vector.broadcast %broadcast_in_dim3A_528 : i32 to vector<16xi32>
      %gather3A_530 = tpu.vector_load_idx %arg20[%add3A_404, %broadcast_in_dim3A_529] : memref<112x48xf32, #tpu.memory_space<vmem>>[vector<16xi32>, vector<16xi32>], vector<16xf32>,
      %broadcast_in_dim3A_531 = arith.constant 29 : i32
      %broadcast_in_dim3A_532 = vector.broadcast %broadcast_in_dim3A_531 : i32 to vector<16xi32>
      %gather3A_533 = tpu.vector_load_idx %arg20[%add3A_404, %broadcast_in_dim3A_532] : memref<112x48xf32, #tpu.memory_space<vmem>>[vector<16xi32>, vector<16xi32>], vector<16xf32>,
      %broadcast_in_dim3A_534 = arith.constant 30 : i32
      %broadcast_in_dim3A_535 = vector.broadcast %broadcast_in_dim3A_534 : i32 to vector<16xi32>
      %gather3A_536 = tpu.vector_load_idx %arg20[%add3A_404, %broadcast_in_dim3A_535] : memref<112x48xf32, #tpu.memory_space<vmem>>[vector<16xi32>, vector<16xi32>], vector<16xf32>,
      %broadcast_in_dim3A_537 = arith.constant 31 : i32
      %broadcast_in_dim3A_538 = vector.broadcast %broadcast_in_dim3A_537 : i32 to vector<16xi32>
      %gather3A_539 = tpu.vector_load_idx %arg20[%add3A_404, %broadcast_in_dim3A_538] : memref<112x48xf32, #tpu.memory_space<vmem>>[vector<16xi32>, vector<16xi32>], vector<16xf32>,
      %broadcast_in_dim3A_540 = arith.constant 0 : i32
      %broadcast_in_dim3A_541 = vector.broadcast %broadcast_in_dim3A_540 : i32 to vector<16xi32>
      %mul3A_542 = arith.mulf %exp3A, %gather3A_446 : vector<16xf32>
      tpu.vector_store_idx %arg23[%add3A_404, %broadcast_in_dim3A_541], %mul3A_542 : memref<112x32xf32, #tpu.memory_space<vmem>>[vector<16xi32>, vector<16xi32>], vector<16xf32>,
      %broadcast_in_dim3A_543 = arith.constant 1 : i32
      %broadcast_in_dim3A_544 = vector.broadcast %broadcast_in_dim3A_543 : i32 to vector<16xi32>
      %mul3A_545 = arith.mulf %exp3A, %gather3A_449 : vector<16xf32>
      tpu.vector_store_idx %arg23[%add3A_404, %broadcast_in_dim3A_544], %mul3A_545 : memref<112x32xf32, #tpu.memory_space<vmem>>[vector<16xi32>, vector<16xi32>], vector<16xf32>,
      %broadcast_in_dim3A_546 = arith.constant 2 : i32
      %broadcast_in_dim3A_547 = vector.broadcast %broadcast_in_dim3A_546 : i32 to vector<16xi32>
      %mul3A_548 = arith.mulf %exp3A, %gather3A_452 : vector<16xf32>
      tpu.vector_store_idx %arg23[%add3A_404, %broadcast_in_dim3A_547], %mul3A_548 : memref<112x32xf32, #tpu.memory_space<vmem>>[vector<16xi32>, vector<16xi32>], vector<16xf32>,
      %broadcast_in_dim3A_549 = arith.constant 3 : i32
      %broadcast_in_dim3A_550 = vector.broadcast %broadcast_in_dim3A_549 : i32 to vector<16xi32>
      %mul3A_551 = arith.mulf %exp3A, %gather3A_455 : vector<16xf32>
      tpu.vector_store_idx %arg23[%add3A_404, %broadcast_in_dim3A_550], %mul3A_551 : memref<112x32xf32, #tpu.memory_space<vmem>>[vector<16xi32>, vector<16xi32>], vector<16xf32>,
      %broadcast_in_dim3A_552 = arith.constant 4 : i32
      %broadcast_in_dim3A_553 = vector.broadcast %broadcast_in_dim3A_552 : i32 to vector<16xi32>
      %mul3A_554 = arith.mulf %exp3A, %gather3A_458 : vector<16xf32>
      tpu.vector_store_idx %arg23[%add3A_404, %broadcast_in_dim3A_553], %mul3A_554 : memref<112x32xf32, #tpu.memory_space<vmem>>[vector<16xi32>, vector<16xi32>], vector<16xf32>,
      %broadcast_in_dim3A_555 = arith.constant 5 : i32
      %broadcast_in_dim3A_556 = vector.broadcast %broadcast_in_dim3A_555 : i32 to vector<16xi32>
      %mul3A_557 = arith.mulf %exp3A, %gather3A_461 : vector<16xf32>
      tpu.vector_store_idx %arg23[%add3A_404, %broadcast_in_dim3A_556], %mul3A_557 : memref<112x32xf32, #tpu.memory_space<vmem>>[vector<16xi32>, vector<16xi32>], vector<16xf32>,
      %broadcast_in_dim3A_558 = arith.constant 6 : i32
      %broadcast_in_dim3A_559 = vector.broadcast %broadcast_in_dim3A_558 : i32 to vector<16xi32>
      %mul3A_560 = arith.mulf %exp3A, %gather3A_464 : vector<16xf32>
      tpu.vector_store_idx %arg23[%add3A_404, %broadcast_in_dim3A_559], %mul3A_560 : memref<112x32xf32, #tpu.memory_space<vmem>>[vector<16xi32>, vector<16xi32>], vector<16xf32>,
      %broadcast_in_dim3A_561 = arith.constant 7 : i32
      %broadcast_in_dim3A_562 = vector.broadcast %broadcast_in_dim3A_561 : i32 to vector<16xi32>
      %mul3A_563 = arith.mulf %exp3A, %gather3A_467 : vector<16xf32>
      tpu.vector_store_idx %arg23[%add3A_404, %broadcast_in_dim3A_562], %mul3A_563 : memref<112x32xf32, #tpu.memory_space<vmem>>[vector<16xi32>, vector<16xi32>], vector<16xf32>,
      %broadcast_in_dim3A_564 = arith.constant 8 : i32
      %broadcast_in_dim3A_565 = vector.broadcast %broadcast_in_dim3A_564 : i32 to vector<16xi32>
      %mul3A_566 = arith.mulf %exp3A, %gather3A_470 : vector<16xf32>
      tpu.vector_store_idx %arg23[%add3A_404, %broadcast_in_dim3A_565], %mul3A_566 : memref<112x32xf32, #tpu.memory_space<vmem>>[vector<16xi32>, vector<16xi32>], vector<16xf32>,
      %broadcast_in_dim3A_567 = arith.constant 9 : i32
      %broadcast_in_dim3A_568 = vector.broadcast %broadcast_in_dim3A_567 : i32 to vector<16xi32>
      %mul3A_569 = arith.mulf %exp3A, %gather3A_473 : vector<16xf32>
      tpu.vector_store_idx %arg23[%add3A_404, %broadcast_in_dim3A_568], %mul3A_569 : memref<112x32xf32, #tpu.memory_space<vmem>>[vector<16xi32>, vector<16xi32>], vector<16xf32>,
      %broadcast_in_dim3A_570 = arith.constant 10 : i32
      %broadcast_in_dim3A_571 = vector.broadcast %broadcast_in_dim3A_570 : i32 to vector<16xi32>
      %mul3A_572 = arith.mulf %exp3A, %gather3A_476 : vector<16xf32>
      tpu.vector_store_idx %arg23[%add3A_404, %broadcast_in_dim3A_571], %mul3A_572 : memref<112x32xf32, #tpu.memory_space<vmem>>[vector<16xi32>, vector<16xi32>], vector<16xf32>,
      %broadcast_in_dim3A_573 = arith.constant 11 : i32
      %broadcast_in_dim3A_574 = vector.broadcast %broadcast_in_dim3A_573 : i32 to vector<16xi32>
      %mul3A_575 = arith.mulf %exp3A, %gather3A_479 : vector<16xf32>
      tpu.vector_store_idx %arg23[%add3A_404, %broadcast_in_dim3A_574], %mul3A_575 : memref<112x32xf32, #tpu.memory_space<vmem>>[vector<16xi32>, vector<16xi32>], vector<16xf32>,
      %broadcast_in_dim3A_576 = arith.constant 12 : i32
      %broadcast_in_dim3A_577 = vector.broadcast %broadcast_in_dim3A_576 : i32 to vector<16xi32>
      %mul3A_578 = arith.mulf %exp3A, %gather3A_482 : vector<16xf32>
      tpu.vector_store_idx %arg23[%add3A_404, %broadcast_in_dim3A_577], %mul3A_578 : memref<112x32xf32, #tpu.memory_space<vmem>>[vector<16xi32>, vector<16xi32>], vector<16xf32>,
      %broadcast_in_dim3A_579 = arith.constant 13 : i32
      %broadcast_in_dim3A_580 = vector.broadcast %broadcast_in_dim3A_579 : i32 to vector<16xi32>
      %mul3A_581 = arith.mulf %exp3A, %gather3A_485 : vector<16xf32>
      tpu.vector_store_idx %arg23[%add3A_404, %broadcast_in_dim3A_580], %mul3A_581 : memref<112x32xf32, #tpu.memory_space<vmem>>[vector<16xi32>, vector<16xi32>], vector<16xf32>,
      %broadcast_in_dim3A_582 = arith.constant 14 : i32
      %broadcast_in_dim3A_583 = vector.broadcast %broadcast_in_dim3A_582 : i32 to vector<16xi32>
      %mul3A_584 = arith.mulf %exp3A, %gather3A_488 : vector<16xf32>
      tpu.vector_store_idx %arg23[%add3A_404, %broadcast_in_dim3A_583], %mul3A_584 : memref<112x32xf32, #tpu.memory_space<vmem>>[vector<16xi32>, vector<16xi32>], vector<16xf32>,
      %broadcast_in_dim3A_585 = arith.constant 15 : i32
      %broadcast_in_dim3A_586 = vector.broadcast %broadcast_in_dim3A_585 : i32 to vector<16xi32>
      %mul3A_587 = arith.mulf %exp3A, %gather3A_491 : vector<16xf32>
      tpu.vector_store_idx %arg23[%add3A_404, %broadcast_in_dim3A_586], %mul3A_587 : memref<112x32xf32, #tpu.memory_space<vmem>>[vector<16xi32>, vector<16xi32>], vector<16xf32>,
      %broadcast_in_dim3A_588 = arith.constant 16 : i32
      %broadcast_in_dim3A_589 = vector.broadcast %broadcast_in_dim3A_588 : i32 to vector<16xi32>
      %mul3A_590 = arith.mulf %exp3A_437, %gather3A_494 : vector<16xf32>
      tpu.vector_store_idx %arg23[%add3A_404, %broadcast_in_dim3A_589], %mul3A_590 : memref<112x32xf32, #tpu.memory_space<vmem>>[vector<16xi32>, vector<16xi32>], vector<16xf32>,
      %broadcast_in_dim3A_591 = arith.constant 17 : i32
      %broadcast_in_dim3A_592 = vector.broadcast %broadcast_in_dim3A_591 : i32 to vector<16xi32>
      %mul3A_593 = arith.mulf %exp3A_437, %gather3A_497 : vector<16xf32>
      tpu.vector_store_idx %arg23[%add3A_404, %broadcast_in_dim3A_592], %mul3A_593 : memref<112x32xf32, #tpu.memory_space<vmem>>[vector<16xi32>, vector<16xi32>], vector<16xf32>,
      %broadcast_in_dim3A_594 = arith.constant 18 : i32
      %broadcast_in_dim3A_595 = vector.broadcast %broadcast_in_dim3A_594 : i32 to vector<16xi32>
      %mul3A_596 = arith.mulf %exp3A_437, %gather3A_500 : vector<16xf32>
      tpu.vector_store_idx %arg23[%add3A_404, %broadcast_in_dim3A_595], %mul3A_596 : memref<112x32xf32, #tpu.memory_space<vmem>>[vector<16xi32>, vector<16xi32>], vector<16xf32>,
      %broadcast_in_dim3A_597 = arith.constant 19 : i32
      %broadcast_in_dim3A_598 = vector.broadcast %broadcast_in_dim3A_597 : i32 to vector<16xi32>
      %mul3A_599 = arith.mulf %exp3A_437, %gather3A_503 : vector<16xf32>
      tpu.vector_store_idx %arg23[%add3A_404, %broadcast_in_dim3A_598], %mul3A_599 : memref<112x32xf32, #tpu.memory_space<vmem>>[vector<16xi32>, vector<16xi32>], vector<16xf32>,
      %broadcast_in_dim3A_600 = arith.constant 20 : i32
      %broadcast_in_dim3A_601 = vector.broadcast %broadcast_in_dim3A_600 : i32 to vector<16xi32>
      %mul3A_602 = arith.mulf %exp3A_437, %gather3A_506 : vector<16xf32>
      tpu.vector_store_idx %arg23[%add3A_404, %broadcast_in_dim3A_601], %mul3A_602 : memref<112x32xf32, #tpu.memory_space<vmem>>[vector<16xi32>, vector<16xi32>], vector<16xf32>,
      %broadcast_in_dim3A_603 = arith.constant 21 : i32
      %broadcast_in_dim3A_604 = vector.broadcast %broadcast_in_dim3A_603 : i32 to vector<16xi32>
      %mul3A_605 = arith.mulf %exp3A_437, %gather3A_509 : vector<16xf32>
      tpu.vector_store_idx %arg23[%add3A_404, %broadcast_in_dim3A_604], %mul3A_605 : memref<112x32xf32, #tpu.memory_space<vmem>>[vector<16xi32>, vector<16xi32>], vector<16xf32>,
      %broadcast_in_dim3A_606 = arith.constant 22 : i32
      %broadcast_in_dim3A_607 = vector.broadcast %broadcast_in_dim3A_606 : i32 to vector<16xi32>
      %mul3A_608 = arith.mulf %exp3A_437, %gather3A_512 : vector<16xf32>
      tpu.vector_store_idx %arg23[%add3A_404, %broadcast_in_dim3A_607], %mul3A_608 : memref<112x32xf32, #tpu.memory_space<vmem>>[vector<16xi32>, vector<16xi32>], vector<16xf32>,
      %broadcast_in_dim3A_609 = arith.constant 23 : i32
      %broadcast_in_dim3A_610 = vector.broadcast %broadcast_in_dim3A_609 : i32 to vector<16xi32>
      %mul3A_611 = arith.mulf %exp3A_437, %gather3A_515 : vector<16xf32>
      tpu.vector_store_idx %arg23[%add3A_404, %broadcast_in_dim3A_610], %mul3A_611 : memref<112x32xf32, #tpu.memory_space<vmem>>[vector<16xi32>, vector<16xi32>], vector<16xf32>,
      %broadcast_in_dim3A_612 = arith.constant 24 : i32
      %broadcast_in_dim3A_613 = vector.broadcast %broadcast_in_dim3A_612 : i32 to vector<16xi32>
      %mul3A_614 = arith.mulf %exp3A_437, %gather3A_518 : vector<16xf32>
      tpu.vector_store_idx %arg23[%add3A_404, %broadcast_in_dim3A_613], %mul3A_614 : memref<112x32xf32, #tpu.memory_space<vmem>>[vector<16xi32>, vector<16xi32>], vector<16xf32>,
      %broadcast_in_dim3A_615 = arith.constant 25 : i32
      %broadcast_in_dim3A_616 = vector.broadcast %broadcast_in_dim3A_615 : i32 to vector<16xi32>
      %mul3A_617 = arith.mulf %exp3A_437, %gather3A_521 : vector<16xf32>
      tpu.vector_store_idx %arg23[%add3A_404, %broadcast_in_dim3A_616], %mul3A_617 : memref<112x32xf32, #tpu.memory_space<vmem>>[vector<16xi32>, vector<16xi32>], vector<16xf32>,
      %broadcast_in_dim3A_618 = arith.constant 26 : i32
      %broadcast_in_dim3A_619 = vector.broadcast %broadcast_in_dim3A_618 : i32 to vector<16xi32>
      %mul3A_620 = arith.mulf %exp3A_437, %gather3A_524 : vector<16xf32>
      tpu.vector_store_idx %arg23[%add3A_404, %broadcast_in_dim3A_619], %mul3A_620 : memref<112x32xf32, #tpu.memory_space<vmem>>[vector<16xi32>, vector<16xi32>], vector<16xf32>,
      %broadcast_in_dim3A_621 = arith.constant 27 : i32
      %broadcast_in_dim3A_622 = vector.broadcast %broadcast_in_dim3A_621 : i32 to vector<16xi32>
      %mul3A_623 = arith.mulf %exp3A_437, %gather3A_527 : vector<16xf32>
      tpu.vector_store_idx %arg23[%add3A_404, %broadcast_in_dim3A_622], %mul3A_623 : memref<112x32xf32, #tpu.memory_space<vmem>>[vector<16xi32>, vector<16xi32>], vector<16xf32>,
      %broadcast_in_dim3A_624 = arith.constant 28 : i32
      %broadcast_in_dim3A_625 = vector.broadcast %broadcast_in_dim3A_624 : i32 to vector<16xi32>
      %mul3A_626 = arith.mulf %exp3A_437, %gather3A_530 : vector<16xf32>
      tpu.vector_store_idx %arg23[%add3A_404, %broadcast_in_dim3A_625], %mul3A_626 : memref<112x32xf32, #tpu.memory_space<vmem>>[vector<16xi32>, vector<16xi32>], vector<16xf32>,
      %broadcast_in_dim3A_627 = arith.constant 29 : i32
      %broadcast_in_dim3A_628 = vector.broadcast %broadcast_in_dim3A_627 : i32 to vector<16xi32>
      %mul3A_629 = arith.mulf %exp3A_437, %gather3A_533 : vector<16xf32>
      tpu.vector_store_idx %arg23[%add3A_404, %broadcast_in_dim3A_628], %mul3A_629 : memref<112x32xf32, #tpu.memory_space<vmem>>[vector<16xi32>, vector<16xi32>], vector<16xf32>,
      %broadcast_in_dim3A_630 = arith.constant 30 : i32
      %broadcast_in_dim3A_631 = vector.broadcast %broadcast_in_dim3A_630 : i32 to vector<16xi32>
      %mul3A_632 = arith.mulf %exp3A_437, %gather3A_536 : vector<16xf32>
      tpu.vector_store_idx %arg23[%add3A_404, %broadcast_in_dim3A_631], %mul3A_632 : memref<112x32xf32, #tpu.memory_space<vmem>>[vector<16xi32>, vector<16xi32>], vector<16xf32>,
      %broadcast_in_dim3A_633 = arith.constant 31 : i32
      %broadcast_in_dim3A_634 = vector.broadcast %broadcast_in_dim3A_633 : i32 to vector<16xi32>
      %mul3A_635 = arith.mulf %exp3A_437, %gather3A_539 : vector<16xf32>
      tpu.vector_store_idx %arg23[%add3A_404, %broadcast_in_dim3A_634], %mul3A_635 : memref<112x32xf32, #tpu.memory_space<vmem>>[vector<16xi32>, vector<16xi32>], vector<16xf32>,
      %scan3A_636 = arith.constant 0 : i32
      scf.yield %scan3A_636 : i32
    }
    %scan3A_271 = arith.constant 7 : i32
    %dma_start3A_272 = arith.constant 0 : i32
    %dma_start3A_273 = arith.constant 0 : i32
    %dma_start3A_274 = tpu.memref_slice %arg11[%dma_start3A_272, %dma_start3A_273] : memref<50008x32xf32, #tpu.memory_space<vmem_shared>> -> memref<50008x32xf32, #tpu.memory_space<vmem_shared>>
    tpu.enqueue_indirect_dma source(%arg23 : memref<112x32xf32, #tpu.memory_space<vmem>>) target(%dma_start3A_274 : memref<50008x32xf32, #tpu.memory_space<vmem_shared>>) offsets(%arg16 : memref<112xi32, #tpu.memory_space<vmem>>) semaphore(%arg29 : memref<!tpu.dma_semaphore, #tpu.memory_space<semaphore_mem>>) {add = true}
    %dma_start3A_275 = arith.constant 0 : i32
    %dma_start3A_276 = arith.constant 0 : i32
    %dma_start3A_277 = tpu.memref_slice %arg12[%dma_start3A_275, %dma_start3A_276] : memref<6256x16xf32, #tpu.memory_space<vmem_shared>> -> memref<6256x16xf32, #tpu.memory_space<vmem_shared>>
    tpu.enqueue_indirect_dma source(%arg24 : memref<112x16xf32, #tpu.memory_space<vmem>>) target(%dma_start3A_277 : memref<6256x16xf32, #tpu.memory_space<vmem_shared>>) offsets(%arg18 : memref<112xi32, #tpu.memory_space<vmem>>) semaphore(%arg29 : memref<!tpu.dma_semaphore, #tpu.memory_space<semaphore_mem>>) {add = true}
    %scan3A_278 = arith.constant 0 : i32
    %scan3A_279 = arith.constant 1 : i32
    %scan3A_280 = arith.constant 222 : i32
    %scan3A_281 = arith.addi %scan3A_279, %scan3A_280 : i32
    %scan3A_282 = arith.constant 1 : i32
    %scan3A_283 = scf.for %scan3A_399 = %scan3A_279 to %scan3A_281 step %scan3A_282 iter_args(%scan3A_400 = %scan3A_278) -> (i32)  : i32 {
      %mul3A_401 = arith.constant 2 : i32
      %mul3A_402 = arith.muli %mul3A_401, %scan3A_399 : i32
      %dma_wait3A_403 = arith.constant 0 : i32
      %dma_wait3A_404 = arith.constant 0 : i32
      %dma_wait3A_405 = arith.constant 0 : i32
      %dma_wait3A_406 = tpu.memref_slice %arg19[%dma_wait3A_404, %dma_wait3A_405] : memref<112x48xf32, #tpu.memory_space<vmem>> -> memref<32x48xf32, #tpu.memory_space<vmem>>
      %dma_wait3A_407 = arith.constant 0 : i32
      %dma_wait3A_408 = tpu.memref_slice %arg13[%dma_wait3A_403, %dma_wait3A_407] : memref<2x112xi32, #tpu.memory_space<vmem>> -> memref<1x32xi32, #tpu.memory_space<vmem>>
      %dma_wait3A_409 = tpu.memref_squeeze %dma_wait3A_408 : memref<1x32xi32, #tpu.memory_space<vmem>> -> memref<32xi32, #tpu.memory_space<vmem>>
      %dma_wait3A_410 = arith.constant 0 : i32
      %dma_wait3A_411 = arith.constant 0 : i32
      %dma_wait3A_412 = tpu.memref_slice %arg2[%dma_wait3A_410, %dma_wait3A_411] : memref<50000x48xf32, #tpu.memory_space<hbm>> -> memref<50000x48xf32, #tpu.memory_space<hbm>>
      tpu.wait_indirect_dma semaphore(%arg27 : memref<!tpu.dma_semaphore, #tpu.memory_space<semaphore_mem>>) src(%dma_wait3A_412 : memref<50000x48xf32, #tpu.memory_space<hbm>>) dst(%dma_wait3A_406 : memref<32x48xf32, #tpu.memory_space<vmem>>)
      %dma_wait3A_413 = arith.constant 0 : i32
      %dma_wait3A_414 = arith.constant 32 : i32
      %dma_wait3A_415 = arith.constant 0 : i32
      %dma_wait3A_416 = tpu.memref_slice %arg19[%dma_wait3A_414, %dma_wait3A_415] : memref<112x48xf32, #tpu.memory_space<vmem>> -> memref<32x48xf32, #tpu.memory_space<vmem>>
      %dma_wait3A_417 = arith.constant 32 : i32
      %dma_wait3A_418 = tpu.memref_slice %arg13[%dma_wait3A_413, %dma_wait3A_417] : memref<2x112xi32, #tpu.memory_space<vmem>> -> memref<1x32xi32, #tpu.memory_space<vmem>>
      %dma_wait3A_419 = tpu.memref_squeeze %dma_wait3A_418 : memref<1x32xi32, #tpu.memory_space<vmem>> -> memref<32xi32, #tpu.memory_space<vmem>>
      %dma_wait3A_420 = arith.constant 0 : i32
      %dma_wait3A_421 = arith.constant 0 : i32
      %dma_wait3A_422 = tpu.memref_slice %arg2[%dma_wait3A_420, %dma_wait3A_421] : memref<50000x48xf32, #tpu.memory_space<hbm>> -> memref<50000x48xf32, #tpu.memory_space<hbm>>
      tpu.wait_indirect_dma semaphore(%arg27 : memref<!tpu.dma_semaphore, #tpu.memory_space<semaphore_mem>>) src(%dma_wait3A_422 : memref<50000x48xf32, #tpu.memory_space<hbm>>) dst(%dma_wait3A_416 : memref<32x48xf32, #tpu.memory_space<vmem>>)
      %dma_wait3A_423 = arith.constant 0 : i32
      %dma_wait3A_424 = arith.constant 64 : i32
      %dma_wait3A_425 = arith.constant 0 : i32
      %dma_wait3A_426 = tpu.memref_slice %arg19[%dma_wait3A_424, %dma_wait3A_425] : memref<112x48xf32, #tpu.memory_space<vmem>> -> memref<32x48xf32, #tpu.memory_space<vmem>>
      %dma_wait3A_427 = arith.constant 64 : i32
      %dma_wait3A_428 = tpu.memref_slice %arg13[%dma_wait3A_423, %dma_wait3A_427] : memref<2x112xi32, #tpu.memory_space<vmem>> -> memref<1x32xi32, #tpu.memory_space<vmem>>
      %dma_wait3A_429 = tpu.memref_squeeze %dma_wait3A_428 : memref<1x32xi32, #tpu.memory_space<vmem>> -> memref<32xi32, #tpu.memory_space<vmem>>
      %dma_wait3A_430 = arith.constant 0 : i32
      %dma_wait3A_431 = arith.constant 0 : i32
      %dma_wait3A_432 = tpu.memref_slice %arg2[%dma_wait3A_430, %dma_wait3A_431] : memref<50000x48xf32, #tpu.memory_space<hbm>> -> memref<50000x48xf32, #tpu.memory_space<hbm>>
      tpu.wait_indirect_dma semaphore(%arg27 : memref<!tpu.dma_semaphore, #tpu.memory_space<semaphore_mem>>) src(%dma_wait3A_432 : memref<50000x48xf32, #tpu.memory_space<hbm>>) dst(%dma_wait3A_426 : memref<32x48xf32, #tpu.memory_space<vmem>>)
      %dma_wait3A_433 = arith.constant 0 : i32
      %dma_wait3A_434 = arith.constant 96 : i32
      %dma_wait3A_435 = arith.constant 0 : i32
      %dma_wait3A_436 = tpu.memref_slice %arg19[%dma_wait3A_434, %dma_wait3A_435] : memref<112x48xf32, #tpu.memory_space<vmem>> -> memref<16x48xf32, #tpu.memory_space<vmem>>
      %dma_wait3A_437 = arith.constant 96 : i32
      %dma_wait3A_438 = tpu.memref_slice %arg13[%dma_wait3A_433, %dma_wait3A_437] : memref<2x112xi32, #tpu.memory_space<vmem>> -> memref<1x16xi32, #tpu.memory_space<vmem>>
      %dma_wait3A_439 = tpu.memref_squeeze %dma_wait3A_438 : memref<1x16xi32, #tpu.memory_space<vmem>> -> memref<16xi32, #tpu.memory_space<vmem>>
      %dma_wait3A_440 = arith.constant 0 : i32
      %dma_wait3A_441 = arith.constant 0 : i32
      %dma_wait3A_442 = tpu.memref_slice %arg2[%dma_wait3A_440, %dma_wait3A_441] : memref<50000x48xf32, #tpu.memory_space<hbm>> -> memref<50000x48xf32, #tpu.memory_space<hbm>>
      tpu.wait_indirect_dma semaphore(%arg27 : memref<!tpu.dma_semaphore, #tpu.memory_space<semaphore_mem>>) src(%dma_wait3A_442 : memref<50000x48xf32, #tpu.memory_space<hbm>>) dst(%dma_wait3A_436 : memref<16x48xf32, #tpu.memory_space<vmem>>)
      %dma_wait3A_443 = arith.constant 1 : i32
      %dma_wait3A_444 = arith.constant 0 : i32
      %dma_wait3A_445 = arith.constant 0 : i32
      %dma_wait3A_446 = tpu.memref_slice %arg21[%dma_wait3A_444, %dma_wait3A_445] : memref<112x16xf32, #tpu.memory_space<vmem>> -> memref<56x16xf32, #tpu.memory_space<vmem>>
      %dma_wait3A_447 = arith.constant 0 : i32
      %dma_wait3A_448 = tpu.memref_slice %arg13[%dma_wait3A_443, %dma_wait3A_447] : memref<2x112xi32, #tpu.memory_space<vmem>> -> memref<1x56xi32, #tpu.memory_space<vmem>>
      %dma_wait3A_449 = tpu.memref_squeeze %dma_wait3A_448 : memref<1x56xi32, #tpu.memory_space<vmem>> -> memref<56xi32, #tpu.memory_space<vmem>>
      %dma_wait3A_450 = arith.constant 0 : i32
      %dma_wait3A_451 = arith.constant 0 : i32
      %dma_wait3A_452 = tpu.memref_slice %arg4[%dma_wait3A_450, %dma_wait3A_451] : memref<50000x16xf32, #tpu.memory_space<hbm>> -> memref<50000x16xf32, #tpu.memory_space<hbm>>
      tpu.wait_indirect_dma semaphore(%arg28 : memref<!tpu.dma_semaphore, #tpu.memory_space<semaphore_mem>>) src(%dma_wait3A_452 : memref<50000x16xf32, #tpu.memory_space<hbm>>) dst(%dma_wait3A_446 : memref<56x16xf32, #tpu.memory_space<vmem>>)
      %dma_wait3A_453 = arith.constant 1 : i32
      %dma_wait3A_454 = arith.constant 56 : i32
      %dma_wait3A_455 = arith.constant 0 : i32
      %dma_wait3A_456 = tpu.memref_slice %arg21[%dma_wait3A_454, %dma_wait3A_455] : memref<112x16xf32, #tpu.memory_space<vmem>> -> memref<56x16xf32, #tpu.memory_space<vmem>>
      %dma_wait3A_457 = arith.constant 56 : i32
      %dma_wait3A_458 = tpu.memref_slice %arg13[%dma_wait3A_453, %dma_wait3A_457] : memref<2x112xi32, #tpu.memory_space<vmem>> -> memref<1x56xi32, #tpu.memory_space<vmem>>
      %dma_wait3A_459 = tpu.memref_squeeze %dma_wait3A_458 : memref<1x56xi32, #tpu.memory_space<vmem>> -> memref<56xi32, #tpu.memory_space<vmem>>
      %dma_wait3A_460 = arith.constant 0 : i32
      %dma_wait3A_461 = arith.constant 0 : i32
      %dma_wait3A_462 = tpu.memref_slice %arg4[%dma_wait3A_460, %dma_wait3A_461] : memref<50000x16xf32, #tpu.memory_space<hbm>> -> memref<50000x16xf32, #tpu.memory_space<hbm>>
      tpu.wait_indirect_dma semaphore(%arg28 : memref<!tpu.dma_semaphore, #tpu.memory_space<semaphore_mem>>) src(%dma_wait3A_462 : memref<50000x16xf32, #tpu.memory_space<hbm>>) dst(%dma_wait3A_456 : memref<56x16xf32, #tpu.memory_space<vmem>>)
      %add3A_463 = arith.constant 1 : i32
      %add3A_464 = arith.addi %mul3A_402, %add3A_463 : i32
      %mul3A_465 = arith.constant 50064 : i32
      %mul3A_466 = arith.muli %arg1, %mul3A_465 : i32
      %mul3A_467 = arith.constant 112 : i32
      %mul3A_468 = arith.muli %add3A_464, %mul3A_467 : i32
      %add3A_469 = arith.addi %mul3A_466, %mul3A_468 : i32
      %dma_wait3A_470 = arith.constant 0 : i32
      %dma_wait3A_471 = tpu.memref_slice %arg6[%dma_wait3A_470, %add3A_469] : memref<2x801024xi32, #tpu.memory_space<hbm>> -> memref<2x112xi32, #tpu.memory_space<hbm>>
      %dma_wait3A_472 = arith.constant 0 : i32
      %dma_wait3A_473 = tpu.memref_slice %arg6[%dma_wait3A_472, %add3A_469] : memref<2x801024xi32, #tpu.memory_space<hbm>> -> memref<2x112xi32, #tpu.memory_space<hbm>>
      tpu.wait_dma2 semaphore(%arg26 : memref<!tpu.dma_semaphore, #tpu.memory_space<semaphore_mem>>) src(%dma_wait3A_473 : memref<2x112xi32, #tpu.memory_space<hbm>>) dst(%arg14 : memref<2x112xi32, #tpu.memory_space<vmem>>)
      %eq3A_474 = arith.constant 0 : i32
      %eq3A_475 = arith.cmpi eq, %arg0, %eq3A_474 : i32
      %convert_element_type3A_476 = arith.extui %eq3A_475 : i1 to i32
      %cond3A_477 = arith.constant 0 : i32
      %cond3A_478 = arith.cmpi ne, %convert_element_type3A_476, %cond3A_477 : i32
      scf.if %cond3A_478 {
        %dma_start3A_647 = arith.constant 0 : i32
        %dma_start3A_648 = arith.constant 0 : i32
        %dma_start3A_649 = arith.constant 0 : i32
        %dma_start3A_650 = tpu.memref_slice %arg20[%dma_start3A_648, %dma_start3A_649] : memref<112x48xf32, #tpu.memory_space<vmem>> -> memref<32x48xf32, #tpu.memory_space<vmem>>
        %dma_start3A_651 = arith.constant 0 : i32
        %dma_start3A_652 = tpu.memref_slice %arg14[%dma_start3A_647, %dma_start3A_651] : memref<2x112xi32, #tpu.memory_space<vmem>> -> memref<1x32xi32, #tpu.memory_space<vmem>>
        %dma_start3A_653 = tpu.memref_squeeze %dma_start3A_652 : memref<1x32xi32, #tpu.memory_space<vmem>> -> memref<32xi32, #tpu.memory_space<vmem>>
        %dma_start3A_654 = arith.constant 0 : i32
        %dma_start3A_655 = arith.constant 0 : i32
        %dma_start3A_656 = tpu.memref_slice %arg2[%dma_start3A_654, %dma_start3A_655] : memref<50000x48xf32, #tpu.memory_space<hbm>> -> memref<50000x48xf32, #tpu.memory_space<hbm>>
        tpu.enqueue_indirect_dma source(%dma_start3A_656 : memref<50000x48xf32, #tpu.memory_space<hbm>>) target(%dma_start3A_650 : memref<32x48xf32, #tpu.memory_space<vmem>>) offsets(%dma_start3A_653 : memref<32xi32, #tpu.memory_space<vmem>>) semaphore(%arg27 : memref<!tpu.dma_semaphore, #tpu.memory_space<semaphore_mem>>)
        %dma_start3A_657 = arith.constant 0 : i32
        %dma_start3A_658 = arith.constant 32 : i32
        %dma_start3A_659 = arith.constant 0 : i32
        %dma_start3A_660 = tpu.memref_slice %arg20[%dma_start3A_658, %dma_start3A_659] : memref<112x48xf32, #tpu.memory_space<vmem>> -> memref<32x48xf32, #tpu.memory_space<vmem>>
        %dma_start3A_661 = arith.constant 32 : i32
        %dma_start3A_662 = tpu.memref_slice %arg14[%dma_start3A_657, %dma_start3A_661] : memref<2x112xi32, #tpu.memory_space<vmem>> -> memref<1x32xi32, #tpu.memory_space<vmem>>
        %dma_start3A_663 = tpu.memref_squeeze %dma_start3A_662 : memref<1x32xi32, #tpu.memory_space<vmem>> -> memref<32xi32, #tpu.memory_space<vmem>>
        %dma_start3A_664 = arith.constant 0 : i32
        %dma_start3A_665 = arith.constant 0 : i32
        %dma_start3A_666 = tpu.memref_slice %arg2[%dma_start3A_664, %dma_start3A_665] : memref<50000x48xf32, #tpu.memory_space<hbm>> -> memref<50000x48xf32, #tpu.memory_space<hbm>>
        tpu.enqueue_indirect_dma source(%dma_start3A_666 : memref<50000x48xf32, #tpu.memory_space<hbm>>) target(%dma_start3A_660 : memref<32x48xf32, #tpu.memory_space<vmem>>) offsets(%dma_start3A_663 : memref<32xi32, #tpu.memory_space<vmem>>) semaphore(%arg27 : memref<!tpu.dma_semaphore, #tpu.memory_space<semaphore_mem>>)
        %dma_start3A_667 = arith.constant 0 : i32
        %dma_start3A_668 = arith.constant 64 : i32
        %dma_start3A_669 = arith.constant 0 : i32
        %dma_start3A_670 = tpu.memref_slice %arg20[%dma_start3A_668, %dma_start3A_669] : memref<112x48xf32, #tpu.memory_space<vmem>> -> memref<32x48xf32, #tpu.memory_space<vmem>>
        %dma_start3A_671 = arith.constant 64 : i32
        %dma_start3A_672 = tpu.memref_slice %arg14[%dma_start3A_667, %dma_start3A_671] : memref<2x112xi32, #tpu.memory_space<vmem>> -> memref<1x32xi32, #tpu.memory_space<vmem>>
        %dma_start3A_673 = tpu.memref_squeeze %dma_start3A_672 : memref<1x32xi32, #tpu.memory_space<vmem>> -> memref<32xi32, #tpu.memory_space<vmem>>
        %dma_start3A_674 = arith.constant 0 : i32
        %dma_start3A_675 = arith.constant 0 : i32
        %dma_start3A_676 = tpu.memref_slice %arg2[%dma_start3A_674, %dma_start3A_675] : memref<50000x48xf32, #tpu.memory_space<hbm>> -> memref<50000x48xf32, #tpu.memory_space<hbm>>
        tpu.enqueue_indirect_dma source(%dma_start3A_676 : memref<50000x48xf32, #tpu.memory_space<hbm>>) target(%dma_start3A_670 : memref<32x48xf32, #tpu.memory_space<vmem>>) offsets(%dma_start3A_673 : memref<32xi32, #tpu.memory_space<vmem>>) semaphore(%arg27 : memref<!tpu.dma_semaphore, #tpu.memory_space<semaphore_mem>>)
        %dma_start3A_677 = arith.constant 0 : i32
        %dma_start3A_678 = arith.constant 96 : i32
        %dma_start3A_679 = arith.constant 0 : i32
        %dma_start3A_680 = tpu.memref_slice %arg20[%dma_start3A_678, %dma_start3A_679] : memref<112x48xf32, #tpu.memory_space<vmem>> -> memref<16x48xf32, #tpu.memory_space<vmem>>
        %dma_start3A_681 = arith.constant 96 : i32
        %dma_start3A_682 = tpu.memref_slice %arg14[%dma_start3A_677, %dma_start3A_681] : memref<2x112xi32, #tpu.memory_space<vmem>> -> memref<1x16xi32, #tpu.memory_space<vmem>>
        %dma_start3A_683 = tpu.memref_squeeze %dma_start3A_682 : memref<1x16xi32, #tpu.memory_space<vmem>> -> memref<16xi32, #tpu.memory_space<vmem>>
        %dma_start3A_684 = arith.constant 0 : i32
        %dma_start3A_685 = arith.constant 0 : i32
        %dma_start3A_686 = tpu.memref_slice %arg2[%dma_start3A_684, %dma_start3A_685] : memref<50000x48xf32, #tpu.memory_space<hbm>> -> memref<50000x48xf32, #tpu.memory_space<hbm>>
        tpu.enqueue_indirect_dma source(%dma_start3A_686 : memref<50000x48xf32, #tpu.memory_space<hbm>>) target(%dma_start3A_680 : memref<16x48xf32, #tpu.memory_space<vmem>>) offsets(%dma_start3A_683 : memref<16xi32, #tpu.memory_space<vmem>>) semaphore(%arg27 : memref<!tpu.dma_semaphore, #tpu.memory_space<semaphore_mem>>)
        %dma_start3A_687 = arith.constant 1 : i32
        %dma_start3A_688 = arith.constant 0 : i32
        %dma_start3A_689 = arith.constant 0 : i32
        %dma_start3A_690 = tpu.memref_slice %arg22[%dma_start3A_688, %dma_start3A_689] : memref<112x16xf32, #tpu.memory_space<vmem>> -> memref<56x16xf32, #tpu.memory_space<vmem>>
        %dma_start3A_691 = arith.constant 0 : i32
        %dma_start3A_692 = tpu.memref_slice %arg14[%dma_start3A_687, %dma_start3A_691] : memref<2x112xi32, #tpu.memory_space<vmem>> -> memref<1x56xi32, #tpu.memory_space<vmem>>
        %dma_start3A_693 = tpu.memref_squeeze %dma_start3A_692 : memref<1x56xi32, #tpu.memory_space<vmem>> -> memref<56xi32, #tpu.memory_space<vmem>>
        %dma_start3A_694 = arith.constant 0 : i32
        %dma_start3A_695 = arith.constant 0 : i32
        %dma_start3A_696 = tpu.memref_slice %arg4[%dma_start3A_694, %dma_start3A_695] : memref<50000x16xf32, #tpu.memory_space<hbm>> -> memref<50000x16xf32, #tpu.memory_space<hbm>>
        tpu.enqueue_indirect_dma source(%dma_start3A_696 : memref<50000x16xf32, #tpu.memory_space<hbm>>) target(%dma_start3A_690 : memref<56x16xf32, #tpu.memory_space<vmem>>) offsets(%dma_start3A_693 : memref<56xi32, #tpu.memory_space<vmem>>) semaphore(%arg28 : memref<!tpu.dma_semaphore, #tpu.memory_space<semaphore_mem>>)
        %dma_start3A_697 = arith.constant 1 : i32
        %dma_start3A_698 = arith.constant 56 : i32
        %dma_start3A_699 = arith.constant 0 : i32
        %dma_start3A_700 = tpu.memref_slice %arg22[%dma_start3A_698, %dma_start3A_699] : memref<112x16xf32, #tpu.memory_space<vmem>> -> memref<56x16xf32, #tpu.memory_space<vmem>>
        %dma_start3A_701 = arith.constant 56 : i32
        %dma_start3A_702 = tpu.memref_slice %arg14[%dma_start3A_697, %dma_start3A_701] : memref<2x112xi32, #tpu.memory_space<vmem>> -> memref<1x56xi32, #tpu.memory_space<vmem>>
        %dma_start3A_703 = tpu.memref_squeeze %dma_start3A_702 : memref<1x56xi32, #tpu.memory_space<vmem>> -> memref<56xi32, #tpu.memory_space<vmem>>
        %dma_start3A_704 = arith.constant 0 : i32
        %dma_start3A_705 = arith.constant 0 : i32
        %dma_start3A_706 = tpu.memref_slice %arg4[%dma_start3A_704, %dma_start3A_705] : memref<50000x16xf32, #tpu.memory_space<hbm>> -> memref<50000x16xf32, #tpu.memory_space<hbm>>
        tpu.enqueue_indirect_dma source(%dma_start3A_706 : memref<50000x16xf32, #tpu.memory_space<hbm>>) target(%dma_start3A_700 : memref<56x16xf32, #tpu.memory_space<vmem>>) offsets(%dma_start3A_703 : memref<56xi32, #tpu.memory_space<vmem>>) semaphore(%arg28 : memref<!tpu.dma_semaphore, #tpu.memory_space<semaphore_mem>>)
      } else {
      }
      %eq3A_479 = arith.constant 1 : i32
      %eq3A_480 = arith.cmpi eq, %arg0, %eq3A_479 : i32
      %convert_element_type3A_481 = arith.extui %eq3A_480 : i1 to i32
      %cond3A_482 = arith.constant 0 : i32
      %cond3A_483 = arith.cmpi ne, %convert_element_type3A_481, %cond3A_482 : i32
      scf.if %cond3A_483 {
        %dma_start3A_647 = arith.constant 0 : i32
        %dma_start3A_648 = arith.constant 0 : i32
        %dma_start3A_649 = arith.constant 0 : i32
        %dma_start3A_650 = tpu.memref_slice %arg20[%dma_start3A_648, %dma_start3A_649] : memref<112x48xf32, #tpu.memory_space<vmem>> -> memref<32x48xf32, #tpu.memory_space<vmem>>
        %dma_start3A_651 = arith.constant 0 : i32
        %dma_start3A_652 = tpu.memref_slice %arg14[%dma_start3A_647, %dma_start3A_651] : memref<2x112xi32, #tpu.memory_space<vmem>> -> memref<1x32xi32, #tpu.memory_space<vmem>>
        %dma_start3A_653 = tpu.memref_squeeze %dma_start3A_652 : memref<1x32xi32, #tpu.memory_space<vmem>> -> memref<32xi32, #tpu.memory_space<vmem>>
        %dma_start3A_654 = arith.constant 0 : i32
        %dma_start3A_655 = arith.constant 0 : i32
        %dma_start3A_656 = tpu.memref_slice %arg3[%dma_start3A_654, %dma_start3A_655] : memref<50000x48xf32, #tpu.memory_space<hbm>> -> memref<50000x48xf32, #tpu.memory_space<hbm>>
        tpu.enqueue_indirect_dma source(%dma_start3A_656 : memref<50000x48xf32, #tpu.memory_space<hbm>>) target(%dma_start3A_650 : memref<32x48xf32, #tpu.memory_space<vmem>>) offsets(%dma_start3A_653 : memref<32xi32, #tpu.memory_space<vmem>>) semaphore(%arg27 : memref<!tpu.dma_semaphore, #tpu.memory_space<semaphore_mem>>)
        %dma_start3A_657 = arith.constant 0 : i32
        %dma_start3A_658 = arith.constant 32 : i32
        %dma_start3A_659 = arith.constant 0 : i32
        %dma_start3A_660 = tpu.memref_slice %arg20[%dma_start3A_658, %dma_start3A_659] : memref<112x48xf32, #tpu.memory_space<vmem>> -> memref<32x48xf32, #tpu.memory_space<vmem>>
        %dma_start3A_661 = arith.constant 32 : i32
        %dma_start3A_662 = tpu.memref_slice %arg14[%dma_start3A_657, %dma_start3A_661] : memref<2x112xi32, #tpu.memory_space<vmem>> -> memref<1x32xi32, #tpu.memory_space<vmem>>
        %dma_start3A_663 = tpu.memref_squeeze %dma_start3A_662 : memref<1x32xi32, #tpu.memory_space<vmem>> -> memref<32xi32, #tpu.memory_space<vmem>>
        %dma_start3A_664 = arith.constant 0 : i32
        %dma_start3A_665 = arith.constant 0 : i32
        %dma_start3A_666 = tpu.memref_slice %arg3[%dma_start3A_664, %dma_start3A_665] : memref<50000x48xf32, #tpu.memory_space<hbm>> -> memref<50000x48xf32, #tpu.memory_space<hbm>>
        tpu.enqueue_indirect_dma source(%dma_start3A_666 : memref<50000x48xf32, #tpu.memory_space<hbm>>) target(%dma_start3A_660 : memref<32x48xf32, #tpu.memory_space<vmem>>) offsets(%dma_start3A_663 : memref<32xi32, #tpu.memory_space<vmem>>) semaphore(%arg27 : memref<!tpu.dma_semaphore, #tpu.memory_space<semaphore_mem>>)
        %dma_start3A_667 = arith.constant 0 : i32
        %dma_start3A_668 = arith.constant 64 : i32
        %dma_start3A_669 = arith.constant 0 : i32
        %dma_start3A_670 = tpu.memref_slice %arg20[%dma_start3A_668, %dma_start3A_669] : memref<112x48xf32, #tpu.memory_space<vmem>> -> memref<32x48xf32, #tpu.memory_space<vmem>>
        %dma_start3A_671 = arith.constant 64 : i32
        %dma_start3A_672 = tpu.memref_slice %arg14[%dma_start3A_667, %dma_start3A_671] : memref<2x112xi32, #tpu.memory_space<vmem>> -> memref<1x32xi32, #tpu.memory_space<vmem>>
        %dma_start3A_673 = tpu.memref_squeeze %dma_start3A_672 : memref<1x32xi32, #tpu.memory_space<vmem>> -> memref<32xi32, #tpu.memory_space<vmem>>
        %dma_start3A_674 = arith.constant 0 : i32
        %dma_start3A_675 = arith.constant 0 : i32
        %dma_start3A_676 = tpu.memref_slice %arg3[%dma_start3A_674, %dma_start3A_675] : memref<50000x48xf32, #tpu.memory_space<hbm>> -> memref<50000x48xf32, #tpu.memory_space<hbm>>
        tpu.enqueue_indirect_dma source(%dma_start3A_676 : memref<50000x48xf32, #tpu.memory_space<hbm>>) target(%dma_start3A_670 : memref<32x48xf32, #tpu.memory_space<vmem>>) offsets(%dma_start3A_673 : memref<32xi32, #tpu.memory_space<vmem>>) semaphore(%arg27 : memref<!tpu.dma_semaphore, #tpu.memory_space<semaphore_mem>>)
        %dma_start3A_677 = arith.constant 0 : i32
        %dma_start3A_678 = arith.constant 96 : i32
        %dma_start3A_679 = arith.constant 0 : i32
        %dma_start3A_680 = tpu.memref_slice %arg20[%dma_start3A_678, %dma_start3A_679] : memref<112x48xf32, #tpu.memory_space<vmem>> -> memref<16x48xf32, #tpu.memory_space<vmem>>
        %dma_start3A_681 = arith.constant 96 : i32
        %dma_start3A_682 = tpu.memref_slice %arg14[%dma_start3A_677, %dma_start3A_681] : memref<2x112xi32, #tpu.memory_space<vmem>> -> memref<1x16xi32, #tpu.memory_space<vmem>>
        %dma_start3A_683 = tpu.memref_squeeze %dma_start3A_682 : memref<1x16xi32, #tpu.memory_space<vmem>> -> memref<16xi32, #tpu.memory_space<vmem>>
        %dma_start3A_684 = arith.constant 0 : i32
        %dma_start3A_685 = arith.constant 0 : i32
        %dma_start3A_686 = tpu.memref_slice %arg3[%dma_start3A_684, %dma_start3A_685] : memref<50000x48xf32, #tpu.memory_space<hbm>> -> memref<50000x48xf32, #tpu.memory_space<hbm>>
        tpu.enqueue_indirect_dma source(%dma_start3A_686 : memref<50000x48xf32, #tpu.memory_space<hbm>>) target(%dma_start3A_680 : memref<16x48xf32, #tpu.memory_space<vmem>>) offsets(%dma_start3A_683 : memref<16xi32, #tpu.memory_space<vmem>>) semaphore(%arg27 : memref<!tpu.dma_semaphore, #tpu.memory_space<semaphore_mem>>)
        %dma_start3A_687 = arith.constant 1 : i32
        %dma_start3A_688 = arith.constant 0 : i32
        %dma_start3A_689 = arith.constant 0 : i32
        %dma_start3A_690 = tpu.memref_slice %arg22[%dma_start3A_688, %dma_start3A_689] : memref<112x16xf32, #tpu.memory_space<vmem>> -> memref<56x16xf32, #tpu.memory_space<vmem>>
        %dma_start3A_691 = arith.constant 0 : i32
        %dma_start3A_692 = tpu.memref_slice %arg14[%dma_start3A_687, %dma_start3A_691] : memref<2x112xi32, #tpu.memory_space<vmem>> -> memref<1x56xi32, #tpu.memory_space<vmem>>
        %dma_start3A_693 = tpu.memref_squeeze %dma_start3A_692 : memref<1x56xi32, #tpu.memory_space<vmem>> -> memref<56xi32, #tpu.memory_space<vmem>>
        %dma_start3A_694 = arith.constant 0 : i32
        %dma_start3A_695 = arith.constant 0 : i32
        %dma_start3A_696 = tpu.memref_slice %arg5[%dma_start3A_694, %dma_start3A_695] : memref<50000x16xf32, #tpu.memory_space<hbm>> -> memref<50000x16xf32, #tpu.memory_space<hbm>>
        tpu.enqueue_indirect_dma source(%dma_start3A_696 : memref<50000x16xf32, #tpu.memory_space<hbm>>) target(%dma_start3A_690 : memref<56x16xf32, #tpu.memory_space<vmem>>) offsets(%dma_start3A_693 : memref<56xi32, #tpu.memory_space<vmem>>) semaphore(%arg28 : memref<!tpu.dma_semaphore, #tpu.memory_space<semaphore_mem>>)
        %dma_start3A_697 = arith.constant 1 : i32
        %dma_start3A_698 = arith.constant 56 : i32
        %dma_start3A_699 = arith.constant 0 : i32
        %dma_start3A_700 = tpu.memref_slice %arg22[%dma_start3A_698, %dma_start3A_699] : memref<112x16xf32, #tpu.memory_space<vmem>> -> memref<56x16xf32, #tpu.memory_space<vmem>>
        %dma_start3A_701 = arith.constant 56 : i32
        %dma_start3A_702 = tpu.memref_slice %arg14[%dma_start3A_697, %dma_start3A_701] : memref<2x112xi32, #tpu.memory_space<vmem>> -> memref<1x56xi32, #tpu.memory_space<vmem>>
        %dma_start3A_703 = tpu.memref_squeeze %dma_start3A_702 : memref<1x56xi32, #tpu.memory_space<vmem>> -> memref<56xi32, #tpu.memory_space<vmem>>
        %dma_start3A_704 = arith.constant 0 : i32
        %dma_start3A_705 = arith.constant 0 : i32
        %dma_start3A_706 = tpu.memref_slice %arg5[%dma_start3A_704, %dma_start3A_705] : memref<50000x16xf32, #tpu.memory_space<hbm>> -> memref<50000x16xf32, #tpu.memory_space<hbm>>
        tpu.enqueue_indirect_dma source(%dma_start3A_706 : memref<50000x16xf32, #tpu.memory_space<hbm>>) target(%dma_start3A_700 : memref<56x16xf32, #tpu.memory_space<vmem>>) offsets(%dma_start3A_703 : memref<56xi32, #tpu.memory_space<vmem>>) semaphore(%arg28 : memref<!tpu.dma_semaphore, #tpu.memory_space<semaphore_mem>>)
      } else {
      }
      %scan3A_484 = arith.constant 0 : i32
      %scan3A_485 = arith.constant 0 : i32
      %scan3A_486 = arith.constant 7 : i32
      %scan3A_487 = arith.addi %scan3A_485, %scan3A_486 : i32
      %scan3A_488 = arith.constant 1 : i32
      %scan3A_489 = scf.for %scan3A_647 = %scan3A_485 to %scan3A_487 step %scan3A_488 iter_args(%scan3A_648 = %scan3A_484) -> (i32)  : i32 {
        %mul3A_649 = arith.constant 16 : i32
        %mul3A_650 = arith.muli %scan3A_647, %mul3A_649 : i32
        %get3A = arith.constant 1 : i32
        %get3A_651 = arith.index_cast %get3A : i32 to index
        %get3A_652 = arith.index_cast %mul3A_650 : i32 to index
        %get3A_653 = tpu.vector_load %arg13[%get3A_651, %get3A_652] {strides = array<i32>} : memref<2x112xi32, #tpu.memory_space<vmem>>, vector<16xi32>,
        %mul3A_654 = arith.constant 16 : i32
        %mul3A_655 = arith.muli %scan3A_647, %mul3A_654 : i32
        %swap3A = arith.index_cast %mul3A_655 : i32 to index
        %swap3A_656 = tpu.vector_load %arg15[%swap3A] {strides = array<i32>} : memref<112xi32, #tpu.memory_space<vmem>>, vector<16xi32>,
        tpu.vector_store %arg15[%swap3A], %get3A_653 {strides = array<i32>} : memref<112xi32, #tpu.memory_space<vmem>>, vector<16xi32>,
        %shift_right_logical3A = arith.constant 3 : i32
        %shift_right_logical3A_657 = vector.broadcast %shift_right_logical3A : i32 to vector<16xi32>
        %shift_right_logical3A_658 = arith.shrui %get3A_653, %shift_right_logical3A_657 : vector<16xi32>
        %mul3A_659 = arith.constant 16 : i32
        %mul3A_660 = arith.muli %scan3A_647, %mul3A_659 : i32
        %swap3A_661 = arith.index_cast %mul3A_660 : i32 to index
        %swap3A_662 = tpu.vector_load %arg17[%swap3A_661] {strides = array<i32>} : memref<112xi32, #tpu.memory_space<vmem>>, vector<16xi32>,
        tpu.vector_store %arg17[%swap3A_661], %shift_right_logical3A_658 {strides = array<i32>} : memref<112xi32, #tpu.memory_space<vmem>>, vector<16xi32>,
        %scan3A_663 = arith.constant 0 : i32
        scf.yield %scan3A_663 : i32
      }
      %scan3A_490 = arith.constant 7 : i32
      %add3A_491 = arith.constant 2 : i32
      %add3A_492 = arith.addi %mul3A_402, %add3A_491 : i32
      %lt3A = arith.constant 447 : i32
      %lt3A_493 = arith.cmpi slt, %add3A_492, %lt3A : i32
      %convert_element_type3A_494 = arith.extui %lt3A_493 : i1 to i32
      %cond3A_495 = arith.constant 0 : i32
      %cond3A_496 = arith.cmpi ne, %convert_element_type3A_494, %cond3A_495 : i32
      scf.if %cond3A_496 {
        %add3A_647 = arith.constant 2 : i32
        %add3A_648 = arith.addi %mul3A_402, %add3A_647 : i32
        %mul3A_649 = arith.constant 50064 : i32
        %mul3A_650 = arith.muli %arg1, %mul3A_649 : i32
        %mul3A_651 = arith.constant 112 : i32
        %mul3A_652 = arith.muli %add3A_648, %mul3A_651 : i32
        %add3A_653 = arith.addi %mul3A_650, %mul3A_652 : i32
        %dma_start3A_654 = arith.constant 0 : i32
        %dma_start3A_655 = tpu.memref_slice %arg6[%dma_start3A_654, %add3A_653] : memref<2x801024xi32, #tpu.memory_space<hbm>> -> memref<2x112xi32, #tpu.memory_space<hbm>>
        %dma_start3A_656 = arith.constant 0 : i32
        %dma_start3A_657 = tpu.memref_slice %arg6[%dma_start3A_656, %add3A_653] : memref<2x801024xi32, #tpu.memory_space<hbm>> -> memref<2x112xi32, #tpu.memory_space<hbm>>
        tpu.enqueue_dma source(%dma_start3A_657 : memref<2x112xi32, #tpu.memory_space<hbm>>) target(%arg13 : memref<2x112xi32, #tpu.memory_space<vmem>>) target_semaphore(%arg25 : memref<!tpu.dma_semaphore, #tpu.memory_space<semaphore_mem>>)
      } else {
      }
      %dma_wait3A_497 = arith.constant 0 : i32
      %dma_wait3A_498 = arith.constant 0 : i32
      %dma_wait3A_499 = tpu.memref_slice %arg11[%dma_wait3A_497, %dma_wait3A_498] : memref<50008x32xf32, #tpu.memory_space<vmem_shared>> -> memref<50008x32xf32, #tpu.memory_space<vmem_shared>>
      tpu.wait_indirect_dma semaphore(%arg29 : memref<!tpu.dma_semaphore, #tpu.memory_space<semaphore_mem>>) src(%arg23 : memref<112x32xf32, #tpu.memory_space<vmem>>) dst(%dma_wait3A_499 : memref<50008x32xf32, #tpu.memory_space<vmem_shared>>)
      %dma_wait3A_500 = arith.constant 0 : i32
      %dma_wait3A_501 = arith.constant 0 : i32
      %dma_wait3A_502 = tpu.memref_slice %arg12[%dma_wait3A_500, %dma_wait3A_501] : memref<6256x16xf32, #tpu.memory_space<vmem_shared>> -> memref<6256x16xf32, #tpu.memory_space<vmem_shared>>
      tpu.wait_indirect_dma semaphore(%arg29 : memref<!tpu.dma_semaphore, #tpu.memory_space<semaphore_mem>>) src(%arg24 : memref<112x16xf32, #tpu.memory_space<vmem>>) dst(%dma_wait3A_502 : memref<6256x16xf32, #tpu.memory_space<vmem_shared>>)
      %scan3A_503 = arith.constant 0 : i32
      %scan3A_504 = arith.constant 0 : i32
      %scan3A_505 = arith.constant 112 : i32
      %scan3A_506 = arith.addi %scan3A_504, %scan3A_505 : i32
      %scan3A_507 = arith.constant 1 : i32
      %scan3A_508 = scf.for %scan3A_647 = %scan3A_504 to %scan3A_506 step %scan3A_507 iter_args(%scan3A_648 = %scan3A_503) -> (i32)  : i32 {
        %swap3A = arith.index_cast %scan3A_647 : i32 to index
        %swap3A_649 = arith.constant 0 : index
        %swap3A_650 = tpu.vector_load %arg24[%swap3A, %swap3A_649] {strides = array<i32>} : memref<112x16xf32, #tpu.memory_space<vmem>>, vector<16xf32>,
        tpu.vector_store %arg24[%swap3A, %swap3A_649], %broadcast_in_dim3A_0 {strides = array<i32>} : memref<112x16xf32, #tpu.memory_space<vmem>>, vector<16xf32>,
        %scan3A_651 = arith.constant 0 : i32
        scf.yield %scan3A_651 : i32
      }
      %scan3A_509 = arith.constant 112 : i32
      %scan3A_510 = arith.constant 0 : i32
      %scan3A_511 = arith.constant 0 : i32
      %scan3A_512 = arith.constant 7 : i32
      %scan3A_513 = arith.addi %scan3A_511, %scan3A_512 : i32
      %scan3A_514 = arith.constant 1 : i32
      %scan3A_515 = scf.for %scan3A_647 = %scan3A_511 to %scan3A_513 step %scan3A_514 iter_args(%scan3A_648 = %scan3A_510) -> (i32)  : i32 {
        %mul3A_649 = arith.constant 16 : i32
        %mul3A_650 = arith.muli %scan3A_647, %mul3A_649 : i32
        %add3A_651 = vector.broadcast %mul3A_650 : i32 to vector<16xi32>
        %add3A_652 = arith.addi %add3A_651, %iota3A : vector<16xi32>
        %mul3A_653 = arith.constant 16 : i32
        %mul3A_654 = arith.muli %scan3A_647, %mul3A_653 : i32
        %get3A = arith.index_cast %mul3A_654 : i32 to index
        %get3A_655 = tpu.vector_load %arg15[%get3A] {strides = array<i32>} : memref<112xi32, #tpu.memory_space<vmem>>, vector<16xi32>,
        %broadcast_in_dim3A_656 = arith.constant 7 : i32
        %broadcast_in_dim3A_657 = vector.broadcast %broadcast_in_dim3A_656 : i32 to vector<16xi32>
        %and3A = arith.andi %get3A_655, %broadcast_in_dim3A_657 : vector<16xi32>
        %shift_left3A = arith.constant 1 : i32
        %shift_left3A_658 = vector.broadcast %shift_left3A : i32 to vector<16xi32>
        %shift_left3A_659 = arith.shli %and3A, %shift_left3A_658 : vector<16xi32>
        %broadcast_in_dim3A_660 = arith.constant 32 : i32
        %broadcast_in_dim3A_661 = vector.broadcast %broadcast_in_dim3A_660 : i32 to vector<16xi32>
        %gather3A = tpu.vector_load_idx %arg19[%add3A_652, %broadcast_in_dim3A_661] : memref<112x48xf32, #tpu.memory_space<vmem>>[vector<16xi32>, vector<16xi32>], vector<16xf32>,
        %broadcast_in_dim3A_662 = arith.constant 0 : i32
        %broadcast_in_dim3A_663 = vector.broadcast %broadcast_in_dim3A_662 : i32 to vector<16xi32>
        %gather3A_664 = tpu.vector_load_idx %arg21[%add3A_652, %broadcast_in_dim3A_663] : memref<112x16xf32, #tpu.memory_space<vmem>>[vector<16xi32>, vector<16xi32>], vector<16xf32>,
        %add3A_665 = arith.addf %gather3A, %gather3A_664 : vector<16xf32>
        %gt3A = arith.constant 0.000000e+00 : f32
        %gt3A_666 = vector.broadcast %gt3A : f32 to vector<16xf32>
        %gt3A_667 = arith.cmpf ogt, %add3A_665, %gt3A_666 : vector<16xf32>
        %mul3A_668 = arith.constant 2.000000e-01 : f32
        %mul3A_669 = vector.broadcast %mul3A_668 : f32 to vector<16xf32>
        %mul3A_670 = arith.mulf %mul3A_669, %add3A_665 : vector<16xf32>
        %select_n3A = arith.select %gt3A_667, %add3A_665, %mul3A_670 : vector<16xi1>, vector<16xf32>
        %exp3A = math.exp %select_n3A : vector<16xf32>
        %broadcast_in_dim3A_671 = arith.constant 33 : i32
        %broadcast_in_dim3A_672 = vector.broadcast %broadcast_in_dim3A_671 : i32 to vector<16xi32>
        %gather3A_673 = tpu.vector_load_idx %arg19[%add3A_652, %broadcast_in_dim3A_672] : memref<112x48xf32, #tpu.memory_space<vmem>>[vector<16xi32>, vector<16xi32>], vector<16xf32>,
        %broadcast_in_dim3A_674 = arith.constant 1 : i32
        %broadcast_in_dim3A_675 = vector.broadcast %broadcast_in_dim3A_674 : i32 to vector<16xi32>
        %gather3A_676 = tpu.vector_load_idx %arg21[%add3A_652, %broadcast_in_dim3A_675] : memref<112x16xf32, #tpu.memory_space<vmem>>[vector<16xi32>, vector<16xi32>], vector<16xf32>,
        %add3A_677 = arith.addf %gather3A_673, %gather3A_676 : vector<16xf32>
        %gt3A_678 = arith.constant 0.000000e+00 : f32
        %gt3A_679 = vector.broadcast %gt3A_678 : f32 to vector<16xf32>
        %gt3A_680 = arith.cmpf ogt, %add3A_677, %gt3A_679 : vector<16xf32>
        %mul3A_681 = arith.constant 2.000000e-01 : f32
        %mul3A_682 = vector.broadcast %mul3A_681 : f32 to vector<16xf32>
        %mul3A_683 = arith.mulf %mul3A_682, %add3A_677 : vector<16xf32>
        %select_n3A_684 = arith.select %gt3A_680, %add3A_677, %mul3A_683 : vector<16xi1>, vector<16xf32>
        %exp3A_685 = math.exp %select_n3A_684 : vector<16xf32>
        %add3A_686 = arith.constant 0 : i32
        %add3A_687 = vector.broadcast %add3A_686 : i32 to vector<16xi32>
        %add3A_688 = arith.addi %shift_left3A_659, %add3A_687 : vector<16xi32>
        tpu.vector_store_idx %arg24[%add3A_652, %add3A_688], %exp3A : memref<112x16xf32, #tpu.memory_space<vmem>>[vector<16xi32>, vector<16xi32>], vector<16xf32>,
        %add3A_689 = arith.constant 1 : i32
        %add3A_690 = vector.broadcast %add3A_689 : i32 to vector<16xi32>
        %add3A_691 = arith.addi %shift_left3A_659, %add3A_690 : vector<16xi32>
        tpu.vector_store_idx %arg24[%add3A_652, %add3A_691], %exp3A_685 : memref<112x16xf32, #tpu.memory_space<vmem>>[vector<16xi32>, vector<16xi32>], vector<16xf32>,
        %broadcast_in_dim3A_692 = arith.constant 0 : i32
        %broadcast_in_dim3A_693 = vector.broadcast %broadcast_in_dim3A_692 : i32 to vector<16xi32>
        %gather3A_694 = tpu.vector_load_idx %arg19[%add3A_652, %broadcast_in_dim3A_693] : memref<112x48xf32, #tpu.memory_space<vmem>>[vector<16xi32>, vector<16xi32>], vector<16xf32>,
        %broadcast_in_dim3A_695 = arith.constant 1 : i32
        %broadcast_in_dim3A_696 = vector.broadcast %broadcast_in_dim3A_695 : i32 to vector<16xi32>
        %gather3A_697 = tpu.vector_load_idx %arg19[%add3A_652, %broadcast_in_dim3A_696] : memref<112x48xf32, #tpu.memory_space<vmem>>[vector<16xi32>, vector<16xi32>], vector<16xf32>,
        %broadcast_in_dim3A_698 = arith.constant 2 : i32
        %broadcast_in_dim3A_699 = vector.broadcast %broadcast_in_dim3A_698 : i32 to vector<16xi32>
        %gather3A_700 = tpu.vector_load_idx %arg19[%add3A_652, %broadcast_in_dim3A_699] : memref<112x48xf32, #tpu.memory_space<vmem>>[vector<16xi32>, vector<16xi32>], vector<16xf32>,
        %broadcast_in_dim3A_701 = arith.constant 3 : i32
        %broadcast_in_dim3A_702 = vector.broadcast %broadcast_in_dim3A_701 : i32 to vector<16xi32>
        %gather3A_703 = tpu.vector_load_idx %arg19[%add3A_652, %broadcast_in_dim3A_702] : memref<112x48xf32, #tpu.memory_space<vmem>>[vector<16xi32>, vector<16xi32>], vector<16xf32>,
        %broadcast_in_dim3A_704 = arith.constant 4 : i32
        %broadcast_in_dim3A_705 = vector.broadcast %broadcast_in_dim3A_704 : i32 to vector<16xi32>
        %gather3A_706 = tpu.vector_load_idx %arg19[%add3A_652, %broadcast_in_dim3A_705] : memref<112x48xf32, #tpu.memory_space<vmem>>[vector<16xi32>, vector<16xi32>], vector<16xf32>,
        %broadcast_in_dim3A_707 = arith.constant 5 : i32
        %broadcast_in_dim3A_708 = vector.broadcast %broadcast_in_dim3A_707 : i32 to vector<16xi32>
        %gather3A_709 = tpu.vector_load_idx %arg19[%add3A_652, %broadcast_in_dim3A_708] : memref<112x48xf32, #tpu.memory_space<vmem>>[vector<16xi32>, vector<16xi32>], vector<16xf32>,
        %broadcast_in_dim3A_710 = arith.constant 6 : i32
        %broadcast_in_dim3A_711 = vector.broadcast %broadcast_in_dim3A_710 : i32 to vector<16xi32>
        %gather3A_712 = tpu.vector_load_idx %arg19[%add3A_652, %broadcast_in_dim3A_711] : memref<112x48xf32, #tpu.memory_space<vmem>>[vector<16xi32>, vector<16xi32>], vector<16xf32>,
        %broadcast_in_dim3A_713 = arith.constant 7 : i32
        %broadcast_in_dim3A_714 = vector.broadcast %broadcast_in_dim3A_713 : i32 to vector<16xi32>
        %gather3A_715 = tpu.vector_load_idx %arg19[%add3A_652, %broadcast_in_dim3A_714] : memref<112x48xf32, #tpu.memory_space<vmem>>[vector<16xi32>, vector<16xi32>], vector<16xf32>,
        %broadcast_in_dim3A_716 = arith.constant 8 : i32
        %broadcast_in_dim3A_717 = vector.broadcast %broadcast_in_dim3A_716 : i32 to vector<16xi32>
        %gather3A_718 = tpu.vector_load_idx %arg19[%add3A_652, %broadcast_in_dim3A_717] : memref<112x48xf32, #tpu.memory_space<vmem>>[vector<16xi32>, vector<16xi32>], vector<16xf32>,
        %broadcast_in_dim3A_719 = arith.constant 9 : i32
        %broadcast_in_dim3A_720 = vector.broadcast %broadcast_in_dim3A_719 : i32 to vector<16xi32>
        %gather3A_721 = tpu.vector_load_idx %arg19[%add3A_652, %broadcast_in_dim3A_720] : memref<112x48xf32, #tpu.memory_space<vmem>>[vector<16xi32>, vector<16xi32>], vector<16xf32>,
        %broadcast_in_dim3A_722 = arith.constant 10 : i32
        %broadcast_in_dim3A_723 = vector.broadcast %broadcast_in_dim3A_722 : i32 to vector<16xi32>
        %gather3A_724 = tpu.vector_load_idx %arg19[%add3A_652, %broadcast_in_dim3A_723] : memref<112x48xf32, #tpu.memory_space<vmem>>[vector<16xi32>, vector<16xi32>], vector<16xf32>,
        %broadcast_in_dim3A_725 = arith.constant 11 : i32
        %broadcast_in_dim3A_726 = vector.broadcast %broadcast_in_dim3A_725 : i32 to vector<16xi32>
        %gather3A_727 = tpu.vector_load_idx %arg19[%add3A_652, %broadcast_in_dim3A_726] : memref<112x48xf32, #tpu.memory_space<vmem>>[vector<16xi32>, vector<16xi32>], vector<16xf32>,
        %broadcast_in_dim3A_728 = arith.constant 12 : i32
        %broadcast_in_dim3A_729 = vector.broadcast %broadcast_in_dim3A_728 : i32 to vector<16xi32>
        %gather3A_730 = tpu.vector_load_idx %arg19[%add3A_652, %broadcast_in_dim3A_729] : memref<112x48xf32, #tpu.memory_space<vmem>>[vector<16xi32>, vector<16xi32>], vector<16xf32>,
        %broadcast_in_dim3A_731 = arith.constant 13 : i32
        %broadcast_in_dim3A_732 = vector.broadcast %broadcast_in_dim3A_731 : i32 to vector<16xi32>
        %gather3A_733 = tpu.vector_load_idx %arg19[%add3A_652, %broadcast_in_dim3A_732] : memref<112x48xf32, #tpu.memory_space<vmem>>[vector<16xi32>, vector<16xi32>], vector<16xf32>,
        %broadcast_in_dim3A_734 = arith.constant 14 : i32
        %broadcast_in_dim3A_735 = vector.broadcast %broadcast_in_dim3A_734 : i32 to vector<16xi32>
        %gather3A_736 = tpu.vector_load_idx %arg19[%add3A_652, %broadcast_in_dim3A_735] : memref<112x48xf32, #tpu.memory_space<vmem>>[vector<16xi32>, vector<16xi32>], vector<16xf32>,
        %broadcast_in_dim3A_737 = arith.constant 15 : i32
        %broadcast_in_dim3A_738 = vector.broadcast %broadcast_in_dim3A_737 : i32 to vector<16xi32>
        %gather3A_739 = tpu.vector_load_idx %arg19[%add3A_652, %broadcast_in_dim3A_738] : memref<112x48xf32, #tpu.memory_space<vmem>>[vector<16xi32>, vector<16xi32>], vector<16xf32>,
        %broadcast_in_dim3A_740 = arith.constant 16 : i32
        %broadcast_in_dim3A_741 = vector.broadcast %broadcast_in_dim3A_740 : i32 to vector<16xi32>
        %gather3A_742 = tpu.vector_load_idx %arg19[%add3A_652, %broadcast_in_dim3A_741] : memref<112x48xf32, #tpu.memory_space<vmem>>[vector<16xi32>, vector<16xi32>], vector<16xf32>,
        %broadcast_in_dim3A_743 = arith.constant 17 : i32
        %broadcast_in_dim3A_744 = vector.broadcast %broadcast_in_dim3A_743 : i32 to vector<16xi32>
        %gather3A_745 = tpu.vector_load_idx %arg19[%add3A_652, %broadcast_in_dim3A_744] : memref<112x48xf32, #tpu.memory_space<vmem>>[vector<16xi32>, vector<16xi32>], vector<16xf32>,
        %broadcast_in_dim3A_746 = arith.constant 18 : i32
        %broadcast_in_dim3A_747 = vector.broadcast %broadcast_in_dim3A_746 : i32 to vector<16xi32>
        %gather3A_748 = tpu.vector_load_idx %arg19[%add3A_652, %broadcast_in_dim3A_747] : memref<112x48xf32, #tpu.memory_space<vmem>>[vector<16xi32>, vector<16xi32>], vector<16xf32>,
        %broadcast_in_dim3A_749 = arith.constant 19 : i32
        %broadcast_in_dim3A_750 = vector.broadcast %broadcast_in_dim3A_749 : i32 to vector<16xi32>
        %gather3A_751 = tpu.vector_load_idx %arg19[%add3A_652, %broadcast_in_dim3A_750] : memref<112x48xf32, #tpu.memory_space<vmem>>[vector<16xi32>, vector<16xi32>], vector<16xf32>,
        %broadcast_in_dim3A_752 = arith.constant 20 : i32
        %broadcast_in_dim3A_753 = vector.broadcast %broadcast_in_dim3A_752 : i32 to vector<16xi32>
        %gather3A_754 = tpu.vector_load_idx %arg19[%add3A_652, %broadcast_in_dim3A_753] : memref<112x48xf32, #tpu.memory_space<vmem>>[vector<16xi32>, vector<16xi32>], vector<16xf32>,
        %broadcast_in_dim3A_755 = arith.constant 21 : i32
        %broadcast_in_dim3A_756 = vector.broadcast %broadcast_in_dim3A_755 : i32 to vector<16xi32>
        %gather3A_757 = tpu.vector_load_idx %arg19[%add3A_652, %broadcast_in_dim3A_756] : memref<112x48xf32, #tpu.memory_space<vmem>>[vector<16xi32>, vector<16xi32>], vector<16xf32>,
        %broadcast_in_dim3A_758 = arith.constant 22 : i32
        %broadcast_in_dim3A_759 = vector.broadcast %broadcast_in_dim3A_758 : i32 to vector<16xi32>
        %gather3A_760 = tpu.vector_load_idx %arg19[%add3A_652, %broadcast_in_dim3A_759] : memref<112x48xf32, #tpu.memory_space<vmem>>[vector<16xi32>, vector<16xi32>], vector<16xf32>,
        %broadcast_in_dim3A_761 = arith.constant 23 : i32
        %broadcast_in_dim3A_762 = vector.broadcast %broadcast_in_dim3A_761 : i32 to vector<16xi32>
        %gather3A_763 = tpu.vector_load_idx %arg19[%add3A_652, %broadcast_in_dim3A_762] : memref<112x48xf32, #tpu.memory_space<vmem>>[vector<16xi32>, vector<16xi32>], vector<16xf32>,
        %broadcast_in_dim3A_764 = arith.constant 24 : i32
        %broadcast_in_dim3A_765 = vector.broadcast %broadcast_in_dim3A_764 : i32 to vector<16xi32>
        %gather3A_766 = tpu.vector_load_idx %arg19[%add3A_652, %broadcast_in_dim3A_765] : memref<112x48xf32, #tpu.memory_space<vmem>>[vector<16xi32>, vector<16xi32>], vector<16xf32>,
        %broadcast_in_dim3A_767 = arith.constant 25 : i32
        %broadcast_in_dim3A_768 = vector.broadcast %broadcast_in_dim3A_767 : i32 to vector<16xi32>
        %gather3A_769 = tpu.vector_load_idx %arg19[%add3A_652, %broadcast_in_dim3A_768] : memref<112x48xf32, #tpu.memory_space<vmem>>[vector<16xi32>, vector<16xi32>], vector<16xf32>,
        %broadcast_in_dim3A_770 = arith.constant 26 : i32
        %broadcast_in_dim3A_771 = vector.broadcast %broadcast_in_dim3A_770 : i32 to vector<16xi32>
        %gather3A_772 = tpu.vector_load_idx %arg19[%add3A_652, %broadcast_in_dim3A_771] : memref<112x48xf32, #tpu.memory_space<vmem>>[vector<16xi32>, vector<16xi32>], vector<16xf32>,
        %broadcast_in_dim3A_773 = arith.constant 27 : i32
        %broadcast_in_dim3A_774 = vector.broadcast %broadcast_in_dim3A_773 : i32 to vector<16xi32>
        %gather3A_775 = tpu.vector_load_idx %arg19[%add3A_652, %broadcast_in_dim3A_774] : memref<112x48xf32, #tpu.memory_space<vmem>>[vector<16xi32>, vector<16xi32>], vector<16xf32>,
        %broadcast_in_dim3A_776 = arith.constant 28 : i32
        %broadcast_in_dim3A_777 = vector.broadcast %broadcast_in_dim3A_776 : i32 to vector<16xi32>
        %gather3A_778 = tpu.vector_load_idx %arg19[%add3A_652, %broadcast_in_dim3A_777] : memref<112x48xf32, #tpu.memory_space<vmem>>[vector<16xi32>, vector<16xi32>], vector<16xf32>,
        %broadcast_in_dim3A_779 = arith.constant 29 : i32
        %broadcast_in_dim3A_780 = vector.broadcast %broadcast_in_dim3A_779 : i32 to vector<16xi32>
        %gather3A_781 = tpu.vector_load_idx %arg19[%add3A_652, %broadcast_in_dim3A_780] : memref<112x48xf32, #tpu.memory_space<vmem>>[vector<16xi32>, vector<16xi32>], vector<16xf32>,
        %broadcast_in_dim3A_782 = arith.constant 30 : i32
        %broadcast_in_dim3A_783 = vector.broadcast %broadcast_in_dim3A_782 : i32 to vector<16xi32>
        %gather3A_784 = tpu.vector_load_idx %arg19[%add3A_652, %broadcast_in_dim3A_783] : memref<112x48xf32, #tpu.memory_space<vmem>>[vector<16xi32>, vector<16xi32>], vector<16xf32>,
        %broadcast_in_dim3A_785 = arith.constant 31 : i32
        %broadcast_in_dim3A_786 = vector.broadcast %broadcast_in_dim3A_785 : i32 to vector<16xi32>
        %gather3A_787 = tpu.vector_load_idx %arg19[%add3A_652, %broadcast_in_dim3A_786] : memref<112x48xf32, #tpu.memory_space<vmem>>[vector<16xi32>, vector<16xi32>], vector<16xf32>,
        %broadcast_in_dim3A_788 = arith.constant 0 : i32
        %broadcast_in_dim3A_789 = vector.broadcast %broadcast_in_dim3A_788 : i32 to vector<16xi32>
        %mul3A_790 = arith.mulf %exp3A, %gather3A_694 : vector<16xf32>
        tpu.vector_store_idx %arg23[%add3A_652, %broadcast_in_dim3A_789], %mul3A_790 : memref<112x32xf32, #tpu.memory_space<vmem>>[vector<16xi32>, vector<16xi32>], vector<16xf32>,
        %broadcast_in_dim3A_791 = arith.constant 1 : i32
        %broadcast_in_dim3A_792 = vector.broadcast %broadcast_in_dim3A_791 : i32 to vector<16xi32>
        %mul3A_793 = arith.mulf %exp3A, %gather3A_697 : vector<16xf32>
        tpu.vector_store_idx %arg23[%add3A_652, %broadcast_in_dim3A_792], %mul3A_793 : memref<112x32xf32, #tpu.memory_space<vmem>>[vector<16xi32>, vector<16xi32>], vector<16xf32>,
        %broadcast_in_dim3A_794 = arith.constant 2 : i32
        %broadcast_in_dim3A_795 = vector.broadcast %broadcast_in_dim3A_794 : i32 to vector<16xi32>
        %mul3A_796 = arith.mulf %exp3A, %gather3A_700 : vector<16xf32>
        tpu.vector_store_idx %arg23[%add3A_652, %broadcast_in_dim3A_795], %mul3A_796 : memref<112x32xf32, #tpu.memory_space<vmem>>[vector<16xi32>, vector<16xi32>], vector<16xf32>,
        %broadcast_in_dim3A_797 = arith.constant 3 : i32
        %broadcast_in_dim3A_798 = vector.broadcast %broadcast_in_dim3A_797 : i32 to vector<16xi32>
        %mul3A_799 = arith.mulf %exp3A, %gather3A_703 : vector<16xf32>
        tpu.vector_store_idx %arg23[%add3A_652, %broadcast_in_dim3A_798], %mul3A_799 : memref<112x32xf32, #tpu.memory_space<vmem>>[vector<16xi32>, vector<16xi32>], vector<16xf32>,
        %broadcast_in_dim3A_800 = arith.constant 4 : i32
        %broadcast_in_dim3A_801 = vector.broadcast %broadcast_in_dim3A_800 : i32 to vector<16xi32>
        %mul3A_802 = arith.mulf %exp3A, %gather3A_706 : vector<16xf32>
        tpu.vector_store_idx %arg23[%add3A_652, %broadcast_in_dim3A_801], %mul3A_802 : memref<112x32xf32, #tpu.memory_space<vmem>>[vector<16xi32>, vector<16xi32>], vector<16xf32>,
        %broadcast_in_dim3A_803 = arith.constant 5 : i32
        %broadcast_in_dim3A_804 = vector.broadcast %broadcast_in_dim3A_803 : i32 to vector<16xi32>
        %mul3A_805 = arith.mulf %exp3A, %gather3A_709 : vector<16xf32>
        tpu.vector_store_idx %arg23[%add3A_652, %broadcast_in_dim3A_804], %mul3A_805 : memref<112x32xf32, #tpu.memory_space<vmem>>[vector<16xi32>, vector<16xi32>], vector<16xf32>,
        %broadcast_in_dim3A_806 = arith.constant 6 : i32
        %broadcast_in_dim3A_807 = vector.broadcast %broadcast_in_dim3A_806 : i32 to vector<16xi32>
        %mul3A_808 = arith.mulf %exp3A, %gather3A_712 : vector<16xf32>
        tpu.vector_store_idx %arg23[%add3A_652, %broadcast_in_dim3A_807], %mul3A_808 : memref<112x32xf32, #tpu.memory_space<vmem>>[vector<16xi32>, vector<16xi32>], vector<16xf32>,
        %broadcast_in_dim3A_809 = arith.constant 7 : i32
        %broadcast_in_dim3A_810 = vector.broadcast %broadcast_in_dim3A_809 : i32 to vector<16xi32>
        %mul3A_811 = arith.mulf %exp3A, %gather3A_715 : vector<16xf32>
        tpu.vector_store_idx %arg23[%add3A_652, %broadcast_in_dim3A_810], %mul3A_811 : memref<112x32xf32, #tpu.memory_space<vmem>>[vector<16xi32>, vector<16xi32>], vector<16xf32>,
        %broadcast_in_dim3A_812 = arith.constant 8 : i32
        %broadcast_in_dim3A_813 = vector.broadcast %broadcast_in_dim3A_812 : i32 to vector<16xi32>
        %mul3A_814 = arith.mulf %exp3A, %gather3A_718 : vector<16xf32>
        tpu.vector_store_idx %arg23[%add3A_652, %broadcast_in_dim3A_813], %mul3A_814 : memref<112x32xf32, #tpu.memory_space<vmem>>[vector<16xi32>, vector<16xi32>], vector<16xf32>,
        %broadcast_in_dim3A_815 = arith.constant 9 : i32
        %broadcast_in_dim3A_816 = vector.broadcast %broadcast_in_dim3A_815 : i32 to vector<16xi32>
        %mul3A_817 = arith.mulf %exp3A, %gather3A_721 : vector<16xf32>
        tpu.vector_store_idx %arg23[%add3A_652, %broadcast_in_dim3A_816], %mul3A_817 : memref<112x32xf32, #tpu.memory_space<vmem>>[vector<16xi32>, vector<16xi32>], vector<16xf32>,
        %broadcast_in_dim3A_818 = arith.constant 10 : i32
        %broadcast_in_dim3A_819 = vector.broadcast %broadcast_in_dim3A_818 : i32 to vector<16xi32>
        %mul3A_820 = arith.mulf %exp3A, %gather3A_724 : vector<16xf32>
        tpu.vector_store_idx %arg23[%add3A_652, %broadcast_in_dim3A_819], %mul3A_820 : memref<112x32xf32, #tpu.memory_space<vmem>>[vector<16xi32>, vector<16xi32>], vector<16xf32>,
        %broadcast_in_dim3A_821 = arith.constant 11 : i32
        %broadcast_in_dim3A_822 = vector.broadcast %broadcast_in_dim3A_821 : i32 to vector<16xi32>
        %mul3A_823 = arith.mulf %exp3A, %gather3A_727 : vector<16xf32>
        tpu.vector_store_idx %arg23[%add3A_652, %broadcast_in_dim3A_822], %mul3A_823 : memref<112x32xf32, #tpu.memory_space<vmem>>[vector<16xi32>, vector<16xi32>], vector<16xf32>,
        %broadcast_in_dim3A_824 = arith.constant 12 : i32
        %broadcast_in_dim3A_825 = vector.broadcast %broadcast_in_dim3A_824 : i32 to vector<16xi32>
        %mul3A_826 = arith.mulf %exp3A, %gather3A_730 : vector<16xf32>
        tpu.vector_store_idx %arg23[%add3A_652, %broadcast_in_dim3A_825], %mul3A_826 : memref<112x32xf32, #tpu.memory_space<vmem>>[vector<16xi32>, vector<16xi32>], vector<16xf32>,
        %broadcast_in_dim3A_827 = arith.constant 13 : i32
        %broadcast_in_dim3A_828 = vector.broadcast %broadcast_in_dim3A_827 : i32 to vector<16xi32>
        %mul3A_829 = arith.mulf %exp3A, %gather3A_733 : vector<16xf32>
        tpu.vector_store_idx %arg23[%add3A_652, %broadcast_in_dim3A_828], %mul3A_829 : memref<112x32xf32, #tpu.memory_space<vmem>>[vector<16xi32>, vector<16xi32>], vector<16xf32>,
        %broadcast_in_dim3A_830 = arith.constant 14 : i32
        %broadcast_in_dim3A_831 = vector.broadcast %broadcast_in_dim3A_830 : i32 to vector<16xi32>
        %mul3A_832 = arith.mulf %exp3A, %gather3A_736 : vector<16xf32>
        tpu.vector_store_idx %arg23[%add3A_652, %broadcast_in_dim3A_831], %mul3A_832 : memref<112x32xf32, #tpu.memory_space<vmem>>[vector<16xi32>, vector<16xi32>], vector<16xf32>,
        %broadcast_in_dim3A_833 = arith.constant 15 : i32
        %broadcast_in_dim3A_834 = vector.broadcast %broadcast_in_dim3A_833 : i32 to vector<16xi32>
        %mul3A_835 = arith.mulf %exp3A, %gather3A_739 : vector<16xf32>
        tpu.vector_store_idx %arg23[%add3A_652, %broadcast_in_dim3A_834], %mul3A_835 : memref<112x32xf32, #tpu.memory_space<vmem>>[vector<16xi32>, vector<16xi32>], vector<16xf32>,
        %broadcast_in_dim3A_836 = arith.constant 16 : i32
        %broadcast_in_dim3A_837 = vector.broadcast %broadcast_in_dim3A_836 : i32 to vector<16xi32>
        %mul3A_838 = arith.mulf %exp3A_685, %gather3A_742 : vector<16xf32>
        tpu.vector_store_idx %arg23[%add3A_652, %broadcast_in_dim3A_837], %mul3A_838 : memref<112x32xf32, #tpu.memory_space<vmem>>[vector<16xi32>, vector<16xi32>], vector<16xf32>,
        %broadcast_in_dim3A_839 = arith.constant 17 : i32
        %broadcast_in_dim3A_840 = vector.broadcast %broadcast_in_dim3A_839 : i32 to vector<16xi32>
        %mul3A_841 = arith.mulf %exp3A_685, %gather3A_745 : vector<16xf32>
        tpu.vector_store_idx %arg23[%add3A_652, %broadcast_in_dim3A_840], %mul3A_841 : memref<112x32xf32, #tpu.memory_space<vmem>>[vector<16xi32>, vector<16xi32>], vector<16xf32>,
        %broadcast_in_dim3A_842 = arith.constant 18 : i32
        %broadcast_in_dim3A_843 = vector.broadcast %broadcast_in_dim3A_842 : i32 to vector<16xi32>
        %mul3A_844 = arith.mulf %exp3A_685, %gather3A_748 : vector<16xf32>
        tpu.vector_store_idx %arg23[%add3A_652, %broadcast_in_dim3A_843], %mul3A_844 : memref<112x32xf32, #tpu.memory_space<vmem>>[vector<16xi32>, vector<16xi32>], vector<16xf32>,
        %broadcast_in_dim3A_845 = arith.constant 19 : i32
        %broadcast_in_dim3A_846 = vector.broadcast %broadcast_in_dim3A_845 : i32 to vector<16xi32>
        %mul3A_847 = arith.mulf %exp3A_685, %gather3A_751 : vector<16xf32>
        tpu.vector_store_idx %arg23[%add3A_652, %broadcast_in_dim3A_846], %mul3A_847 : memref<112x32xf32, #tpu.memory_space<vmem>>[vector<16xi32>, vector<16xi32>], vector<16xf32>,
        %broadcast_in_dim3A_848 = arith.constant 20 : i32
        %broadcast_in_dim3A_849 = vector.broadcast %broadcast_in_dim3A_848 : i32 to vector<16xi32>
        %mul3A_850 = arith.mulf %exp3A_685, %gather3A_754 : vector<16xf32>
        tpu.vector_store_idx %arg23[%add3A_652, %broadcast_in_dim3A_849], %mul3A_850 : memref<112x32xf32, #tpu.memory_space<vmem>>[vector<16xi32>, vector<16xi32>], vector<16xf32>,
        %broadcast_in_dim3A_851 = arith.constant 21 : i32
        %broadcast_in_dim3A_852 = vector.broadcast %broadcast_in_dim3A_851 : i32 to vector<16xi32>
        %mul3A_853 = arith.mulf %exp3A_685, %gather3A_757 : vector<16xf32>
        tpu.vector_store_idx %arg23[%add3A_652, %broadcast_in_dim3A_852], %mul3A_853 : memref<112x32xf32, #tpu.memory_space<vmem>>[vector<16xi32>, vector<16xi32>], vector<16xf32>,
        %broadcast_in_dim3A_854 = arith.constant 22 : i32
        %broadcast_in_dim3A_855 = vector.broadcast %broadcast_in_dim3A_854 : i32 to vector<16xi32>
        %mul3A_856 = arith.mulf %exp3A_685, %gather3A_760 : vector<16xf32>
        tpu.vector_store_idx %arg23[%add3A_652, %broadcast_in_dim3A_855], %mul3A_856 : memref<112x32xf32, #tpu.memory_space<vmem>>[vector<16xi32>, vector<16xi32>], vector<16xf32>,
        %broadcast_in_dim3A_857 = arith.constant 23 : i32
        %broadcast_in_dim3A_858 = vector.broadcast %broadcast_in_dim3A_857 : i32 to vector<16xi32>
        %mul3A_859 = arith.mulf %exp3A_685, %gather3A_763 : vector<16xf32>
        tpu.vector_store_idx %arg23[%add3A_652, %broadcast_in_dim3A_858], %mul3A_859 : memref<112x32xf32, #tpu.memory_space<vmem>>[vector<16xi32>, vector<16xi32>], vector<16xf32>,
        %broadcast_in_dim3A_860 = arith.constant 24 : i32
        %broadcast_in_dim3A_861 = vector.broadcast %broadcast_in_dim3A_860 : i32 to vector<16xi32>
        %mul3A_862 = arith.mulf %exp3A_685, %gather3A_766 : vector<16xf32>
        tpu.vector_store_idx %arg23[%add3A_652, %broadcast_in_dim3A_861], %mul3A_862 : memref<112x32xf32, #tpu.memory_space<vmem>>[vector<16xi32>, vector<16xi32>], vector<16xf32>,
        %broadcast_in_dim3A_863 = arith.constant 25 : i32
        %broadcast_in_dim3A_864 = vector.broadcast %broadcast_in_dim3A_863 : i32 to vector<16xi32>
        %mul3A_865 = arith.mulf %exp3A_685, %gather3A_769 : vector<16xf32>
        tpu.vector_store_idx %arg23[%add3A_652, %broadcast_in_dim3A_864], %mul3A_865 : memref<112x32xf32, #tpu.memory_space<vmem>>[vector<16xi32>, vector<16xi32>], vector<16xf32>,
        %broadcast_in_dim3A_866 = arith.constant 26 : i32
        %broadcast_in_dim3A_867 = vector.broadcast %broadcast_in_dim3A_866 : i32 to vector<16xi32>
        %mul3A_868 = arith.mulf %exp3A_685, %gather3A_772 : vector<16xf32>
        tpu.vector_store_idx %arg23[%add3A_652, %broadcast_in_dim3A_867], %mul3A_868 : memref<112x32xf32, #tpu.memory_space<vmem>>[vector<16xi32>, vector<16xi32>], vector<16xf32>,
        %broadcast_in_dim3A_869 = arith.constant 27 : i32
        %broadcast_in_dim3A_870 = vector.broadcast %broadcast_in_dim3A_869 : i32 to vector<16xi32>
        %mul3A_871 = arith.mulf %exp3A_685, %gather3A_775 : vector<16xf32>
        tpu.vector_store_idx %arg23[%add3A_652, %broadcast_in_dim3A_870], %mul3A_871 : memref<112x32xf32, #tpu.memory_space<vmem>>[vector<16xi32>, vector<16xi32>], vector<16xf32>,
        %broadcast_in_dim3A_872 = arith.constant 28 : i32
        %broadcast_in_dim3A_873 = vector.broadcast %broadcast_in_dim3A_872 : i32 to vector<16xi32>
        %mul3A_874 = arith.mulf %exp3A_685, %gather3A_778 : vector<16xf32>
        tpu.vector_store_idx %arg23[%add3A_652, %broadcast_in_dim3A_873], %mul3A_874 : memref<112x32xf32, #tpu.memory_space<vmem>>[vector<16xi32>, vector<16xi32>], vector<16xf32>,
        %broadcast_in_dim3A_875 = arith.constant 29 : i32
        %broadcast_in_dim3A_876 = vector.broadcast %broadcast_in_dim3A_875 : i32 to vector<16xi32>
        %mul3A_877 = arith.mulf %exp3A_685, %gather3A_781 : vector<16xf32>
        tpu.vector_store_idx %arg23[%add3A_652, %broadcast_in_dim3A_876], %mul3A_877 : memref<112x32xf32, #tpu.memory_space<vmem>>[vector<16xi32>, vector<16xi32>], vector<16xf32>,
        %broadcast_in_dim3A_878 = arith.constant 30 : i32
        %broadcast_in_dim3A_879 = vector.broadcast %broadcast_in_dim3A_878 : i32 to vector<16xi32>
        %mul3A_880 = arith.mulf %exp3A_685, %gather3A_784 : vector<16xf32>
        tpu.vector_store_idx %arg23[%add3A_652, %broadcast_in_dim3A_879], %mul3A_880 : memref<112x32xf32, #tpu.memory_space<vmem>>[vector<16xi32>, vector<16xi32>], vector<16xf32>,
        %broadcast_in_dim3A_881 = arith.constant 31 : i32
        %broadcast_in_dim3A_882 = vector.broadcast %broadcast_in_dim3A_881 : i32 to vector<16xi32>
        %mul3A_883 = arith.mulf %exp3A_685, %gather3A_787 : vector<16xf32>
        tpu.vector_store_idx %arg23[%add3A_652, %broadcast_in_dim3A_882], %mul3A_883 : memref<112x32xf32, #tpu.memory_space<vmem>>[vector<16xi32>, vector<16xi32>], vector<16xf32>,
        %scan3A_884 = arith.constant 0 : i32
        scf.yield %scan3A_884 : i32
      }
      %scan3A_516 = arith.constant 7 : i32
      %dma_start3A_517 = arith.constant 0 : i32
      %dma_start3A_518 = arith.constant 0 : i32
      %dma_start3A_519 = tpu.memref_slice %arg11[%dma_start3A_517, %dma_start3A_518] : memref<50008x32xf32, #tpu.memory_space<vmem_shared>> -> memref<50008x32xf32, #tpu.memory_space<vmem_shared>>
      tpu.enqueue_indirect_dma source(%arg23 : memref<112x32xf32, #tpu.memory_space<vmem>>) target(%dma_start3A_519 : memref<50008x32xf32, #tpu.memory_space<vmem_shared>>) offsets(%arg15 : memref<112xi32, #tpu.memory_space<vmem>>) semaphore(%arg29 : memref<!tpu.dma_semaphore, #tpu.memory_space<semaphore_mem>>) {add = true}
      %dma_start3A_520 = arith.constant 0 : i32
      %dma_start3A_521 = arith.constant 0 : i32
      %dma_start3A_522 = tpu.memref_slice %arg12[%dma_start3A_520, %dma_start3A_521] : memref<6256x16xf32, #tpu.memory_space<vmem_shared>> -> memref<6256x16xf32, #tpu.memory_space<vmem_shared>>
      tpu.enqueue_indirect_dma source(%arg24 : memref<112x16xf32, #tpu.memory_space<vmem>>) target(%dma_start3A_522 : memref<6256x16xf32, #tpu.memory_space<vmem_shared>>) offsets(%arg17 : memref<112xi32, #tpu.memory_space<vmem>>) semaphore(%arg29 : memref<!tpu.dma_semaphore, #tpu.memory_space<semaphore_mem>>) {add = true}
      %add3A_523 = arith.constant 1 : i32
      %add3A_524 = arith.addi %mul3A_402, %add3A_523 : i32
      %dma_wait3A_525 = arith.constant 0 : i32
      %dma_wait3A_526 = arith.constant 0 : i32
      %dma_wait3A_527 = arith.constant 0 : i32
      %dma_wait3A_528 = tpu.memref_slice %arg20[%dma_wait3A_526, %dma_wait3A_527] : memref<112x48xf32, #tpu.memory_space<vmem>> -> memref<32x48xf32, #tpu.memory_space<vmem>>
      %dma_wait3A_529 = arith.constant 0 : i32
      %dma_wait3A_530 = tpu.memref_slice %arg14[%dma_wait3A_525, %dma_wait3A_529] : memref<2x112xi32, #tpu.memory_space<vmem>> -> memref<1x32xi32, #tpu.memory_space<vmem>>
      %dma_wait3A_531 = tpu.memref_squeeze %dma_wait3A_530 : memref<1x32xi32, #tpu.memory_space<vmem>> -> memref<32xi32, #tpu.memory_space<vmem>>
      %dma_wait3A_532 = arith.constant 0 : i32
      %dma_wait3A_533 = arith.constant 0 : i32
      %dma_wait3A_534 = tpu.memref_slice %arg2[%dma_wait3A_532, %dma_wait3A_533] : memref<50000x48xf32, #tpu.memory_space<hbm>> -> memref<50000x48xf32, #tpu.memory_space<hbm>>
      tpu.wait_indirect_dma semaphore(%arg27 : memref<!tpu.dma_semaphore, #tpu.memory_space<semaphore_mem>>) src(%dma_wait3A_534 : memref<50000x48xf32, #tpu.memory_space<hbm>>) dst(%dma_wait3A_528 : memref<32x48xf32, #tpu.memory_space<vmem>>)
      %dma_wait3A_535 = arith.constant 0 : i32
      %dma_wait3A_536 = arith.constant 32 : i32
      %dma_wait3A_537 = arith.constant 0 : i32
      %dma_wait3A_538 = tpu.memref_slice %arg20[%dma_wait3A_536, %dma_wait3A_537] : memref<112x48xf32, #tpu.memory_space<vmem>> -> memref<32x48xf32, #tpu.memory_space<vmem>>
      %dma_wait3A_539 = arith.constant 32 : i32
      %dma_wait3A_540 = tpu.memref_slice %arg14[%dma_wait3A_535, %dma_wait3A_539] : memref<2x112xi32, #tpu.memory_space<vmem>> -> memref<1x32xi32, #tpu.memory_space<vmem>>
      %dma_wait3A_541 = tpu.memref_squeeze %dma_wait3A_540 : memref<1x32xi32, #tpu.memory_space<vmem>> -> memref<32xi32, #tpu.memory_space<vmem>>
      %dma_wait3A_542 = arith.constant 0 : i32
      %dma_wait3A_543 = arith.constant 0 : i32
      %dma_wait3A_544 = tpu.memref_slice %arg2[%dma_wait3A_542, %dma_wait3A_543] : memref<50000x48xf32, #tpu.memory_space<hbm>> -> memref<50000x48xf32, #tpu.memory_space<hbm>>
      tpu.wait_indirect_dma semaphore(%arg27 : memref<!tpu.dma_semaphore, #tpu.memory_space<semaphore_mem>>) src(%dma_wait3A_544 : memref<50000x48xf32, #tpu.memory_space<hbm>>) dst(%dma_wait3A_538 : memref<32x48xf32, #tpu.memory_space<vmem>>)
      %dma_wait3A_545 = arith.constant 0 : i32
      %dma_wait3A_546 = arith.constant 64 : i32
      %dma_wait3A_547 = arith.constant 0 : i32
      %dma_wait3A_548 = tpu.memref_slice %arg20[%dma_wait3A_546, %dma_wait3A_547] : memref<112x48xf32, #tpu.memory_space<vmem>> -> memref<32x48xf32, #tpu.memory_space<vmem>>
      %dma_wait3A_549 = arith.constant 64 : i32
      %dma_wait3A_550 = tpu.memref_slice %arg14[%dma_wait3A_545, %dma_wait3A_549] : memref<2x112xi32, #tpu.memory_space<vmem>> -> memref<1x32xi32, #tpu.memory_space<vmem>>
      %dma_wait3A_551 = tpu.memref_squeeze %dma_wait3A_550 : memref<1x32xi32, #tpu.memory_space<vmem>> -> memref<32xi32, #tpu.memory_space<vmem>>
      %dma_wait3A_552 = arith.constant 0 : i32
      %dma_wait3A_553 = arith.constant 0 : i32
      %dma_wait3A_554 = tpu.memref_slice %arg2[%dma_wait3A_552, %dma_wait3A_553] : memref<50000x48xf32, #tpu.memory_space<hbm>> -> memref<50000x48xf32, #tpu.memory_space<hbm>>
      tpu.wait_indirect_dma semaphore(%arg27 : memref<!tpu.dma_semaphore, #tpu.memory_space<semaphore_mem>>) src(%dma_wait3A_554 : memref<50000x48xf32, #tpu.memory_space<hbm>>) dst(%dma_wait3A_548 : memref<32x48xf32, #tpu.memory_space<vmem>>)
      %dma_wait3A_555 = arith.constant 0 : i32
      %dma_wait3A_556 = arith.constant 96 : i32
      %dma_wait3A_557 = arith.constant 0 : i32
      %dma_wait3A_558 = tpu.memref_slice %arg20[%dma_wait3A_556, %dma_wait3A_557] : memref<112x48xf32, #tpu.memory_space<vmem>> -> memref<16x48xf32, #tpu.memory_space<vmem>>
      %dma_wait3A_559 = arith.constant 96 : i32
      %dma_wait3A_560 = tpu.memref_slice %arg14[%dma_wait3A_555, %dma_wait3A_559] : memref<2x112xi32, #tpu.memory_space<vmem>> -> memref<1x16xi32, #tpu.memory_space<vmem>>
      %dma_wait3A_561 = tpu.memref_squeeze %dma_wait3A_560 : memref<1x16xi32, #tpu.memory_space<vmem>> -> memref<16xi32, #tpu.memory_space<vmem>>
      %dma_wait3A_562 = arith.constant 0 : i32
      %dma_wait3A_563 = arith.constant 0 : i32
      %dma_wait3A_564 = tpu.memref_slice %arg2[%dma_wait3A_562, %dma_wait3A_563] : memref<50000x48xf32, #tpu.memory_space<hbm>> -> memref<50000x48xf32, #tpu.memory_space<hbm>>
      tpu.wait_indirect_dma semaphore(%arg27 : memref<!tpu.dma_semaphore, #tpu.memory_space<semaphore_mem>>) src(%dma_wait3A_564 : memref<50000x48xf32, #tpu.memory_space<hbm>>) dst(%dma_wait3A_558 : memref<16x48xf32, #tpu.memory_space<vmem>>)
      %dma_wait3A_565 = arith.constant 1 : i32
      %dma_wait3A_566 = arith.constant 0 : i32
      %dma_wait3A_567 = arith.constant 0 : i32
      %dma_wait3A_568 = tpu.memref_slice %arg22[%dma_wait3A_566, %dma_wait3A_567] : memref<112x16xf32, #tpu.memory_space<vmem>> -> memref<56x16xf32, #tpu.memory_space<vmem>>
      %dma_wait3A_569 = arith.constant 0 : i32
      %dma_wait3A_570 = tpu.memref_slice %arg14[%dma_wait3A_565, %dma_wait3A_569] : memref<2x112xi32, #tpu.memory_space<vmem>> -> memref<1x56xi32, #tpu.memory_space<vmem>>
      %dma_wait3A_571 = tpu.memref_squeeze %dma_wait3A_570 : memref<1x56xi32, #tpu.memory_space<vmem>> -> memref<56xi32, #tpu.memory_space<vmem>>
      %dma_wait3A_572 = arith.constant 0 : i32
      %dma_wait3A_573 = arith.constant 0 : i32
      %dma_wait3A_574 = tpu.memref_slice %arg4[%dma_wait3A_572, %dma_wait3A_573] : memref<50000x16xf32, #tpu.memory_space<hbm>> -> memref<50000x16xf32, #tpu.memory_space<hbm>>
      tpu.wait_indirect_dma semaphore(%arg28 : memref<!tpu.dma_semaphore, #tpu.memory_space<semaphore_mem>>) src(%dma_wait3A_574 : memref<50000x16xf32, #tpu.memory_space<hbm>>) dst(%dma_wait3A_568 : memref<56x16xf32, #tpu.memory_space<vmem>>)
      %dma_wait3A_575 = arith.constant 1 : i32
      %dma_wait3A_576 = arith.constant 56 : i32
      %dma_wait3A_577 = arith.constant 0 : i32
      %dma_wait3A_578 = tpu.memref_slice %arg22[%dma_wait3A_576, %dma_wait3A_577] : memref<112x16xf32, #tpu.memory_space<vmem>> -> memref<56x16xf32, #tpu.memory_space<vmem>>
      %dma_wait3A_579 = arith.constant 56 : i32
      %dma_wait3A_580 = tpu.memref_slice %arg14[%dma_wait3A_575, %dma_wait3A_579] : memref<2x112xi32, #tpu.memory_space<vmem>> -> memref<1x56xi32, #tpu.memory_space<vmem>>
      %dma_wait3A_581 = tpu.memref_squeeze %dma_wait3A_580 : memref<1x56xi32, #tpu.memory_space<vmem>> -> memref<56xi32, #tpu.memory_space<vmem>>
      %dma_wait3A_582 = arith.constant 0 : i32
      %dma_wait3A_583 = arith.constant 0 : i32
      %dma_wait3A_584 = tpu.memref_slice %arg4[%dma_wait3A_582, %dma_wait3A_583] : memref<50000x16xf32, #tpu.memory_space<hbm>> -> memref<50000x16xf32, #tpu.memory_space<hbm>>
      tpu.wait_indirect_dma semaphore(%arg28 : memref<!tpu.dma_semaphore, #tpu.memory_space<semaphore_mem>>) src(%dma_wait3A_584 : memref<50000x16xf32, #tpu.memory_space<hbm>>) dst(%dma_wait3A_578 : memref<56x16xf32, #tpu.memory_space<vmem>>)
      %add3A_585 = arith.constant 1 : i32
      %add3A_586 = arith.addi %add3A_524, %add3A_585 : i32
      %mul3A_587 = arith.constant 50064 : i32
      %mul3A_588 = arith.muli %arg1, %mul3A_587 : i32
      %mul3A_589 = arith.constant 112 : i32
      %mul3A_590 = arith.muli %add3A_586, %mul3A_589 : i32
      %add3A_591 = arith.addi %mul3A_588, %mul3A_590 : i32
      %dma_wait3A_592 = arith.constant 0 : i32
      %dma_wait3A_593 = tpu.memref_slice %arg6[%dma_wait3A_592, %add3A_591] : memref<2x801024xi32, #tpu.memory_space<hbm>> -> memref<2x112xi32, #tpu.memory_space<hbm>>
      %dma_wait3A_594 = arith.constant 0 : i32
      %dma_wait3A_595 = tpu.memref_slice %arg6[%dma_wait3A_594, %add3A_591] : memref<2x801024xi32, #tpu.memory_space<hbm>> -> memref<2x112xi32, #tpu.memory_space<hbm>>
      tpu.wait_dma2 semaphore(%arg25 : memref<!tpu.dma_semaphore, #tpu.memory_space<semaphore_mem>>) src(%dma_wait3A_595 : memref<2x112xi32, #tpu.memory_space<hbm>>) dst(%arg13 : memref<2x112xi32, #tpu.memory_space<vmem>>)
      %eq3A_596 = arith.constant 0 : i32
      %eq3A_597 = arith.cmpi eq, %arg0, %eq3A_596 : i32
      %convert_element_type3A_598 = arith.extui %eq3A_597 : i1 to i32
      %cond3A_599 = arith.constant 0 : i32
      %cond3A_600 = arith.cmpi ne, %convert_element_type3A_598, %cond3A_599 : i32
      scf.if %cond3A_600 {
        %dma_start3A_647 = arith.constant 0 : i32
        %dma_start3A_648 = arith.constant 0 : i32
        %dma_start3A_649 = arith.constant 0 : i32
        %dma_start3A_650 = tpu.memref_slice %arg19[%dma_start3A_648, %dma_start3A_649] : memref<112x48xf32, #tpu.memory_space<vmem>> -> memref<32x48xf32, #tpu.memory_space<vmem>>
        %dma_start3A_651 = arith.constant 0 : i32
        %dma_start3A_652 = tpu.memref_slice %arg13[%dma_start3A_647, %dma_start3A_651] : memref<2x112xi32, #tpu.memory_space<vmem>> -> memref<1x32xi32, #tpu.memory_space<vmem>>
        %dma_start3A_653 = tpu.memref_squeeze %dma_start3A_652 : memref<1x32xi32, #tpu.memory_space<vmem>> -> memref<32xi32, #tpu.memory_space<vmem>>
        %dma_start3A_654 = arith.constant 0 : i32
        %dma_start3A_655 = arith.constant 0 : i32
        %dma_start3A_656 = tpu.memref_slice %arg2[%dma_start3A_654, %dma_start3A_655] : memref<50000x48xf32, #tpu.memory_space<hbm>> -> memref<50000x48xf32, #tpu.memory_space<hbm>>
        tpu.enqueue_indirect_dma source(%dma_start3A_656 : memref<50000x48xf32, #tpu.memory_space<hbm>>) target(%dma_start3A_650 : memref<32x48xf32, #tpu.memory_space<vmem>>) offsets(%dma_start3A_653 : memref<32xi32, #tpu.memory_space<vmem>>) semaphore(%arg27 : memref<!tpu.dma_semaphore, #tpu.memory_space<semaphore_mem>>)
        %dma_start3A_657 = arith.constant 0 : i32
        %dma_start3A_658 = arith.constant 32 : i32
        %dma_start3A_659 = arith.constant 0 : i32
        %dma_start3A_660 = tpu.memref_slice %arg19[%dma_start3A_658, %dma_start3A_659] : memref<112x48xf32, #tpu.memory_space<vmem>> -> memref<32x48xf32, #tpu.memory_space<vmem>>
        %dma_start3A_661 = arith.constant 32 : i32
        %dma_start3A_662 = tpu.memref_slice %arg13[%dma_start3A_657, %dma_start3A_661] : memref<2x112xi32, #tpu.memory_space<vmem>> -> memref<1x32xi32, #tpu.memory_space<vmem>>
        %dma_start3A_663 = tpu.memref_squeeze %dma_start3A_662 : memref<1x32xi32, #tpu.memory_space<vmem>> -> memref<32xi32, #tpu.memory_space<vmem>>
        %dma_start3A_664 = arith.constant 0 : i32
        %dma_start3A_665 = arith.constant 0 : i32
        %dma_start3A_666 = tpu.memref_slice %arg2[%dma_start3A_664, %dma_start3A_665] : memref<50000x48xf32, #tpu.memory_space<hbm>> -> memref<50000x48xf32, #tpu.memory_space<hbm>>
        tpu.enqueue_indirect_dma source(%dma_start3A_666 : memref<50000x48xf32, #tpu.memory_space<hbm>>) target(%dma_start3A_660 : memref<32x48xf32, #tpu.memory_space<vmem>>) offsets(%dma_start3A_663 : memref<32xi32, #tpu.memory_space<vmem>>) semaphore(%arg27 : memref<!tpu.dma_semaphore, #tpu.memory_space<semaphore_mem>>)
        %dma_start3A_667 = arith.constant 0 : i32
        %dma_start3A_668 = arith.constant 64 : i32
        %dma_start3A_669 = arith.constant 0 : i32
        %dma_start3A_670 = tpu.memref_slice %arg19[%dma_start3A_668, %dma_start3A_669] : memref<112x48xf32, #tpu.memory_space<vmem>> -> memref<32x48xf32, #tpu.memory_space<vmem>>
        %dma_start3A_671 = arith.constant 64 : i32
        %dma_start3A_672 = tpu.memref_slice %arg13[%dma_start3A_667, %dma_start3A_671] : memref<2x112xi32, #tpu.memory_space<vmem>> -> memref<1x32xi32, #tpu.memory_space<vmem>>
        %dma_start3A_673 = tpu.memref_squeeze %dma_start3A_672 : memref<1x32xi32, #tpu.memory_space<vmem>> -> memref<32xi32, #tpu.memory_space<vmem>>
        %dma_start3A_674 = arith.constant 0 : i32
        %dma_start3A_675 = arith.constant 0 : i32
        %dma_start3A_676 = tpu.memref_slice %arg2[%dma_start3A_674, %dma_start3A_675] : memref<50000x48xf32, #tpu.memory_space<hbm>> -> memref<50000x48xf32, #tpu.memory_space<hbm>>
        tpu.enqueue_indirect_dma source(%dma_start3A_676 : memref<50000x48xf32, #tpu.memory_space<hbm>>) target(%dma_start3A_670 : memref<32x48xf32, #tpu.memory_space<vmem>>) offsets(%dma_start3A_673 : memref<32xi32, #tpu.memory_space<vmem>>) semaphore(%arg27 : memref<!tpu.dma_semaphore, #tpu.memory_space<semaphore_mem>>)
        %dma_start3A_677 = arith.constant 0 : i32
        %dma_start3A_678 = arith.constant 96 : i32
        %dma_start3A_679 = arith.constant 0 : i32
        %dma_start3A_680 = tpu.memref_slice %arg19[%dma_start3A_678, %dma_start3A_679] : memref<112x48xf32, #tpu.memory_space<vmem>> -> memref<16x48xf32, #tpu.memory_space<vmem>>
        %dma_start3A_681 = arith.constant 96 : i32
        %dma_start3A_682 = tpu.memref_slice %arg13[%dma_start3A_677, %dma_start3A_681] : memref<2x112xi32, #tpu.memory_space<vmem>> -> memref<1x16xi32, #tpu.memory_space<vmem>>
        %dma_start3A_683 = tpu.memref_squeeze %dma_start3A_682 : memref<1x16xi32, #tpu.memory_space<vmem>> -> memref<16xi32, #tpu.memory_space<vmem>>
        %dma_start3A_684 = arith.constant 0 : i32
        %dma_start3A_685 = arith.constant 0 : i32
        %dma_start3A_686 = tpu.memref_slice %arg2[%dma_start3A_684, %dma_start3A_685] : memref<50000x48xf32, #tpu.memory_space<hbm>> -> memref<50000x48xf32, #tpu.memory_space<hbm>>
        tpu.enqueue_indirect_dma source(%dma_start3A_686 : memref<50000x48xf32, #tpu.memory_space<hbm>>) target(%dma_start3A_680 : memref<16x48xf32, #tpu.memory_space<vmem>>) offsets(%dma_start3A_683 : memref<16xi32, #tpu.memory_space<vmem>>) semaphore(%arg27 : memref<!tpu.dma_semaphore, #tpu.memory_space<semaphore_mem>>)
        %dma_start3A_687 = arith.constant 1 : i32
        %dma_start3A_688 = arith.constant 0 : i32
        %dma_start3A_689 = arith.constant 0 : i32
        %dma_start3A_690 = tpu.memref_slice %arg21[%dma_start3A_688, %dma_start3A_689] : memref<112x16xf32, #tpu.memory_space<vmem>> -> memref<56x16xf32, #tpu.memory_space<vmem>>
        %dma_start3A_691 = arith.constant 0 : i32
        %dma_start3A_692 = tpu.memref_slice %arg13[%dma_start3A_687, %dma_start3A_691] : memref<2x112xi32, #tpu.memory_space<vmem>> -> memref<1x56xi32, #tpu.memory_space<vmem>>
        %dma_start3A_693 = tpu.memref_squeeze %dma_start3A_692 : memref<1x56xi32, #tpu.memory_space<vmem>> -> memref<56xi32, #tpu.memory_space<vmem>>
        %dma_start3A_694 = arith.constant 0 : i32
        %dma_start3A_695 = arith.constant 0 : i32
        %dma_start3A_696 = tpu.memref_slice %arg4[%dma_start3A_694, %dma_start3A_695] : memref<50000x16xf32, #tpu.memory_space<hbm>> -> memref<50000x16xf32, #tpu.memory_space<hbm>>
        tpu.enqueue_indirect_dma source(%dma_start3A_696 : memref<50000x16xf32, #tpu.memory_space<hbm>>) target(%dma_start3A_690 : memref<56x16xf32, #tpu.memory_space<vmem>>) offsets(%dma_start3A_693 : memref<56xi32, #tpu.memory_space<vmem>>) semaphore(%arg28 : memref<!tpu.dma_semaphore, #tpu.memory_space<semaphore_mem>>)
        %dma_start3A_697 = arith.constant 1 : i32
        %dma_start3A_698 = arith.constant 56 : i32
        %dma_start3A_699 = arith.constant 0 : i32
        %dma_start3A_700 = tpu.memref_slice %arg21[%dma_start3A_698, %dma_start3A_699] : memref<112x16xf32, #tpu.memory_space<vmem>> -> memref<56x16xf32, #tpu.memory_space<vmem>>
        %dma_start3A_701 = arith.constant 56 : i32
        %dma_start3A_702 = tpu.memref_slice %arg13[%dma_start3A_697, %dma_start3A_701] : memref<2x112xi32, #tpu.memory_space<vmem>> -> memref<1x56xi32, #tpu.memory_space<vmem>>
        %dma_start3A_703 = tpu.memref_squeeze %dma_start3A_702 : memref<1x56xi32, #tpu.memory_space<vmem>> -> memref<56xi32, #tpu.memory_space<vmem>>
        %dma_start3A_704 = arith.constant 0 : i32
        %dma_start3A_705 = arith.constant 0 : i32
        %dma_start3A_706 = tpu.memref_slice %arg4[%dma_start3A_704, %dma_start3A_705] : memref<50000x16xf32, #tpu.memory_space<hbm>> -> memref<50000x16xf32, #tpu.memory_space<hbm>>
        tpu.enqueue_indirect_dma source(%dma_start3A_706 : memref<50000x16xf32, #tpu.memory_space<hbm>>) target(%dma_start3A_700 : memref<56x16xf32, #tpu.memory_space<vmem>>) offsets(%dma_start3A_703 : memref<56xi32, #tpu.memory_space<vmem>>) semaphore(%arg28 : memref<!tpu.dma_semaphore, #tpu.memory_space<semaphore_mem>>)
      } else {
      }
      %eq3A_601 = arith.constant 1 : i32
      %eq3A_602 = arith.cmpi eq, %arg0, %eq3A_601 : i32
      %convert_element_type3A_603 = arith.extui %eq3A_602 : i1 to i32
      %cond3A_604 = arith.constant 0 : i32
      %cond3A_605 = arith.cmpi ne, %convert_element_type3A_603, %cond3A_604 : i32
      scf.if %cond3A_605 {
        %dma_start3A_647 = arith.constant 0 : i32
        %dma_start3A_648 = arith.constant 0 : i32
        %dma_start3A_649 = arith.constant 0 : i32
        %dma_start3A_650 = tpu.memref_slice %arg19[%dma_start3A_648, %dma_start3A_649] : memref<112x48xf32, #tpu.memory_space<vmem>> -> memref<32x48xf32, #tpu.memory_space<vmem>>
        %dma_start3A_651 = arith.constant 0 : i32
        %dma_start3A_652 = tpu.memref_slice %arg13[%dma_start3A_647, %dma_start3A_651] : memref<2x112xi32, #tpu.memory_space<vmem>> -> memref<1x32xi32, #tpu.memory_space<vmem>>
        %dma_start3A_653 = tpu.memref_squeeze %dma_start3A_652 : memref<1x32xi32, #tpu.memory_space<vmem>> -> memref<32xi32, #tpu.memory_space<vmem>>
        %dma_start3A_654 = arith.constant 0 : i32
        %dma_start3A_655 = arith.constant 0 : i32
        %dma_start3A_656 = tpu.memref_slice %arg3[%dma_start3A_654, %dma_start3A_655] : memref<50000x48xf32, #tpu.memory_space<hbm>> -> memref<50000x48xf32, #tpu.memory_space<hbm>>
        tpu.enqueue_indirect_dma source(%dma_start3A_656 : memref<50000x48xf32, #tpu.memory_space<hbm>>) target(%dma_start3A_650 : memref<32x48xf32, #tpu.memory_space<vmem>>) offsets(%dma_start3A_653 : memref<32xi32, #tpu.memory_space<vmem>>) semaphore(%arg27 : memref<!tpu.dma_semaphore, #tpu.memory_space<semaphore_mem>>)
        %dma_start3A_657 = arith.constant 0 : i32
        %dma_start3A_658 = arith.constant 32 : i32
        %dma_start3A_659 = arith.constant 0 : i32
        %dma_start3A_660 = tpu.memref_slice %arg19[%dma_start3A_658, %dma_start3A_659] : memref<112x48xf32, #tpu.memory_space<vmem>> -> memref<32x48xf32, #tpu.memory_space<vmem>>
        %dma_start3A_661 = arith.constant 32 : i32
        %dma_start3A_662 = tpu.memref_slice %arg13[%dma_start3A_657, %dma_start3A_661] : memref<2x112xi32, #tpu.memory_space<vmem>> -> memref<1x32xi32, #tpu.memory_space<vmem>>
        %dma_start3A_663 = tpu.memref_squeeze %dma_start3A_662 : memref<1x32xi32, #tpu.memory_space<vmem>> -> memref<32xi32, #tpu.memory_space<vmem>>
        %dma_start3A_664 = arith.constant 0 : i32
        %dma_start3A_665 = arith.constant 0 : i32
        %dma_start3A_666 = tpu.memref_slice %arg3[%dma_start3A_664, %dma_start3A_665] : memref<50000x48xf32, #tpu.memory_space<hbm>> -> memref<50000x48xf32, #tpu.memory_space<hbm>>
        tpu.enqueue_indirect_dma source(%dma_start3A_666 : memref<50000x48xf32, #tpu.memory_space<hbm>>) target(%dma_start3A_660 : memref<32x48xf32, #tpu.memory_space<vmem>>) offsets(%dma_start3A_663 : memref<32xi32, #tpu.memory_space<vmem>>) semaphore(%arg27 : memref<!tpu.dma_semaphore, #tpu.memory_space<semaphore_mem>>)
        %dma_start3A_667 = arith.constant 0 : i32
        %dma_start3A_668 = arith.constant 64 : i32
        %dma_start3A_669 = arith.constant 0 : i32
        %dma_start3A_670 = tpu.memref_slice %arg19[%dma_start3A_668, %dma_start3A_669] : memref<112x48xf32, #tpu.memory_space<vmem>> -> memref<32x48xf32, #tpu.memory_space<vmem>>
        %dma_start3A_671 = arith.constant 64 : i32
        %dma_start3A_672 = tpu.memref_slice %arg13[%dma_start3A_667, %dma_start3A_671] : memref<2x112xi32, #tpu.memory_space<vmem>> -> memref<1x32xi32, #tpu.memory_space<vmem>>
        %dma_start3A_673 = tpu.memref_squeeze %dma_start3A_672 : memref<1x32xi32, #tpu.memory_space<vmem>> -> memref<32xi32, #tpu.memory_space<vmem>>
        %dma_start3A_674 = arith.constant 0 : i32
        %dma_start3A_675 = arith.constant 0 : i32
        %dma_start3A_676 = tpu.memref_slice %arg3[%dma_start3A_674, %dma_start3A_675] : memref<50000x48xf32, #tpu.memory_space<hbm>> -> memref<50000x48xf32, #tpu.memory_space<hbm>>
        tpu.enqueue_indirect_dma source(%dma_start3A_676 : memref<50000x48xf32, #tpu.memory_space<hbm>>) target(%dma_start3A_670 : memref<32x48xf32, #tpu.memory_space<vmem>>) offsets(%dma_start3A_673 : memref<32xi32, #tpu.memory_space<vmem>>) semaphore(%arg27 : memref<!tpu.dma_semaphore, #tpu.memory_space<semaphore_mem>>)
        %dma_start3A_677 = arith.constant 0 : i32
        %dma_start3A_678 = arith.constant 96 : i32
        %dma_start3A_679 = arith.constant 0 : i32
        %dma_start3A_680 = tpu.memref_slice %arg19[%dma_start3A_678, %dma_start3A_679] : memref<112x48xf32, #tpu.memory_space<vmem>> -> memref<16x48xf32, #tpu.memory_space<vmem>>
        %dma_start3A_681 = arith.constant 96 : i32
        %dma_start3A_682 = tpu.memref_slice %arg13[%dma_start3A_677, %dma_start3A_681] : memref<2x112xi32, #tpu.memory_space<vmem>> -> memref<1x16xi32, #tpu.memory_space<vmem>>
        %dma_start3A_683 = tpu.memref_squeeze %dma_start3A_682 : memref<1x16xi32, #tpu.memory_space<vmem>> -> memref<16xi32, #tpu.memory_space<vmem>>
        %dma_start3A_684 = arith.constant 0 : i32
        %dma_start3A_685 = arith.constant 0 : i32
        %dma_start3A_686 = tpu.memref_slice %arg3[%dma_start3A_684, %dma_start3A_685] : memref<50000x48xf32, #tpu.memory_space<hbm>> -> memref<50000x48xf32, #tpu.memory_space<hbm>>
        tpu.enqueue_indirect_dma source(%dma_start3A_686 : memref<50000x48xf32, #tpu.memory_space<hbm>>) target(%dma_start3A_680 : memref<16x48xf32, #tpu.memory_space<vmem>>) offsets(%dma_start3A_683 : memref<16xi32, #tpu.memory_space<vmem>>) semaphore(%arg27 : memref<!tpu.dma_semaphore, #tpu.memory_space<semaphore_mem>>)
        %dma_start3A_687 = arith.constant 1 : i32
        %dma_start3A_688 = arith.constant 0 : i32
        %dma_start3A_689 = arith.constant 0 : i32
        %dma_start3A_690 = tpu.memref_slice %arg21[%dma_start3A_688, %dma_start3A_689] : memref<112x16xf32, #tpu.memory_space<vmem>> -> memref<56x16xf32, #tpu.memory_space<vmem>>
        %dma_start3A_691 = arith.constant 0 : i32
        %dma_start3A_692 = tpu.memref_slice %arg13[%dma_start3A_687, %dma_start3A_691] : memref<2x112xi32, #tpu.memory_space<vmem>> -> memref<1x56xi32, #tpu.memory_space<vmem>>
        %dma_start3A_693 = tpu.memref_squeeze %dma_start3A_692 : memref<1x56xi32, #tpu.memory_space<vmem>> -> memref<56xi32, #tpu.memory_space<vmem>>
        %dma_start3A_694 = arith.constant 0 : i32
        %dma_start3A_695 = arith.constant 0 : i32
        %dma_start3A_696 = tpu.memref_slice %arg5[%dma_start3A_694, %dma_start3A_695] : memref<50000x16xf32, #tpu.memory_space<hbm>> -> memref<50000x16xf32, #tpu.memory_space<hbm>>
        tpu.enqueue_indirect_dma source(%dma_start3A_696 : memref<50000x16xf32, #tpu.memory_space<hbm>>) target(%dma_start3A_690 : memref<56x16xf32, #tpu.memory_space<vmem>>) offsets(%dma_start3A_693 : memref<56xi32, #tpu.memory_space<vmem>>) semaphore(%arg28 : memref<!tpu.dma_semaphore, #tpu.memory_space<semaphore_mem>>)
        %dma_start3A_697 = arith.constant 1 : i32
        %dma_start3A_698 = arith.constant 56 : i32
        %dma_start3A_699 = arith.constant 0 : i32
        %dma_start3A_700 = tpu.memref_slice %arg21[%dma_start3A_698, %dma_start3A_699] : memref<112x16xf32, #tpu.memory_space<vmem>> -> memref<56x16xf32, #tpu.memory_space<vmem>>
        %dma_start3A_701 = arith.constant 56 : i32
        %dma_start3A_702 = tpu.memref_slice %arg13[%dma_start3A_697, %dma_start3A_701] : memref<2x112xi32, #tpu.memory_space<vmem>> -> memref<1x56xi32, #tpu.memory_space<vmem>>
        %dma_start3A_703 = tpu.memref_squeeze %dma_start3A_702 : memref<1x56xi32, #tpu.memory_space<vmem>> -> memref<56xi32, #tpu.memory_space<vmem>>
        %dma_start3A_704 = arith.constant 0 : i32
        %dma_start3A_705 = arith.constant 0 : i32
        %dma_start3A_706 = tpu.memref_slice %arg5[%dma_start3A_704, %dma_start3A_705] : memref<50000x16xf32, #tpu.memory_space<hbm>> -> memref<50000x16xf32, #tpu.memory_space<hbm>>
        tpu.enqueue_indirect_dma source(%dma_start3A_706 : memref<50000x16xf32, #tpu.memory_space<hbm>>) target(%dma_start3A_700 : memref<56x16xf32, #tpu.memory_space<vmem>>) offsets(%dma_start3A_703 : memref<56xi32, #tpu.memory_space<vmem>>) semaphore(%arg28 : memref<!tpu.dma_semaphore, #tpu.memory_space<semaphore_mem>>)
      } else {
      }
      %scan3A_606 = arith.constant 0 : i32
      %scan3A_607 = arith.constant 0 : i32
      %scan3A_608 = arith.constant 7 : i32
      %scan3A_609 = arith.addi %scan3A_607, %scan3A_608 : i32
      %scan3A_610 = arith.constant 1 : i32
      %scan3A_611 = scf.for %scan3A_647 = %scan3A_607 to %scan3A_609 step %scan3A_610 iter_args(%scan3A_648 = %scan3A_606) -> (i32)  : i32 {
        %mul3A_649 = arith.constant 16 : i32
        %mul3A_650 = arith.muli %scan3A_647, %mul3A_649 : i32
        %get3A = arith.constant 1 : i32
        %get3A_651 = arith.index_cast %get3A : i32 to index
        %get3A_652 = arith.index_cast %mul3A_650 : i32 to index
        %get3A_653 = tpu.vector_load %arg14[%get3A_651, %get3A_652] {strides = array<i32>} : memref<2x112xi32, #tpu.memory_space<vmem>>, vector<16xi32>,
        %mul3A_654 = arith.constant 16 : i32
        %mul3A_655 = arith.muli %scan3A_647, %mul3A_654 : i32
        %swap3A = arith.index_cast %mul3A_655 : i32 to index
        %swap3A_656 = tpu.vector_load %arg16[%swap3A] {strides = array<i32>} : memref<112xi32, #tpu.memory_space<vmem>>, vector<16xi32>,
        tpu.vector_store %arg16[%swap3A], %get3A_653 {strides = array<i32>} : memref<112xi32, #tpu.memory_space<vmem>>, vector<16xi32>,
        %shift_right_logical3A = arith.constant 3 : i32
        %shift_right_logical3A_657 = vector.broadcast %shift_right_logical3A : i32 to vector<16xi32>
        %shift_right_logical3A_658 = arith.shrui %get3A_653, %shift_right_logical3A_657 : vector<16xi32>
        %mul3A_659 = arith.constant 16 : i32
        %mul3A_660 = arith.muli %scan3A_647, %mul3A_659 : i32
        %swap3A_661 = arith.index_cast %mul3A_660 : i32 to index
        %swap3A_662 = tpu.vector_load %arg18[%swap3A_661] {strides = array<i32>} : memref<112xi32, #tpu.memory_space<vmem>>, vector<16xi32>,
        tpu.vector_store %arg18[%swap3A_661], %shift_right_logical3A_658 {strides = array<i32>} : memref<112xi32, #tpu.memory_space<vmem>>, vector<16xi32>,
        %scan3A_663 = arith.constant 0 : i32
        scf.yield %scan3A_663 : i32
      }
      %scan3A_612 = arith.constant 7 : i32
      %add3A_613 = arith.constant 2 : i32
      %add3A_614 = arith.addi %add3A_524, %add3A_613 : i32
      %lt3A_615 = arith.constant 447 : i32
      %lt3A_616 = arith.cmpi slt, %add3A_614, %lt3A_615 : i32
      %convert_element_type3A_617 = arith.extui %lt3A_616 : i1 to i32
      %cond3A_618 = arith.constant 0 : i32
      %cond3A_619 = arith.cmpi ne, %convert_element_type3A_617, %cond3A_618 : i32
      scf.if %cond3A_619 {
        %add3A_647 = arith.constant 2 : i32
        %add3A_648 = arith.addi %add3A_524, %add3A_647 : i32
        %mul3A_649 = arith.constant 50064 : i32
        %mul3A_650 = arith.muli %arg1, %mul3A_649 : i32
        %mul3A_651 = arith.constant 112 : i32
        %mul3A_652 = arith.muli %add3A_648, %mul3A_651 : i32
        %add3A_653 = arith.addi %mul3A_650, %mul3A_652 : i32
        %dma_start3A_654 = arith.constant 0 : i32
        %dma_start3A_655 = tpu.memref_slice %arg6[%dma_start3A_654, %add3A_653] : memref<2x801024xi32, #tpu.memory_space<hbm>> -> memref<2x112xi32, #tpu.memory_space<hbm>>
        %dma_start3A_656 = arith.constant 0 : i32
        %dma_start3A_657 = tpu.memref_slice %arg6[%dma_start3A_656, %add3A_653] : memref<2x801024xi32, #tpu.memory_space<hbm>> -> memref<2x112xi32, #tpu.memory_space<hbm>>
        tpu.enqueue_dma source(%dma_start3A_657 : memref<2x112xi32, #tpu.memory_space<hbm>>) target(%arg14 : memref<2x112xi32, #tpu.memory_space<vmem>>) target_semaphore(%arg26 : memref<!tpu.dma_semaphore, #tpu.memory_space<semaphore_mem>>)
      } else {
      }
      %dma_wait3A_620 = arith.constant 0 : i32
      %dma_wait3A_621 = arith.constant 0 : i32
      %dma_wait3A_622 = tpu.memref_slice %arg11[%dma_wait3A_620, %dma_wait3A_621] : memref<50008x32xf32, #tpu.memory_space<vmem_shared>> -> memref<50008x32xf32, #tpu.memory_space<vmem_shared>>
      tpu.wait_indirect_dma semaphore(%arg29 : memref<!tpu.dma_semaphore, #tpu.memory_space<semaphore_mem>>) src(%arg23 : memref<112x32xf32, #tpu.memory_space<vmem>>) dst(%dma_wait3A_622 : memref<50008x32xf32, #tpu.memory_space<vmem_shared>>)
      %dma_wait3A_623 = arith.constant 0 : i32
      %dma_wait3A_624 = arith.constant 0 : i32
      %dma_wait3A_625 = tpu.memref_slice %arg12[%dma_wait3A_623, %dma_wait3A_624] : memref<6256x16xf32, #tpu.memory_space<vmem_shared>> -> memref<6256x16xf32, #tpu.memory_space<vmem_shared>>
      tpu.wait_indirect_dma semaphore(%arg29 : memref<!tpu.dma_semaphore, #tpu.memory_space<semaphore_mem>>) src(%arg24 : memref<112x16xf32, #tpu.memory_space<vmem>>) dst(%dma_wait3A_625 : memref<6256x16xf32, #tpu.memory_space<vmem_shared>>)
      %scan3A_626 = arith.constant 0 : i32
      %scan3A_627 = arith.constant 0 : i32
      %scan3A_628 = arith.constant 112 : i32
      %scan3A_629 = arith.addi %scan3A_627, %scan3A_628 : i32
      %scan3A_630 = arith.constant 1 : i32
      %scan3A_631 = scf.for %scan3A_647 = %scan3A_627 to %scan3A_629 step %scan3A_630 iter_args(%scan3A_648 = %scan3A_626) -> (i32)  : i32 {
        %swap3A = arith.index_cast %scan3A_647 : i32 to index
        %swap3A_649 = arith.constant 0 : index
        %swap3A_650 = tpu.vector_load %arg24[%swap3A, %swap3A_649] {strides = array<i32>} : memref<112x16xf32, #tpu.memory_space<vmem>>, vector<16xf32>,
        tpu.vector_store %arg24[%swap3A, %swap3A_649], %broadcast_in_dim3A_0 {strides = array<i32>} : memref<112x16xf32, #tpu.memory_space<vmem>>, vector<16xf32>,
        %scan3A_651 = arith.constant 0 : i32
        scf.yield %scan3A_651 : i32
      }
      %scan3A_632 = arith.constant 112 : i32
      %scan3A_633 = arith.constant 0 : i32
      %scan3A_634 = arith.constant 0 : i32
      %scan3A_635 = arith.constant 7 : i32
      %scan3A_636 = arith.addi %scan3A_634, %scan3A_635 : i32
      %scan3A_637 = arith.constant 1 : i32
      %scan3A_638 = scf.for %scan3A_647 = %scan3A_634 to %scan3A_636 step %scan3A_637 iter_args(%scan3A_648 = %scan3A_633) -> (i32)  : i32 {
        %mul3A_649 = arith.constant 16 : i32
        %mul3A_650 = arith.muli %scan3A_647, %mul3A_649 : i32
        %add3A_651 = vector.broadcast %mul3A_650 : i32 to vector<16xi32>
        %add3A_652 = arith.addi %add3A_651, %iota3A : vector<16xi32>
        %mul3A_653 = arith.constant 16 : i32
        %mul3A_654 = arith.muli %scan3A_647, %mul3A_653 : i32
        %get3A = arith.index_cast %mul3A_654 : i32 to index
        %get3A_655 = tpu.vector_load %arg16[%get3A] {strides = array<i32>} : memref<112xi32, #tpu.memory_space<vmem>>, vector<16xi32>,
        %broadcast_in_dim3A_656 = arith.constant 7 : i32
        %broadcast_in_dim3A_657 = vector.broadcast %broadcast_in_dim3A_656 : i32 to vector<16xi32>
        %and3A = arith.andi %get3A_655, %broadcast_in_dim3A_657 : vector<16xi32>
        %shift_left3A = arith.constant 1 : i32
        %shift_left3A_658 = vector.broadcast %shift_left3A : i32 to vector<16xi32>
        %shift_left3A_659 = arith.shli %and3A, %shift_left3A_658 : vector<16xi32>
        %broadcast_in_dim3A_660 = arith.constant 32 : i32
        %broadcast_in_dim3A_661 = vector.broadcast %broadcast_in_dim3A_660 : i32 to vector<16xi32>
        %gather3A = tpu.vector_load_idx %arg20[%add3A_652, %broadcast_in_dim3A_661] : memref<112x48xf32, #tpu.memory_space<vmem>>[vector<16xi32>, vector<16xi32>], vector<16xf32>,
        %broadcast_in_dim3A_662 = arith.constant 0 : i32
        %broadcast_in_dim3A_663 = vector.broadcast %broadcast_in_dim3A_662 : i32 to vector<16xi32>
        %gather3A_664 = tpu.vector_load_idx %arg22[%add3A_652, %broadcast_in_dim3A_663] : memref<112x16xf32, #tpu.memory_space<vmem>>[vector<16xi32>, vector<16xi32>], vector<16xf32>,
        %add3A_665 = arith.addf %gather3A, %gather3A_664 : vector<16xf32>
        %gt3A = arith.constant 0.000000e+00 : f32
        %gt3A_666 = vector.broadcast %gt3A : f32 to vector<16xf32>
        %gt3A_667 = arith.cmpf ogt, %add3A_665, %gt3A_666 : vector<16xf32>
        %mul3A_668 = arith.constant 2.000000e-01 : f32
        %mul3A_669 = vector.broadcast %mul3A_668 : f32 to vector<16xf32>
        %mul3A_670 = arith.mulf %mul3A_669, %add3A_665 : vector<16xf32>
        %select_n3A = arith.select %gt3A_667, %add3A_665, %mul3A_670 : vector<16xi1>, vector<16xf32>
        %exp3A = math.exp %select_n3A : vector<16xf32>
        %broadcast_in_dim3A_671 = arith.constant 33 : i32
        %broadcast_in_dim3A_672 = vector.broadcast %broadcast_in_dim3A_671 : i32 to vector<16xi32>
        %gather3A_673 = tpu.vector_load_idx %arg20[%add3A_652, %broadcast_in_dim3A_672] : memref<112x48xf32, #tpu.memory_space<vmem>>[vector<16xi32>, vector<16xi32>], vector<16xf32>,
        %broadcast_in_dim3A_674 = arith.constant 1 : i32
        %broadcast_in_dim3A_675 = vector.broadcast %broadcast_in_dim3A_674 : i32 to vector<16xi32>
        %gather3A_676 = tpu.vector_load_idx %arg22[%add3A_652, %broadcast_in_dim3A_675] : memref<112x16xf32, #tpu.memory_space<vmem>>[vector<16xi32>, vector<16xi32>], vector<16xf32>,
        %add3A_677 = arith.addf %gather3A_673, %gather3A_676 : vector<16xf32>
        %gt3A_678 = arith.constant 0.000000e+00 : f32
        %gt3A_679 = vector.broadcast %gt3A_678 : f32 to vector<16xf32>
        %gt3A_680 = arith.cmpf ogt, %add3A_677, %gt3A_679 : vector<16xf32>
        %mul3A_681 = arith.constant 2.000000e-01 : f32
        %mul3A_682 = vector.broadcast %mul3A_681 : f32 to vector<16xf32>
        %mul3A_683 = arith.mulf %mul3A_682, %add3A_677 : vector<16xf32>
        %select_n3A_684 = arith.select %gt3A_680, %add3A_677, %mul3A_683 : vector<16xi1>, vector<16xf32>
        %exp3A_685 = math.exp %select_n3A_684 : vector<16xf32>
        %add3A_686 = arith.constant 0 : i32
        %add3A_687 = vector.broadcast %add3A_686 : i32 to vector<16xi32>
        %add3A_688 = arith.addi %shift_left3A_659, %add3A_687 : vector<16xi32>
        tpu.vector_store_idx %arg24[%add3A_652, %add3A_688], %exp3A : memref<112x16xf32, #tpu.memory_space<vmem>>[vector<16xi32>, vector<16xi32>], vector<16xf32>,
        %add3A_689 = arith.constant 1 : i32
        %add3A_690 = vector.broadcast %add3A_689 : i32 to vector<16xi32>
        %add3A_691 = arith.addi %shift_left3A_659, %add3A_690 : vector<16xi32>
        tpu.vector_store_idx %arg24[%add3A_652, %add3A_691], %exp3A_685 : memref<112x16xf32, #tpu.memory_space<vmem>>[vector<16xi32>, vector<16xi32>], vector<16xf32>,
        %broadcast_in_dim3A_692 = arith.constant 0 : i32
        %broadcast_in_dim3A_693 = vector.broadcast %broadcast_in_dim3A_692 : i32 to vector<16xi32>
        %gather3A_694 = tpu.vector_load_idx %arg20[%add3A_652, %broadcast_in_dim3A_693] : memref<112x48xf32, #tpu.memory_space<vmem>>[vector<16xi32>, vector<16xi32>], vector<16xf32>,
        %broadcast_in_dim3A_695 = arith.constant 1 : i32
        %broadcast_in_dim3A_696 = vector.broadcast %broadcast_in_dim3A_695 : i32 to vector<16xi32>
        %gather3A_697 = tpu.vector_load_idx %arg20[%add3A_652, %broadcast_in_dim3A_696] : memref<112x48xf32, #tpu.memory_space<vmem>>[vector<16xi32>, vector<16xi32>], vector<16xf32>,
        %broadcast_in_dim3A_698 = arith.constant 2 : i32
        %broadcast_in_dim3A_699 = vector.broadcast %broadcast_in_dim3A_698 : i32 to vector<16xi32>
        %gather3A_700 = tpu.vector_load_idx %arg20[%add3A_652, %broadcast_in_dim3A_699] : memref<112x48xf32, #tpu.memory_space<vmem>>[vector<16xi32>, vector<16xi32>], vector<16xf32>,
        %broadcast_in_dim3A_701 = arith.constant 3 : i32
        %broadcast_in_dim3A_702 = vector.broadcast %broadcast_in_dim3A_701 : i32 to vector<16xi32>
        %gather3A_703 = tpu.vector_load_idx %arg20[%add3A_652, %broadcast_in_dim3A_702] : memref<112x48xf32, #tpu.memory_space<vmem>>[vector<16xi32>, vector<16xi32>], vector<16xf32>,
        %broadcast_in_dim3A_704 = arith.constant 4 : i32
        %broadcast_in_dim3A_705 = vector.broadcast %broadcast_in_dim3A_704 : i32 to vector<16xi32>
        %gather3A_706 = tpu.vector_load_idx %arg20[%add3A_652, %broadcast_in_dim3A_705] : memref<112x48xf32, #tpu.memory_space<vmem>>[vector<16xi32>, vector<16xi32>], vector<16xf32>,
        %broadcast_in_dim3A_707 = arith.constant 5 : i32
        %broadcast_in_dim3A_708 = vector.broadcast %broadcast_in_dim3A_707 : i32 to vector<16xi32>
        %gather3A_709 = tpu.vector_load_idx %arg20[%add3A_652, %broadcast_in_dim3A_708] : memref<112x48xf32, #tpu.memory_space<vmem>>[vector<16xi32>, vector<16xi32>], vector<16xf32>,
        %broadcast_in_dim3A_710 = arith.constant 6 : i32
        %broadcast_in_dim3A_711 = vector.broadcast %broadcast_in_dim3A_710 : i32 to vector<16xi32>
        %gather3A_712 = tpu.vector_load_idx %arg20[%add3A_652, %broadcast_in_dim3A_711] : memref<112x48xf32, #tpu.memory_space<vmem>>[vector<16xi32>, vector<16xi32>], vector<16xf32>,
        %broadcast_in_dim3A_713 = arith.constant 7 : i32
        %broadcast_in_dim3A_714 = vector.broadcast %broadcast_in_dim3A_713 : i32 to vector<16xi32>
        %gather3A_715 = tpu.vector_load_idx %arg20[%add3A_652, %broadcast_in_dim3A_714] : memref<112x48xf32, #tpu.memory_space<vmem>>[vector<16xi32>, vector<16xi32>], vector<16xf32>,
        %broadcast_in_dim3A_716 = arith.constant 8 : i32
        %broadcast_in_dim3A_717 = vector.broadcast %broadcast_in_dim3A_716 : i32 to vector<16xi32>
        %gather3A_718 = tpu.vector_load_idx %arg20[%add3A_652, %broadcast_in_dim3A_717] : memref<112x48xf32, #tpu.memory_space<vmem>>[vector<16xi32>, vector<16xi32>], vector<16xf32>,
        %broadcast_in_dim3A_719 = arith.constant 9 : i32
        %broadcast_in_dim3A_720 = vector.broadcast %broadcast_in_dim3A_719 : i32 to vector<16xi32>
        %gather3A_721 = tpu.vector_load_idx %arg20[%add3A_652, %broadcast_in_dim3A_720] : memref<112x48xf32, #tpu.memory_space<vmem>>[vector<16xi32>, vector<16xi32>], vector<16xf32>,
        %broadcast_in_dim3A_722 = arith.constant 10 : i32
        %broadcast_in_dim3A_723 = vector.broadcast %broadcast_in_dim3A_722 : i32 to vector<16xi32>
        %gather3A_724 = tpu.vector_load_idx %arg20[%add3A_652, %broadcast_in_dim3A_723] : memref<112x48xf32, #tpu.memory_space<vmem>>[vector<16xi32>, vector<16xi32>], vector<16xf32>,
        %broadcast_in_dim3A_725 = arith.constant 11 : i32
        %broadcast_in_dim3A_726 = vector.broadcast %broadcast_in_dim3A_725 : i32 to vector<16xi32>
        %gather3A_727 = tpu.vector_load_idx %arg20[%add3A_652, %broadcast_in_dim3A_726] : memref<112x48xf32, #tpu.memory_space<vmem>>[vector<16xi32>, vector<16xi32>], vector<16xf32>,
        %broadcast_in_dim3A_728 = arith.constant 12 : i32
        %broadcast_in_dim3A_729 = vector.broadcast %broadcast_in_dim3A_728 : i32 to vector<16xi32>
        %gather3A_730 = tpu.vector_load_idx %arg20[%add3A_652, %broadcast_in_dim3A_729] : memref<112x48xf32, #tpu.memory_space<vmem>>[vector<16xi32>, vector<16xi32>], vector<16xf32>,
        %broadcast_in_dim3A_731 = arith.constant 13 : i32
        %broadcast_in_dim3A_732 = vector.broadcast %broadcast_in_dim3A_731 : i32 to vector<16xi32>
        %gather3A_733 = tpu.vector_load_idx %arg20[%add3A_652, %broadcast_in_dim3A_732] : memref<112x48xf32, #tpu.memory_space<vmem>>[vector<16xi32>, vector<16xi32>], vector<16xf32>,
        %broadcast_in_dim3A_734 = arith.constant 14 : i32
        %broadcast_in_dim3A_735 = vector.broadcast %broadcast_in_dim3A_734 : i32 to vector<16xi32>
        %gather3A_736 = tpu.vector_load_idx %arg20[%add3A_652, %broadcast_in_dim3A_735] : memref<112x48xf32, #tpu.memory_space<vmem>>[vector<16xi32>, vector<16xi32>], vector<16xf32>,
        %broadcast_in_dim3A_737 = arith.constant 15 : i32
        %broadcast_in_dim3A_738 = vector.broadcast %broadcast_in_dim3A_737 : i32 to vector<16xi32>
        %gather3A_739 = tpu.vector_load_idx %arg20[%add3A_652, %broadcast_in_dim3A_738] : memref<112x48xf32, #tpu.memory_space<vmem>>[vector<16xi32>, vector<16xi32>], vector<16xf32>,
        %broadcast_in_dim3A_740 = arith.constant 16 : i32
        %broadcast_in_dim3A_741 = vector.broadcast %broadcast_in_dim3A_740 : i32 to vector<16xi32>
        %gather3A_742 = tpu.vector_load_idx %arg20[%add3A_652, %broadcast_in_dim3A_741] : memref<112x48xf32, #tpu.memory_space<vmem>>[vector<16xi32>, vector<16xi32>], vector<16xf32>,
        %broadcast_in_dim3A_743 = arith.constant 17 : i32
        %broadcast_in_dim3A_744 = vector.broadcast %broadcast_in_dim3A_743 : i32 to vector<16xi32>
        %gather3A_745 = tpu.vector_load_idx %arg20[%add3A_652, %broadcast_in_dim3A_744] : memref<112x48xf32, #tpu.memory_space<vmem>>[vector<16xi32>, vector<16xi32>], vector<16xf32>,
        %broadcast_in_dim3A_746 = arith.constant 18 : i32
        %broadcast_in_dim3A_747 = vector.broadcast %broadcast_in_dim3A_746 : i32 to vector<16xi32>
        %gather3A_748 = tpu.vector_load_idx %arg20[%add3A_652, %broadcast_in_dim3A_747] : memref<112x48xf32, #tpu.memory_space<vmem>>[vector<16xi32>, vector<16xi32>], vector<16xf32>,
        %broadcast_in_dim3A_749 = arith.constant 19 : i32
        %broadcast_in_dim3A_750 = vector.broadcast %broadcast_in_dim3A_749 : i32 to vector<16xi32>
        %gather3A_751 = tpu.vector_load_idx %arg20[%add3A_652, %broadcast_in_dim3A_750] : memref<112x48xf32, #tpu.memory_space<vmem>>[vector<16xi32>, vector<16xi32>], vector<16xf32>,
        %broadcast_in_dim3A_752 = arith.constant 20 : i32
        %broadcast_in_dim3A_753 = vector.broadcast %broadcast_in_dim3A_752 : i32 to vector<16xi32>
        %gather3A_754 = tpu.vector_load_idx %arg20[%add3A_652, %broadcast_in_dim3A_753] : memref<112x48xf32, #tpu.memory_space<vmem>>[vector<16xi32>, vector<16xi32>], vector<16xf32>,
        %broadcast_in_dim3A_755 = arith.constant 21 : i32
        %broadcast_in_dim3A_756 = vector.broadcast %broadcast_in_dim3A_755 : i32 to vector<16xi32>
        %gather3A_757 = tpu.vector_load_idx %arg20[%add3A_652, %broadcast_in_dim3A_756] : memref<112x48xf32, #tpu.memory_space<vmem>>[vector<16xi32>, vector<16xi32>], vector<16xf32>,
        %broadcast_in_dim3A_758 = arith.constant 22 : i32
        %broadcast_in_dim3A_759 = vector.broadcast %broadcast_in_dim3A_758 : i32 to vector<16xi32>
        %gather3A_760 = tpu.vector_load_idx %arg20[%add3A_652, %broadcast_in_dim3A_759] : memref<112x48xf32, #tpu.memory_space<vmem>>[vector<16xi32>, vector<16xi32>], vector<16xf32>,
        %broadcast_in_dim3A_761 = arith.constant 23 : i32
        %broadcast_in_dim3A_762 = vector.broadcast %broadcast_in_dim3A_761 : i32 to vector<16xi32>
        %gather3A_763 = tpu.vector_load_idx %arg20[%add3A_652, %broadcast_in_dim3A_762] : memref<112x48xf32, #tpu.memory_space<vmem>>[vector<16xi32>, vector<16xi32>], vector<16xf32>,
        %broadcast_in_dim3A_764 = arith.constant 24 : i32
        %broadcast_in_dim3A_765 = vector.broadcast %broadcast_in_dim3A_764 : i32 to vector<16xi32>
        %gather3A_766 = tpu.vector_load_idx %arg20[%add3A_652, %broadcast_in_dim3A_765] : memref<112x48xf32, #tpu.memory_space<vmem>>[vector<16xi32>, vector<16xi32>], vector<16xf32>,
        %broadcast_in_dim3A_767 = arith.constant 25 : i32
        %broadcast_in_dim3A_768 = vector.broadcast %broadcast_in_dim3A_767 : i32 to vector<16xi32>
        %gather3A_769 = tpu.vector_load_idx %arg20[%add3A_652, %broadcast_in_dim3A_768] : memref<112x48xf32, #tpu.memory_space<vmem>>[vector<16xi32>, vector<16xi32>], vector<16xf32>,
        %broadcast_in_dim3A_770 = arith.constant 26 : i32
        %broadcast_in_dim3A_771 = vector.broadcast %broadcast_in_dim3A_770 : i32 to vector<16xi32>
        %gather3A_772 = tpu.vector_load_idx %arg20[%add3A_652, %broadcast_in_dim3A_771] : memref<112x48xf32, #tpu.memory_space<vmem>>[vector<16xi32>, vector<16xi32>], vector<16xf32>,
        %broadcast_in_dim3A_773 = arith.constant 27 : i32
        %broadcast_in_dim3A_774 = vector.broadcast %broadcast_in_dim3A_773 : i32 to vector<16xi32>
        %gather3A_775 = tpu.vector_load_idx %arg20[%add3A_652, %broadcast_in_dim3A_774] : memref<112x48xf32, #tpu.memory_space<vmem>>[vector<16xi32>, vector<16xi32>], vector<16xf32>,
        %broadcast_in_dim3A_776 = arith.constant 28 : i32
        %broadcast_in_dim3A_777 = vector.broadcast %broadcast_in_dim3A_776 : i32 to vector<16xi32>
        %gather3A_778 = tpu.vector_load_idx %arg20[%add3A_652, %broadcast_in_dim3A_777] : memref<112x48xf32, #tpu.memory_space<vmem>>[vector<16xi32>, vector<16xi32>], vector<16xf32>,
        %broadcast_in_dim3A_779 = arith.constant 29 : i32
        %broadcast_in_dim3A_780 = vector.broadcast %broadcast_in_dim3A_779 : i32 to vector<16xi32>
        %gather3A_781 = tpu.vector_load_idx %arg20[%add3A_652, %broadcast_in_dim3A_780] : memref<112x48xf32, #tpu.memory_space<vmem>>[vector<16xi32>, vector<16xi32>], vector<16xf32>,
        %broadcast_in_dim3A_782 = arith.constant 30 : i32
        %broadcast_in_dim3A_783 = vector.broadcast %broadcast_in_dim3A_782 : i32 to vector<16xi32>
        %gather3A_784 = tpu.vector_load_idx %arg20[%add3A_652, %broadcast_in_dim3A_783] : memref<112x48xf32, #tpu.memory_space<vmem>>[vector<16xi32>, vector<16xi32>], vector<16xf32>,
        %broadcast_in_dim3A_785 = arith.constant 31 : i32
        %broadcast_in_dim3A_786 = vector.broadcast %broadcast_in_dim3A_785 : i32 to vector<16xi32>
        %gather3A_787 = tpu.vector_load_idx %arg20[%add3A_652, %broadcast_in_dim3A_786] : memref<112x48xf32, #tpu.memory_space<vmem>>[vector<16xi32>, vector<16xi32>], vector<16xf32>,
        %broadcast_in_dim3A_788 = arith.constant 0 : i32
        %broadcast_in_dim3A_789 = vector.broadcast %broadcast_in_dim3A_788 : i32 to vector<16xi32>
        %mul3A_790 = arith.mulf %exp3A, %gather3A_694 : vector<16xf32>
        tpu.vector_store_idx %arg23[%add3A_652, %broadcast_in_dim3A_789], %mul3A_790 : memref<112x32xf32, #tpu.memory_space<vmem>>[vector<16xi32>, vector<16xi32>], vector<16xf32>,
        %broadcast_in_dim3A_791 = arith.constant 1 : i32
        %broadcast_in_dim3A_792 = vector.broadcast %broadcast_in_dim3A_791 : i32 to vector<16xi32>
        %mul3A_793 = arith.mulf %exp3A, %gather3A_697 : vector<16xf32>
        tpu.vector_store_idx %arg23[%add3A_652, %broadcast_in_dim3A_792], %mul3A_793 : memref<112x32xf32, #tpu.memory_space<vmem>>[vector<16xi32>, vector<16xi32>], vector<16xf32>,
        %broadcast_in_dim3A_794 = arith.constant 2 : i32
        %broadcast_in_dim3A_795 = vector.broadcast %broadcast_in_dim3A_794 : i32 to vector<16xi32>
        %mul3A_796 = arith.mulf %exp3A, %gather3A_700 : vector<16xf32>
        tpu.vector_store_idx %arg23[%add3A_652, %broadcast_in_dim3A_795], %mul3A_796 : memref<112x32xf32, #tpu.memory_space<vmem>>[vector<16xi32>, vector<16xi32>], vector<16xf32>,
        %broadcast_in_dim3A_797 = arith.constant 3 : i32
        %broadcast_in_dim3A_798 = vector.broadcast %broadcast_in_dim3A_797 : i32 to vector<16xi32>
        %mul3A_799 = arith.mulf %exp3A, %gather3A_703 : vector<16xf32>
        tpu.vector_store_idx %arg23[%add3A_652, %broadcast_in_dim3A_798], %mul3A_799 : memref<112x32xf32, #tpu.memory_space<vmem>>[vector<16xi32>, vector<16xi32>], vector<16xf32>,
        %broadcast_in_dim3A_800 = arith.constant 4 : i32
        %broadcast_in_dim3A_801 = vector.broadcast %broadcast_in_dim3A_800 : i32 to vector<16xi32>
        %mul3A_802 = arith.mulf %exp3A, %gather3A_706 : vector<16xf32>
        tpu.vector_store_idx %arg23[%add3A_652, %broadcast_in_dim3A_801], %mul3A_802 : memref<112x32xf32, #tpu.memory_space<vmem>>[vector<16xi32>, vector<16xi32>], vector<16xf32>,
        %broadcast_in_dim3A_803 = arith.constant 5 : i32
        %broadcast_in_dim3A_804 = vector.broadcast %broadcast_in_dim3A_803 : i32 to vector<16xi32>
        %mul3A_805 = arith.mulf %exp3A, %gather3A_709 : vector<16xf32>
        tpu.vector_store_idx %arg23[%add3A_652, %broadcast_in_dim3A_804], %mul3A_805 : memref<112x32xf32, #tpu.memory_space<vmem>>[vector<16xi32>, vector<16xi32>], vector<16xf32>,
        %broadcast_in_dim3A_806 = arith.constant 6 : i32
        %broadcast_in_dim3A_807 = vector.broadcast %broadcast_in_dim3A_806 : i32 to vector<16xi32>
        %mul3A_808 = arith.mulf %exp3A, %gather3A_712 : vector<16xf32>
        tpu.vector_store_idx %arg23[%add3A_652, %broadcast_in_dim3A_807], %mul3A_808 : memref<112x32xf32, #tpu.memory_space<vmem>>[vector<16xi32>, vector<16xi32>], vector<16xf32>,
        %broadcast_in_dim3A_809 = arith.constant 7 : i32
        %broadcast_in_dim3A_810 = vector.broadcast %broadcast_in_dim3A_809 : i32 to vector<16xi32>
        %mul3A_811 = arith.mulf %exp3A, %gather3A_715 : vector<16xf32>
        tpu.vector_store_idx %arg23[%add3A_652, %broadcast_in_dim3A_810], %mul3A_811 : memref<112x32xf32, #tpu.memory_space<vmem>>[vector<16xi32>, vector<16xi32>], vector<16xf32>,
        %broadcast_in_dim3A_812 = arith.constant 8 : i32
        %broadcast_in_dim3A_813 = vector.broadcast %broadcast_in_dim3A_812 : i32 to vector<16xi32>
        %mul3A_814 = arith.mulf %exp3A, %gather3A_718 : vector<16xf32>
        tpu.vector_store_idx %arg23[%add3A_652, %broadcast_in_dim3A_813], %mul3A_814 : memref<112x32xf32, #tpu.memory_space<vmem>>[vector<16xi32>, vector<16xi32>], vector<16xf32>,
        %broadcast_in_dim3A_815 = arith.constant 9 : i32
        %broadcast_in_dim3A_816 = vector.broadcast %broadcast_in_dim3A_815 : i32 to vector<16xi32>
        %mul3A_817 = arith.mulf %exp3A, %gather3A_721 : vector<16xf32>
        tpu.vector_store_idx %arg23[%add3A_652, %broadcast_in_dim3A_816], %mul3A_817 : memref<112x32xf32, #tpu.memory_space<vmem>>[vector<16xi32>, vector<16xi32>], vector<16xf32>,
        %broadcast_in_dim3A_818 = arith.constant 10 : i32
        %broadcast_in_dim3A_819 = vector.broadcast %broadcast_in_dim3A_818 : i32 to vector<16xi32>
        %mul3A_820 = arith.mulf %exp3A, %gather3A_724 : vector<16xf32>
        tpu.vector_store_idx %arg23[%add3A_652, %broadcast_in_dim3A_819], %mul3A_820 : memref<112x32xf32, #tpu.memory_space<vmem>>[vector<16xi32>, vector<16xi32>], vector<16xf32>,
        %broadcast_in_dim3A_821 = arith.constant 11 : i32
        %broadcast_in_dim3A_822 = vector.broadcast %broadcast_in_dim3A_821 : i32 to vector<16xi32>
        %mul3A_823 = arith.mulf %exp3A, %gather3A_727 : vector<16xf32>
        tpu.vector_store_idx %arg23[%add3A_652, %broadcast_in_dim3A_822], %mul3A_823 : memref<112x32xf32, #tpu.memory_space<vmem>>[vector<16xi32>, vector<16xi32>], vector<16xf32>,
        %broadcast_in_dim3A_824 = arith.constant 12 : i32
        %broadcast_in_dim3A_825 = vector.broadcast %broadcast_in_dim3A_824 : i32 to vector<16xi32>
        %mul3A_826 = arith.mulf %exp3A, %gather3A_730 : vector<16xf32>
        tpu.vector_store_idx %arg23[%add3A_652, %broadcast_in_dim3A_825], %mul3A_826 : memref<112x32xf32, #tpu.memory_space<vmem>>[vector<16xi32>, vector<16xi32>], vector<16xf32>,
        %broadcast_in_dim3A_827 = arith.constant 13 : i32
        %broadcast_in_dim3A_828 = vector.broadcast %broadcast_in_dim3A_827 : i32 to vector<16xi32>
        %mul3A_829 = arith.mulf %exp3A, %gather3A_733 : vector<16xf32>
        tpu.vector_store_idx %arg23[%add3A_652, %broadcast_in_dim3A_828], %mul3A_829 : memref<112x32xf32, #tpu.memory_space<vmem>>[vector<16xi32>, vector<16xi32>], vector<16xf32>,
        %broadcast_in_dim3A_830 = arith.constant 14 : i32
        %broadcast_in_dim3A_831 = vector.broadcast %broadcast_in_dim3A_830 : i32 to vector<16xi32>
        %mul3A_832 = arith.mulf %exp3A, %gather3A_736 : vector<16xf32>
        tpu.vector_store_idx %arg23[%add3A_652, %broadcast_in_dim3A_831], %mul3A_832 : memref<112x32xf32, #tpu.memory_space<vmem>>[vector<16xi32>, vector<16xi32>], vector<16xf32>,
        %broadcast_in_dim3A_833 = arith.constant 15 : i32
        %broadcast_in_dim3A_834 = vector.broadcast %broadcast_in_dim3A_833 : i32 to vector<16xi32>
        %mul3A_835 = arith.mulf %exp3A, %gather3A_739 : vector<16xf32>
        tpu.vector_store_idx %arg23[%add3A_652, %broadcast_in_dim3A_834], %mul3A_835 : memref<112x32xf32, #tpu.memory_space<vmem>>[vector<16xi32>, vector<16xi32>], vector<16xf32>,
        %broadcast_in_dim3A_836 = arith.constant 16 : i32
        %broadcast_in_dim3A_837 = vector.broadcast %broadcast_in_dim3A_836 : i32 to vector<16xi32>
        %mul3A_838 = arith.mulf %exp3A_685, %gather3A_742 : vector<16xf32>
        tpu.vector_store_idx %arg23[%add3A_652, %broadcast_in_dim3A_837], %mul3A_838 : memref<112x32xf32, #tpu.memory_space<vmem>>[vector<16xi32>, vector<16xi32>], vector<16xf32>,
        %broadcast_in_dim3A_839 = arith.constant 17 : i32
        %broadcast_in_dim3A_840 = vector.broadcast %broadcast_in_dim3A_839 : i32 to vector<16xi32>
        %mul3A_841 = arith.mulf %exp3A_685, %gather3A_745 : vector<16xf32>
        tpu.vector_store_idx %arg23[%add3A_652, %broadcast_in_dim3A_840], %mul3A_841 : memref<112x32xf32, #tpu.memory_space<vmem>>[vector<16xi32>, vector<16xi32>], vector<16xf32>,
        %broadcast_in_dim3A_842 = arith.constant 18 : i32
        %broadcast_in_dim3A_843 = vector.broadcast %broadcast_in_dim3A_842 : i32 to vector<16xi32>
        %mul3A_844 = arith.mulf %exp3A_685, %gather3A_748 : vector<16xf32>
        tpu.vector_store_idx %arg23[%add3A_652, %broadcast_in_dim3A_843], %mul3A_844 : memref<112x32xf32, #tpu.memory_space<vmem>>[vector<16xi32>, vector<16xi32>], vector<16xf32>,
        %broadcast_in_dim3A_845 = arith.constant 19 : i32
        %broadcast_in_dim3A_846 = vector.broadcast %broadcast_in_dim3A_845 : i32 to vector<16xi32>
        %mul3A_847 = arith.mulf %exp3A_685, %gather3A_751 : vector<16xf32>
        tpu.vector_store_idx %arg23[%add3A_652, %broadcast_in_dim3A_846], %mul3A_847 : memref<112x32xf32, #tpu.memory_space<vmem>>[vector<16xi32>, vector<16xi32>], vector<16xf32>,
        %broadcast_in_dim3A_848 = arith.constant 20 : i32
        %broadcast_in_dim3A_849 = vector.broadcast %broadcast_in_dim3A_848 : i32 to vector<16xi32>
        %mul3A_850 = arith.mulf %exp3A_685, %gather3A_754 : vector<16xf32>
        tpu.vector_store_idx %arg23[%add3A_652, %broadcast_in_dim3A_849], %mul3A_850 : memref<112x32xf32, #tpu.memory_space<vmem>>[vector<16xi32>, vector<16xi32>], vector<16xf32>,
        %broadcast_in_dim3A_851 = arith.constant 21 : i32
        %broadcast_in_dim3A_852 = vector.broadcast %broadcast_in_dim3A_851 : i32 to vector<16xi32>
        %mul3A_853 = arith.mulf %exp3A_685, %gather3A_757 : vector<16xf32>
        tpu.vector_store_idx %arg23[%add3A_652, %broadcast_in_dim3A_852], %mul3A_853 : memref<112x32xf32, #tpu.memory_space<vmem>>[vector<16xi32>, vector<16xi32>], vector<16xf32>,
        %broadcast_in_dim3A_854 = arith.constant 22 : i32
        %broadcast_in_dim3A_855 = vector.broadcast %broadcast_in_dim3A_854 : i32 to vector<16xi32>
        %mul3A_856 = arith.mulf %exp3A_685, %gather3A_760 : vector<16xf32>
        tpu.vector_store_idx %arg23[%add3A_652, %broadcast_in_dim3A_855], %mul3A_856 : memref<112x32xf32, #tpu.memory_space<vmem>>[vector<16xi32>, vector<16xi32>], vector<16xf32>,
        %broadcast_in_dim3A_857 = arith.constant 23 : i32
        %broadcast_in_dim3A_858 = vector.broadcast %broadcast_in_dim3A_857 : i32 to vector<16xi32>
        %mul3A_859 = arith.mulf %exp3A_685, %gather3A_763 : vector<16xf32>
        tpu.vector_store_idx %arg23[%add3A_652, %broadcast_in_dim3A_858], %mul3A_859 : memref<112x32xf32, #tpu.memory_space<vmem>>[vector<16xi32>, vector<16xi32>], vector<16xf32>,
        %broadcast_in_dim3A_860 = arith.constant 24 : i32
        %broadcast_in_dim3A_861 = vector.broadcast %broadcast_in_dim3A_860 : i32 to vector<16xi32>
        %mul3A_862 = arith.mulf %exp3A_685, %gather3A_766 : vector<16xf32>
        tpu.vector_store_idx %arg23[%add3A_652, %broadcast_in_dim3A_861], %mul3A_862 : memref<112x32xf32, #tpu.memory_space<vmem>>[vector<16xi32>, vector<16xi32>], vector<16xf32>,
        %broadcast_in_dim3A_863 = arith.constant 25 : i32
        %broadcast_in_dim3A_864 = vector.broadcast %broadcast_in_dim3A_863 : i32 to vector<16xi32>
        %mul3A_865 = arith.mulf %exp3A_685, %gather3A_769 : vector<16xf32>
        tpu.vector_store_idx %arg23[%add3A_652, %broadcast_in_dim3A_864], %mul3A_865 : memref<112x32xf32, #tpu.memory_space<vmem>>[vector<16xi32>, vector<16xi32>], vector<16xf32>,
        %broadcast_in_dim3A_866 = arith.constant 26 : i32
        %broadcast_in_dim3A_867 = vector.broadcast %broadcast_in_dim3A_866 : i32 to vector<16xi32>
        %mul3A_868 = arith.mulf %exp3A_685, %gather3A_772 : vector<16xf32>
        tpu.vector_store_idx %arg23[%add3A_652, %broadcast_in_dim3A_867], %mul3A_868 : memref<112x32xf32, #tpu.memory_space<vmem>>[vector<16xi32>, vector<16xi32>], vector<16xf32>,
        %broadcast_in_dim3A_869 = arith.constant 27 : i32
        %broadcast_in_dim3A_870 = vector.broadcast %broadcast_in_dim3A_869 : i32 to vector<16xi32>
        %mul3A_871 = arith.mulf %exp3A_685, %gather3A_775 : vector<16xf32>
        tpu.vector_store_idx %arg23[%add3A_652, %broadcast_in_dim3A_870], %mul3A_871 : memref<112x32xf32, #tpu.memory_space<vmem>>[vector<16xi32>, vector<16xi32>], vector<16xf32>,
        %broadcast_in_dim3A_872 = arith.constant 28 : i32
        %broadcast_in_dim3A_873 = vector.broadcast %broadcast_in_dim3A_872 : i32 to vector<16xi32>
        %mul3A_874 = arith.mulf %exp3A_685, %gather3A_778 : vector<16xf32>
        tpu.vector_store_idx %arg23[%add3A_652, %broadcast_in_dim3A_873], %mul3A_874 : memref<112x32xf32, #tpu.memory_space<vmem>>[vector<16xi32>, vector<16xi32>], vector<16xf32>,
        %broadcast_in_dim3A_875 = arith.constant 29 : i32
        %broadcast_in_dim3A_876 = vector.broadcast %broadcast_in_dim3A_875 : i32 to vector<16xi32>
        %mul3A_877 = arith.mulf %exp3A_685, %gather3A_781 : vector<16xf32>
        tpu.vector_store_idx %arg23[%add3A_652, %broadcast_in_dim3A_876], %mul3A_877 : memref<112x32xf32, #tpu.memory_space<vmem>>[vector<16xi32>, vector<16xi32>], vector<16xf32>,
        %broadcast_in_dim3A_878 = arith.constant 30 : i32
        %broadcast_in_dim3A_879 = vector.broadcast %broadcast_in_dim3A_878 : i32 to vector<16xi32>
        %mul3A_880 = arith.mulf %exp3A_685, %gather3A_784 : vector<16xf32>
        tpu.vector_store_idx %arg23[%add3A_652, %broadcast_in_dim3A_879], %mul3A_880 : memref<112x32xf32, #tpu.memory_space<vmem>>[vector<16xi32>, vector<16xi32>], vector<16xf32>,
        %broadcast_in_dim3A_881 = arith.constant 31 : i32
        %broadcast_in_dim3A_882 = vector.broadcast %broadcast_in_dim3A_881 : i32 to vector<16xi32>
        %mul3A_883 = arith.mulf %exp3A_685, %gather3A_787 : vector<16xf32>
        tpu.vector_store_idx %arg23[%add3A_652, %broadcast_in_dim3A_882], %mul3A_883 : memref<112x32xf32, #tpu.memory_space<vmem>>[vector<16xi32>, vector<16xi32>], vector<16xf32>,
        %scan3A_884 = arith.constant 0 : i32
        scf.yield %scan3A_884 : i32
      }
      %scan3A_639 = arith.constant 7 : i32
      %dma_start3A_640 = arith.constant 0 : i32
      %dma_start3A_641 = arith.constant 0 : i32
      %dma_start3A_642 = tpu.memref_slice %arg11[%dma_start3A_640, %dma_start3A_641] : memref<50008x32xf32, #tpu.memory_space<vmem_shared>> -> memref<50008x32xf32, #tpu.memory_space<vmem_shared>>
      tpu.enqueue_indirect_dma source(%arg23 : memref<112x32xf32, #tpu.memory_space<vmem>>) target(%dma_start3A_642 : memref<50008x32xf32, #tpu.memory_space<vmem_shared>>) offsets(%arg16 : memref<112xi32, #tpu.memory_space<vmem>>) semaphore(%arg29 : memref<!tpu.dma_semaphore, #tpu.memory_space<semaphore_mem>>) {add = true}
      %dma_start3A_643 = arith.constant 0 : i32
      %dma_start3A_644 = arith.constant 0 : i32
      %dma_start3A_645 = tpu.memref_slice %arg12[%dma_start3A_643, %dma_start3A_644] : memref<6256x16xf32, #tpu.memory_space<vmem_shared>> -> memref<6256x16xf32, #tpu.memory_space<vmem_shared>>
      tpu.enqueue_indirect_dma source(%arg24 : memref<112x16xf32, #tpu.memory_space<vmem>>) target(%dma_start3A_645 : memref<6256x16xf32, #tpu.memory_space<vmem_shared>>) offsets(%arg18 : memref<112xi32, #tpu.memory_space<vmem>>) semaphore(%arg29 : memref<!tpu.dma_semaphore, #tpu.memory_space<semaphore_mem>>) {add = true}
      %scan3A_646 = arith.constant 0 : i32
      scf.yield %scan3A_646 : i32
    }
    %scan3A_284 = arith.constant 222 : i32
    %dma_wait3A_285 = arith.constant 0 : i32
    %dma_wait3A_286 = arith.constant 0 : i32
    %dma_wait3A_287 = arith.constant 0 : i32
    %dma_wait3A_288 = tpu.memref_slice %arg19[%dma_wait3A_286, %dma_wait3A_287] : memref<112x48xf32, #tpu.memory_space<vmem>> -> memref<32x48xf32, #tpu.memory_space<vmem>>
    %dma_wait3A_289 = arith.constant 0 : i32
    %dma_wait3A_290 = tpu.memref_slice %arg13[%dma_wait3A_285, %dma_wait3A_289] : memref<2x112xi32, #tpu.memory_space<vmem>> -> memref<1x32xi32, #tpu.memory_space<vmem>>
    %dma_wait3A_291 = tpu.memref_squeeze %dma_wait3A_290 : memref<1x32xi32, #tpu.memory_space<vmem>> -> memref<32xi32, #tpu.memory_space<vmem>>
    %dma_wait3A_292 = arith.constant 0 : i32
    %dma_wait3A_293 = arith.constant 0 : i32
    %dma_wait3A_294 = tpu.memref_slice %arg2[%dma_wait3A_292, %dma_wait3A_293] : memref<50000x48xf32, #tpu.memory_space<hbm>> -> memref<50000x48xf32, #tpu.memory_space<hbm>>
    tpu.wait_indirect_dma semaphore(%arg27 : memref<!tpu.dma_semaphore, #tpu.memory_space<semaphore_mem>>) src(%dma_wait3A_294 : memref<50000x48xf32, #tpu.memory_space<hbm>>) dst(%dma_wait3A_288 : memref<32x48xf32, #tpu.memory_space<vmem>>)
    %dma_wait3A_295 = arith.constant 0 : i32
    %dma_wait3A_296 = arith.constant 32 : i32
    %dma_wait3A_297 = arith.constant 0 : i32
    %dma_wait3A_298 = tpu.memref_slice %arg19[%dma_wait3A_296, %dma_wait3A_297] : memref<112x48xf32, #tpu.memory_space<vmem>> -> memref<32x48xf32, #tpu.memory_space<vmem>>
    %dma_wait3A_299 = arith.constant 32 : i32
    %dma_wait3A_300 = tpu.memref_slice %arg13[%dma_wait3A_295, %dma_wait3A_299] : memref<2x112xi32, #tpu.memory_space<vmem>> -> memref<1x32xi32, #tpu.memory_space<vmem>>
    %dma_wait3A_301 = tpu.memref_squeeze %dma_wait3A_300 : memref<1x32xi32, #tpu.memory_space<vmem>> -> memref<32xi32, #tpu.memory_space<vmem>>
    %dma_wait3A_302 = arith.constant 0 : i32
    %dma_wait3A_303 = arith.constant 0 : i32
    %dma_wait3A_304 = tpu.memref_slice %arg2[%dma_wait3A_302, %dma_wait3A_303] : memref<50000x48xf32, #tpu.memory_space<hbm>> -> memref<50000x48xf32, #tpu.memory_space<hbm>>
    tpu.wait_indirect_dma semaphore(%arg27 : memref<!tpu.dma_semaphore, #tpu.memory_space<semaphore_mem>>) src(%dma_wait3A_304 : memref<50000x48xf32, #tpu.memory_space<hbm>>) dst(%dma_wait3A_298 : memref<32x48xf32, #tpu.memory_space<vmem>>)
    %dma_wait3A_305 = arith.constant 0 : i32
    %dma_wait3A_306 = arith.constant 64 : i32
    %dma_wait3A_307 = arith.constant 0 : i32
    %dma_wait3A_308 = tpu.memref_slice %arg19[%dma_wait3A_306, %dma_wait3A_307] : memref<112x48xf32, #tpu.memory_space<vmem>> -> memref<32x48xf32, #tpu.memory_space<vmem>>
    %dma_wait3A_309 = arith.constant 64 : i32
    %dma_wait3A_310 = tpu.memref_slice %arg13[%dma_wait3A_305, %dma_wait3A_309] : memref<2x112xi32, #tpu.memory_space<vmem>> -> memref<1x32xi32, #tpu.memory_space<vmem>>
    %dma_wait3A_311 = tpu.memref_squeeze %dma_wait3A_310 : memref<1x32xi32, #tpu.memory_space<vmem>> -> memref<32xi32, #tpu.memory_space<vmem>>
    %dma_wait3A_312 = arith.constant 0 : i32
    %dma_wait3A_313 = arith.constant 0 : i32
    %dma_wait3A_314 = tpu.memref_slice %arg2[%dma_wait3A_312, %dma_wait3A_313] : memref<50000x48xf32, #tpu.memory_space<hbm>> -> memref<50000x48xf32, #tpu.memory_space<hbm>>
    tpu.wait_indirect_dma semaphore(%arg27 : memref<!tpu.dma_semaphore, #tpu.memory_space<semaphore_mem>>) src(%dma_wait3A_314 : memref<50000x48xf32, #tpu.memory_space<hbm>>) dst(%dma_wait3A_308 : memref<32x48xf32, #tpu.memory_space<vmem>>)
    %dma_wait3A_315 = arith.constant 0 : i32
    %dma_wait3A_316 = arith.constant 96 : i32
    %dma_wait3A_317 = arith.constant 0 : i32
    %dma_wait3A_318 = tpu.memref_slice %arg19[%dma_wait3A_316, %dma_wait3A_317] : memref<112x48xf32, #tpu.memory_space<vmem>> -> memref<16x48xf32, #tpu.memory_space<vmem>>
    %dma_wait3A_319 = arith.constant 96 : i32
    %dma_wait3A_320 = tpu.memref_slice %arg13[%dma_wait3A_315, %dma_wait3A_319] : memref<2x112xi32, #tpu.memory_space<vmem>> -> memref<1x16xi32, #tpu.memory_space<vmem>>
    %dma_wait3A_321 = tpu.memref_squeeze %dma_wait3A_320 : memref<1x16xi32, #tpu.memory_space<vmem>> -> memref<16xi32, #tpu.memory_space<vmem>>
    %dma_wait3A_322 = arith.constant 0 : i32
    %dma_wait3A_323 = arith.constant 0 : i32
    %dma_wait3A_324 = tpu.memref_slice %arg2[%dma_wait3A_322, %dma_wait3A_323] : memref<50000x48xf32, #tpu.memory_space<hbm>> -> memref<50000x48xf32, #tpu.memory_space<hbm>>
    tpu.wait_indirect_dma semaphore(%arg27 : memref<!tpu.dma_semaphore, #tpu.memory_space<semaphore_mem>>) src(%dma_wait3A_324 : memref<50000x48xf32, #tpu.memory_space<hbm>>) dst(%dma_wait3A_318 : memref<16x48xf32, #tpu.memory_space<vmem>>)
    %dma_wait3A_325 = arith.constant 1 : i32
    %dma_wait3A_326 = arith.constant 0 : i32
    %dma_wait3A_327 = arith.constant 0 : i32
    %dma_wait3A_328 = tpu.memref_slice %arg21[%dma_wait3A_326, %dma_wait3A_327] : memref<112x16xf32, #tpu.memory_space<vmem>> -> memref<56x16xf32, #tpu.memory_space<vmem>>
    %dma_wait3A_329 = arith.constant 0 : i32
    %dma_wait3A_330 = tpu.memref_slice %arg13[%dma_wait3A_325, %dma_wait3A_329] : memref<2x112xi32, #tpu.memory_space<vmem>> -> memref<1x56xi32, #tpu.memory_space<vmem>>
    %dma_wait3A_331 = tpu.memref_squeeze %dma_wait3A_330 : memref<1x56xi32, #tpu.memory_space<vmem>> -> memref<56xi32, #tpu.memory_space<vmem>>
    %dma_wait3A_332 = arith.constant 0 : i32
    %dma_wait3A_333 = arith.constant 0 : i32
    %dma_wait3A_334 = tpu.memref_slice %arg4[%dma_wait3A_332, %dma_wait3A_333] : memref<50000x16xf32, #tpu.memory_space<hbm>> -> memref<50000x16xf32, #tpu.memory_space<hbm>>
    tpu.wait_indirect_dma semaphore(%arg28 : memref<!tpu.dma_semaphore, #tpu.memory_space<semaphore_mem>>) src(%dma_wait3A_334 : memref<50000x16xf32, #tpu.memory_space<hbm>>) dst(%dma_wait3A_328 : memref<56x16xf32, #tpu.memory_space<vmem>>)
    %dma_wait3A_335 = arith.constant 1 : i32
    %dma_wait3A_336 = arith.constant 56 : i32
    %dma_wait3A_337 = arith.constant 0 : i32
    %dma_wait3A_338 = tpu.memref_slice %arg21[%dma_wait3A_336, %dma_wait3A_337] : memref<112x16xf32, #tpu.memory_space<vmem>> -> memref<56x16xf32, #tpu.memory_space<vmem>>
    %dma_wait3A_339 = arith.constant 56 : i32
    %dma_wait3A_340 = tpu.memref_slice %arg13[%dma_wait3A_335, %dma_wait3A_339] : memref<2x112xi32, #tpu.memory_space<vmem>> -> memref<1x56xi32, #tpu.memory_space<vmem>>
    %dma_wait3A_341 = tpu.memref_squeeze %dma_wait3A_340 : memref<1x56xi32, #tpu.memory_space<vmem>> -> memref<56xi32, #tpu.memory_space<vmem>>
    %dma_wait3A_342 = arith.constant 0 : i32
    %dma_wait3A_343 = arith.constant 0 : i32
    %dma_wait3A_344 = tpu.memref_slice %arg4[%dma_wait3A_342, %dma_wait3A_343] : memref<50000x16xf32, #tpu.memory_space<hbm>> -> memref<50000x16xf32, #tpu.memory_space<hbm>>
    tpu.wait_indirect_dma semaphore(%arg28 : memref<!tpu.dma_semaphore, #tpu.memory_space<semaphore_mem>>) src(%dma_wait3A_344 : memref<50000x16xf32, #tpu.memory_space<hbm>>) dst(%dma_wait3A_338 : memref<56x16xf32, #tpu.memory_space<vmem>>)
    %scan3A_345 = arith.constant 0 : i32
    %scan3A_346 = arith.constant 0 : i32
    %scan3A_347 = arith.constant 7 : i32
    %scan3A_348 = arith.addi %scan3A_346, %scan3A_347 : i32
    %scan3A_349 = arith.constant 1 : i32
    %scan3A_350 = scf.for %scan3A_399 = %scan3A_346 to %scan3A_348 step %scan3A_349 iter_args(%scan3A_400 = %scan3A_345) -> (i32)  : i32 {
      %mul3A_401 = arith.constant 16 : i32
      %mul3A_402 = arith.muli %scan3A_399, %mul3A_401 : i32
      %get3A = arith.constant 1 : i32
      %get3A_403 = arith.index_cast %get3A : i32 to index
      %get3A_404 = arith.index_cast %mul3A_402 : i32 to index
      %get3A_405 = tpu.vector_load %arg13[%get3A_403, %get3A_404] {strides = array<i32>} : memref<2x112xi32, #tpu.memory_space<vmem>>, vector<16xi32>,
      %mul3A_406 = arith.constant 16 : i32
      %mul3A_407 = arith.muli %scan3A_399, %mul3A_406 : i32
      %swap3A = arith.index_cast %mul3A_407 : i32 to index
      %swap3A_408 = tpu.vector_load %arg15[%swap3A] {strides = array<i32>} : memref<112xi32, #tpu.memory_space<vmem>>, vector<16xi32>,
      tpu.vector_store %arg15[%swap3A], %get3A_405 {strides = array<i32>} : memref<112xi32, #tpu.memory_space<vmem>>, vector<16xi32>,
      %shift_right_logical3A = arith.constant 3 : i32
      %shift_right_logical3A_409 = vector.broadcast %shift_right_logical3A : i32 to vector<16xi32>
      %shift_right_logical3A_410 = arith.shrui %get3A_405, %shift_right_logical3A_409 : vector<16xi32>
      %mul3A_411 = arith.constant 16 : i32
      %mul3A_412 = arith.muli %scan3A_399, %mul3A_411 : i32
      %swap3A_413 = arith.index_cast %mul3A_412 : i32 to index
      %swap3A_414 = tpu.vector_load %arg17[%swap3A_413] {strides = array<i32>} : memref<112xi32, #tpu.memory_space<vmem>>, vector<16xi32>,
      tpu.vector_store %arg17[%swap3A_413], %shift_right_logical3A_410 {strides = array<i32>} : memref<112xi32, #tpu.memory_space<vmem>>, vector<16xi32>,
      %scan3A_415 = arith.constant 0 : i32
      scf.yield %scan3A_415 : i32
    }
    %scan3A_351 = arith.constant 7 : i32
    %dma_wait3A_352 = arith.constant 0 : i32
    %dma_wait3A_353 = arith.constant 0 : i32
    %dma_wait3A_354 = tpu.memref_slice %arg11[%dma_wait3A_352, %dma_wait3A_353] : memref<50008x32xf32, #tpu.memory_space<vmem_shared>> -> memref<50008x32xf32, #tpu.memory_space<vmem_shared>>
    tpu.wait_indirect_dma semaphore(%arg29 : memref<!tpu.dma_semaphore, #tpu.memory_space<semaphore_mem>>) src(%arg23 : memref<112x32xf32, #tpu.memory_space<vmem>>) dst(%dma_wait3A_354 : memref<50008x32xf32, #tpu.memory_space<vmem_shared>>)
    %dma_wait3A_355 = arith.constant 0 : i32
    %dma_wait3A_356 = arith.constant 0 : i32
    %dma_wait3A_357 = tpu.memref_slice %arg12[%dma_wait3A_355, %dma_wait3A_356] : memref<6256x16xf32, #tpu.memory_space<vmem_shared>> -> memref<6256x16xf32, #tpu.memory_space<vmem_shared>>
    tpu.wait_indirect_dma semaphore(%arg29 : memref<!tpu.dma_semaphore, #tpu.memory_space<semaphore_mem>>) src(%arg24 : memref<112x16xf32, #tpu.memory_space<vmem>>) dst(%dma_wait3A_357 : memref<6256x16xf32, #tpu.memory_space<vmem_shared>>)
    %scan3A_358 = arith.constant 0 : i32
    %scan3A_359 = arith.constant 0 : i32
    %scan3A_360 = arith.constant 112 : i32
    %scan3A_361 = arith.addi %scan3A_359, %scan3A_360 : i32
    %scan3A_362 = arith.constant 1 : i32
    %scan3A_363 = scf.for %scan3A_399 = %scan3A_359 to %scan3A_361 step %scan3A_362 iter_args(%scan3A_400 = %scan3A_358) -> (i32)  : i32 {
      %swap3A = arith.index_cast %scan3A_399 : i32 to index
      %swap3A_401 = arith.constant 0 : index
      %swap3A_402 = tpu.vector_load %arg24[%swap3A, %swap3A_401] {strides = array<i32>} : memref<112x16xf32, #tpu.memory_space<vmem>>, vector<16xf32>,
      tpu.vector_store %arg24[%swap3A, %swap3A_401], %broadcast_in_dim3A_0 {strides = array<i32>} : memref<112x16xf32, #tpu.memory_space<vmem>>, vector<16xf32>,
      %scan3A_403 = arith.constant 0 : i32
      scf.yield %scan3A_403 : i32
    }
    %scan3A_364 = arith.constant 112 : i32
    %scan3A_365 = arith.constant 0 : i32
    %scan3A_366 = arith.constant 0 : i32
    %scan3A_367 = arith.constant 7 : i32
    %scan3A_368 = arith.addi %scan3A_366, %scan3A_367 : i32
    %scan3A_369 = arith.constant 1 : i32
    %scan3A_370 = scf.for %scan3A_399 = %scan3A_366 to %scan3A_368 step %scan3A_369 iter_args(%scan3A_400 = %scan3A_365) -> (i32)  : i32 {
      %mul3A_401 = arith.constant 16 : i32
      %mul3A_402 = arith.muli %scan3A_399, %mul3A_401 : i32
      %add3A_403 = vector.broadcast %mul3A_402 : i32 to vector<16xi32>
      %add3A_404 = arith.addi %add3A_403, %iota3A : vector<16xi32>
      %mul3A_405 = arith.constant 16 : i32
      %mul3A_406 = arith.muli %scan3A_399, %mul3A_405 : i32
      %get3A = arith.index_cast %mul3A_406 : i32 to index
      %get3A_407 = tpu.vector_load %arg15[%get3A] {strides = array<i32>} : memref<112xi32, #tpu.memory_space<vmem>>, vector<16xi32>,
      %broadcast_in_dim3A_408 = arith.constant 7 : i32
      %broadcast_in_dim3A_409 = vector.broadcast %broadcast_in_dim3A_408 : i32 to vector<16xi32>
      %and3A = arith.andi %get3A_407, %broadcast_in_dim3A_409 : vector<16xi32>
      %shift_left3A = arith.constant 1 : i32
      %shift_left3A_410 = vector.broadcast %shift_left3A : i32 to vector<16xi32>
      %shift_left3A_411 = arith.shli %and3A, %shift_left3A_410 : vector<16xi32>
      %broadcast_in_dim3A_412 = arith.constant 32 : i32
      %broadcast_in_dim3A_413 = vector.broadcast %broadcast_in_dim3A_412 : i32 to vector<16xi32>
      %gather3A = tpu.vector_load_idx %arg19[%add3A_404, %broadcast_in_dim3A_413] : memref<112x48xf32, #tpu.memory_space<vmem>>[vector<16xi32>, vector<16xi32>], vector<16xf32>,
      %broadcast_in_dim3A_414 = arith.constant 0 : i32
      %broadcast_in_dim3A_415 = vector.broadcast %broadcast_in_dim3A_414 : i32 to vector<16xi32>
      %gather3A_416 = tpu.vector_load_idx %arg21[%add3A_404, %broadcast_in_dim3A_415] : memref<112x16xf32, #tpu.memory_space<vmem>>[vector<16xi32>, vector<16xi32>], vector<16xf32>,
      %add3A_417 = arith.addf %gather3A, %gather3A_416 : vector<16xf32>
      %gt3A = arith.constant 0.000000e+00 : f32
      %gt3A_418 = vector.broadcast %gt3A : f32 to vector<16xf32>
      %gt3A_419 = arith.cmpf ogt, %add3A_417, %gt3A_418 : vector<16xf32>
      %mul3A_420 = arith.constant 2.000000e-01 : f32
      %mul3A_421 = vector.broadcast %mul3A_420 : f32 to vector<16xf32>
      %mul3A_422 = arith.mulf %mul3A_421, %add3A_417 : vector<16xf32>
      %select_n3A = arith.select %gt3A_419, %add3A_417, %mul3A_422 : vector<16xi1>, vector<16xf32>
      %exp3A = math.exp %select_n3A : vector<16xf32>
      %broadcast_in_dim3A_423 = arith.constant 33 : i32
      %broadcast_in_dim3A_424 = vector.broadcast %broadcast_in_dim3A_423 : i32 to vector<16xi32>
      %gather3A_425 = tpu.vector_load_idx %arg19[%add3A_404, %broadcast_in_dim3A_424] : memref<112x48xf32, #tpu.memory_space<vmem>>[vector<16xi32>, vector<16xi32>], vector<16xf32>,
      %broadcast_in_dim3A_426 = arith.constant 1 : i32
      %broadcast_in_dim3A_427 = vector.broadcast %broadcast_in_dim3A_426 : i32 to vector<16xi32>
      %gather3A_428 = tpu.vector_load_idx %arg21[%add3A_404, %broadcast_in_dim3A_427] : memref<112x16xf32, #tpu.memory_space<vmem>>[vector<16xi32>, vector<16xi32>], vector<16xf32>,
      %add3A_429 = arith.addf %gather3A_425, %gather3A_428 : vector<16xf32>
      %gt3A_430 = arith.constant 0.000000e+00 : f32
      %gt3A_431 = vector.broadcast %gt3A_430 : f32 to vector<16xf32>
      %gt3A_432 = arith.cmpf ogt, %add3A_429, %gt3A_431 : vector<16xf32>
      %mul3A_433 = arith.constant 2.000000e-01 : f32
      %mul3A_434 = vector.broadcast %mul3A_433 : f32 to vector<16xf32>
      %mul3A_435 = arith.mulf %mul3A_434, %add3A_429 : vector<16xf32>
      %select_n3A_436 = arith.select %gt3A_432, %add3A_429, %mul3A_435 : vector<16xi1>, vector<16xf32>
      %exp3A_437 = math.exp %select_n3A_436 : vector<16xf32>
      %add3A_438 = arith.constant 0 : i32
      %add3A_439 = vector.broadcast %add3A_438 : i32 to vector<16xi32>
      %add3A_440 = arith.addi %shift_left3A_411, %add3A_439 : vector<16xi32>
      tpu.vector_store_idx %arg24[%add3A_404, %add3A_440], %exp3A : memref<112x16xf32, #tpu.memory_space<vmem>>[vector<16xi32>, vector<16xi32>], vector<16xf32>,
      %add3A_441 = arith.constant 1 : i32
      %add3A_442 = vector.broadcast %add3A_441 : i32 to vector<16xi32>
      %add3A_443 = arith.addi %shift_left3A_411, %add3A_442 : vector<16xi32>
      tpu.vector_store_idx %arg24[%add3A_404, %add3A_443], %exp3A_437 : memref<112x16xf32, #tpu.memory_space<vmem>>[vector<16xi32>, vector<16xi32>], vector<16xf32>,
      %broadcast_in_dim3A_444 = arith.constant 0 : i32
      %broadcast_in_dim3A_445 = vector.broadcast %broadcast_in_dim3A_444 : i32 to vector<16xi32>
      %gather3A_446 = tpu.vector_load_idx %arg19[%add3A_404, %broadcast_in_dim3A_445] : memref<112x48xf32, #tpu.memory_space<vmem>>[vector<16xi32>, vector<16xi32>], vector<16xf32>,
      %broadcast_in_dim3A_447 = arith.constant 1 : i32
      %broadcast_in_dim3A_448 = vector.broadcast %broadcast_in_dim3A_447 : i32 to vector<16xi32>
      %gather3A_449 = tpu.vector_load_idx %arg19[%add3A_404, %broadcast_in_dim3A_448] : memref<112x48xf32, #tpu.memory_space<vmem>>[vector<16xi32>, vector<16xi32>], vector<16xf32>,
      %broadcast_in_dim3A_450 = arith.constant 2 : i32
      %broadcast_in_dim3A_451 = vector.broadcast %broadcast_in_dim3A_450 : i32 to vector<16xi32>
      %gather3A_452 = tpu.vector_load_idx %arg19[%add3A_404, %broadcast_in_dim3A_451] : memref<112x48xf32, #tpu.memory_space<vmem>>[vector<16xi32>, vector<16xi32>], vector<16xf32>,
      %broadcast_in_dim3A_453 = arith.constant 3 : i32
      %broadcast_in_dim3A_454 = vector.broadcast %broadcast_in_dim3A_453 : i32 to vector<16xi32>
      %gather3A_455 = tpu.vector_load_idx %arg19[%add3A_404, %broadcast_in_dim3A_454] : memref<112x48xf32, #tpu.memory_space<vmem>>[vector<16xi32>, vector<16xi32>], vector<16xf32>,
      %broadcast_in_dim3A_456 = arith.constant 4 : i32
      %broadcast_in_dim3A_457 = vector.broadcast %broadcast_in_dim3A_456 : i32 to vector<16xi32>
      %gather3A_458 = tpu.vector_load_idx %arg19[%add3A_404, %broadcast_in_dim3A_457] : memref<112x48xf32, #tpu.memory_space<vmem>>[vector<16xi32>, vector<16xi32>], vector<16xf32>,
      %broadcast_in_dim3A_459 = arith.constant 5 : i32
      %broadcast_in_dim3A_460 = vector.broadcast %broadcast_in_dim3A_459 : i32 to vector<16xi32>
      %gather3A_461 = tpu.vector_load_idx %arg19[%add3A_404, %broadcast_in_dim3A_460] : memref<112x48xf32, #tpu.memory_space<vmem>>[vector<16xi32>, vector<16xi32>], vector<16xf32>,
      %broadcast_in_dim3A_462 = arith.constant 6 : i32
      %broadcast_in_dim3A_463 = vector.broadcast %broadcast_in_dim3A_462 : i32 to vector<16xi32>
      %gather3A_464 = tpu.vector_load_idx %arg19[%add3A_404, %broadcast_in_dim3A_463] : memref<112x48xf32, #tpu.memory_space<vmem>>[vector<16xi32>, vector<16xi32>], vector<16xf32>,
      %broadcast_in_dim3A_465 = arith.constant 7 : i32
      %broadcast_in_dim3A_466 = vector.broadcast %broadcast_in_dim3A_465 : i32 to vector<16xi32>
      %gather3A_467 = tpu.vector_load_idx %arg19[%add3A_404, %broadcast_in_dim3A_466] : memref<112x48xf32, #tpu.memory_space<vmem>>[vector<16xi32>, vector<16xi32>], vector<16xf32>,
      %broadcast_in_dim3A_468 = arith.constant 8 : i32
      %broadcast_in_dim3A_469 = vector.broadcast %broadcast_in_dim3A_468 : i32 to vector<16xi32>
      %gather3A_470 = tpu.vector_load_idx %arg19[%add3A_404, %broadcast_in_dim3A_469] : memref<112x48xf32, #tpu.memory_space<vmem>>[vector<16xi32>, vector<16xi32>], vector<16xf32>,
      %broadcast_in_dim3A_471 = arith.constant 9 : i32
      %broadcast_in_dim3A_472 = vector.broadcast %broadcast_in_dim3A_471 : i32 to vector<16xi32>
      %gather3A_473 = tpu.vector_load_idx %arg19[%add3A_404, %broadcast_in_dim3A_472] : memref<112x48xf32, #tpu.memory_space<vmem>>[vector<16xi32>, vector<16xi32>], vector<16xf32>,
      %broadcast_in_dim3A_474 = arith.constant 10 : i32
      %broadcast_in_dim3A_475 = vector.broadcast %broadcast_in_dim3A_474 : i32 to vector<16xi32>
      %gather3A_476 = tpu.vector_load_idx %arg19[%add3A_404, %broadcast_in_dim3A_475] : memref<112x48xf32, #tpu.memory_space<vmem>>[vector<16xi32>, vector<16xi32>], vector<16xf32>,
      %broadcast_in_dim3A_477 = arith.constant 11 : i32
      %broadcast_in_dim3A_478 = vector.broadcast %broadcast_in_dim3A_477 : i32 to vector<16xi32>
      %gather3A_479 = tpu.vector_load_idx %arg19[%add3A_404, %broadcast_in_dim3A_478] : memref<112x48xf32, #tpu.memory_space<vmem>>[vector<16xi32>, vector<16xi32>], vector<16xf32>,
      %broadcast_in_dim3A_480 = arith.constant 12 : i32
      %broadcast_in_dim3A_481 = vector.broadcast %broadcast_in_dim3A_480 : i32 to vector<16xi32>
      %gather3A_482 = tpu.vector_load_idx %arg19[%add3A_404, %broadcast_in_dim3A_481] : memref<112x48xf32, #tpu.memory_space<vmem>>[vector<16xi32>, vector<16xi32>], vector<16xf32>,
      %broadcast_in_dim3A_483 = arith.constant 13 : i32
      %broadcast_in_dim3A_484 = vector.broadcast %broadcast_in_dim3A_483 : i32 to vector<16xi32>
      %gather3A_485 = tpu.vector_load_idx %arg19[%add3A_404, %broadcast_in_dim3A_484] : memref<112x48xf32, #tpu.memory_space<vmem>>[vector<16xi32>, vector<16xi32>], vector<16xf32>,
      %broadcast_in_dim3A_486 = arith.constant 14 : i32
      %broadcast_in_dim3A_487 = vector.broadcast %broadcast_in_dim3A_486 : i32 to vector<16xi32>
      %gather3A_488 = tpu.vector_load_idx %arg19[%add3A_404, %broadcast_in_dim3A_487] : memref<112x48xf32, #tpu.memory_space<vmem>>[vector<16xi32>, vector<16xi32>], vector<16xf32>,
      %broadcast_in_dim3A_489 = arith.constant 15 : i32
      %broadcast_in_dim3A_490 = vector.broadcast %broadcast_in_dim3A_489 : i32 to vector<16xi32>
      %gather3A_491 = tpu.vector_load_idx %arg19[%add3A_404, %broadcast_in_dim3A_490] : memref<112x48xf32, #tpu.memory_space<vmem>>[vector<16xi32>, vector<16xi32>], vector<16xf32>,
      %broadcast_in_dim3A_492 = arith.constant 16 : i32
      %broadcast_in_dim3A_493 = vector.broadcast %broadcast_in_dim3A_492 : i32 to vector<16xi32>
      %gather3A_494 = tpu.vector_load_idx %arg19[%add3A_404, %broadcast_in_dim3A_493] : memref<112x48xf32, #tpu.memory_space<vmem>>[vector<16xi32>, vector<16xi32>], vector<16xf32>,
      %broadcast_in_dim3A_495 = arith.constant 17 : i32
      %broadcast_in_dim3A_496 = vector.broadcast %broadcast_in_dim3A_495 : i32 to vector<16xi32>
      %gather3A_497 = tpu.vector_load_idx %arg19[%add3A_404, %broadcast_in_dim3A_496] : memref<112x48xf32, #tpu.memory_space<vmem>>[vector<16xi32>, vector<16xi32>], vector<16xf32>,
      %broadcast_in_dim3A_498 = arith.constant 18 : i32
      %broadcast_in_dim3A_499 = vector.broadcast %broadcast_in_dim3A_498 : i32 to vector<16xi32>
      %gather3A_500 = tpu.vector_load_idx %arg19[%add3A_404, %broadcast_in_dim3A_499] : memref<112x48xf32, #tpu.memory_space<vmem>>[vector<16xi32>, vector<16xi32>], vector<16xf32>,
      %broadcast_in_dim3A_501 = arith.constant 19 : i32
      %broadcast_in_dim3A_502 = vector.broadcast %broadcast_in_dim3A_501 : i32 to vector<16xi32>
      %gather3A_503 = tpu.vector_load_idx %arg19[%add3A_404, %broadcast_in_dim3A_502] : memref<112x48xf32, #tpu.memory_space<vmem>>[vector<16xi32>, vector<16xi32>], vector<16xf32>,
      %broadcast_in_dim3A_504 = arith.constant 20 : i32
      %broadcast_in_dim3A_505 = vector.broadcast %broadcast_in_dim3A_504 : i32 to vector<16xi32>
      %gather3A_506 = tpu.vector_load_idx %arg19[%add3A_404, %broadcast_in_dim3A_505] : memref<112x48xf32, #tpu.memory_space<vmem>>[vector<16xi32>, vector<16xi32>], vector<16xf32>,
      %broadcast_in_dim3A_507 = arith.constant 21 : i32
      %broadcast_in_dim3A_508 = vector.broadcast %broadcast_in_dim3A_507 : i32 to vector<16xi32>
      %gather3A_509 = tpu.vector_load_idx %arg19[%add3A_404, %broadcast_in_dim3A_508] : memref<112x48xf32, #tpu.memory_space<vmem>>[vector<16xi32>, vector<16xi32>], vector<16xf32>,
      %broadcast_in_dim3A_510 = arith.constant 22 : i32
      %broadcast_in_dim3A_511 = vector.broadcast %broadcast_in_dim3A_510 : i32 to vector<16xi32>
      %gather3A_512 = tpu.vector_load_idx %arg19[%add3A_404, %broadcast_in_dim3A_511] : memref<112x48xf32, #tpu.memory_space<vmem>>[vector<16xi32>, vector<16xi32>], vector<16xf32>,
      %broadcast_in_dim3A_513 = arith.constant 23 : i32
      %broadcast_in_dim3A_514 = vector.broadcast %broadcast_in_dim3A_513 : i32 to vector<16xi32>
      %gather3A_515 = tpu.vector_load_idx %arg19[%add3A_404, %broadcast_in_dim3A_514] : memref<112x48xf32, #tpu.memory_space<vmem>>[vector<16xi32>, vector<16xi32>], vector<16xf32>,
      %broadcast_in_dim3A_516 = arith.constant 24 : i32
      %broadcast_in_dim3A_517 = vector.broadcast %broadcast_in_dim3A_516 : i32 to vector<16xi32>
      %gather3A_518 = tpu.vector_load_idx %arg19[%add3A_404, %broadcast_in_dim3A_517] : memref<112x48xf32, #tpu.memory_space<vmem>>[vector<16xi32>, vector<16xi32>], vector<16xf32>,
      %broadcast_in_dim3A_519 = arith.constant 25 : i32
      %broadcast_in_dim3A_520 = vector.broadcast %broadcast_in_dim3A_519 : i32 to vector<16xi32>
      %gather3A_521 = tpu.vector_load_idx %arg19[%add3A_404, %broadcast_in_dim3A_520] : memref<112x48xf32, #tpu.memory_space<vmem>>[vector<16xi32>, vector<16xi32>], vector<16xf32>,
      %broadcast_in_dim3A_522 = arith.constant 26 : i32
      %broadcast_in_dim3A_523 = vector.broadcast %broadcast_in_dim3A_522 : i32 to vector<16xi32>
      %gather3A_524 = tpu.vector_load_idx %arg19[%add3A_404, %broadcast_in_dim3A_523] : memref<112x48xf32, #tpu.memory_space<vmem>>[vector<16xi32>, vector<16xi32>], vector<16xf32>,
      %broadcast_in_dim3A_525 = arith.constant 27 : i32
      %broadcast_in_dim3A_526 = vector.broadcast %broadcast_in_dim3A_525 : i32 to vector<16xi32>
      %gather3A_527 = tpu.vector_load_idx %arg19[%add3A_404, %broadcast_in_dim3A_526] : memref<112x48xf32, #tpu.memory_space<vmem>>[vector<16xi32>, vector<16xi32>], vector<16xf32>,
      %broadcast_in_dim3A_528 = arith.constant 28 : i32
      %broadcast_in_dim3A_529 = vector.broadcast %broadcast_in_dim3A_528 : i32 to vector<16xi32>
      %gather3A_530 = tpu.vector_load_idx %arg19[%add3A_404, %broadcast_in_dim3A_529] : memref<112x48xf32, #tpu.memory_space<vmem>>[vector<16xi32>, vector<16xi32>], vector<16xf32>,
      %broadcast_in_dim3A_531 = arith.constant 29 : i32
      %broadcast_in_dim3A_532 = vector.broadcast %broadcast_in_dim3A_531 : i32 to vector<16xi32>
      %gather3A_533 = tpu.vector_load_idx %arg19[%add3A_404, %broadcast_in_dim3A_532] : memref<112x48xf32, #tpu.memory_space<vmem>>[vector<16xi32>, vector<16xi32>], vector<16xf32>,
      %broadcast_in_dim3A_534 = arith.constant 30 : i32
      %broadcast_in_dim3A_535 = vector.broadcast %broadcast_in_dim3A_534 : i32 to vector<16xi32>
      %gather3A_536 = tpu.vector_load_idx %arg19[%add3A_404, %broadcast_in_dim3A_535] : memref<112x48xf32, #tpu.memory_space<vmem>>[vector<16xi32>, vector<16xi32>], vector<16xf32>,
      %broadcast_in_dim3A_537 = arith.constant 31 : i32
      %broadcast_in_dim3A_538 = vector.broadcast %broadcast_in_dim3A_537 : i32 to vector<16xi32>
      %gather3A_539 = tpu.vector_load_idx %arg19[%add3A_404, %broadcast_in_dim3A_538] : memref<112x48xf32, #tpu.memory_space<vmem>>[vector<16xi32>, vector<16xi32>], vector<16xf32>,
      %broadcast_in_dim3A_540 = arith.constant 0 : i32
      %broadcast_in_dim3A_541 = vector.broadcast %broadcast_in_dim3A_540 : i32 to vector<16xi32>
      %mul3A_542 = arith.mulf %exp3A, %gather3A_446 : vector<16xf32>
      tpu.vector_store_idx %arg23[%add3A_404, %broadcast_in_dim3A_541], %mul3A_542 : memref<112x32xf32, #tpu.memory_space<vmem>>[vector<16xi32>, vector<16xi32>], vector<16xf32>,
      %broadcast_in_dim3A_543 = arith.constant 1 : i32
      %broadcast_in_dim3A_544 = vector.broadcast %broadcast_in_dim3A_543 : i32 to vector<16xi32>
      %mul3A_545 = arith.mulf %exp3A, %gather3A_449 : vector<16xf32>
      tpu.vector_store_idx %arg23[%add3A_404, %broadcast_in_dim3A_544], %mul3A_545 : memref<112x32xf32, #tpu.memory_space<vmem>>[vector<16xi32>, vector<16xi32>], vector<16xf32>,
      %broadcast_in_dim3A_546 = arith.constant 2 : i32
      %broadcast_in_dim3A_547 = vector.broadcast %broadcast_in_dim3A_546 : i32 to vector<16xi32>
      %mul3A_548 = arith.mulf %exp3A, %gather3A_452 : vector<16xf32>
      tpu.vector_store_idx %arg23[%add3A_404, %broadcast_in_dim3A_547], %mul3A_548 : memref<112x32xf32, #tpu.memory_space<vmem>>[vector<16xi32>, vector<16xi32>], vector<16xf32>,
      %broadcast_in_dim3A_549 = arith.constant 3 : i32
      %broadcast_in_dim3A_550 = vector.broadcast %broadcast_in_dim3A_549 : i32 to vector<16xi32>
      %mul3A_551 = arith.mulf %exp3A, %gather3A_455 : vector<16xf32>
      tpu.vector_store_idx %arg23[%add3A_404, %broadcast_in_dim3A_550], %mul3A_551 : memref<112x32xf32, #tpu.memory_space<vmem>>[vector<16xi32>, vector<16xi32>], vector<16xf32>,
      %broadcast_in_dim3A_552 = arith.constant 4 : i32
      %broadcast_in_dim3A_553 = vector.broadcast %broadcast_in_dim3A_552 : i32 to vector<16xi32>
      %mul3A_554 = arith.mulf %exp3A, %gather3A_458 : vector<16xf32>
      tpu.vector_store_idx %arg23[%add3A_404, %broadcast_in_dim3A_553], %mul3A_554 : memref<112x32xf32, #tpu.memory_space<vmem>>[vector<16xi32>, vector<16xi32>], vector<16xf32>,
      %broadcast_in_dim3A_555 = arith.constant 5 : i32
      %broadcast_in_dim3A_556 = vector.broadcast %broadcast_in_dim3A_555 : i32 to vector<16xi32>
      %mul3A_557 = arith.mulf %exp3A, %gather3A_461 : vector<16xf32>
      tpu.vector_store_idx %arg23[%add3A_404, %broadcast_in_dim3A_556], %mul3A_557 : memref<112x32xf32, #tpu.memory_space<vmem>>[vector<16xi32>, vector<16xi32>], vector<16xf32>,
      %broadcast_in_dim3A_558 = arith.constant 6 : i32
      %broadcast_in_dim3A_559 = vector.broadcast %broadcast_in_dim3A_558 : i32 to vector<16xi32>
      %mul3A_560 = arith.mulf %exp3A, %gather3A_464 : vector<16xf32>
      tpu.vector_store_idx %arg23[%add3A_404, %broadcast_in_dim3A_559], %mul3A_560 : memref<112x32xf32, #tpu.memory_space<vmem>>[vector<16xi32>, vector<16xi32>], vector<16xf32>,
      %broadcast_in_dim3A_561 = arith.constant 7 : i32
      %broadcast_in_dim3A_562 = vector.broadcast %broadcast_in_dim3A_561 : i32 to vector<16xi32>
      %mul3A_563 = arith.mulf %exp3A, %gather3A_467 : vector<16xf32>
      tpu.vector_store_idx %arg23[%add3A_404, %broadcast_in_dim3A_562], %mul3A_563 : memref<112x32xf32, #tpu.memory_space<vmem>>[vector<16xi32>, vector<16xi32>], vector<16xf32>,
      %broadcast_in_dim3A_564 = arith.constant 8 : i32
      %broadcast_in_dim3A_565 = vector.broadcast %broadcast_in_dim3A_564 : i32 to vector<16xi32>
      %mul3A_566 = arith.mulf %exp3A, %gather3A_470 : vector<16xf32>
      tpu.vector_store_idx %arg23[%add3A_404, %broadcast_in_dim3A_565], %mul3A_566 : memref<112x32xf32, #tpu.memory_space<vmem>>[vector<16xi32>, vector<16xi32>], vector<16xf32>,
      %broadcast_in_dim3A_567 = arith.constant 9 : i32
      %broadcast_in_dim3A_568 = vector.broadcast %broadcast_in_dim3A_567 : i32 to vector<16xi32>
      %mul3A_569 = arith.mulf %exp3A, %gather3A_473 : vector<16xf32>
      tpu.vector_store_idx %arg23[%add3A_404, %broadcast_in_dim3A_568], %mul3A_569 : memref<112x32xf32, #tpu.memory_space<vmem>>[vector<16xi32>, vector<16xi32>], vector<16xf32>,
      %broadcast_in_dim3A_570 = arith.constant 10 : i32
      %broadcast_in_dim3A_571 = vector.broadcast %broadcast_in_dim3A_570 : i32 to vector<16xi32>
      %mul3A_572 = arith.mulf %exp3A, %gather3A_476 : vector<16xf32>
      tpu.vector_store_idx %arg23[%add3A_404, %broadcast_in_dim3A_571], %mul3A_572 : memref<112x32xf32, #tpu.memory_space<vmem>>[vector<16xi32>, vector<16xi32>], vector<16xf32>,
      %broadcast_in_dim3A_573 = arith.constant 11 : i32
      %broadcast_in_dim3A_574 = vector.broadcast %broadcast_in_dim3A_573 : i32 to vector<16xi32>
      %mul3A_575 = arith.mulf %exp3A, %gather3A_479 : vector<16xf32>
      tpu.vector_store_idx %arg23[%add3A_404, %broadcast_in_dim3A_574], %mul3A_575 : memref<112x32xf32, #tpu.memory_space<vmem>>[vector<16xi32>, vector<16xi32>], vector<16xf32>,
      %broadcast_in_dim3A_576 = arith.constant 12 : i32
      %broadcast_in_dim3A_577 = vector.broadcast %broadcast_in_dim3A_576 : i32 to vector<16xi32>
      %mul3A_578 = arith.mulf %exp3A, %gather3A_482 : vector<16xf32>
      tpu.vector_store_idx %arg23[%add3A_404, %broadcast_in_dim3A_577], %mul3A_578 : memref<112x32xf32, #tpu.memory_space<vmem>>[vector<16xi32>, vector<16xi32>], vector<16xf32>,
      %broadcast_in_dim3A_579 = arith.constant 13 : i32
      %broadcast_in_dim3A_580 = vector.broadcast %broadcast_in_dim3A_579 : i32 to vector<16xi32>
      %mul3A_581 = arith.mulf %exp3A, %gather3A_485 : vector<16xf32>
      tpu.vector_store_idx %arg23[%add3A_404, %broadcast_in_dim3A_580], %mul3A_581 : memref<112x32xf32, #tpu.memory_space<vmem>>[vector<16xi32>, vector<16xi32>], vector<16xf32>,
      %broadcast_in_dim3A_582 = arith.constant 14 : i32
      %broadcast_in_dim3A_583 = vector.broadcast %broadcast_in_dim3A_582 : i32 to vector<16xi32>
      %mul3A_584 = arith.mulf %exp3A, %gather3A_488 : vector<16xf32>
      tpu.vector_store_idx %arg23[%add3A_404, %broadcast_in_dim3A_583], %mul3A_584 : memref<112x32xf32, #tpu.memory_space<vmem>>[vector<16xi32>, vector<16xi32>], vector<16xf32>,
      %broadcast_in_dim3A_585 = arith.constant 15 : i32
      %broadcast_in_dim3A_586 = vector.broadcast %broadcast_in_dim3A_585 : i32 to vector<16xi32>
      %mul3A_587 = arith.mulf %exp3A, %gather3A_491 : vector<16xf32>
      tpu.vector_store_idx %arg23[%add3A_404, %broadcast_in_dim3A_586], %mul3A_587 : memref<112x32xf32, #tpu.memory_space<vmem>>[vector<16xi32>, vector<16xi32>], vector<16xf32>,
      %broadcast_in_dim3A_588 = arith.constant 16 : i32
      %broadcast_in_dim3A_589 = vector.broadcast %broadcast_in_dim3A_588 : i32 to vector<16xi32>
      %mul3A_590 = arith.mulf %exp3A_437, %gather3A_494 : vector<16xf32>
      tpu.vector_store_idx %arg23[%add3A_404, %broadcast_in_dim3A_589], %mul3A_590 : memref<112x32xf32, #tpu.memory_space<vmem>>[vector<16xi32>, vector<16xi32>], vector<16xf32>,
      %broadcast_in_dim3A_591 = arith.constant 17 : i32
      %broadcast_in_dim3A_592 = vector.broadcast %broadcast_in_dim3A_591 : i32 to vector<16xi32>
      %mul3A_593 = arith.mulf %exp3A_437, %gather3A_497 : vector<16xf32>
      tpu.vector_store_idx %arg23[%add3A_404, %broadcast_in_dim3A_592], %mul3A_593 : memref<112x32xf32, #tpu.memory_space<vmem>>[vector<16xi32>, vector<16xi32>], vector<16xf32>,
      %broadcast_in_dim3A_594 = arith.constant 18 : i32
      %broadcast_in_dim3A_595 = vector.broadcast %broadcast_in_dim3A_594 : i32 to vector<16xi32>
      %mul3A_596 = arith.mulf %exp3A_437, %gather3A_500 : vector<16xf32>
      tpu.vector_store_idx %arg23[%add3A_404, %broadcast_in_dim3A_595], %mul3A_596 : memref<112x32xf32, #tpu.memory_space<vmem>>[vector<16xi32>, vector<16xi32>], vector<16xf32>,
      %broadcast_in_dim3A_597 = arith.constant 19 : i32
      %broadcast_in_dim3A_598 = vector.broadcast %broadcast_in_dim3A_597 : i32 to vector<16xi32>
      %mul3A_599 = arith.mulf %exp3A_437, %gather3A_503 : vector<16xf32>
      tpu.vector_store_idx %arg23[%add3A_404, %broadcast_in_dim3A_598], %mul3A_599 : memref<112x32xf32, #tpu.memory_space<vmem>>[vector<16xi32>, vector<16xi32>], vector<16xf32>,
      %broadcast_in_dim3A_600 = arith.constant 20 : i32
      %broadcast_in_dim3A_601 = vector.broadcast %broadcast_in_dim3A_600 : i32 to vector<16xi32>
      %mul3A_602 = arith.mulf %exp3A_437, %gather3A_506 : vector<16xf32>
      tpu.vector_store_idx %arg23[%add3A_404, %broadcast_in_dim3A_601], %mul3A_602 : memref<112x32xf32, #tpu.memory_space<vmem>>[vector<16xi32>, vector<16xi32>], vector<16xf32>,
      %broadcast_in_dim3A_603 = arith.constant 21 : i32
      %broadcast_in_dim3A_604 = vector.broadcast %broadcast_in_dim3A_603 : i32 to vector<16xi32>
      %mul3A_605 = arith.mulf %exp3A_437, %gather3A_509 : vector<16xf32>
      tpu.vector_store_idx %arg23[%add3A_404, %broadcast_in_dim3A_604], %mul3A_605 : memref<112x32xf32, #tpu.memory_space<vmem>>[vector<16xi32>, vector<16xi32>], vector<16xf32>,
      %broadcast_in_dim3A_606 = arith.constant 22 : i32
      %broadcast_in_dim3A_607 = vector.broadcast %broadcast_in_dim3A_606 : i32 to vector<16xi32>
      %mul3A_608 = arith.mulf %exp3A_437, %gather3A_512 : vector<16xf32>
      tpu.vector_store_idx %arg23[%add3A_404, %broadcast_in_dim3A_607], %mul3A_608 : memref<112x32xf32, #tpu.memory_space<vmem>>[vector<16xi32>, vector<16xi32>], vector<16xf32>,
      %broadcast_in_dim3A_609 = arith.constant 23 : i32
      %broadcast_in_dim3A_610 = vector.broadcast %broadcast_in_dim3A_609 : i32 to vector<16xi32>
      %mul3A_611 = arith.mulf %exp3A_437, %gather3A_515 : vector<16xf32>
      tpu.vector_store_idx %arg23[%add3A_404, %broadcast_in_dim3A_610], %mul3A_611 : memref<112x32xf32, #tpu.memory_space<vmem>>[vector<16xi32>, vector<16xi32>], vector<16xf32>,
      %broadcast_in_dim3A_612 = arith.constant 24 : i32
      %broadcast_in_dim3A_613 = vector.broadcast %broadcast_in_dim3A_612 : i32 to vector<16xi32>
      %mul3A_614 = arith.mulf %exp3A_437, %gather3A_518 : vector<16xf32>
      tpu.vector_store_idx %arg23[%add3A_404, %broadcast_in_dim3A_613], %mul3A_614 : memref<112x32xf32, #tpu.memory_space<vmem>>[vector<16xi32>, vector<16xi32>], vector<16xf32>,
      %broadcast_in_dim3A_615 = arith.constant 25 : i32
      %broadcast_in_dim3A_616 = vector.broadcast %broadcast_in_dim3A_615 : i32 to vector<16xi32>
      %mul3A_617 = arith.mulf %exp3A_437, %gather3A_521 : vector<16xf32>
      tpu.vector_store_idx %arg23[%add3A_404, %broadcast_in_dim3A_616], %mul3A_617 : memref<112x32xf32, #tpu.memory_space<vmem>>[vector<16xi32>, vector<16xi32>], vector<16xf32>,
      %broadcast_in_dim3A_618 = arith.constant 26 : i32
      %broadcast_in_dim3A_619 = vector.broadcast %broadcast_in_dim3A_618 : i32 to vector<16xi32>
      %mul3A_620 = arith.mulf %exp3A_437, %gather3A_524 : vector<16xf32>
      tpu.vector_store_idx %arg23[%add3A_404, %broadcast_in_dim3A_619], %mul3A_620 : memref<112x32xf32, #tpu.memory_space<vmem>>[vector<16xi32>, vector<16xi32>], vector<16xf32>,
      %broadcast_in_dim3A_621 = arith.constant 27 : i32
      %broadcast_in_dim3A_622 = vector.broadcast %broadcast_in_dim3A_621 : i32 to vector<16xi32>
      %mul3A_623 = arith.mulf %exp3A_437, %gather3A_527 : vector<16xf32>
      tpu.vector_store_idx %arg23[%add3A_404, %broadcast_in_dim3A_622], %mul3A_623 : memref<112x32xf32, #tpu.memory_space<vmem>>[vector<16xi32>, vector<16xi32>], vector<16xf32>,
      %broadcast_in_dim3A_624 = arith.constant 28 : i32
      %broadcast_in_dim3A_625 = vector.broadcast %broadcast_in_dim3A_624 : i32 to vector<16xi32>
      %mul3A_626 = arith.mulf %exp3A_437, %gather3A_530 : vector<16xf32>
      tpu.vector_store_idx %arg23[%add3A_404, %broadcast_in_dim3A_625], %mul3A_626 : memref<112x32xf32, #tpu.memory_space<vmem>>[vector<16xi32>, vector<16xi32>], vector<16xf32>,
      %broadcast_in_dim3A_627 = arith.constant 29 : i32
      %broadcast_in_dim3A_628 = vector.broadcast %broadcast_in_dim3A_627 : i32 to vector<16xi32>
      %mul3A_629 = arith.mulf %exp3A_437, %gather3A_533 : vector<16xf32>
      tpu.vector_store_idx %arg23[%add3A_404, %broadcast_in_dim3A_628], %mul3A_629 : memref<112x32xf32, #tpu.memory_space<vmem>>[vector<16xi32>, vector<16xi32>], vector<16xf32>,
      %broadcast_in_dim3A_630 = arith.constant 30 : i32
      %broadcast_in_dim3A_631 = vector.broadcast %broadcast_in_dim3A_630 : i32 to vector<16xi32>
      %mul3A_632 = arith.mulf %exp3A_437, %gather3A_536 : vector<16xf32>
      tpu.vector_store_idx %arg23[%add3A_404, %broadcast_in_dim3A_631], %mul3A_632 : memref<112x32xf32, #tpu.memory_space<vmem>>[vector<16xi32>, vector<16xi32>], vector<16xf32>,
      %broadcast_in_dim3A_633 = arith.constant 31 : i32
      %broadcast_in_dim3A_634 = vector.broadcast %broadcast_in_dim3A_633 : i32 to vector<16xi32>
      %mul3A_635 = arith.mulf %exp3A_437, %gather3A_539 : vector<16xf32>
      tpu.vector_store_idx %arg23[%add3A_404, %broadcast_in_dim3A_634], %mul3A_635 : memref<112x32xf32, #tpu.memory_space<vmem>>[vector<16xi32>, vector<16xi32>], vector<16xf32>,
      %scan3A_636 = arith.constant 0 : i32
      scf.yield %scan3A_636 : i32
    }
    %scan3A_371 = arith.constant 7 : i32
    %dma_start3A_372 = arith.constant 0 : i32
    %dma_start3A_373 = arith.constant 0 : i32
    %dma_start3A_374 = tpu.memref_slice %arg11[%dma_start3A_372, %dma_start3A_373] : memref<50008x32xf32, #tpu.memory_space<vmem_shared>> -> memref<50008x32xf32, #tpu.memory_space<vmem_shared>>
    tpu.enqueue_indirect_dma source(%arg23 : memref<112x32xf32, #tpu.memory_space<vmem>>) target(%dma_start3A_374 : memref<50008x32xf32, #tpu.memory_space<vmem_shared>>) offsets(%arg15 : memref<112xi32, #tpu.memory_space<vmem>>) semaphore(%arg29 : memref<!tpu.dma_semaphore, #tpu.memory_space<semaphore_mem>>) {add = true}
    %dma_start3A_375 = arith.constant 0 : i32
    %dma_start3A_376 = arith.constant 0 : i32
    %dma_start3A_377 = tpu.memref_slice %arg12[%dma_start3A_375, %dma_start3A_376] : memref<6256x16xf32, #tpu.memory_space<vmem_shared>> -> memref<6256x16xf32, #tpu.memory_space<vmem_shared>>
    tpu.enqueue_indirect_dma source(%arg24 : memref<112x16xf32, #tpu.memory_space<vmem>>) target(%dma_start3A_377 : memref<6256x16xf32, #tpu.memory_space<vmem_shared>>) offsets(%arg17 : memref<112xi32, #tpu.memory_space<vmem>>) semaphore(%arg29 : memref<!tpu.dma_semaphore, #tpu.memory_space<semaphore_mem>>) {add = true}
    %dma_wait3A_378 = arith.constant 0 : i32
    %dma_wait3A_379 = arith.constant 0 : i32
    %dma_wait3A_380 = tpu.memref_slice %arg11[%dma_wait3A_378, %dma_wait3A_379] : memref<50008x32xf32, #tpu.memory_space<vmem_shared>> -> memref<50008x32xf32, #tpu.memory_space<vmem_shared>>
    tpu.wait_indirect_dma semaphore(%arg29 : memref<!tpu.dma_semaphore, #tpu.memory_space<semaphore_mem>>) src(%arg23 : memref<112x32xf32, #tpu.memory_space<vmem>>) dst(%dma_wait3A_380 : memref<50008x32xf32, #tpu.memory_space<vmem_shared>>)
    %dma_wait3A_381 = arith.constant 0 : i32
    %dma_wait3A_382 = arith.constant 0 : i32
    %dma_wait3A_383 = tpu.memref_slice %arg12[%dma_wait3A_381, %dma_wait3A_382] : memref<6256x16xf32, #tpu.memory_space<vmem_shared>> -> memref<6256x16xf32, #tpu.memory_space<vmem_shared>>
    tpu.wait_indirect_dma semaphore(%arg29 : memref<!tpu.dma_semaphore, #tpu.memory_space<semaphore_mem>>) src(%arg24 : memref<112x16xf32, #tpu.memory_space<vmem>>) dst(%dma_wait3A_383 : memref<6256x16xf32, #tpu.memory_space<vmem_shared>>)
    %barrier3A_384 = arith.constant 0 : index
    tpu.barrier barrier_id(%barrier3A_384)
    %scan3A_385 = arith.constant 0 : i32
    %scan3A_386 = arith.constant 0 : i32
    %scan3A_387 = arith.constant 625 : i32
    %scan3A_388 = arith.addi %scan3A_386, %scan3A_387 : i32
    %scan3A_389 = arith.constant 1 : i32
    %scan3A_390 = scf.for %scan3A_399 = %scan3A_386 to %scan3A_388 step %scan3A_389 iter_args(%scan3A_400 = %scan3A_385) -> (i32)  : i32 {
      %jit3A = arith.constant 16 : i32
      %eq3A_401 = arith.constant 0 : i32
      %eq3A_402 = arith.cmpi eq, %jit3A, %eq3A_401 : i32
      %jit3A_403 = arith.constant 1 : i32
      %select_n3A = arith.select %eq3A_402, %jit3A_403, %jit3A : i32
      %rem3A = arith.remsi %scan3A_399, %select_n3A : i32
      %ne3A = arith.constant 0 : i32
      %ne3A_404 = arith.cmpi ne, %rem3A, %ne3A : i32
      %lt3A = arith.constant 0 : i32
      %lt3A_405 = arith.cmpi slt, %rem3A, %lt3A : i32
      %lt3A_406 = arith.constant 0 : i32
      %lt3A_407 = arith.cmpi slt, %select_n3A, %lt3A_406 : i32
      %ne3A_408 = arith.xori %lt3A_405, %lt3A_407 : i1
      %and3A = arith.andi %ne3A_408, %ne3A_404 : i1
      %add3A_409 = arith.addi %rem3A, %select_n3A : i32
      %select_n3A_410 = arith.select %and3A, %add3A_409, %rem3A : i32
      %eq3A_411 = arith.cmpi eq, %select_n3A_410, %arg1 : i32
      %convert_element_type3A_412 = arith.extui %eq3A_411 : i1 to i32
      %cond3A_413 = arith.constant 0 : i32
      %cond3A_414 = arith.cmpi ne, %convert_element_type3A_412, %cond3A_413 : i32
      scf.if %cond3A_414 {
        %mul3A_416 = arith.constant 80 : i32
        %mul3A_417 = arith.muli %scan3A_399, %mul3A_416 : i32
        "tpu.region"() ({
          %run_scoped3A = tpu.sem_alloc : memref<!tpu.dma_semaphore, #tpu.memory_space<semaphore_mem>>
          %dma_start3A_428 = arith.constant 0 : i32
          %dma_start3A_429 = arith.constant 0 : i32
          %dma_start3A_430 = tpu.memref_slice %arg23[%dma_start3A_428, %dma_start3A_429] : memref<112x32xf32, #tpu.memory_space<vmem>> -> memref<80x32xf32, #tpu.memory_space<vmem>>
          %dma_start3A_431 = arith.constant 0 : i32
          %dma_start3A_432 = tpu.memref_slice %arg11[%mul3A_417, %dma_start3A_431] : memref<50008x32xf32, #tpu.memory_space<vmem_shared>> -> memref<80x32xf32, #tpu.memory_space<vmem_shared>>
          %dma_start3A_433 = arith.constant 0 : i32
          %dma_start3A_434 = arith.constant 0 : i32
          %dma_start3A_435 = tpu.memref_slice %arg23[%dma_start3A_433, %dma_start3A_434] : memref<112x32xf32, #tpu.memory_space<vmem>> -> memref<80x32xf32, #tpu.memory_space<vmem>>
          %dma_start3A_436 = arith.constant 0 : i32
          %dma_start3A_437 = tpu.memref_slice %arg11[%mul3A_417, %dma_start3A_436] : memref<50008x32xf32, #tpu.memory_space<vmem_shared>> -> memref<80x32xf32, #tpu.memory_space<vmem_shared>>
          tpu.enqueue_dma source(%dma_start3A_437 : memref<80x32xf32, #tpu.memory_space<vmem_shared>>) target(%dma_start3A_435 : memref<80x32xf32, #tpu.memory_space<vmem>>) target_semaphore(%run_scoped3A : memref<!tpu.dma_semaphore, #tpu.memory_space<semaphore_mem>>)
          %dma_wait3A_438 = arith.constant 0 : i32
          %dma_wait3A_439 = arith.constant 0 : i32
          %dma_wait3A_440 = tpu.memref_slice %arg23[%dma_wait3A_438, %dma_wait3A_439] : memref<112x32xf32, #tpu.memory_space<vmem>> -> memref<80x32xf32, #tpu.memory_space<vmem>>
          %dma_wait3A_441 = arith.constant 0 : i32
          %dma_wait3A_442 = tpu.memref_slice %arg11[%mul3A_417, %dma_wait3A_441] : memref<50008x32xf32, #tpu.memory_space<vmem_shared>> -> memref<80x32xf32, #tpu.memory_space<vmem_shared>>
          %dma_wait3A_443 = arith.constant 0 : i32
          %dma_wait3A_444 = arith.constant 0 : i32
          %dma_wait3A_445 = tpu.memref_slice %arg23[%dma_wait3A_443, %dma_wait3A_444] : memref<112x32xf32, #tpu.memory_space<vmem>> -> memref<80x32xf32, #tpu.memory_space<vmem>>
          %dma_wait3A_446 = arith.constant 0 : i32
          %dma_wait3A_447 = tpu.memref_slice %arg11[%mul3A_417, %dma_wait3A_446] : memref<50008x32xf32, #tpu.memory_space<vmem_shared>> -> memref<80x32xf32, #tpu.memory_space<vmem_shared>>
          tpu.wait_dma2 semaphore(%run_scoped3A : memref<!tpu.dma_semaphore, #tpu.memory_space<semaphore_mem>>) src(%dma_wait3A_447 : memref<80x32xf32, #tpu.memory_space<vmem_shared>>) dst(%dma_wait3A_445 : memref<80x32xf32, #tpu.memory_space<vmem>>)
          tpu.yield
        }) : () -> ()
        %eq3A_418 = arith.constant 0 : i32
        %eq3A_419 = arith.cmpi eq, %arg0, %eq3A_418 : i32
        %convert_element_type3A_420 = arith.extui %eq3A_419 : i1 to i32
        %cond3A_421 = arith.constant 0 : i32
        %cond3A_422 = arith.cmpi ne, %convert_element_type3A_420, %cond3A_421 : i32
        scf.if %cond3A_422 {
          "tpu.region"() ({
            %run_scoped3A = tpu.sem_alloc : memref<!tpu.dma_semaphore, #tpu.memory_space<semaphore_mem>>
            %dma_start3A_428 = arith.constant 0 : i32
            %dma_start3A_429 = arith.constant 0 : i32
            %dma_start3A_430 = tpu.memref_slice %arg23[%dma_start3A_428, %dma_start3A_429] : memref<112x32xf32, #tpu.memory_space<vmem>> -> memref<80x32xf32, #tpu.memory_space<vmem>>
            %dma_start3A_431 = arith.constant 0 : i32
            %dma_start3A_432 = tpu.memref_slice %arg7[%mul3A_417, %dma_start3A_431] : memref<50000x32xf32, #tpu.memory_space<hbm>> -> memref<80x32xf32, #tpu.memory_space<hbm>>
            %dma_start3A_433 = arith.constant 0 : i32
            %dma_start3A_434 = tpu.memref_slice %arg7[%mul3A_417, %dma_start3A_433] : memref<50000x32xf32, #tpu.memory_space<hbm>> -> memref<80x32xf32, #tpu.memory_space<hbm>>
            %dma_start3A_435 = arith.constant 0 : i32
            %dma_start3A_436 = arith.constant 0 : i32
            %dma_start3A_437 = tpu.memref_slice %arg23[%dma_start3A_435, %dma_start3A_436] : memref<112x32xf32, #tpu.memory_space<vmem>> -> memref<80x32xf32, #tpu.memory_space<vmem>>
            tpu.enqueue_dma source(%dma_start3A_437 : memref<80x32xf32, #tpu.memory_space<vmem>>) target(%dma_start3A_434 : memref<80x32xf32, #tpu.memory_space<hbm>>) target_semaphore(%run_scoped3A : memref<!tpu.dma_semaphore, #tpu.memory_space<semaphore_mem>>)
            %dma_wait3A_438 = arith.constant 0 : i32
            %dma_wait3A_439 = arith.constant 0 : i32
            %dma_wait3A_440 = tpu.memref_slice %arg23[%dma_wait3A_438, %dma_wait3A_439] : memref<112x32xf32, #tpu.memory_space<vmem>> -> memref<80x32xf32, #tpu.memory_space<vmem>>
            %dma_wait3A_441 = arith.constant 0 : i32
            %dma_wait3A_442 = tpu.memref_slice %arg7[%mul3A_417, %dma_wait3A_441] : memref<50000x32xf32, #tpu.memory_space<hbm>> -> memref<80x32xf32, #tpu.memory_space<hbm>>
            %dma_wait3A_443 = arith.constant 0 : i32
            %dma_wait3A_444 = tpu.memref_slice %arg7[%mul3A_417, %dma_wait3A_443] : memref<50000x32xf32, #tpu.memory_space<hbm>> -> memref<80x32xf32, #tpu.memory_space<hbm>>
            %dma_wait3A_445 = arith.constant 0 : i32
            %dma_wait3A_446 = arith.constant 0 : i32
            %dma_wait3A_447 = tpu.memref_slice %arg23[%dma_wait3A_445, %dma_wait3A_446] : memref<112x32xf32, #tpu.memory_space<vmem>> -> memref<80x32xf32, #tpu.memory_space<vmem>>
            tpu.wait_dma2 semaphore(%run_scoped3A : memref<!tpu.dma_semaphore, #tpu.memory_space<semaphore_mem>>) src(%dma_wait3A_447 : memref<80x32xf32, #tpu.memory_space<vmem>>) dst(%dma_wait3A_444 : memref<80x32xf32, #tpu.memory_space<hbm>>)
            tpu.yield
          }) : () -> ()
        } else {
        }
        %eq3A_423 = arith.constant 1 : i32
        %eq3A_424 = arith.cmpi eq, %arg0, %eq3A_423 : i32
        %convert_element_type3A_425 = arith.extui %eq3A_424 : i1 to i32
        %cond3A_426 = arith.constant 0 : i32
        %cond3A_427 = arith.cmpi ne, %convert_element_type3A_425, %cond3A_426 : i32
        scf.if %cond3A_427 {
          "tpu.region"() ({
            %run_scoped3A = tpu.sem_alloc : memref<!tpu.dma_semaphore, #tpu.memory_space<semaphore_mem>>
            %dma_start3A_428 = arith.constant 0 : i32
            %dma_start3A_429 = arith.constant 0 : i32
            %dma_start3A_430 = tpu.memref_slice %arg23[%dma_start3A_428, %dma_start3A_429] : memref<112x32xf32, #tpu.memory_space<vmem>> -> memref<80x32xf32, #tpu.memory_space<vmem>>
            %dma_start3A_431 = arith.constant 0 : i32
            %dma_start3A_432 = tpu.memref_slice %arg8[%mul3A_417, %dma_start3A_431] : memref<50000x32xf32, #tpu.memory_space<hbm>> -> memref<80x32xf32, #tpu.memory_space<hbm>>
            %dma_start3A_433 = arith.constant 0 : i32
            %dma_start3A_434 = tpu.memref_slice %arg8[%mul3A_417, %dma_start3A_433] : memref<50000x32xf32, #tpu.memory_space<hbm>> -> memref<80x32xf32, #tpu.memory_space<hbm>>
            %dma_start3A_435 = arith.constant 0 : i32
            %dma_start3A_436 = arith.constant 0 : i32
            %dma_start3A_437 = tpu.memref_slice %arg23[%dma_start3A_435, %dma_start3A_436] : memref<112x32xf32, #tpu.memory_space<vmem>> -> memref<80x32xf32, #tpu.memory_space<vmem>>
            tpu.enqueue_dma source(%dma_start3A_437 : memref<80x32xf32, #tpu.memory_space<vmem>>) target(%dma_start3A_434 : memref<80x32xf32, #tpu.memory_space<hbm>>) target_semaphore(%run_scoped3A : memref<!tpu.dma_semaphore, #tpu.memory_space<semaphore_mem>>)
            %dma_wait3A_438 = arith.constant 0 : i32
            %dma_wait3A_439 = arith.constant 0 : i32
            %dma_wait3A_440 = tpu.memref_slice %arg23[%dma_wait3A_438, %dma_wait3A_439] : memref<112x32xf32, #tpu.memory_space<vmem>> -> memref<80x32xf32, #tpu.memory_space<vmem>>
            %dma_wait3A_441 = arith.constant 0 : i32
            %dma_wait3A_442 = tpu.memref_slice %arg8[%mul3A_417, %dma_wait3A_441] : memref<50000x32xf32, #tpu.memory_space<hbm>> -> memref<80x32xf32, #tpu.memory_space<hbm>>
            %dma_wait3A_443 = arith.constant 0 : i32
            %dma_wait3A_444 = tpu.memref_slice %arg8[%mul3A_417, %dma_wait3A_443] : memref<50000x32xf32, #tpu.memory_space<hbm>> -> memref<80x32xf32, #tpu.memory_space<hbm>>
            %dma_wait3A_445 = arith.constant 0 : i32
            %dma_wait3A_446 = arith.constant 0 : i32
            %dma_wait3A_447 = tpu.memref_slice %arg23[%dma_wait3A_445, %dma_wait3A_446] : memref<112x32xf32, #tpu.memory_space<vmem>> -> memref<80x32xf32, #tpu.memory_space<vmem>>
            tpu.wait_dma2 semaphore(%run_scoped3A : memref<!tpu.dma_semaphore, #tpu.memory_space<semaphore_mem>>) src(%dma_wait3A_447 : memref<80x32xf32, #tpu.memory_space<vmem>>) dst(%dma_wait3A_444 : memref<80x32xf32, #tpu.memory_space<hbm>>)
            tpu.yield
          }) : () -> ()
        } else {
        }
      } else {
      }
      %scan3A_415 = arith.constant 0 : i32
      scf.yield %scan3A_415 : i32
    }
    %scan3A_391 = arith.constant 625 : i32
    %scan3A_392 = arith.constant 0 : i32
    %scan3A_393 = arith.constant 0 : i32
    %scan3A_394 = arith.constant 125 : i32
    %scan3A_395 = arith.addi %scan3A_393, %scan3A_394 : i32
    %scan3A_396 = arith.constant 1 : i32
    %scan3A_397 = scf.for %scan3A_399 = %scan3A_393 to %scan3A_395 step %scan3A_396 iter_args(%scan3A_400 = %scan3A_392) -> (i32)  : i32 {
      %jit3A = arith.constant 16 : i32
      %eq3A_401 = arith.constant 0 : i32
      %eq3A_402 = arith.cmpi eq, %jit3A, %eq3A_401 : i32
      %jit3A_403 = arith.constant 1 : i32
      %select_n3A = arith.select %eq3A_402, %jit3A_403, %jit3A : i32
      %rem3A = arith.remsi %scan3A_399, %select_n3A : i32
      %ne3A = arith.constant 0 : i32
      %ne3A_404 = arith.cmpi ne, %rem3A, %ne3A : i32
      %lt3A = arith.constant 0 : i32
      %lt3A_405 = arith.cmpi slt, %rem3A, %lt3A : i32
      %lt3A_406 = arith.constant 0 : i32
      %lt3A_407 = arith.cmpi slt, %select_n3A, %lt3A_406 : i32
      %ne3A_408 = arith.xori %lt3A_405, %lt3A_407 : i1
      %and3A = arith.andi %ne3A_408, %ne3A_404 : i1
      %add3A_409 = arith.addi %rem3A, %select_n3A : i32
      %select_n3A_410 = arith.select %and3A, %add3A_409, %rem3A : i32
      %eq3A_411 = arith.cmpi eq, %select_n3A_410, %arg1 : i32
      %convert_element_type3A_412 = arith.extui %eq3A_411 : i1 to i32
      %cond3A_413 = arith.constant 0 : i32
      %cond3A_414 = arith.cmpi ne, %convert_element_type3A_412, %cond3A_413 : i32
      scf.if %cond3A_414 {
        %mul3A_416 = arith.constant 50 : i32
        %mul3A_417 = arith.muli %scan3A_399, %mul3A_416 : i32
        "tpu.region"() ({
          %run_scoped3A = tpu.sem_alloc : memref<!tpu.dma_semaphore, #tpu.memory_space<semaphore_mem>>
          %dma_start3A_428 = arith.constant 0 : i32
          %dma_start3A_429 = arith.constant 0 : i32
          %dma_start3A_430 = tpu.memref_slice %arg24[%dma_start3A_428, %dma_start3A_429] : memref<112x16xf32, #tpu.memory_space<vmem>> -> memref<50x16xf32, #tpu.memory_space<vmem>>
          %dma_start3A_431 = arith.constant 0 : i32
          %dma_start3A_432 = tpu.memref_slice %arg12[%mul3A_417, %dma_start3A_431] : memref<6256x16xf32, #tpu.memory_space<vmem_shared>> -> memref<50x16xf32, #tpu.memory_space<vmem_shared>>
          %dma_start3A_433 = arith.constant 0 : i32
          %dma_start3A_434 = arith.constant 0 : i32
          %dma_start3A_435 = tpu.memref_slice %arg24[%dma_start3A_433, %dma_start3A_434] : memref<112x16xf32, #tpu.memory_space<vmem>> -> memref<50x16xf32, #tpu.memory_space<vmem>>
          %dma_start3A_436 = arith.constant 0 : i32
          %dma_start3A_437 = tpu.memref_slice %arg12[%mul3A_417, %dma_start3A_436] : memref<6256x16xf32, #tpu.memory_space<vmem_shared>> -> memref<50x16xf32, #tpu.memory_space<vmem_shared>>
          tpu.enqueue_dma source(%dma_start3A_437 : memref<50x16xf32, #tpu.memory_space<vmem_shared>>) target(%dma_start3A_435 : memref<50x16xf32, #tpu.memory_space<vmem>>) target_semaphore(%run_scoped3A : memref<!tpu.dma_semaphore, #tpu.memory_space<semaphore_mem>>)
          %dma_wait3A_438 = arith.constant 0 : i32
          %dma_wait3A_439 = arith.constant 0 : i32
          %dma_wait3A_440 = tpu.memref_slice %arg24[%dma_wait3A_438, %dma_wait3A_439] : memref<112x16xf32, #tpu.memory_space<vmem>> -> memref<50x16xf32, #tpu.memory_space<vmem>>
          %dma_wait3A_441 = arith.constant 0 : i32
          %dma_wait3A_442 = tpu.memref_slice %arg12[%mul3A_417, %dma_wait3A_441] : memref<6256x16xf32, #tpu.memory_space<vmem_shared>> -> memref<50x16xf32, #tpu.memory_space<vmem_shared>>
          %dma_wait3A_443 = arith.constant 0 : i32
          %dma_wait3A_444 = arith.constant 0 : i32
          %dma_wait3A_445 = tpu.memref_slice %arg24[%dma_wait3A_443, %dma_wait3A_444] : memref<112x16xf32, #tpu.memory_space<vmem>> -> memref<50x16xf32, #tpu.memory_space<vmem>>
          %dma_wait3A_446 = arith.constant 0 : i32
          %dma_wait3A_447 = tpu.memref_slice %arg12[%mul3A_417, %dma_wait3A_446] : memref<6256x16xf32, #tpu.memory_space<vmem_shared>> -> memref<50x16xf32, #tpu.memory_space<vmem_shared>>
          tpu.wait_dma2 semaphore(%run_scoped3A : memref<!tpu.dma_semaphore, #tpu.memory_space<semaphore_mem>>) src(%dma_wait3A_447 : memref<50x16xf32, #tpu.memory_space<vmem_shared>>) dst(%dma_wait3A_445 : memref<50x16xf32, #tpu.memory_space<vmem>>)
          tpu.yield
        }) : () -> ()
        %eq3A_418 = arith.constant 0 : i32
        %eq3A_419 = arith.cmpi eq, %arg0, %eq3A_418 : i32
        %convert_element_type3A_420 = arith.extui %eq3A_419 : i1 to i32
        %cond3A_421 = arith.constant 0 : i32
        %cond3A_422 = arith.cmpi ne, %convert_element_type3A_420, %cond3A_421 : i32
        scf.if %cond3A_422 {
          "tpu.region"() ({
            %run_scoped3A = tpu.sem_alloc : memref<!tpu.dma_semaphore, #tpu.memory_space<semaphore_mem>>
            %dma_start3A_428 = arith.constant 0 : i32
            %dma_start3A_429 = arith.constant 0 : i32
            %dma_start3A_430 = tpu.memref_slice %arg24[%dma_start3A_428, %dma_start3A_429] : memref<112x16xf32, #tpu.memory_space<vmem>> -> memref<50x16xf32, #tpu.memory_space<vmem>>
            %dma_start3A_431 = arith.constant 0 : i32
            %dma_start3A_432 = tpu.memref_slice %arg9[%mul3A_417, %dma_start3A_431] : memref<6250x16xf32, #tpu.memory_space<hbm>> -> memref<50x16xf32, #tpu.memory_space<hbm>>
            %dma_start3A_433 = arith.constant 0 : i32
            %dma_start3A_434 = tpu.memref_slice %arg9[%mul3A_417, %dma_start3A_433] : memref<6250x16xf32, #tpu.memory_space<hbm>> -> memref<50x16xf32, #tpu.memory_space<hbm>>
            %dma_start3A_435 = arith.constant 0 : i32
            %dma_start3A_436 = arith.constant 0 : i32
            %dma_start3A_437 = tpu.memref_slice %arg24[%dma_start3A_435, %dma_start3A_436] : memref<112x16xf32, #tpu.memory_space<vmem>> -> memref<50x16xf32, #tpu.memory_space<vmem>>
            tpu.enqueue_dma source(%dma_start3A_437 : memref<50x16xf32, #tpu.memory_space<vmem>>) target(%dma_start3A_434 : memref<50x16xf32, #tpu.memory_space<hbm>>) target_semaphore(%run_scoped3A : memref<!tpu.dma_semaphore, #tpu.memory_space<semaphore_mem>>)
            %dma_wait3A_438 = arith.constant 0 : i32
            %dma_wait3A_439 = arith.constant 0 : i32
            %dma_wait3A_440 = tpu.memref_slice %arg24[%dma_wait3A_438, %dma_wait3A_439] : memref<112x16xf32, #tpu.memory_space<vmem>> -> memref<50x16xf32, #tpu.memory_space<vmem>>
            %dma_wait3A_441 = arith.constant 0 : i32
            %dma_wait3A_442 = tpu.memref_slice %arg9[%mul3A_417, %dma_wait3A_441] : memref<6250x16xf32, #tpu.memory_space<hbm>> -> memref<50x16xf32, #tpu.memory_space<hbm>>
            %dma_wait3A_443 = arith.constant 0 : i32
            %dma_wait3A_444 = tpu.memref_slice %arg9[%mul3A_417, %dma_wait3A_443] : memref<6250x16xf32, #tpu.memory_space<hbm>> -> memref<50x16xf32, #tpu.memory_space<hbm>>
            %dma_wait3A_445 = arith.constant 0 : i32
            %dma_wait3A_446 = arith.constant 0 : i32
            %dma_wait3A_447 = tpu.memref_slice %arg24[%dma_wait3A_445, %dma_wait3A_446] : memref<112x16xf32, #tpu.memory_space<vmem>> -> memref<50x16xf32, #tpu.memory_space<vmem>>
            tpu.wait_dma2 semaphore(%run_scoped3A : memref<!tpu.dma_semaphore, #tpu.memory_space<semaphore_mem>>) src(%dma_wait3A_447 : memref<50x16xf32, #tpu.memory_space<vmem>>) dst(%dma_wait3A_444 : memref<50x16xf32, #tpu.memory_space<hbm>>)
            tpu.yield
          }) : () -> ()
        } else {
        }
        %eq3A_423 = arith.constant 1 : i32
        %eq3A_424 = arith.cmpi eq, %arg0, %eq3A_423 : i32
        %convert_element_type3A_425 = arith.extui %eq3A_424 : i1 to i32
        %cond3A_426 = arith.constant 0 : i32
        %cond3A_427 = arith.cmpi ne, %convert_element_type3A_425, %cond3A_426 : i32
        scf.if %cond3A_427 {
          "tpu.region"() ({
            %run_scoped3A = tpu.sem_alloc : memref<!tpu.dma_semaphore, #tpu.memory_space<semaphore_mem>>
            %dma_start3A_428 = arith.constant 0 : i32
            %dma_start3A_429 = arith.constant 0 : i32
            %dma_start3A_430 = tpu.memref_slice %arg24[%dma_start3A_428, %dma_start3A_429] : memref<112x16xf32, #tpu.memory_space<vmem>> -> memref<50x16xf32, #tpu.memory_space<vmem>>
            %dma_start3A_431 = arith.constant 0 : i32
            %dma_start3A_432 = tpu.memref_slice %arg10[%mul3A_417, %dma_start3A_431] : memref<6250x16xf32, #tpu.memory_space<hbm>> -> memref<50x16xf32, #tpu.memory_space<hbm>>
            %dma_start3A_433 = arith.constant 0 : i32
            %dma_start3A_434 = tpu.memref_slice %arg10[%mul3A_417, %dma_start3A_433] : memref<6250x16xf32, #tpu.memory_space<hbm>> -> memref<50x16xf32, #tpu.memory_space<hbm>>
            %dma_start3A_435 = arith.constant 0 : i32
            %dma_start3A_436 = arith.constant 0 : i32
            %dma_start3A_437 = tpu.memref_slice %arg24[%dma_start3A_435, %dma_start3A_436] : memref<112x16xf32, #tpu.memory_space<vmem>> -> memref<50x16xf32, #tpu.memory_space<vmem>>
            tpu.enqueue_dma source(%dma_start3A_437 : memref<50x16xf32, #tpu.memory_space<vmem>>) target(%dma_start3A_434 : memref<50x16xf32, #tpu.memory_space<hbm>>) target_semaphore(%run_scoped3A : memref<!tpu.dma_semaphore, #tpu.memory_space<semaphore_mem>>)
            %dma_wait3A_438 = arith.constant 0 : i32
            %dma_wait3A_439 = arith.constant 0 : i32
            %dma_wait3A_440 = tpu.memref_slice %arg24[%dma_wait3A_438, %dma_wait3A_439] : memref<112x16xf32, #tpu.memory_space<vmem>> -> memref<50x16xf32, #tpu.memory_space<vmem>>
            %dma_wait3A_441 = arith.constant 0 : i32
            %dma_wait3A_442 = tpu.memref_slice %arg10[%mul3A_417, %dma_wait3A_441] : memref<6250x16xf32, #tpu.memory_space<hbm>> -> memref<50x16xf32, #tpu.memory_space<hbm>>
            %dma_wait3A_443 = arith.constant 0 : i32
            %dma_wait3A_444 = tpu.memref_slice %arg10[%mul3A_417, %dma_wait3A_443] : memref<6250x16xf32, #tpu.memory_space<hbm>> -> memref<50x16xf32, #tpu.memory_space<hbm>>
            %dma_wait3A_445 = arith.constant 0 : i32
            %dma_wait3A_446 = arith.constant 0 : i32
            %dma_wait3A_447 = tpu.memref_slice %arg24[%dma_wait3A_445, %dma_wait3A_446] : memref<112x16xf32, #tpu.memory_space<vmem>> -> memref<50x16xf32, #tpu.memory_space<vmem>>
            tpu.wait_dma2 semaphore(%run_scoped3A : memref<!tpu.dma_semaphore, #tpu.memory_space<semaphore_mem>>) src(%dma_wait3A_447 : memref<50x16xf32, #tpu.memory_space<vmem>>) dst(%dma_wait3A_444 : memref<50x16xf32, #tpu.memory_space<hbm>>)
            tpu.yield
          }) : () -> ()
        } else {
        }
      } else {
      }
      %scan3A_415 = arith.constant 0 : i32
      scf.yield %scan3A_415 : i32
    }
    %scan3A_398 = arith.constant 125 : i32
    return
  }
}

</mosaic_0001>

<sc_bundles>
// kernel: _edge_pass.3.cloned.1.call-start
scs
__scs_entry_jumppad:
0x0: {  	(pc) =	sbr.rel $0x88, $3  }
0x1: {  	(tag) =	ssettag $0x0;
	lr =	simm.s32 $0x1  }
0x2: {  	[smem:$0x3F9C] =	sst lr;
	_ =	strace $0xD0000000  }
0x3: {  	_ = 	snop  }
0x4: {  	_ = 	snop  }
0x5: {  	_ = 	snop  }
0x6: {  	_ = 	snop  }
0x7: {  	_ = 	snop  }
__scs_overlays_trampoline_lowered:
0x8: {  	[smem:$0x3FAB] =	sst s0  }
0x9: {  	[smem:$0x3FAC] =	sst s1  }
0xa: {  	[smem:$0x3FAD] =	sst s2  }
0xb: {  	[smem:$0x3FAE] =	sst s3  }
0xc: {  	[smem:$0x3FAF] =	sst s4  }
0xd: {  	[smem:$0x3FB0] =	sst s5  }
0xe: {  	[smem:$0x3FB1] =	sst s6  }
0xf: {  	[smem:$0x3FB2] =	sst s7  }
0x10: {  	[smem:$0x3FB3] =	sst s8  }
0x11: {  	[smem:$0x3FB4] =	sst s9;
	s0 =	simm.s32 @!p0 $0x0  }
0x12: {  	s1 =	sld [smem:$0x3F9A];
	s0 =	simm.s32 @p0 $0x1  }
0x13: {  	[smem:$0x3FB5] =	sst s0;
	s0 =	simm.s32 @!p1 $0x0  }
0x14: {  	s2 =	sld [smem:$0x3F99];
	s0 =	simm.s32 @p1 $0x1  }
0x15: {  	[smem:$0x3FB6] =	sst s0;
	s0 =	simm.s32 @!p2 $0x0  }
0x16: {  	s3 =	sld [smem:$0x3FDB];
	s0 =	simm.s32 @p2 $0x1  }
0x17: {  	s4 =	simm.s32 $0x1BF5;
	[smem:$0x3FB8] =	sst s0  }
0x18: {  	s0 =	sld [smem:$0x3F9B];
	_ =	swait.ge [sflag:s4], $0x0  }
0x19: {  	s7 =	sld [smem:$0x3F9C]  }
0x1a: {  	s8 =	sadd.s32 $0xFFFFE003, lr  }
0x1b: {  	s9 =	sadd.s32 $0xFFFFFEF7, lr;
	s5 =	simm.s32 $0xFFFFFFFF;
	p2 =	slt.u32 s8, $0xFFFFF086  }
0x1c: {  	p1 =	slt.u32 s9, $0xF7A;
	s5 =	simm.s32 @!p2 $0x0  }
0x1d: {  	s5 =	simm.s32 @p1 $0x1;
	p0 =	seq.s32 s7, s2  }
0x1e: {  	s7 =	smul.u32 @!p0 $0xF7A, s2;
	p2 =	seq.s32 @!p0 s5, $0x0  }
0x1f: {  	s9 =	smul.u32 $0xF7A, s1;
	s8 =	simm.s32 @!p0 $0x1BF5;
	p2 =	por !p2, p0  }
0x20: {  	[sflag:s8] =	ssyncset.s32 @!p0 $0xFFFFF086;
	s6 =	sadd.s32 @!p0 s3, s7;
	s7 =	simm.s32 @!p0 $0x108  }
0x21: {  	s3 =	sadd.s32 s3, s9;
	s6 =	sadd.s32 @!p0 $0x88, s6;
	s7 =	simm.s32 @p2 $0x1082  }
0x22: {  	[simem:s7], [sflag:s8] =	dma.local @!p0 [hbm:s6], $0xF7A  }
0x23: {  	s9 =	sor.u32 $0xD0000000, s2;
	s6 =	simm.s32 $0x108;
	_ =	swait.ge @!p0 [sflag:s8], $0x0  }
0x24: {  	s3 =	sadd.s32 $0x88, s3;
	s6 =	simm.s32 @!p1 $0x1082;
	[sflag:s4] =	ssyncset.s32 $0xFFFFF086  }
0x25: {  	[simem:s6], [sflag:s4] =	dma.local [hbm:s3], $0xF7A  }
0x26: {  	[smem:$0x3F9C] =	sst s1;
	(tag) =	ssettag s2;
	_ =	strace s9  }
0x27: {  	s1 =	sld [smem:$0x3FAC]  }
0x28: {  	s2 =	sld [smem:$0x3FAD]  }
0x29: {  	s4 =	sld [smem:$0x3FAF]  }
0x2a: {  	p0 =	seq.s32 s5, $0x0;
	s5 =	sld [smem:$0x3FB0]  }
0x2b: {  	s6 =	sld [smem:$0x3FB1]  }
0x2c: {  	s7 =	sld [smem:$0x3FB2]  }
0x2d: {  	s3 =	simm.s32 $0x108;
	s8 =	sld [smem:$0x3FB3]  }
0x2e: {  	s3 =	simm.s32 @!p0 $0x1082;
	s9 =	sld [smem:$0x3FB4]  }
0x2f: {  	lr =	sadd.s32 s0, s3;
	s0 =	sld [smem:$0x3FAB]  }
0x30: {  	s3 =	sld [smem:$0x3FAE]  }
0x31: {  	[smem:$0x3FB7] =	sst s10  }
0x32: {  	s10 =	sld [smem:$0x3FB5];
	_ =	sdelay $0x3  }
0x33: {  	p0 =	seq.s32 s10, $0x1;
	s10 =	sld [smem:$0x3FB7];
	_ =	sdelay $0x3  }
0x34: {  	[smem:$0x3FB7] =	sst s10  }
0x35: {  	s10 =	sld [smem:$0x3FB6];
	_ =	sdelay $0x3  }
0x36: {  	p1 =	seq.s32 s10, $0x1;
	s10 =	sld [smem:$0x3FB7];
	_ =	sdelay $0x3  }
0x37: {  	[smem:$0x3FB7] =	sst s10  }
0x38: {  	s10 =	sld [smem:$0x3FB8]  }
0x39: {  	_ = 	snop;
	(pc) =	sbr.ind lr, $3  }
0x3a: {  	_ = 	snop  }
0x3b: {  	_ = 	snop  }
0x3c: {  	p2 =	seq.s32 s10, $0x1;
	s10 =	sld [smem:$0x3FB7]  }
0x3d: {  	_ =	shalt  }
0x3e: {  	_ =	shalt  }
0x3f: {  	_ =	shalt  }
0x40: {  	_ =	shalt  }
0x41: {  	_ =	shalt  }
0x42: {  	_ =	shalt  }
0x43: {  	_ =	shalt  }
0x44: {  	_ =	shalt  }
0x45: {  	_ =	shalt  }
0x46: {  	_ =	shalt  }
0x47: {  	_ =	shalt  }
0x48: {  	_ =	shalt  }
0x49: {  	_ =	shalt  }
0x4a: {  	_ =	shalt  }
0x4b: {  	_ =	shalt  }
0x4c: {  	_ =	shalt  }
0x4d: {  	_ =	shalt  }
0x4e: {  	_ =	shalt  }
0x4f: {  	_ =	shalt  }
0x50: {  	_ =	shalt  }
0x51: {  	_ =	shalt  }
0x52: {  	_ =	shalt  }
0x53: {  	_ =	shalt  }
0x54: {  	_ =	shalt  }
0x55: {  	_ =	shalt  }
0x56: {  	_ =	shalt  }
0x57: {  	_ =	shalt  }
0x58: {  	_ =	shalt  }
0x59: {  	_ =	shalt  }
0x5a: {  	_ =	shalt  }
0x5b: {  	_ =	shalt  }
0x5c: {  	_ =	shalt  }
0x5d: {  	_ =	shalt  }
0x5e: {  	_ =	shalt  }
0x5f: {  	_ =	shalt  }
0x60: {  	_ =	shalt  }
0x61: {  	_ =	shalt  }
0x62: {  	_ =	shalt  }
0x63: {  	_ =	shalt  }
0x64: {  	_ =	shalt  }
0x65: {  	_ =	shalt  }
0x66: {  	_ =	shalt  }
0x67: {  	_ =	shalt  }
0x68: {  	_ =	shalt  }
0x69: {  	_ =	shalt  }
0x6a: {  	_ =	shalt  }
0x6b: {  	_ =	shalt  }
0x6c: {  	_ =	shalt  }
0x6d: {  	_ =	shalt  }
0x6e: {  	_ =	shalt  }
0x6f: {  	_ =	shalt  }
0x70: {  	_ =	shalt  }
0x71: {  	_ =	shalt  }
0x72: {  	_ =	shalt  }
0x73: {  	_ =	shalt  }
0x74: {  	_ =	shalt  }
0x75: {  	_ =	shalt  }
0x76: {  	_ =	shalt  }
0x77: {  	_ =	shalt  }
0x78: {  	_ =	shalt  }
0x79: {  	_ =	shalt  }
0x7a: {  	_ =	shalt  }
0x7b: {  	_ =	shalt  }
0x7c: {  	_ =	shalt  }
0x7d: {  	_ =	shalt  }
0x7e: {  	_ =	shalt  }
0x7f: {  	_ =	shalt  }
0x80: {  	_ =	shalt  }
0x81: {  	_ =	shalt  }
0x82: {  	_ =	shalt  }
0x83: {  	_ =	shalt  }
0x84: {  	_ =	shalt  }
0x85: {  	_ =	shalt  }
0x86: {  	_ =	shalt  }
0x87: {  	_ =	shalt  }
.Lfunc_end0:
.L_simem_size_0:
called_computation_lowered:
.L_overlay_start_0:
0x88: {  	s2 =	sld [smem:$0x3FD9]  }
0x89: {  	s3 =	sld [smem:$0x3FFE];
	_ =	sdelay $0x1  }
0x8a: {  	s1 =	srdreg.scid  }
0x8b: {  	s0 =	sand.u32 $0x1, s1  }
0x8c: {  	s14 =	sshll.u32 s0, $0xA;
	s2 =	sadd.s32 s3, s2  }
0x8d: {  	s2 =	sadd.s32 s2, s14  }
0x8e: {  	[smem:$0x3FC3] =	sst s2  }
0x8f: {  	_ = 	snop  }
0x90: {  	s2 =	sld [smem:$0x3FD0];
	_ =	sdelay $0x2  }
0x91: {  	s15 =	simm.s32 $0xA;
	s4 =	simm.s32 $0x10  }
0x92: {  	[smem:s4], [sflag:s15] =	dma.local [hbm:s2], $0x1  }
0x93: {  	_ =	swait.eq [sflag:s15], $0x1  }
0x94: {  	s16 =	sld [smem:$0x10];
	[sflag:s15] =	ssyncset.done $0x0  }
0x95: {  	s17 =	sld [smem:$0x11];
	[sflag:s15] =	ssyncadd.s32 $0xFFFFFFFF  }
0x96: {  	s18 =	sld [smem:$0x13];
	(tm) =	ssettm $0x1  }
0x97: {  	s5 =	sld [smem:$0x3FFB];
	_ =	sdelay $0x3  }
0x98: {  	_ =	strace s5  }
0x99: {  	s5 =	sld [smem:$0x3FFC];
	_ =	sdelay $0x3  }
0x9a: {  	_ =	strace s5  }
0x9b: {  	s5 =	sld [smem:$0x3FFD];
	_ =	sdelay $0x3  }
0x9c: {  	_ =	strace s5  }
0x9d: {  	_ =	strace $0x8FFFFFFF  }
0x9e: {  	s19 =	sld [smem:$0x3FDB];
	_ =	sdelay $0x1  }
0x9f: {  	s6 =	simm.s32 $_scs_section_size  }
0xa0: {  	s7 =	simm.s32 $_size__tile_overlayer_lowered;
	s8 =	simm.s32 $_tile_overlayer_lowered  }
0xa1: {  	s22 =	simm.s32 $0x1BFF;
	s21 =	sshll.u32 s8, $0x1;
	s5 =	sadd.s32 s6, s19  }
0xa2: {  	s9 =	simm.s32 $0x0;
	s20 =	sshll.u32 s7, $0x1;
	s7 =	sadd.s32 s21, s5  }
0xa3: {  	[timem:s9], [sflag:s22] =	dma.local [hbm:s7], s20  }
0xa4: {  	_ =	swait.ge [sflag:s22], s20  }
0xa5: {  	s6 =	ssub.s32 $0x0, s20;
	[sflag:s22] =	ssyncset.done $0x0  }
0xa6: {  	[sflag:s22] =	ssyncadd.s32 s6;
	_ =	sdelay $0x1  }
0xa7: {  	s23 =	simm.s32 $0x1B8B  }
0xa8: {  	_ =	swait.ge [sflag:s23], $0x1  }
0xa9: {  	[sflag:s23] =	ssyncset.done $0x0  }
0xaa: {  	s25 =	simm.s32 $0x1B8E;
	s24 =	sld [smem:$0x3FFE];
	[sflag:s23] =	ssyncadd.s32 $0xFFFFFFFF  }
0xab: {  	s26 =	simm.s32 $execute0_lowered;
	[smem:$0x3FD2] =	sst s25  }
0xac: {  	s7 =	sshll.u32 s26, $0x1;
	_ =	strace $0x80000046;
	[dreg:$0x1] =	wrdreg $0xFFFFFFFF  }
0xad: {  	s28 =	simm.s32 $_size_execute0_lowered;
	s5 =	sadd.s32 s5, s7;
	[dreg:$0x0] =	wrdreg $0x0  }
0xae: {  	s7 =	sshll.u32 s28, $0x1;
	[dreg:$0x2] =	wrdreg s5  }
0xaf: {  	[dreg:$0x3] =	wrdreg s7  }
0xb0: {  	[dreg:$0x4] =	wrdreg $0xC0  }
0xb1: {  	_ =	task [dreg:s9], $0x5FFFF  }
0xb2: {  	[dreg:$0x1] =	wrdreg $0xFFFFFFFF  }
0xb3: {  	[dreg:$0x0] =	wrdreg $0x60  }
0xb4: {  	[dreg:$0x2] =	wrdreg s24  }
0xb5: {  	[dreg:$0x3] =	wrdreg s16  }
0xb6: {  	[dreg:$0x4] =	wrdreg s17  }
0xb7: {  	[dreg:$0x5] =	wrdreg s18  }
0xb8: {  	[dreg:$0x6] =	wrdreg $0x0  }
0xb9: {  	[dreg:$0x7] =	wrdreg $0x186B00  }
0xba: {  	[dreg:$0x8] =	wrdreg $0x9  }
0xbb: {  	_ =	task.clear_ibuf [dreg:s9], $0x9FFFF;
	_ =	strace $0x90000046  }
0xbc: {  	s29 =	simm.s32 $0x9;
	_ =	strace $0x80000048  }
0xbd: {  	_ =	swait.ge [sflag:s29], $0x1  }
0xbe: {  	[sflag:s29] =	ssyncadd.s32 $0xFFFFFFFF  }
0xbf: {  	_ =	strace $0x90000048  }
0xc0: {  	_ =	sfence  }
0xc1: {  	s30 =	sld [smem:$0x0];
	_ =	sdelay $0x2  }
0xc2: {  	s31 =	sshll.u32 s1, $0xD;
	s1 =	sshrl.u32 s1, $0x2  }
0xc3: {  	s3 =	sand.u32 $0x4000, s31;
	s1 =	sadd.s32 s1, s30  }
0xc4: {  	s0 =	sor.u32 s3, s0;
	s1 =	sshll.u32 s1, $0x11  }
0xc5: {  	s0 =	sor.u32 s1, s0  }
0xc6: {  	s0 =	sadd.s32 $0x8F2B, s0  }
0xc7: {  	[sflag:s0] =	ssyncadd.remote.s32 $0x1  }
0xc8: {  	_ =	sfence.sel $0xFFFF  }
0xc9: {  	[dreg:$0x0] =	wrdreg $0xFFFFFFFF;
	(pc) =	sbr.abs _section_cstart, $3  }
0xca: {  	[dreg:$0x1] =	wrdreg $0xFFFFFFFF  }
0xcb: {  	_ =	task.clear_ibuf [dreg:s9], $0x2FFFF;
	_ =	strace $0x9FFFFFFF  }
0xcc: {  	(tm) =	ssettm $0x7FFFFFFF  }
0xcd: {  	_ =	shalt  }
tec
execute0_lowered:
.L_overlay_start_1:
0x0: {  	(tag) =	ssettag $0x1  }
0x1: {  	s0 =	rddreg [dreg:$0x0]  }
0x2: {  	s3 =	rddreg [dreg:$0x1]  }
0x3: {  	s9 =	rddreg [dreg:$0x2]  }
0x4: {  	s10 =	rddreg [dreg:$0x3]  }
0x5: {  	s1 =	rddreg [dreg:$0x4]  }
0x6: {  	s2 =	rddreg [dreg:$0x5]  }
0x7: {  	s15 =	simm.s32 $0x0;
	s6 =	srdreg.scid;
	s5 =	stileid.u32  }
0x8: {  	s20 =	simm.s32 $0x70;
	s18 =	simm.s32 $0x1CCA0;
	s28 =	simm.s32 $0x1B7A0  }
0x9: {  	s29 =	simm.s32 $0x1D3A0;
	s30 =	simm.s32 $0x1E8A0;
	s31 =	simm.s32 $0x1DAA0  }
0xa: {  	[smem:$0x7FF] =	sst s15;
	s11 =	sadd.s32 $0x4AE00, s0;
	s4 =	sadd.s32 $0x1A00, s0  }
0xb: {  	s6 =	sand.u32 $0x1, s6;
	s7 =	sadd.s32 $0x94200, s0;
	s13 =	smul.u32 $0xC390, s5  }
0xc: {  	s8 =	sadd.s32 $0xACA00, s0;
	s16 =	sadd.s32 $0xDDA00, s0;
	s23 =	sadd.s32 $0x186A00, s1  }
0xd: {  	s24 =	sadd.s32 $0x18600, s2;
	_ =	strace $0x80000047;
	[dreg:$0xa] =	wrdreg s23  }
0xe: {  	s17 =	sadd.s32 $0x10E800, s0;
	s12 =	ssub.s32 $0x2, s6;
	[dreg:$0xb] =	wrdreg s24  }
0xf: {  	p0 =	seq.s32 s6, $0x0;
	s24 =	simm.s32 $0x1;
	s14 =	sshrl.u32 s12, $0x1  }
0x10: {  	s22 =	sshrl.u32 s13, $0x3;
	s25 =	sadd.s32 $0xE0, s13;
	s13 =	sadd.s32 $0x150, s13  }
0x11: {  	s4 =	smov.u32 @p0 s11;
	s7 =	smov.u32 @p0 s3;
	s16 =	smov.u32 @p0 s9  }
0x12: {  	s17 =	smov.u32 @p0 s10;
	p0 =	sne.s32 s5, $0x0;
	[dreg:$0xe] =	wrdreg s25  }
0x13: {  	s9 =	simm.s32 $0x3;
	s10 =	simm.s32 $0x4;
	[dreg:$0xf] =	wrdreg s13  }
0x14: {  	s3 =	simm.s32 $0x2;
	s21 =	ssub.s32 s12, s14;
	[dreg:$0x8] =	wrdreg s16  }
0x15: {  	s12 =	sadd.s32 s8, s22;
	s13 =	sshrl.u32 s13, $0x3;
	[dreg:$0x9] =	wrdreg s17  }
0x16: {  	s22 =	simm.s32 $0x19F20;
	[dreg:$0xc] =	wrdreg s12;
	s12 =	sadd.s32 $0xE, s12  }
0x17: {  	s14 =	simm.s32 $0x38;
	s26 =	sadd.s32 s8, s13;
	[dreg:$0xd] =	wrdreg s12  }
0x18: {  	s0 =	smax.u32 s21, $0x1;
	s12 =	sshrl.u32 s25, $0x3;
	[dreg:$0x11] =	wrdreg s26  }
0x19: {  	s17 =	simm.s32 $0x5;
	[dreg:$0x12] =	wrdreg s0;
	s12 =	sadd.s32 s8, s12  }
0x1a: {  	v0 =	vimm.f32 $0.0e+00;
	v1 =	vlaneseq.u32;
	s25 =	simm.s32 $0x20;
	s26 =	simm.s32 $0x1A2A0;
	[dreg:$0x10] =	wrdreg s12  }
.LBB2_1:
0x1b: {  	s11 =	simm.s32 $0x1DAB0  }
0x1c: {  	[tilespmem:s11+$0xFFFFFFF0] =	vst v0  }
0x1d: {  	[dreg:$0x7] =	wrdreg s15;
	s12 =	simm.s32 $0x40;
	s13 =	simm.s32 $0x0;
	[tilespmem:s11+$0x0] =	vst v0  }
.LBB2_2:
0x1e: {  	p1 =	sne.s32 s12, $0x1BC0  }
0x1f: {  	[tilespmem:s13+$0x1E8A0] =	vst v0;
	s11 =	sadd.s32 $0x20, s11;
	s13 =	smov.u32 s12;
	s12 =	sadd.s32 $0x40, s12  }
.Ltmp0:
0x20: {  	[tilespmem:s11+$0xFFFFFFF0] =	vst v0;
	(pc) =	sbr.rel @p1 .LBB2_2-.Ltmp0, $2  }
0x21: {  	_ =	sdelay $0x2  }
0x22: {  	s15 =	simm.s32 $0x0;
	s13 =	sshra.s32 s13, $0x2;
	[tilespmem:s11+$0x0] =	vst v0  }
0x23: {  	s12 =	sand.u32 $0xF, s15  }
0x24: {  	p1 =	sne.s32 s12, s5  }
0x25: {  	[tilespmem:s13+$0x1E8A0] =	vst v0;
	s19 =	simm.s32 $0x2;
	s11 =	simm.s32 @!p1 $0x1DAA0;
	s21 =	simm.s32 @!p1 $0x6  }
0x26: {  	[spmem:s1] =	stream.linear.scatter @!p1 [tilespmem:s11], [sflag:$0x6], $0xA00, $0x38;
	[tilespmem:$0x1EFA0] =	vst v63  }
0x27: {  	s13 =	sadd.s32 $0xA00, s1;
	s23 =	simm.s32 $0x1;
	_ =	swait.ge @!p1 [sflag:s21], $0xA00  }
0x28: {  	s11 =	simm.s32 $0x1;
	[sflag:s21] =	ssyncset.done @!p1 $0x0;
	s16 =	rddreg [dreg:$0xf]  }
.LBB2_4:
0x29: {  	s15 =	sand.u32 $0xF, s23;
	s23 =	smov.u32 s19;
	s19 =	sadd.s32 $0x1, s19  }
0x2a: {  	[sflag:s21] =	ssyncadd.s32 @!p1 $0xFFFFF600;
	p2 =	sne.s32 s19, $0x271  }
.Ltmp1:
0x2b: {  	p1 =	sne.s32 s15, s5;
	(pc) =	sbr.rel @p2 .LBB2_4-.Ltmp1, $4  }
0x2c: {  	s15 =	simm.s32 @!p1 $0x1DAA0;
	s21 =	simm.s32 @!p1 $0x6  }
0x2d: {  	[spmem:s13] =	stream.linear.scatter @!p1 [tilespmem:s15], [sflag:$0x6], $0xA00, $0x38;
	[tilespmem:$0x1EFA0] =	vst v63  }
0x2e: {  	_ =	swait.ge @!p1 [sflag:s21], $0xA00  }
0x2f: {  	s13 =	sadd.s32 $0xA00, s13;
	[sflag:s21] =	ssyncset.done @!p1 $0x0  }
0x30: {  	s15 =	sand.u32 $0xF, s23  }
0x31: {  	p2 =	sne.s32 s15, s5  }
0x32: {  	[sflag:s21] =	ssyncadd.s32 @!p1 $0xFFFFF600;
	s15 =	simm.s32 @!p2 $0x1DAA0;
	s19 =	simm.s32 @!p2 $0x6  }
0x33: {  	[spmem:s13] =	stream.linear.scatter @!p2 [tilespmem:s15], [sflag:$0x6], $0xA00, $0x38;
	[tilespmem:$0x1EFA0] =	vst v63  }
0x34: {  	_ =	swait.ge @!p2 [sflag:s19], $0xA00  }
0x35: {  	p1 =	sne.s32 s12, s5;
	[sflag:s19] =	ssyncset.done @!p2 $0x0  }
0x36: {  	s12 =	simm.s32 @!p1 $0x1E8A0;
	[sflag:s19] =	ssyncadd.s32 @!p2 $0xFFFFF600;
	s19 =	simm.s32 @!p1 $0x6  }
0x37: {  	[spmem:s2] =	stream.linear.scatter @!p1 [tilespmem:s12], [sflag:$0x6], $0x320, $0x38;
	[tilespmem:$0x1EFA0] =	vst v63  }
0x38: {  	_ =	swait.ge @!p1 [sflag:s19], $0x320  }
0x39: {  	s13 =	simm.s32 $0x2;
	s12 =	sadd.s32 $0x320, s2;
	[sflag:s19] =	ssyncset.done @!p1 $0x0  }
.LBB2_6:
0x3a: {  	s15 =	sand.u32 $0xF, s11;
	s11 =	smov.u32 s13;
	s13 =	sadd.s32 $0x1, s13  }
0x3b: {  	[sflag:s19] =	ssyncadd.s32 @!p1 $0xFFFFFCE0;
	p2 =	sne.s32 s13, $0x7D  }
.Ltmp2:
0x3c: {  	p1 =	sne.s32 s15, s5;
	(pc) =	sbr.rel @p2 .LBB2_6-.Ltmp2, $4  }
0x3d: {  	s15 =	simm.s32 @!p1 $0x1E8A0;
	s19 =	simm.s32 @!p1 $0x6  }
0x3e: {  	[spmem:s12] =	stream.linear.scatter @!p1 [tilespmem:s15], [sflag:$0x6], $0x320, $0x38;
	[tilespmem:$0x1EFA0] =	vst v63  }
0x3f: {  	_ =	swait.ge @!p1 [sflag:s19], $0x320  }
0x40: {  	s12 =	sadd.s32 $0x320, s12;
	[sflag:s19] =	ssyncset.done @!p1 $0x0  }
0x41: {  	s11 =	sand.u32 $0xF, s11  }
0x42: {  	p2 =	sne.s32 s11, s5  }
0x43: {  	[sflag:s19] =	ssyncadd.s32 @!p1 $0xFFFFFCE0;
	s11 =	simm.s32 @!p2 $0x1E8A0  }
0x44: {  	[spmem:s12] =	stream.linear.scatter @!p2 [tilespmem:s11], [sflag:$0x6], $0x320, $0x38;
	[tilespmem:$0x1EFA0] =	vst v63  }
0x45: {  	s11 =	simm.s32 @!p2 $0x6  }
0x46: {  	_ =	swait.ge @!p2 [sflag:s11], $0x320  }
0x47: {  	[sflag:s11] =	ssyncset.done @!p2 $0x0  }
0x48: {  	s0 =	rddreg [dreg:$0xa];
	[sflag:s11] =	ssyncadd.s32 @!p2 $0xFFFFFCE0;
	s11 =	simm.s32 @!p0 $0x1DAA0  }
0x49: {  	[spmem:s0] =	stream.linear.scatter @!p0 [tilespmem:s11], [sflag:$0x6], $0x100, $0x38;
	[tilespmem:$0x1EFA0] =	vst v63  }
0x4a: {  	s11 =	simm.s32 @!p0 $0x6  }
0x4b: {  	_ =	swait.ge @!p0 [sflag:s11], $0x100  }
0x4c: {  	[sflag:s11] =	ssyncset.done @!p0 $0x0  }
0x4d: {  	s12 =	simm.s32 @!p0 $0x1E8A0;
	s0 =	rddreg [dreg:$0xb];
	[sflag:s11] =	ssyncadd.s32 @!p0 $0xFFFFFF00  }
0x4e: {  	[spmem:s0] =	stream.linear.scatter @!p0 [tilespmem:s12], [sflag:$0x6], $0x100, $0x38;
	[tilespmem:$0x1EFA0] =	vst v63  }
0x4f: {  	_ =	swait.ge @!p0 [sflag:s11], $0x100  }
0x50: {  	[sflag:s11] =	ssyncset.done @!p0 $0x0  }
0x51: {  	[sflag:s11] =	ssyncadd.s32 @!p0 $0xFFFFFF00  }
0x52: {  	[bflag:$0x0] =	sbarrier.arrive $0xFFFF  }
0x53: {  	s21 =	simm.s32 $0xC3900;
	s13 =	rddreg [dreg:$0xc]  }
0x54: {  	[tilespmem:s22], [sflag:$0x1] =	stream.strided.gather [hbm4b:s13+s20], $0xE0, s21, s20, $0x38;
	[tilespmem:$0x1EFA0] =	vst v63  }
0x55: {  	s15 =	rddreg [dreg:$0xd];
	s13 =	simm.s32 $0x1A000  }
0x56: {  	[tilespmem:s13], [sflag:$0x2] =	stream.strided.gather [hbm4b:s15+s20], $0xE0, s21, s20, $0x38;
	[tilespmem:$0x1EFA0] =	vst v63  }
0x57: {  	_ =	swait.ge [sflag:s24], $0xE0  }
0x58: {  	[sflag:s24] =	ssyncset.done $0x0  }
0x59: {  	[sflag:s24] =	ssyncadd.s32 $0xFFFFFF20  }
0x5a: {  	[tilespmem:s26], [sflag:$0x3] =	stream.indirect.gather [hbm4b:s4+s25], $0x30, s22, s25, $0xb8;
	[tilespmem:$0x1EFA0] =	vst v63  }
0x5b: {  	s19 =	simm.s32 $0x19F40;
	s23 =	simm.s32 $0x1A8A0  }
0x5c: {  	[tilespmem:s23], [sflag:$0x3] =	stream.indirect.gather [hbm4b:s4+s25], $0x30, s19, s25, $0xb8;
	[tilespmem:$0x1EFA0] =	vst v63  }
0x5d: {  	s12 =	simm.s32 $0x1AEA0;
	s11 =	simm.s32 $0x19F60  }
0x5e: {  	[tilespmem:s12], [sflag:$0x3] =	stream.indirect.gather [hbm4b:s4+s25], $0x30, s11, s25, $0xb8;
	[tilespmem:$0x1EFA0] =	vst v63  }
0x5f: {  	s0 =	simm.s32 $0x10;
	s15 =	simm.s32 $0x19F80;
	s19 =	simm.s32 $0x1B4A0  }
0x60: {  	[tilespmem:s19], [sflag:$0x3] =	stream.indirect.gather [hbm4b:s4+s0], $0x30, s15, s0, $0xb8;
	[tilespmem:$0x1EFA0] =	vst v63  }
0x61: {  	s23 =	simm.s32 $0x19F90  }
0x62: {  	[tilespmem:s18], [sflag:$0x4] =	stream.indirect.gather [hbm4b:s7+s14], $0x10, s23, s14, $0xb8;
	[tilespmem:$0x1EFA0] =	vst v63  }
0x63: {  	s12 =	simm.s32 $0x19FC8;
	s15 =	simm.s32 $0x1D020  }
0x64: {  	[tilespmem:s15], [sflag:$0x4] =	stream.indirect.gather [hbm4b:s7+s14], $0x10, s12, s14, $0xb8;
	[tilespmem:$0x1EFA0] =	vst v63  }
0x65: {  	_ =	swait.ge [sflag:s9], $0x600  }
0x66: {  	[sflag:s9] =	ssyncset.done $0x0  }
0x67: {  	[sflag:s9] =	ssyncadd.s32 $0xFFFFFA00  }
0x68: {  	_ =	swait.ge [sflag:s9], $0x600  }
0x69: {  	[sflag:s9] =	ssyncset.done $0x0  }
0x6a: {  	[sflag:s9] =	ssyncadd.s32 $0xFFFFFA00  }
0x6b: {  	_ =	swait.ge [sflag:s9], $0x600  }
0x6c: {  	[sflag:s9] =	ssyncset.done $0x0  }
0x6d: {  	[sflag:s9] =	ssyncadd.s32 $0xFFFFFA00  }
0x6e: {  	_ =	swait.ge [sflag:s9], $0x300  }
0x6f: {  	[sflag:s9] =	ssyncset.done $0x0  }
0x70: {  	[sflag:s9] =	ssyncadd.s32 $0xFFFFFD00  }
0x71: {  	_ =	swait.ge [sflag:s10], $0x380  }
0x72: {  	[sflag:s10] =	ssyncset.done $0x0  }
0x73: {  	[sflag:s10] =	ssyncadd.s32 $0xFFFFFC80  }
0x74: {  	_ =	swait.ge [sflag:s10], $0x380  }
0x75: {  	[sflag:s10] =	ssyncset.done $0x0  }
0x76: {  	[sflag:s10] =	ssyncadd.s32 $0xFFFFFC80  }
0x77: {  	_ =	swait.ge [sflag:s3], $0xE0  }
0x78: {  	[sflag:s3] =	ssyncset.done $0x0  }
0x79: {  	[sflag:s3] =	ssyncadd.s32 $0xFFFFFF20  }
0x7a: {  	[tilespmem:s28], [sflag:$0x3] =	stream.indirect.gather [hbm4b:s4+s25], $0x30, s13, s25, $0xb8;
	[tilespmem:$0x1EFA0] =	vst v63  }
0x7b: {  	s19 =	simm.s32 $0x1A020;
	s23 =	simm.s32 $0x1BDA0  }
0x7c: {  	[tilespmem:s23], [sflag:$0x3] =	stream.indirect.gather [hbm4b:s4+s25], $0x30, s19, s25, $0xb8;
	[tilespmem:$0x1EFA0] =	vst v63  }
0x7d: {  	s12 =	simm.s32 $0x1A040;
	s13 =	simm.s32 $0x1C3A0  }
0x7e: {  	[tilespmem:s13], [sflag:$0x3] =	stream.indirect.gather [hbm4b:s4+s25], $0x30, s12, s25, $0xb8;
	[tilespmem:$0x1EFA0] =	vst v63  }
0x7f: {  	s15 =	simm.s32 $0x1A060;
	s19 =	simm.s32 $0x1C9A0  }
0x80: {  	[tilespmem:s19], [sflag:$0x3] =	stream.indirect.gather [hbm4b:s4+s0], $0x30, s15, s0, $0xb8;
	[tilespmem:$0x1EFA0] =	vst v63  }
0x81: {  	s11 =	simm.s32 $0x1A070  }
0x82: {  	[tilespmem:s29], [sflag:$0x4] =	stream.indirect.gather [hbm4b:s7+s14], $0x10, s11, s14, $0xb8;
	[tilespmem:$0x1EFA0] =	vst v63  }
0x83: {  	s12 =	simm.s32 $0x1A0A8;
	s13 =	simm.s32 $0x1D720  }
0x84: {  	[tilespmem:s13], [sflag:$0x4] =	stream.indirect.gather [hbm4b:s7+s14], $0x10, s12, s14, $0xb8;
	[tilespmem:$0x1EFA0] =	vst v63  }
0x85: {  	v2 =	vld [tilespmem:$0x19F90];
	_ =	sdelay $0x1  }
0x86: {  	v3 =	vld [tilespmem:$0x19FA0];
	_ =	sdelay $0x1  }
0x87: {  	v4 =	vld [tilespmem:$0x19FB0]  }
0x88: {  	[tilespmem:$0x1A0E0] =	vst v2;
	v2 =	vshrl.u32 v2, $0x3  }
0x89: {  	[tilespmem:$0x1A1C0] =	vst v2;
	v2 =	vld [tilespmem:$0x19FC0]  }
0x8a: {  	[tilespmem:$0x1A0F0] =	vst v3;
	v3 =	vshrl.u32 v3, $0x3  }
0x8b: {  	[tilespmem:$0x1A1D0] =	vst v3;
	v3 =	vld [tilespmem:$0x19FD0]  }
0x8c: {  	[tilespmem:$0x1A100] =	vst v4;
	v4 =	vshrl.u32 v4, $0x3  }
0x8d: {  	[tilespmem:$0x1A1E0] =	vst v4;
	v4 =	vld [tilespmem:$0x19FE0]  }
0x8e: {  	[tilespmem:$0x1A110] =	vst v2;
	v2 =	vshrl.u32 v2, $0x3  }
0x8f: {  	[tilespmem:$0x1A1F0] =	vst v2;
	v2 =	vld [tilespmem:$0x19FF0]  }
0x90: {  	s15 =	simm.s32 $0x0;
	[tilespmem:$0x1A120] =	vst v3;
	v3 =	vshrl.u32 v3, $0x3  }
0x91: {  	[tilespmem:$0x1A200] =	vst v3;
	v3 =	vor.u32 s15, v1  }
0x92: {  	[tilespmem:$0x1A130] =	vst v4;
	v4 =	vshrl.u32 v4, $0x3;
	v10 =	vmul.u32 $0x30, v3;
	v5 =	vshll.u32 v3, $0x4  }
0x93: {  	[tilespmem:$0x1A210] =	vst v4;
	v4 =	vor.u32 $0x1, v5  }
0x94: {  	v6 =	vadd.s32 $0x20, v10;
	[tilespmem:$0x1A140] =	vst v2;
	v2 =	vshrl.u32 v2, $0x3  }
0x95: {  	s19 =	rddreg [dreg:$0x10];
	[tilespmem:$0x1A220] =	vst v2;
	v2 =	vadd.s32 $0x21, v10  }
0x96: {  	[tilespmem:s22], [sflag:$0x1] =	stream.strided.gather [hbm4b:s19+s20], $0xE0, s21, s20, $0x38;
	[tilespmem:$0x1EFA0] =	vst v63  }
0x97: {  	v7 =	vld.idx.msk [tilespmem:v5+s18+$0x0], $0xffff  }
0x98: {  	v8 =	vld.idx.msk [tilespmem:v4+s18+$0x0], $0xffff  }
0x99: {  	v6 =	vld.idx.msk [tilespmem:v6+s26+$0x0], $0xffff  }
0x9a: {  	v2 =	vld.idx.msk [tilespmem:v2+s26+$0x0], $0xffff;
	_ =	sdelay $0x3  }
0x9b: {  	v6 =	vadd.f32 v7, v6  }
0x9c: {  	v2 =	vadd.f32 v8, v2  }
0x9d: {  	v7 =	vmul.f32 $2.000000030e-01, v6  }
0x9e: {  	vm0 =	vgt.f32 v6, $0.0e+00;
	v8 =	vmul.f32 $2.000000030e-01, v2  }
0x9f: {  	s13 =	simm.s32 $0x1A0E0;
	v6 =	vsel vm0, v6, v7;
	vm15 =	vgt.f32 v2, $0.0e+00  }
0xa0: {  	v7 =	vld [tilespmem:s13+$0x0];
	v6 =	vmul.f32 $1.442695020e+00, v6;
	v2 =	vsel vm15, v2, v8  }
0xa1: {  	v2 =	vmul.f32 $1.442695020e+00, v2  }
0xa2: {  	(erf) = vpow2.f32 v6  }
0xa3: {  	(erf) = vpow2.f32 v2;
	_ =	sdelay $0x1  }
0xa4: {  	v2 =	vshll.u32 v7, $0x1  }
0xa5: {  	v2 =	vand.u32 $0xE, v2  }
0xa6: {  	v5 =	vor.u32 v5, v2  }
0xa7: {  	v2 =	vor.u32 v2, v4  }
0xa8: {  	v4 =	vadd.s32 $0x10, v10  }
0xa9: {  	v6 =	vadd.s32 $0x11, v10  }
0xaa: {  	v7 =	vadd.s32 $0x16, v10;
	v20 =	vpop (erf)  }
0xab: {  	v8 =	vadd.s32 $0x15, v10;
	[tilespmem:v5+s30+$0x0] =	vst.idx.msk $0xffff, v20;
	v34 =	vpop (erf)  }
0xac: {  	v9 =	vor.u32 $0x9, v10;
	[tilespmem:v2+s30+$0x0] =	vst.idx.msk $0xffff, v34  }
0xad: {  	v12 =	vor.u32 $0xA, v10;
	v11 =	vld.idx.msk [tilespmem:v4+s26+$0x0], $0xffff  }
0xae: {  	v23 =	vor.u32 $0x8, v10;
	v15 =	vld.idx.msk [tilespmem:v6+s26+$0x0], $0xffff  }
0xaf: {  	v24 =	vor.u32 $0x5, v10;
	v16 =	vld.idx.msk [tilespmem:v7+s26+$0x0], $0xffff  }
0xb0: {  	v28 =	vor.u32 $0x2, v10;
	v21 =	vld.idx.msk [tilespmem:v8+s26+$0x0], $0xffff  }
0xb1: {  	v30 =	vor.u32 $0x1, v10;
	v9 =	vld.idx.msk [tilespmem:v9+s26+$0x0], $0xffff  }
0xb2: {  	v36 =	vadd.s32 $0x1B, v10;
	v26 =	vld.idx.msk [tilespmem:v12+s26+$0x0], $0xffff  }
0xb3: {  	v5 =	vadd.s32 $0x17, v10;
	v23 =	vld.idx.msk [tilespmem:v23+s26+$0x0], $0xffff  }
0xb4: {  	v2 =	vor.u32 $0xF, v10;
	v24 =	vld.idx.msk [tilespmem:v24+s26+$0x0], $0xffff  }
0xb5: {  	v4 =	vadd.s32 $0x12, v10;
	v28 =	vld.idx.msk [tilespmem:v28+s26+$0x0], $0xffff  }
0xb6: {  	v6 =	vadd.s32 $0x13, v10;
	v30 =	vld.idx.msk [tilespmem:v30+s26+$0x0], $0xffff  }
0xb7: {  	v8 =	vor.u32 $0xE, v10;
	v36 =	vld.idx.msk [tilespmem:v36+s26+$0x0], $0xffff  }
0xb8: {  	v12 =	vor.u32 $0x3, v10;
	v19 =	vld.idx.msk [tilespmem:v5+s26+$0x0], $0xffff  }
0xb9: {  	v5 =	vadd.s32 $0x1C, v10;
	v17 =	vld.idx.msk [tilespmem:v2+s26+$0x0], $0xffff  }
0xba: {  	v2 =	vor.u32 $0xD, v10;
	v13 =	vld.idx.msk [tilespmem:v4+s26+$0x0], $0xffff  }
0xbb: {  	v4 =	vor.u32 $0xC, v10;
	v18 =	vld.idx.msk [tilespmem:v6+s26+$0x0], $0xffff  }
0xbc: {  	v6 =	vor.u32 $0xB, v10;
	v22 =	vld.idx.msk [tilespmem:v8+s26+$0x0], $0xffff  }
0xbd: {  	v8 =	vor.u32 $0x7, v10;
	v32 =	vld.idx.msk [tilespmem:v12+s26+$0x0], $0xffff  }
0xbe: {  	v7 =	vadd.s32 $0x14, v10;
	v5 =	vld.idx.msk [tilespmem:v5+s26+$0x0], $0xffff  }
0xbf: {  	v14 =	vld.idx.msk [tilespmem:v2+s26+$0x0], $0xffff  }
0xc0: {  	v3 =	vshll.u32 v3, $0x5;
	v2 =	vor.u32 $0x6, v10;
	v4 =	vld.idx.msk [tilespmem:v4+s26+$0x0], $0xffff  }
0xc1: {  	v63 =	vor.u32 $0x1, v3;
	v25 =	vor.u32 $0x4, v10;
	v12 =	vmul.f32 v9, v20;
	v6 =	vld.idx.msk [tilespmem:v6+s26+$0x0], $0xffff  }
0xc2: {  	v31 =	vadd.s32 $0x18, v10;
	v28 =	vmul.f32 v28, v20;
	v30 =	vmul.f32 v30, v20;
	v27 =	vld.idx.msk [tilespmem:v8+s26+$0x0], $0xffff  }
0xc3: {  	v35 =	vadd.s32 $0x1A, v10;
	v7 =	vld.idx.msk [tilespmem:v7+s26+$0x0], $0xffff;
	v44 =	vmul.f32 v24, v20;
	v24 =	vmul.f32 v36, v34  }
0xc4: {  	v37 =	vadd.s32 $0x1F, v10;
	v9 =	vmul.f32 v22, v20;
	v22 =	vld.idx.msk [tilespmem:v10+s26+$0x0], $0xffff;
	v32 =	vmul.f32 v32, v20  }
0xc5: {  	v33 =	vadd.s32 $0x19, v10;
	v29 =	vld.idx.msk [tilespmem:v2+s26+$0x0], $0xffff;
	v2 =	vmul.f32 v5, v34;
	v5 =	vmul.f32 v4, v20  }
0xc6: {  	v38 =	vadd.s32 $0x1E, v10;
	v25 =	vld.idx.msk [tilespmem:v25+s26+$0x0], $0xffff;
	v8 =	vmul.f32 v6, v20;
	v6 =	vmul.f32 v14, v20  }
0xc7: {  	v31 =	vld.idx.msk [tilespmem:v31+s26+$0x0], $0xffff;
	v14 =	vmul.f32 v26, v20;
	v26 =	vmul.f32 v27, v20;
	v27 =	vadd.s32 $0x1D, v10  }
0xc8: {  	v40 =	vor.u32 $0x2, v3;
	v62 =	vld.idx.msk [tilespmem:v35+s26+$0x0], $0xffff;
	v4 =	vmul.f32 v7, v34;
	v10 =	vmul.f32 v13, v34  }
0xc9: {  	v41 =	vor.u32 $0x4, v3;
	v37 =	vld.idx.msk [tilespmem:v37+s26+$0x0], $0xffff;
	v13 =	vmul.f32 v11, v34;
	v11 =	vmul.f32 v21, v34  }
0xca: {  	v21 =	vor.u32 $0x3, v3;
	v22 =	vmul.f32 v22, v20;
	v39 =	vmul.f32 v29, v20;
	v29 =	vld.idx.msk [tilespmem:v33+s26+$0x0], $0xffff  }
0xcb: {  	v43 =	vor.u32 $0x5, v3;
	v38 =	vld.idx.msk [tilespmem:v38+s26+$0x0], $0xffff;
	v7 =	vmul.f32 v18, v34;
	v18 =	vmul.f32 v17, v20  }
0xcc: {  	v17 =	vmul.f32 v15, v34;
	v15 =	vmul.f32 v16, v34;
	v42 =	vld.idx.msk [tilespmem:v27+s26+$0x0], $0xffff;
	[tilespmem:v3+s31+$0x0] =	vst.idx.msk $0xffff, v22  }
0xcd: {  	v45 =	vor.u32 $0x6, v3;
	v16 =	vmul.f32 v19, v34;
	v19 =	vmul.f32 v31, v34;
	[tilespmem:v63+s31+$0x0] =	vst.idx.msk $0xffff, v30  }
0xce: {  	v27 =	vmul.f32 v23, v20;
	v20 =	vmul.f32 v25, v20;
	[tilespmem:v40+s31+$0x0] =	vst.idx.msk $0xffff, v28  }
0xcf: {  	v31 =	vor.u32 $0x9, v3;
	[tilespmem:v21+s31+$0x0] =	vst.idx.msk $0xffff, v32;
	v22 =	vmul.f32 v29, v34;
	v29 =	vor.u32 $0x7, v3  }
0xd0: {  	v33 =	vor.u32 $0xB, v3;
	v23 =	vmul.f32 v62, v34;
	v30 =	vor.u32 $0x8, v3;
	[tilespmem:v41+s31+$0x0] =	vst.idx.msk $0xffff, v20  }
0xd1: {  	v25 =	vmul.f32 v38, v34;
	v28 =	vor.u32 $0xD, v3;
	v21 =	vmul.f32 v37, v34;
	[tilespmem:v43+s31+$0x0] =	vst.idx.msk $0xffff, v44  }
0xd2: {  	s23 =	simm.s32 $0x10;
	s11 =	simm.s32 $0x10;
	v32 =	vor.u32 $0xA, v3;
	v20 =	vmul.f32 v42, v34;
	v34 =	vor.u32 $0xC, v3;
	[tilespmem:v45+s31+$0x0] =	vst.idx.msk $0xffff, v39  }
.LBB2_8:
0xd3: {  	p1 =	sne.s32 s11, $0x60  }
0xd4: {  	[tilespmem:v29+s31+$0x0] =	vst.idx.msk $0xffff, v26;
	s13 =	sadd.s32 $0x10, s13;
	s12 =	smov.u32 s11;
	s11 =	sadd.s32 $0x10, s11  }
0xd5: {  	v26 =	vor.u32 $0xE, v3;
	[tilespmem:v30+s31+$0x0] =	vst.idx.msk $0xffff, v27  }
0xd6: {  	[tilespmem:v31+s31+$0x0] =	vst.idx.msk $0xffff, v12;
	v12 =	vor.u32 $0xF, v3  }
0xd7: {  	[tilespmem:v32+s31+$0x0] =	vst.idx.msk $0xffff, v14;
	v14 =	vor.u32 $0x10, v3  }
0xd8: {  	[tilespmem:v33+s31+$0x0] =	vst.idx.msk $0xffff, v8;
	v8 =	vor.u32 $0x11, v3  }
0xd9: {  	[tilespmem:v34+s31+$0x0] =	vst.idx.msk $0xffff, v5;
	v5 =	vor.u32 $0x12, v3  }
0xda: {  	[tilespmem:v28+s31+$0x0] =	vst.idx.msk $0xffff, v6;
	v6 =	vor.u32 $0x13, v3  }
0xdb: {  	[tilespmem:v26+s31+$0x0] =	vst.idx.msk $0xffff, v9;
	v9 =	vor.u32 $0x14, v3  }
0xdc: {  	[tilespmem:v12+s31+$0x0] =	vst.idx.msk $0xffff, v18;
	v12 =	vor.u32 $0x15, v3  }
0xdd: {  	[tilespmem:v14+s31+$0x0] =	vst.idx.msk $0xffff, v13;
	v13 =	vor.u32 $0x16, v3  }
0xde: {  	[tilespmem:v8+s31+$0x0] =	vst.idx.msk $0xffff, v17;
	v8 =	vor.u32 $0x17, v3  }
0xdf: {  	[tilespmem:v5+s31+$0x0] =	vst.idx.msk $0xffff, v10;
	v5 =	vor.u32 $0x18, v3  }
0xe0: {  	[tilespmem:v6+s31+$0x0] =	vst.idx.msk $0xffff, v7;
	v6 =	vor.u32 $0x19, v3  }
0xe1: {  	[tilespmem:v9+s31+$0x0] =	vst.idx.msk $0xffff, v4;
	v4 =	vor.u32 $0x1A, v3  }
0xe2: {  	v7 =	vor.u32 $0x1B, v3;
	[tilespmem:v12+s31+$0x0] =	vst.idx.msk $0xffff, v11  }
0xe3: {  	v9 =	vor.u32 $0x1C, v3;
	[tilespmem:v13+s31+$0x0] =	vst.idx.msk $0xffff, v15  }
0xe4: {  	[tilespmem:v8+s31+$0x0] =	vst.idx.msk $0xffff, v16;
	v8 =	vor.u32 $0x1D, v3  }
0xe5: {  	[tilespmem:v5+s31+$0x0] =	vst.idx.msk $0xffff, v19;
	v5 =	vor.u32 $0x1E, v3  }
0xe6: {  	[tilespmem:v6+s31+$0x0] =	vst.idx.msk $0xffff, v22;
	v6 =	vor.u32 $0x1F, v3  }
0xe7: {  	v3 =	vor.u32 s12, v1;
	[tilespmem:v4+s31+$0x0] =	vst.idx.msk $0xffff, v23  }
0xe8: {  	v11 =	vmul.u32 $0x30, v3;
	v4 =	vshll.u32 v3, $0x4;
	[tilespmem:v7+s31+$0x0] =	vst.idx.msk $0xffff, v24  }
0xe9: {  	v7 =	vor.u32 $0x1, v4;
	[tilespmem:v9+s31+$0x0] =	vst.idx.msk $0xffff, v2  }
0xea: {  	v2 =	vadd.s32 $0x20, v11;
	v9 =	vadd.s32 $0x21, v11;
	[tilespmem:v8+s31+$0x0] =	vst.idx.msk $0xffff, v20  }
0xeb: {  	[tilespmem:v5+s31+$0x0] =	vst.idx.msk $0xffff, v25  }
0xec: {  	[tilespmem:v6+s31+$0x0] =	vst.idx.msk $0xffff, v21  }
0xed: {  	v5 =	vld.idx.msk [tilespmem:v4+s18+$0x0], $0xffff  }
0xee: {  	v6 =	vld.idx.msk [tilespmem:v7+s18+$0x0], $0xffff  }
0xef: {  	v2 =	vld.idx.msk [tilespmem:v2+s26+$0x0], $0xffff  }
0xf0: {  	v8 =	vld.idx.msk [tilespmem:v9+s26+$0x0], $0xffff;
	_ =	sdelay $0x4  }
0xf1: {  	v2 =	vadd.f32 v5, v2  }
0xf2: {  	v5 =	vadd.f32 v6, v8  }
0xf3: {  	v6 =	vmul.f32 $2.000000030e-01, v2  }
0xf4: {  	vm0 =	vgt.f32 v2, $0.0e+00;
	v8 =	vmul.f32 $2.000000030e-01, v5  }
0xf5: {  	v2 =	vsel vm0, v2, v6;
	vm0 =	vgt.f32 v5, $0.0e+00  }
0xf6: {  	v2 =	vmul.f32 $1.442695020e+00, v2;
	v5 =	vsel vm0, v5, v8;
	v6 =	vld [tilespmem:s13+$0x0]  }
0xf7: {  	v5 =	vmul.f32 $1.442695020e+00, v5  }
0xf8: {  	(erf) = vpow2.f32 v2  }
0xf9: {  	(erf) = vpow2.f32 v5;
	_ =	sdelay $0x1  }
0xfa: {  	v2 =	vshll.u32 v6, $0x1  }
0xfb: {  	v2 =	vand.u32 $0xE, v2  }
0xfc: {  	v4 =	vor.u32 v4, v2;
	v2 =	vor.u32 v2, v7;
	_ =	sdelay $0x1  }
0xfd: {  	v5 =	vadd.s32 $0x10, v11;
	v6 =	vadd.s32 $0x12, v11  }
0xfe: {  	v8 =	vadd.s32 $0x11, v11;
	v7 =	vor.u32 $0xF, v11  }
0xff: {  	v10 =	vadd.s32 $0x16, v11;
	v9 =	vadd.s32 $0x15, v11;
	v21 =	vpop (erf)  }
0x100: {  	v15 =	vadd.s32 $0x1F, v11;
	[tilespmem:v4+s30+$0x0] =	vst.idx.msk $0xffff, v21;
	v4 =	vadd.s32 $0x17, v11;
	v20 =	vpop (erf)  }
0x101: {  	v16 =	vadd.s32 $0x1E, v11;
	[tilespmem:v2+s30+$0x0] =	vst.idx.msk $0xffff, v20  }
0x102: {  	v13 =	vld.idx.msk [tilespmem:v5+s26+$0x0], $0xffff  }
0x103: {  	v17 =	vld.idx.msk [tilespmem:v8+s26+$0x0], $0xffff  }
0x104: {  	v2 =	vadd.s32 $0x13, v11;
	v19 =	vld.idx.msk [tilespmem:v10+s26+$0x0], $0xffff  }
0x105: {  	v5 =	vadd.s32 $0x14, v11;
	v22 =	vld.idx.msk [tilespmem:v4+s26+$0x0], $0xffff  }
0x106: {  	v4 =	vadd.s32 $0x1C, v11;
	v23 =	vld.idx.msk [tilespmem:v9+s26+$0x0], $0xffff  }
0x107: {  	v8 =	vor.u32 $0xE, v11;
	v18 =	vld.idx.msk [tilespmem:v7+s26+$0x0], $0xffff  }
0x108: {  	v7 =	vor.u32 $0xD, v11;
	v10 =	vld.idx.msk [tilespmem:v6+s26+$0x0], $0xffff  }
0x109: {  	v6 =	vor.u32 $0xC, v11;
	v24 =	vld.idx.msk [tilespmem:v2+s26+$0x0], $0xffff  }
0x10a: {  	v2 =	vor.u32 $0xB, v11;
	v25 =	vld.idx.msk [tilespmem:v5+s26+$0x0], $0xffff  }
0x10b: {  	v5 =	vor.u32 $0x9, v11;
	v4 =	vld.idx.msk [tilespmem:v4+s26+$0x0], $0xffff  }
0x10c: {  	v9 =	vor.u32 $0xA, v11;
	v26 =	vld.idx.msk [tilespmem:v8+s26+$0x0], $0xffff  }
0x10d: {  	v8 =	vor.u32 $0x7, v11;
	v7 =	vld.idx.msk [tilespmem:v7+s26+$0x0], $0xffff  }
0x10e: {  	v12 =	vor.u32 $0x6, v11;
	v6 =	vld.idx.msk [tilespmem:v6+s26+$0x0], $0xffff  }
0x10f: {  	v14 =	vor.u32 $0x8, v11;
	v27 =	vld.idx.msk [tilespmem:v2+s26+$0x0], $0xffff  }
0x110: {  	v28 =	vor.u32 $0x5, v11;
	v29 =	vld.idx.msk [tilespmem:v5+s26+$0x0], $0xffff  }
0x111: {  	v30 =	vor.u32 $0x4, v11;
	v2 =	vmul.f32 v4, v20;
	v9 =	vld.idx.msk [tilespmem:v9+s26+$0x0], $0xffff  }
0x112: {  	v4 =	vor.u32 $0x3, v11;
	v31 =	vld.idx.msk [tilespmem:v8+s26+$0x0], $0xffff  }
0x113: {  	v32 =	vor.u32 $0x2, v11;
	v33 =	vld.idx.msk [tilespmem:v12+s26+$0x0], $0xffff  }
0x114: {  	v34 =	vor.u32 $0x1, v11;
	v5 =	vmul.f32 v6, v21;
	v35 =	vld.idx.msk [tilespmem:v14+s26+$0x0], $0xffff  }
0x115: {  	v6 =	vmul.f32 v7, v21;
	v8 =	vmul.f32 v27, v21;
	v28 =	vld.idx.msk [tilespmem:v28+s26+$0x0], $0xffff  }
0x116: {  	v27 =	vadd.s32 $0x18, v11;
	v12 =	vmul.f32 v29, v21;
	v30 =	vld.idx.msk [tilespmem:v30+s26+$0x0], $0xffff  }
0x117: {  	v36 =	vadd.s32 $0x19, v11;
	v14 =	vmul.f32 v9, v21;
	v9 =	vmul.f32 v26, v21;
	v29 =	vld.idx.msk [tilespmem:v4+s26+$0x0], $0xffff  }
0x118: {  	v37 =	vadd.s32 $0x1A, v11;
	v26 =	vmul.f32 v31, v21;
	v4 =	vmul.f32 v25, v20;
	v32 =	vld.idx.msk [tilespmem:v32+s26+$0x0], $0xffff  }
0x119: {  	v7 =	vmul.f32 v24, v20;
	v31 =	vadd.s32 $0x1B, v11;
	v25 =	vld.idx.msk [tilespmem:v34+s26+$0x0], $0xffff;
	v34 =	vmul.f32 v33, v21  }
0x11a: {  	v10 =	vmul.f32 v10, v20;
	v24 =	vld.idx.msk [tilespmem:v11+s26+$0x0], $0xffff  }
0x11b: {  	v13 =	vmul.f32 v13, v20;
	v33 =	vld.idx.msk [tilespmem:v27+s26+$0x0], $0xffff  }
0x11c: {  	v3 =	vshll.u32 v3, $0x5;
	v18 =	vmul.f32 v18, v21;
	v27 =	vadd.s32 $0x1D, v11;
	v36 =	vld.idx.msk [tilespmem:v36+s26+$0x0], $0xffff  }
0x11d: {  	v38 =	vor.u32 $0x1, v3;
	v17 =	vmul.f32 v17, v20;
	v39 =	vmul.f32 v29, v21;
	v37 =	vld.idx.msk [tilespmem:v37+s26+$0x0], $0xffff  }
0x11e: {  	v40 =	vor.u32 $0x2, v3;
	v11 =	vmul.f32 v23, v20;
	v32 =	vmul.f32 v32, v21;
	v31 =	vld.idx.msk [tilespmem:v31+s26+$0x0], $0xffff  }
0x11f: {  	v23 =	vmul.f32 v25, v21;
	v25 =	vor.u32 $0x3, v3;
	v41 =	vld.idx.msk [tilespmem:v15+s26+$0x0], $0xffff;
	v15 =	vmul.f32 v19, v20  }
0x120: {  	v43 =	vor.u32 $0x4, v3;
	v24 =	vmul.f32 v24, v21;
	v42 =	vld.idx.msk [tilespmem:v16+s26+$0x0], $0xffff;
	v16 =	vmul.f32 v22, v20  }
0x121: {  	v45 =	vor.u32 $0x5, v3;
	v19 =	vmul.f32 v33, v20;
	v44 =	vld.idx.msk [tilespmem:v27+s26+$0x0], $0xffff;
	v27 =	vmul.f32 v35, v21  }
0x122: {  	v33 =	vmul.f32 v28, v21;
	v35 =	vor.u32 $0x6, v3;
	v22 =	vmul.f32 v36, v20;
	[tilespmem:v3+s31+$0x0] =	vst.idx.msk $0xffff, v24  }
0x123: {  	v29 =	vor.u32 $0x7, v3;
	v36 =	vmul.f32 v30, v21;
	[tilespmem:v38+s31+$0x0] =	vst.idx.msk $0xffff, v23;
	v23 =	vmul.f32 v37, v20  }
.Ltmp3:
0x124: {  	v28 =	vor.u32 $0xD, v3;
	v30 =	vor.u32 $0x8, v3;
	v24 =	vmul.f32 v31, v20;
	[tilespmem:v40+s31+$0x0] =	vst.idx.msk $0xffff, v32;
	(pc) =	sbr.rel @p1 .LBB2_8-.Ltmp3, $4  }
0x125: {  	v31 =	vor.u32 $0x9, v3;
	v21 =	vmul.f32 v41, v20;
	[tilespmem:v25+s31+$0x0] =	vst.idx.msk $0xffff, v39  }
0x126: {  	v32 =	vor.u32 $0xA, v3;
	v25 =	vmul.f32 v42, v20;
	[tilespmem:v43+s31+$0x0] =	vst.idx.msk $0xffff, v36  }
0x127: {  	v20 =	vmul.f32 v44, v20;
	[tilespmem:v45+s31+$0x0] =	vst.idx.msk $0xffff, v33;
	v33 =	vor.u32 $0xB, v3  }
0x128: {  	[tilespmem:v35+s31+$0x0] =	vst.idx.msk $0xffff, v34;
	v34 =	vor.u32 $0xC, v3  }
0x129: {  	_ =	sdelay $0x3  }
0x12a: {  	[tilespmem:v29+s31+$0x0] =	vst.idx.msk $0xffff, v26  }
0x12b: {  	[tilespmem:v30+s31+$0x0] =	vst.idx.msk $0xffff, v27  }
0x12c: {  	v45 =	vor.u32 $0xE, v3;
	[tilespmem:v31+s31+$0x0] =	vst.idx.msk $0xffff, v12  }
0x12d: {  	v46 =	vor.u32 $0xF, v3;
	[tilespmem:v32+s31+$0x0] =	vst.idx.msk $0xffff, v14  }
0x12e: {  	v47 =	vor.u32 $0x10, v3;
	[tilespmem:v33+s31+$0x0] =	vst.idx.msk $0xffff, v8  }
0x12f: {  	v48 =	vor.u32 $0x11, v3;
	[tilespmem:v34+s31+$0x0] =	vst.idx.msk $0xffff, v5  }
0x130: {  	v49 =	vor.u32 $0x12, v3;
	[tilespmem:v28+s31+$0x0] =	vst.idx.msk $0xffff, v6  }
0x131: {  	v50 =	vor.u32 $0x13, v3;
	[tilespmem:v45+s31+$0x0] =	vst.idx.msk $0xffff, v9  }
0x132: {  	v51 =	vor.u32 $0x14, v3;
	[tilespmem:v46+s31+$0x0] =	vst.idx.msk $0xffff, v18  }
0x133: {  	v52 =	vor.u32 $0x15, v3;
	[tilespmem:v47+s31+$0x0] =	vst.idx.msk $0xffff, v13  }
0x134: {  	v53 =	vor.u32 $0x16, v3;
	[tilespmem:v48+s31+$0x0] =	vst.idx.msk $0xffff, v17  }
0x135: {  	v54 =	vor.u32 $0x17, v3;
	[tilespmem:v49+s31+$0x0] =	vst.idx.msk $0xffff, v10  }
0x136: {  	v55 =	vor.u32 $0x18, v3;
	[tilespmem:v50+s31+$0x0] =	vst.idx.msk $0xffff, v7  }
0x137: {  	v56 =	vor.u32 $0x19, v3;
	[tilespmem:v51+s31+$0x0] =	vst.idx.msk $0xffff, v4  }
0x138: {  	v57 =	vor.u32 $0x1A, v3;
	[tilespmem:v52+s31+$0x0] =	vst.idx.msk $0xffff, v11  }
0x139: {  	v58 =	vor.u32 $0x1B, v3;
	[tilespmem:v53+s31+$0x0] =	vst.idx.msk $0xffff, v15  }
0x13a: {  	v59 =	vor.u32 $0x1C, v3;
	[tilespmem:v54+s31+$0x0] =	vst.idx.msk $0xffff, v16  }
0x13b: {  	v60 =	vor.u32 $0x1D, v3;
	[tilespmem:v55+s31+$0x0] =	vst.idx.msk $0xffff, v19  }
0x13c: {  	v61 =	vor.u32 $0x1E, v3;
	[tilespmem:v56+s31+$0x0] =	vst.idx.msk $0xffff, v22  }
0x13d: {  	v3 =	vor.u32 $0x1F, v3;
	[tilespmem:v57+s31+$0x0] =	vst.idx.msk $0xffff, v23  }
0x13e: {  	[tilespmem:v58+s31+$0x0] =	vst.idx.msk $0xffff, v24  }
0x13f: {  	[tilespmem:v59+s31+$0x0] =	vst.idx.msk $0xffff, v2  }
0x140: {  	[tilespmem:v60+s31+$0x0] =	vst.idx.msk $0xffff, v20  }
0x141: {  	[tilespmem:v61+s31+$0x0] =	vst.idx.msk $0xffff, v25  }
0x142: {  	s0 =	simm.s32 $0x1A0E0;
	[tilespmem:v3+s31+$0x0] =	vst.idx.msk $0xffff, v21  }
0x143: {  	[spmem:s1] =	stream.indirect.scatter.add.f32 [tilespmem:s31], [sflag:$0x5], $0x20, s0, s20, $0xb8;
	[tilespmem:$0x1EFA0] =	vst v63  }
0x144: {  	s15 =	simm.s32 $0x1A1C0  }
0x145: {  	[spmem:s2] =	stream.indirect.scatter.add.f32 [tilespmem:s30], [sflag:$0x5], $0x10, s15, s20, $0xb8;
	[tilespmem:$0x1EFA0] =	vst v63  }
0x146: {  	_ =	swait.ge [sflag:s9], $0x600  }
0x147: {  	[sflag:s9] =	ssyncset.done $0x0  }
0x148: {  	[sflag:s9] =	ssyncadd.s32 $0xFFFFFA00  }
0x149: {  	_ =	swait.ge [sflag:s9], $0x600  }
0x14a: {  	[sflag:s9] =	ssyncset.done $0x0  }
0x14b: {  	[sflag:s9] =	ssyncadd.s32 $0xFFFFFA00  }
0x14c: {  	_ =	swait.ge [sflag:s9], $0x600  }
0x14d: {  	[sflag:s9] =	ssyncset.done $0x0  }
0x14e: {  	[sflag:s9] =	ssyncadd.s32 $0xFFFFFA00  }
0x14f: {  	_ =	swait.ge [sflag:s9], $0x300  }
0x150: {  	[sflag:s9] =	ssyncset.done $0x0  }
0x151: {  	[sflag:s9] =	ssyncadd.s32 $0xFFFFFD00  }
0x152: {  	_ =	swait.ge [sflag:s10], $0x380  }
0x153: {  	[sflag:s10] =	ssyncset.done $0x0  }
0x154: {  	[sflag:s10] =	ssyncadd.s32 $0xFFFFFC80  }
0x155: {  	_ =	swait.ge [sflag:s10], $0x380  }
0x156: {  	[sflag:s10] =	ssyncset.done $0x0  }
0x157: {  	[sflag:s10] =	ssyncadd.s32 $0xFFFFFC80  }
0x158: {  	_ =	swait.ge [sflag:s24], $0xE0  }
0x159: {  	[sflag:s24] =	ssyncset.done $0x0  }
0x15a: {  	[sflag:s24] =	ssyncadd.s32 $0xFFFFFF20  }
0x15b: {  	[tilespmem:s26], [sflag:$0x3] =	stream.indirect.gather [hbm4b:s4+s25], $0x30, s22, s25, $0xb8;
	[tilespmem:$0x1EFA0] =	vst v63  }
0x15c: {  	s19 =	simm.s32 $0x19F40;
	s11 =	simm.s32 $0x1A8A0  }
0x15d: {  	[tilespmem:s11], [sflag:$0x3] =	stream.indirect.gather [hbm4b:s4+s25], $0x30, s19, s25, $0xb8;
	[tilespmem:$0x1EFA0] =	vst v63  }
0x15e: {  	s12 =	simm.s32 $0x19F60;
	s13 =	simm.s32 $0x1AEA0  }
0x15f: {  	[tilespmem:s13], [sflag:$0x3] =	stream.indirect.gather [hbm4b:s4+s25], $0x30, s12, s25, $0xb8;
	[tilespmem:$0x1EFA0] =	vst v63  }
0x160: {  	s15 =	simm.s32 $0x19F80;
	s19 =	simm.s32 $0x1B4A0  }
0x161: {  	[tilespmem:s19], [sflag:$0x3] =	stream.indirect.gather [hbm4b:s4+s23], $0x30, s15, s23, $0xb8;
	[tilespmem:$0x1EFA0] =	vst v63  }
0x162: {  	s11 =	simm.s32 $0x19F90  }
0x163: {  	[tilespmem:s18], [sflag:$0x4] =	stream.indirect.gather [hbm4b:s7+s14], $0x10, s11, s14, $0xb8;
	[tilespmem:$0x1EFA0] =	vst v63  }
0x164: {  	s12 =	simm.s32 $0x19FC8;
	s13 =	simm.s32 $0x1D020  }
0x165: {  	[tilespmem:s13], [sflag:$0x4] =	stream.indirect.gather [hbm4b:s7+s14], $0x10, s12, s14, $0xb8;
	[tilespmem:$0x1EFA0] =	vst v63  }
0x166: {  	v2 =	vld [tilespmem:$0x1A070];
	_ =	sdelay $0x1  }
0x167: {  	v3 =	vld [tilespmem:$0x1A080]  }
0x168: {  	v62 =	vld [tilespmem:$0x1A090];
	_ =	sdelay $0x1  }
0x169: {  	v63 =	vld [tilespmem:$0x1A0C0];
	[tilespmem:$0x1A150] =	vst v2;
	v2 =	vshrl.u32 v2, $0x3  }
0x16a: {  	[tilespmem:$0x1A230] =	vst v2;
	v2 =	vld [tilespmem:$0x1A0A0]  }
0x16b: {  	[tilespmem:$0x1A160] =	vst v3  }
0x16c: {  	v3 =	vshrl.u32 v3, $0x3;
	[tilespmem:$0x1A170] =	vst v62  }
0x16d: {  	[tilespmem:$0x1A240] =	vst v3;
	v3 =	vld [tilespmem:$0x1A0B0]  }
0x16e: {  	[tilespmem:$0x1A1A0] =	vst v63  }
0x16f: {  	[tilespmem:$0x1A180] =	vst v2;
	v2 =	vshrl.u32 v2, $0x3  }
0x170: {  	v4 =	vshrl.u32 v62, $0x3;
	[tilespmem:$0x1A260] =	vst v2;
	v2 =	vld [tilespmem:$0x1A0D0]  }
0x171: {  	[tilespmem:$0x1A250] =	vst v4  }
0x172: {  	[tilespmem:$0x1A190] =	vst v3;
	v3 =	vshrl.u32 v3, $0x3  }
0x173: {  	[tilespmem:$0x1A270] =	vst v3;
	v3 =	vshrl.u32 v63, $0x3  }
0x174: {  	[tilespmem:$0x1A280] =	vst v3  }
0x175: {  	[tilespmem:$0x1A1B0] =	vst v2;
	v2 =	vshrl.u32 v2, $0x3  }
0x176: {  	s15 =	rddreg [dreg:$0x11];
	s19 =	simm.s32 $0x1A000;
	[tilespmem:$0x1A290] =	vst v2  }
0x177: {  	[tilespmem:s19], [sflag:$0x2] =	stream.strided.gather [hbm4b:s15+s20], $0xE0, s21, s20, $0x38;
	[tilespmem:$0x1EFA0] =	vst v63  }
0x178: {  	_ =	swait.ge [sflag:s17], $0xE00  }
0x179: {  	[sflag:s17] =	ssyncset.done $0x0  }
0x17a: {  	[sflag:s17] =	ssyncadd.s32 $0xFFFFF200  }
0x17b: {  	_ =	swait.ge [sflag:s17], $0x700  }
0x17c: {  	s11 =	simm.s32 $0x0;
	[sflag:s17] =	ssyncset.done $0x0  }
0x17d: {  	s12 =	simm.s32 $0x0;
	s0 =	rddreg [dreg:$0xe];
	[sflag:s17] =	ssyncadd.s32 $0xFFFFF900  }
.LBB2_10:
0x17e: {  	p1 =	sne.s32 s12, $0x1BC0  }
.Ltmp4:
0x17f: {  	_ = 	snop;
	(pc) =	sbr.rel @p1 .LBB2_10-.Ltmp4, $3  }
0x180: {  	_ =	sdelay $0x1  }
0x181: {  	s13 =	sshra.s32 s12, $0x2  }
0x182: {  	s12 =	sadd.s32 $0x40, s12;
	[tilespmem:s13+$0x1E8A0] =	vst v0  }
0x183: {  	v3 =	vor.u32 s11, v1  }
0x184: {  	v10 =	vmul.u32 $0x30, v3;
	v2 =	vshll.u32 v3, $0x4  }
0x185: {  	v4 =	vor.u32 $0x1, v2  }
0x186: {  	v5 =	vadd.s32 $0x20, v10  }
0x187: {  	v6 =	vadd.s32 $0x21, v10;
	_ =	sdelay $0x1  }
0x188: {  	v7 =	vld.idx.msk [tilespmem:v2+s29+$0x0], $0xffff  }
0x189: {  	v8 =	vld.idx.msk [tilespmem:v4+s29+$0x0], $0xffff  }
0x18a: {  	v5 =	vld.idx.msk [tilespmem:v5+s28+$0x0], $0xffff  }
0x18b: {  	v6 =	vld.idx.msk [tilespmem:v6+s28+$0x0], $0xffff;
	_ =	sdelay $0x3  }
0x18c: {  	v5 =	vadd.f32 v7, v5  }
0x18d: {  	v6 =	vadd.f32 v8, v6  }
0x18e: {  	v7 =	vmul.f32 $2.000000030e-01, v5  }
0x18f: {  	vm0 =	vgt.f32 v5, $0.0e+00;
	v8 =	vmul.f32 $2.000000030e-01, v6  }
0x190: {  	s13 =	simm.s32 $0x1A150;
	vm15 =	vgt.f32 v6, $0.0e+00;
	v5 =	vsel vm0, v5, v7  }
0x191: {  	v7 =	vld [tilespmem:s13+$0x0];
	v6 =	vsel vm15, v6, v8;
	v5 =	vmul.f32 $1.442695020e+00, v5  }
0x192: {  	v6 =	vmul.f32 $1.442695020e+00, v6  }
0x193: {  	(erf) = vpow2.f32 v5  }
0x194: {  	(erf) = vpow2.f32 v6;
	_ =	sdelay $0x1  }
0x195: {  	v5 =	vshll.u32 v7, $0x1  }
0x196: {  	v5 =	vand.u32 $0xE, v5  }
0x197: {  	v2 =	vor.u32 v2, v5  }
0x198: {  	v4 =	vor.u32 v5, v4  }
0x199: {  	v5 =	vadd.s32 $0x10, v10  }
0x19a: {  	v6 =	vadd.s32 $0x11, v10  }
0x19b: {  	v7 =	vadd.s32 $0x16, v10;
	v20 =	vpop (erf)  }
0x19c: {  	v8 =	vadd.s32 $0x15, v10;
	[tilespmem:v2+s30+$0x0] =	vst.idx.msk $0xffff, v20;
	v34 =	vpop (erf)  }
0x19d: {  	v9 =	vor.u32 $0x9, v10;
	[tilespmem:v4+s30+$0x0] =	vst.idx.msk $0xffff, v34  }
0x19e: {  	v12 =	vor.u32 $0xA, v10;
	v11 =	vld.idx.msk [tilespmem:v5+s28+$0x0], $0xffff  }
0x19f: {  	v14 =	vor.u32 $0x6, v10;
	v15 =	vld.idx.msk [tilespmem:v6+s28+$0x0], $0xffff  }
0x1a0: {  	v23 =	vor.u32 $0x8, v10;
	v16 =	vld.idx.msk [tilespmem:v7+s28+$0x0], $0xffff  }
0x1a1: {  	v24 =	vor.u32 $0x5, v10;
	v21 =	vld.idx.msk [tilespmem:v8+s28+$0x0], $0xffff  }
0x1a2: {  	v25 =	vor.u32 $0x4, v10;
	v9 =	vld.idx.msk [tilespmem:v9+s28+$0x0], $0xffff  }
0x1a3: {  	v28 =	vor.u32 $0x2, v10;
	v26 =	vld.idx.msk [tilespmem:v12+s28+$0x0], $0xffff  }
0x1a4: {  	v36 =	vadd.s32 $0x1B, v10;
	v29 =	vld.idx.msk [tilespmem:v14+s28+$0x0], $0xffff  }
0x1a5: {  	v2 =	vadd.s32 $0x17, v10;
	v23 =	vld.idx.msk [tilespmem:v23+s28+$0x0], $0xffff  }
0x1a6: {  	v4 =	vor.u32 $0xF, v10;
	v24 =	vld.idx.msk [tilespmem:v24+s28+$0x0], $0xffff  }
0x1a7: {  	v5 =	vadd.s32 $0x12, v10;
	v25 =	vld.idx.msk [tilespmem:v25+s28+$0x0], $0xffff  }
0x1a8: {  	v6 =	vadd.s32 $0x13, v10;
	v28 =	vld.idx.msk [tilespmem:v28+s28+$0x0], $0xffff  }
0x1a9: {  	v8 =	vor.u32 $0xE, v10;
	v36 =	vld.idx.msk [tilespmem:v36+s28+$0x0], $0xffff  }
0x1aa: {  	v12 =	vor.u32 $0x3, v10;
	v19 =	vld.idx.msk [tilespmem:v2+s28+$0x0], $0xffff  }
0x1ab: {  	v14 =	vor.u32 $0x1, v10;
	v17 =	vld.idx.msk [tilespmem:v4+s28+$0x0], $0xffff  }
0x1ac: {  	v2 =	vadd.s32 $0x1C, v10;
	v13 =	vld.idx.msk [tilespmem:v5+s28+$0x0], $0xffff  }
0x1ad: {  	v5 =	vor.u32 $0xC, v10;
	v18 =	vld.idx.msk [tilespmem:v6+s28+$0x0], $0xffff  }
0x1ae: {  	v22 =	vld.idx.msk [tilespmem:v8+s28+$0x0], $0xffff;
	v8 =	vor.u32 $0x7, v10  }
0x1af: {  	v6 =	vor.u32 $0xB, v10;
	v31 =	vld.idx.msk [tilespmem:v12+s28+$0x0], $0xffff  }
0x1b0: {  	v7 =	vadd.s32 $0x14, v10;
	v35 =	vld.idx.msk [tilespmem:v14+s28+$0x0], $0xffff  }
0x1b1: {  	v3 =	vshll.u32 v3, $0x5;
	v2 =	vld.idx.msk [tilespmem:v2+s28+$0x0], $0xffff  }
0x1b2: {  	v63 =	vor.u32 $0x1, v3;
	v4 =	vor.u32 $0xD, v10;
	v5 =	vld.idx.msk [tilespmem:v5+s28+$0x0], $0xffff  }
0x1b3: {  	v40 =	vor.u32 $0x2, v3;
	v30 =	vadd.s32 $0x18, v10;
	v12 =	vmul.f32 v9, v20;
	v27 =	vld.idx.msk [tilespmem:v8+s28+$0x0], $0xffff  }
0x1b4: {  	v33 =	vadd.s32 $0x1A, v10;
	v14 =	vmul.f32 v26, v20;
	v39 =	vmul.f32 v29, v20;
	v6 =	vld.idx.msk [tilespmem:v6+s28+$0x0], $0xffff  }
0x1b5: {  	v37 =	vadd.s32 $0x1F, v10;
	v7 =	vld.idx.msk [tilespmem:v7+s28+$0x0], $0xffff;
	v28 =	vmul.f32 v28, v20;
	v44 =	vmul.f32 v24, v20  }
0x1b6: {  	v32 =	vadd.s32 $0x19, v10;
	v24 =	vmul.f32 v36, v34;
	v9 =	vmul.f32 v22, v20;
	v22 =	vld.idx.msk [tilespmem:v10+s28+$0x0], $0xffff  }
0x1b7: {  	v38 =	vadd.s32 $0x1E, v10;
	v4 =	vld.idx.msk [tilespmem:v4+s28+$0x0], $0xffff;
	v31 =	vmul.f32 v31, v20;
	v35 =	vmul.f32 v35, v20  }
0x1b8: {  	v30 =	vld.idx.msk [tilespmem:v30+s28+$0x0], $0xffff;
	v2 =	vmul.f32 v2, v34;
	v26 =	vmul.f32 v27, v20;
	v27 =	vadd.s32 $0x1D, v10  }
0x1b9: {  	v41 =	vor.u32 $0x4, v3;
	v62 =	vld.idx.msk [tilespmem:v33+s28+$0x0], $0xffff;
	v5 =	vmul.f32 v5, v20;
	v8 =	vmul.f32 v6, v20  }
0x1ba: {  	v43 =	vor.u32 $0x5, v3;
	v37 =	vld.idx.msk [tilespmem:v37+s28+$0x0], $0xffff;
	v10 =	vmul.f32 v13, v34;
	v13 =	vmul.f32 v11, v34  }
0x1bb: {  	v29 =	vld.idx.msk [tilespmem:v32+s28+$0x0], $0xffff;
	v11 =	vmul.f32 v21, v34;
	v21 =	vor.u32 $0x3, v3;
	v22 =	vmul.f32 v22, v20  }
0x1bc: {  	v45 =	vor.u32 $0x6, v3;
	v38 =	vld.idx.msk [tilespmem:v38+s28+$0x0], $0xffff;
	v6 =	vmul.f32 v4, v20;
	v4 =	vmul.f32 v7, v34  }
0x1bd: {  	v7 =	vmul.f32 v18, v34;
	v18 =	vmul.f32 v17, v20;
	v42 =	vld.idx.msk [tilespmem:v27+s28+$0x0], $0xffff;
	[tilespmem:v3+s31+$0x0] =	vst.idx.msk $0xffff, v22  }
0x1be: {  	v33 =	vor.u32 $0xB, v3;
	v17 =	vmul.f32 v15, v34;
	v15 =	vmul.f32 v16, v34;
	[tilespmem:v63+s31+$0x0] =	vst.idx.msk $0xffff, v35  }
0x1bf: {  	v32 =	vor.u32 $0xA, v3;
	v27 =	vmul.f32 v23, v20;
	v20 =	vmul.f32 v25, v20;
	[tilespmem:v40+s31+$0x0] =	vst.idx.msk $0xffff, v28  }
0x1c0: {  	v16 =	vmul.f32 v19, v34;
	v22 =	vmul.f32 v29, v34;
	v29 =	vor.u32 $0x7, v3;
	[tilespmem:v21+s31+$0x0] =	vst.idx.msk $0xffff, v31  }
0x1c1: {  	v19 =	vmul.f32 v30, v34;
	v30 =	vor.u32 $0x8, v3;
	v23 =	vmul.f32 v62, v34;
	[tilespmem:v41+s31+$0x0] =	vst.idx.msk $0xffff, v20  }
0x1c2: {  	v25 =	vmul.f32 v38, v34;
	v28 =	vor.u32 $0xD, v3;
	v31 =	vor.u32 $0x9, v3;
	[tilespmem:v43+s31+$0x0] =	vst.idx.msk $0xffff, v44  }
0x1c3: {  	s11 =	simm.s32 $0x10;
	v21 =	vmul.f32 v37, v34;
	v20 =	vmul.f32 v42, v34;
	v34 =	vor.u32 $0xC, v3;
	[tilespmem:v45+s31+$0x0] =	vst.idx.msk $0xffff, v39  }
.LBB2_12:
0x1c4: {  	p1 =	sne.s32 s11, $0x60  }
0x1c5: {  	[tilespmem:v29+s31+$0x0] =	vst.idx.msk $0xffff, v26;
	s13 =	sadd.s32 $0x10, s13;
	s12 =	smov.u32 s11;
	s11 =	sadd.s32 $0x10, s11  }
0x1c6: {  	v26 =	vor.u32 $0xE, v3;
	[tilespmem:v30+s31+$0x0] =	vst.idx.msk $0xffff, v27  }
0x1c7: {  	[tilespmem:v31+s31+$0x0] =	vst.idx.msk $0xffff, v12;
	v12 =	vor.u32 $0xF, v3  }
0x1c8: {  	[tilespmem:v32+s31+$0x0] =	vst.idx.msk $0xffff, v14;
	v14 =	vor.u32 $0x10, v3  }
0x1c9: {  	[tilespmem:v33+s31+$0x0] =	vst.idx.msk $0xffff, v8;
	v8 =	vor.u32 $0x11, v3  }
0x1ca: {  	[tilespmem:v34+s31+$0x0] =	vst.idx.msk $0xffff, v5;
	v5 =	vor.u32 $0x12, v3  }
0x1cb: {  	[tilespmem:v28+s31+$0x0] =	vst.idx.msk $0xffff, v6;
	v6 =	vor.u32 $0x13, v3  }
0x1cc: {  	[tilespmem:v26+s31+$0x0] =	vst.idx.msk $0xffff, v9;
	v9 =	vor.u32 $0x14, v3  }
0x1cd: {  	[tilespmem:v12+s31+$0x0] =	vst.idx.msk $0xffff, v18;
	v12 =	vor.u32 $0x15, v3  }
0x1ce: {  	[tilespmem:v14+s31+$0x0] =	vst.idx.msk $0xffff, v13;
	v13 =	vor.u32 $0x16, v3  }
0x1cf: {  	[tilespmem:v8+s31+$0x0] =	vst.idx.msk $0xffff, v17;
	v8 =	vor.u32 $0x17, v3  }
0x1d0: {  	[tilespmem:v5+s31+$0x0] =	vst.idx.msk $0xffff, v10;
	v5 =	vor.u32 $0x18, v3  }
0x1d1: {  	[tilespmem:v6+s31+$0x0] =	vst.idx.msk $0xffff, v7;
	v6 =	vor.u32 $0x19, v3  }
0x1d2: {  	[tilespmem:v9+s31+$0x0] =	vst.idx.msk $0xffff, v4;
	v4 =	vor.u32 $0x1A, v3  }
0x1d3: {  	v7 =	vor.u32 $0x1B, v3;
	[tilespmem:v12+s31+$0x0] =	vst.idx.msk $0xffff, v11  }
0x1d4: {  	v9 =	vor.u32 $0x1C, v3;
	[tilespmem:v13+s31+$0x0] =	vst.idx.msk $0xffff, v15  }
0x1d5: {  	[tilespmem:v8+s31+$0x0] =	vst.idx.msk $0xffff, v16;
	v8 =	vor.u32 $0x1D, v3  }
0x1d6: {  	[tilespmem:v5+s31+$0x0] =	vst.idx.msk $0xffff, v19;
	v5 =	vor.u32 $0x1E, v3  }
0x1d7: {  	[tilespmem:v6+s31+$0x0] =	vst.idx.msk $0xffff, v22;
	v6 =	vor.u32 $0x1F, v3  }
0x1d8: {  	v3 =	vor.u32 s12, v1;
	[tilespmem:v4+s31+$0x0] =	vst.idx.msk $0xffff, v23  }
0x1d9: {  	v11 =	vmul.u32 $0x30, v3;
	v4 =	vshll.u32 v3, $0x4;
	[tilespmem:v7+s31+$0x0] =	vst.idx.msk $0xffff, v24  }
0x1da: {  	v7 =	vor.u32 $0x1, v4;
	[tilespmem:v9+s31+$0x0] =	vst.idx.msk $0xffff, v2  }
0x1db: {  	v2 =	vadd.s32 $0x20, v11;
	v9 =	vadd.s32 $0x21, v11;
	[tilespmem:v8+s31+$0x0] =	vst.idx.msk $0xffff, v20  }
0x1dc: {  	[tilespmem:v5+s31+$0x0] =	vst.idx.msk $0xffff, v25  }
0x1dd: {  	[tilespmem:v6+s31+$0x0] =	vst.idx.msk $0xffff, v21  }
0x1de: {  	v5 =	vld.idx.msk [tilespmem:v4+s29+$0x0], $0xffff  }
0x1df: {  	v6 =	vld.idx.msk [tilespmem:v7+s29+$0x0], $0xffff  }
0x1e0: {  	v2 =	vld.idx.msk [tilespmem:v2+s28+$0x0], $0xffff  }
0x1e1: {  	v8 =	vld.idx.msk [tilespmem:v9+s28+$0x0], $0xffff;
	_ =	sdelay $0x4  }
0x1e2: {  	v2 =	vadd.f32 v5, v2  }
0x1e3: {  	v5 =	vadd.f32 v6, v8  }
0x1e4: {  	v6 =	vmul.f32 $2.000000030e-01, v2  }
0x1e5: {  	vm0 =	vgt.f32 v2, $0.0e+00;
	v8 =	vmul.f32 $2.000000030e-01, v5  }
0x1e6: {  	v2 =	vsel vm0, v2, v6;
	vm0 =	vgt.f32 v5, $0.0e+00  }
0x1e7: {  	v2 =	vmul.f32 $1.442695020e+00, v2;
	v5 =	vsel vm0, v5, v8;
	v6 =	vld [tilespmem:s13+$0x0]  }
0x1e8: {  	v5 =	vmul.f32 $1.442695020e+00, v5  }
0x1e9: {  	(erf) = vpow2.f32 v2  }
0x1ea: {  	(erf) = vpow2.f32 v5;
	_ =	sdelay $0x1  }
0x1eb: {  	v2 =	vshll.u32 v6, $0x1  }
0x1ec: {  	v2 =	vand.u32 $0xE, v2  }
0x1ed: {  	v4 =	vor.u32 v4, v2;
	v2 =	vor.u32 v2, v7;
	_ =	sdelay $0x1  }
0x1ee: {  	v5 =	vadd.s32 $0x10, v11;
	v6 =	vadd.s32 $0x12, v11  }
0x1ef: {  	v8 =	vadd.s32 $0x11, v11;
	v7 =	vor.u32 $0xF, v11  }
0x1f0: {  	v10 =	vadd.s32 $0x16, v11;
	v9 =	vadd.s32 $0x15, v11;
	v21 =	vpop (erf)  }
0x1f1: {  	v15 =	vadd.s32 $0x1F, v11;
	[tilespmem:v4+s30+$0x0] =	vst.idx.msk $0xffff, v21;
	v4 =	vadd.s32 $0x17, v11;
	v20 =	vpop (erf)  }
0x1f2: {  	v16 =	vadd.s32 $0x1E, v11;
	[tilespmem:v2+s30+$0x0] =	vst.idx.msk $0xffff, v20  }
0x1f3: {  	v13 =	vld.idx.msk [tilespmem:v5+s28+$0x0], $0xffff  }
0x1f4: {  	v17 =	vld.idx.msk [tilespmem:v8+s28+$0x0], $0xffff  }
0x1f5: {  	v2 =	vadd.s32 $0x13, v11;
	v19 =	vld.idx.msk [tilespmem:v10+s28+$0x0], $0xffff  }
0x1f6: {  	v5 =	vadd.s32 $0x14, v11;
	v22 =	vld.idx.msk [tilespmem:v4+s28+$0x0], $0xffff  }
0x1f7: {  	v4 =	vadd.s32 $0x1C, v11;
	v23 =	vld.idx.msk [tilespmem:v9+s28+$0x0], $0xffff  }
0x1f8: {  	v8 =	vor.u32 $0xE, v11;
	v18 =	vld.idx.msk [tilespmem:v7+s28+$0x0], $0xffff  }
0x1f9: {  	v7 =	vor.u32 $0xD, v11;
	v10 =	vld.idx.msk [tilespmem:v6+s28+$0x0], $0xffff  }
0x1fa: {  	v6 =	vor.u32 $0xC, v11;
	v24 =	vld.idx.msk [tilespmem:v2+s28+$0x0], $0xffff  }
0x1fb: {  	v2 =	vor.u32 $0xB, v11;
	v25 =	vld.idx.msk [tilespmem:v5+s28+$0x0], $0xffff  }
0x1fc: {  	v5 =	vor.u32 $0x9, v11;
	v4 =	vld.idx.msk [tilespmem:v4+s28+$0x0], $0xffff  }
0x1fd: {  	v9 =	vor.u32 $0xA, v11;
	v26 =	vld.idx.msk [tilespmem:v8+s28+$0x0], $0xffff  }
0x1fe: {  	v8 =	vor.u32 $0x7, v11;
	v7 =	vld.idx.msk [tilespmem:v7+s28+$0x0], $0xffff  }
0x1ff: {  	v12 =	vor.u32 $0x6, v11;
	v6 =	vld.idx.msk [tilespmem:v6+s28+$0x0], $0xffff  }
0x200: {  	v14 =	vor.u32 $0x8, v11;
	v27 =	vld.idx.msk [tilespmem:v2+s28+$0x0], $0xffff  }
0x201: {  	v28 =	vor.u32 $0x5, v11;
	v29 =	vld.idx.msk [tilespmem:v5+s28+$0x0], $0xffff  }
0x202: {  	v30 =	vor.u32 $0x4, v11;
	v2 =	vmul.f32 v4, v20;
	v9 =	vld.idx.msk [tilespmem:v9+s28+$0x0], $0xffff  }
0x203: {  	v4 =	vor.u32 $0x3, v11;
	v31 =	vld.idx.msk [tilespmem:v8+s28+$0x0], $0xffff  }
0x204: {  	v32 =	vor.u32 $0x2, v11;
	v33 =	vld.idx.msk [tilespmem:v12+s28+$0x0], $0xffff  }
0x205: {  	v34 =	vor.u32 $0x1, v11;
	v5 =	vmul.f32 v6, v21;
	v35 =	vld.idx.msk [tilespmem:v14+s28+$0x0], $0xffff  }
0x206: {  	v6 =	vmul.f32 v7, v21;
	v8 =	vmul.f32 v27, v21;
	v28 =	vld.idx.msk [tilespmem:v28+s28+$0x0], $0xffff  }
0x207: {  	v27 =	vadd.s32 $0x18, v11;
	v12 =	vmul.f32 v29, v21;
	v30 =	vld.idx.msk [tilespmem:v30+s28+$0x0], $0xffff  }
0x208: {  	v36 =	vadd.s32 $0x19, v11;
	v14 =	vmul.f32 v9, v21;
	v9 =	vmul.f32 v26, v21;
	v29 =	vld.idx.msk [tilespmem:v4+s28+$0x0], $0xffff  }
0x209: {  	v37 =	vadd.s32 $0x1A, v11;
	v26 =	vmul.f32 v31, v21;
	v4 =	vmul.f32 v25, v20;
	v32 =	vld.idx.msk [tilespmem:v32+s28+$0x0], $0xffff  }
0x20a: {  	v7 =	vmul.f32 v24, v20;
	v31 =	vadd.s32 $0x1B, v11;
	v25 =	vld.idx.msk [tilespmem:v34+s28+$0x0], $0xffff;
	v34 =	vmul.f32 v33, v21  }
0x20b: {  	v10 =	vmul.f32 v10, v20;
	v24 =	vld.idx.msk [tilespmem:v11+s28+$0x0], $0xffff  }
0x20c: {  	v13 =	vmul.f32 v13, v20;
	v33 =	vld.idx.msk [tilespmem:v27+s28+$0x0], $0xffff  }
0x20d: {  	v3 =	vshll.u32 v3, $0x5;
	v18 =	vmul.f32 v18, v21;
	v27 =	vadd.s32 $0x1D, v11;
	v36 =	vld.idx.msk [tilespmem:v36+s28+$0x0], $0xffff  }
0x20e: {  	v38 =	vor.u32 $0x1, v3;
	v17 =	vmul.f32 v17, v20;
	v39 =	vmul.f32 v29, v21;
	v37 =	vld.idx.msk [tilespmem:v37+s28+$0x0], $0xffff  }
0x20f: {  	v40 =	vor.u32 $0x2, v3;
	v11 =	vmul.f32 v23, v20;
	v32 =	vmul.f32 v32, v21;
	v31 =	vld.idx.msk [tilespmem:v31+s28+$0x0], $0xffff  }
0x210: {  	v23 =	vmul.f32 v25, v21;
	v25 =	vor.u32 $0x3, v3;
	v41 =	vld.idx.msk [tilespmem:v15+s28+$0x0], $0xffff;
	v15 =	vmul.f32 v19, v20  }
0x211: {  	v43 =	vor.u32 $0x4, v3;
	v24 =	vmul.f32 v24, v21;
	v42 =	vld.idx.msk [tilespmem:v16+s28+$0x0], $0xffff;
	v16 =	vmul.f32 v22, v20  }
0x212: {  	v45 =	vor.u32 $0x5, v3;
	v19 =	vmul.f32 v33, v20;
	v44 =	vld.idx.msk [tilespmem:v27+s28+$0x0], $0xffff;
	v27 =	vmul.f32 v35, v21  }
0x213: {  	v33 =	vmul.f32 v28, v21;
	v35 =	vor.u32 $0x6, v3;
	v22 =	vmul.f32 v36, v20;
	[tilespmem:v3+s31+$0x0] =	vst.idx.msk $0xffff, v24  }
0x214: {  	v29 =	vor.u32 $0x7, v3;
	v36 =	vmul.f32 v30, v21;
	[tilespmem:v38+s31+$0x0] =	vst.idx.msk $0xffff, v23;
	v23 =	vmul.f32 v37, v20  }
.Ltmp5:
0x215: {  	v28 =	vor.u32 $0xD, v3;
	v30 =	vor.u32 $0x8, v3;
	v24 =	vmul.f32 v31, v20;
	[tilespmem:v40+s31+$0x0] =	vst.idx.msk $0xffff, v32;
	(pc) =	sbr.rel @p1 .LBB2_12-.Ltmp5, $4  }
0x216: {  	v31 =	vor.u32 $0x9, v3;
	v21 =	vmul.f32 v41, v20;
	[tilespmem:v25+s31+$0x0] =	vst.idx.msk $0xffff, v39  }
0x217: {  	v32 =	vor.u32 $0xA, v3;
	v25 =	vmul.f32 v42, v20;
	[tilespmem:v43+s31+$0x0] =	vst.idx.msk $0xffff, v36  }
0x218: {  	v20 =	vmul.f32 v44, v20;
	[tilespmem:v45+s31+$0x0] =	vst.idx.msk $0xffff, v33;
	v33 =	vor.u32 $0xB, v3  }
0x219: {  	[tilespmem:v35+s31+$0x0] =	vst.idx.msk $0xffff, v34;
	v34 =	vor.u32 $0xC, v3  }
0x21a: {  	_ =	sdelay $0x3  }
0x21b: {  	[tilespmem:v29+s31+$0x0] =	vst.idx.msk $0xffff, v26  }
0x21c: {  	[tilespmem:v30+s31+$0x0] =	vst.idx.msk $0xffff, v27  }
0x21d: {  	v47 =	vor.u32 $0xE, v3;
	[tilespmem:v31+s31+$0x0] =	vst.idx.msk $0xffff, v12  }
0x21e: {  	v48 =	vor.u32 $0xF, v3;
	[tilespmem:v32+s31+$0x0] =	vst.idx.msk $0xffff, v14  }
0x21f: {  	v49 =	vor.u32 $0x10, v3;
	[tilespmem:v33+s31+$0x0] =	vst.idx.msk $0xffff, v8  }
0x220: {  	v50 =	vor.u32 $0x11, v3;
	[tilespmem:v34+s31+$0x0] =	vst.idx.msk $0xffff, v5  }
0x221: {  	v51 =	vor.u32 $0x12, v3;
	[tilespmem:v28+s31+$0x0] =	vst.idx.msk $0xffff, v6  }
0x222: {  	v52 =	vor.u32 $0x13, v3;
	[tilespmem:v47+s31+$0x0] =	vst.idx.msk $0xffff, v9  }
0x223: {  	v53 =	vor.u32 $0x14, v3;
	[tilespmem:v48+s31+$0x0] =	vst.idx.msk $0xffff, v18  }
0x224: {  	v54 =	vor.u32 $0x15, v3;
	[tilespmem:v49+s31+$0x0] =	vst.idx.msk $0xffff, v13  }
0x225: {  	v55 =	vor.u32 $0x16, v3;
	[tilespmem:v50+s31+$0x0] =	vst.idx.msk $0xffff, v17  }
0x226: {  	v56 =	vor.u32 $0x17, v3;
	[tilespmem:v51+s31+$0x0] =	vst.idx.msk $0xffff, v10  }
0x227: {  	v57 =	vor.u32 $0x18, v3;
	[tilespmem:v52+s31+$0x0] =	vst.idx.msk $0xffff, v7  }
0x228: {  	v58 =	vor.u32 $0x19, v3;
	[tilespmem:v53+s31+$0x0] =	vst.idx.msk $0xffff, v4  }
0x229: {  	v59 =	vor.u32 $0x1A, v3;
	[tilespmem:v54+s31+$0x0] =	vst.idx.msk $0xffff, v11  }
0x22a: {  	v60 =	vor.u32 $0x1B, v3;
	[tilespmem:v55+s31+$0x0] =	vst.idx.msk $0xffff, v15  }
0x22b: {  	v61 =	vor.u32 $0x1C, v3;
	[tilespmem:v56+s31+$0x0] =	vst.idx.msk $0xffff, v16  }
0x22c: {  	v62 =	vor.u32 $0x1D, v3;
	[tilespmem:v57+s31+$0x0] =	vst.idx.msk $0xffff, v19  }
0x22d: {  	v63 =	vor.u32 $0x1E, v3;
	[tilespmem:v58+s31+$0x0] =	vst.idx.msk $0xffff, v22  }
0x22e: {  	v3 =	vor.u32 $0x1F, v3;
	[tilespmem:v59+s31+$0x0] =	vst.idx.msk $0xffff, v23  }
0x22f: {  	[tilespmem:v60+s31+$0x0] =	vst.idx.msk $0xffff, v24  }
0x230: {  	[tilespmem:v61+s31+$0x0] =	vst.idx.msk $0xffff, v2  }
0x231: {  	[tilespmem:v62+s31+$0x0] =	vst.idx.msk $0xffff, v20  }
0x232: {  	[tilespmem:v63+s31+$0x0] =	vst.idx.msk $0xffff, v25  }
0x233: {  	s11 =	simm.s32 $0x1A150;
	[tilespmem:v3+s31+$0x0] =	vst.idx.msk $0xffff, v21  }
0x234: {  	[spmem:s1] =	stream.indirect.scatter.add.f32 [tilespmem:s31], [sflag:$0x5], $0x20, s11, s20, $0xb8;
	[tilespmem:$0x1EFA0] =	vst v63  }
0x235: {  	s19 =	simm.s32 $0x1A230  }
0x236: {  	[spmem:s2] =	stream.indirect.scatter.add.f32 [tilespmem:s30], [sflag:$0x5], $0x10, s19, s20, $0xb8;
	[tilespmem:$0x1EFA0] =	vst v63  }
0x237: {  	s19 =	simm.s32 $0x1  }
.LBB2_14:
0x238: {  	_ =	swait.ge [sflag:s9], $0x600  }
0x239: {  	[sflag:s9] =	ssyncset.done $0x0  }
0x23a: {  	[sflag:s9] =	ssyncadd.s32 $0xFFFFFA00  }
0x23b: {  	_ =	swait.ge [sflag:s9], $0x600  }
0x23c: {  	[sflag:s9] =	ssyncset.done $0x0  }
0x23d: {  	[sflag:s9] =	ssyncadd.s32 $0xFFFFFA00  }
0x23e: {  	_ =	swait.ge [sflag:s9], $0x600  }
0x23f: {  	[sflag:s9] =	ssyncset.done $0x0  }
0x240: {  	[sflag:s9] =	ssyncadd.s32 $0xFFFFFA00  }
0x241: {  	_ =	swait.ge [sflag:s9], $0x300  }
0x242: {  	[sflag:s9] =	ssyncset.done $0x0  }
0x243: {  	[sflag:s9] =	ssyncadd.s32 $0xFFFFFD00  }
0x244: {  	_ =	swait.ge [sflag:s10], $0x380  }
0x245: {  	[sflag:s10] =	ssyncset.done $0x0  }
0x246: {  	[sflag:s10] =	ssyncadd.s32 $0xFFFFFC80  }
0x247: {  	_ =	swait.ge [sflag:s10], $0x380  }
0x248: {  	[sflag:s10] =	ssyncset.done $0x0  }
0x249: {  	[sflag:s10] =	ssyncadd.s32 $0xFFFFFC80  }
0x24a: {  	_ =	swait.ge [sflag:s3], $0xE0  }
0x24b: {  	[sflag:s3] =	ssyncset.done $0x0  }
0x24c: {  	s11 =	simm.s32 $0x1A000;
	[sflag:s3] =	ssyncadd.s32 $0xFFFFFF20  }
0x24d: {  	[tilespmem:s28], [sflag:$0x3] =	stream.indirect.gather [hbm4b:s4+s25], $0x30, s11, s25, $0xb8;
	[tilespmem:$0x1EFA0] =	vst v63  }
0x24e: {  	s15 =	simm.s32 $0x1A020;
	s12 =	simm.s32 $0x1BDA0  }
0x24f: {  	[tilespmem:s12], [sflag:$0x3] =	stream.indirect.gather [hbm4b:s4+s25], $0x30, s15, s25, $0xb8;
	[tilespmem:$0x1EFA0] =	vst v63  }
0x250: {  	s13 =	simm.s32 $0x1A040;
	s15 =	simm.s32 $0x1C3A0  }
0x251: {  	[tilespmem:s15], [sflag:$0x3] =	stream.indirect.gather [hbm4b:s4+s25], $0x30, s13, s25, $0xb8;
	[tilespmem:$0x1EFA0] =	vst v63  }
0x252: {  	s12 =	simm.s32 $0x1A060;
	s13 =	simm.s32 $0x1C9A0  }
0x253: {  	[tilespmem:s13], [sflag:$0x3] =	stream.indirect.gather [hbm4b:s4+s23], $0x30, s12, s23, $0xb8;
	[tilespmem:$0x1EFA0] =	vst v63  }
0x254: {  	s15 =	simm.s32 $0x1A070  }
0x255: {  	[tilespmem:s29], [sflag:$0x4] =	stream.indirect.gather [hbm4b:s7+s14], $0x10, s15, s14, $0xb8;
	[tilespmem:$0x1EFA0] =	vst v63  }
0x256: {  	s12 =	simm.s32 $0x1A0A8;
	s13 =	simm.s32 $0x1D720  }
0x257: {  	[tilespmem:s13], [sflag:$0x4] =	stream.indirect.gather [hbm4b:s7+s14], $0x10, s12, s14, $0xb8;
	[tilespmem:$0x1EFA0] =	vst v63  }
0x258: {  	v2 =	vld [tilespmem:$0x19F90];
	_ =	sdelay $0x1  }
0x259: {  	v3 =	vld [tilespmem:$0x19FA0]  }
0x25a: {  	v4 =	vld [tilespmem:$0x19FB0];
	_ =	sdelay $0x1  }
0x25b: {  	v63 =	vld [tilespmem:$0x19FE0];
	[tilespmem:$0x1A0E0] =	vst v2;
	v2 =	vshrl.u32 v2, $0x3  }
0x25c: {  	[tilespmem:$0x1A1C0] =	vst v2;
	v2 =	vld [tilespmem:$0x19FC0]  }
0x25d: {  	[tilespmem:$0x1A0F0] =	vst v3  }
0x25e: {  	v3 =	vshrl.u32 v3, $0x3;
	[tilespmem:$0x1A100] =	vst v4  }
0x25f: {  	[tilespmem:$0x1A1D0] =	vst v3;
	v3 =	vld [tilespmem:$0x19FD0]  }
0x260: {  	[tilespmem:$0x1A130] =	vst v63  }
0x261: {  	[tilespmem:$0x1A110] =	vst v2;
	v2 =	vshrl.u32 v2, $0x3  }
0x262: {  	v4 =	vshrl.u32 v4, $0x3;
	[tilespmem:$0x1A1F0] =	vst v2;
	v2 =	vld [tilespmem:$0x19FF0]  }
0x263: {  	[tilespmem:$0x1A1E0] =	vst v4  }
0x264: {  	s13 =	smul.u32 $0xE0, s19;
	[tilespmem:$0x1A120] =	vst v3;
	v3 =	vshrl.u32 v3, $0x3  }
0x265: {  	[tilespmem:$0x1A200] =	vst v3;
	v3 =	vshrl.u32 v63, $0x3  }
0x266: {  	s15 =	sadd.s32 s13, s0;
	[tilespmem:$0x1A210] =	vst v3  }
0x267: {  	s11 =	sshrl.u32 s15, $0x3;
	[tilespmem:$0x1A140] =	vst v2;
	v2 =	vshrl.u32 v2, $0x3  }
0x268: {  	s11 =	sadd.s32 s8, s11;
	[tilespmem:$0x1A220] =	vst v2  }
0x269: {  	[tilespmem:s22], [sflag:$0x1] =	stream.strided.gather [hbm4b:s11+s20], $0xE0, s21, s20, $0x38;
	[tilespmem:$0x1EFA0] =	vst v63  }
0x26a: {  	_ =	swait.ge [sflag:s17], $0xE00  }
0x26b: {  	[sflag:s17] =	ssyncset.done $0x0  }
0x26c: {  	[sflag:s17] =	ssyncadd.s32 $0xFFFFF200  }
0x26d: {  	_ =	swait.ge [sflag:s17], $0x700  }
0x26e: {  	[sflag:s17] =	ssyncset.done $0x0  }
0x26f: {  	s12 =	simm.s32 $0x0;
	s11 =	simm.s32 $0x0;
	[sflag:s17] =	ssyncadd.s32 $0xFFFFF900  }
.LBB2_15:
0x270: {  	p1 =	sne.s32 s12, $0x1BC0  }
.Ltmp6:
0x271: {  	_ = 	snop;
	(pc) =	sbr.rel @p1 .LBB2_15-.Ltmp6, $3  }
0x272: {  	_ =	sdelay $0x1  }
0x273: {  	s15 =	sshra.s32 s12, $0x2  }
0x274: {  	s12 =	sadd.s32 $0x40, s12;
	[tilespmem:s15+$0x1E8A0] =	vst v0  }
0x275: {  	v3 =	vor.u32 s11, v1  }
0x276: {  	v10 =	vmul.u32 $0x30, v3;
	v2 =	vshll.u32 v3, $0x4  }
0x277: {  	v4 =	vor.u32 $0x1, v2  }
0x278: {  	v5 =	vadd.s32 $0x20, v10  }
0x279: {  	v6 =	vadd.s32 $0x21, v10;
	_ =	sdelay $0x1  }
0x27a: {  	v7 =	vld.idx.msk [tilespmem:v2+s18+$0x0], $0xffff  }
0x27b: {  	v8 =	vld.idx.msk [tilespmem:v4+s18+$0x0], $0xffff  }
0x27c: {  	v5 =	vld.idx.msk [tilespmem:v5+s26+$0x0], $0xffff  }
0x27d: {  	v6 =	vld.idx.msk [tilespmem:v6+s26+$0x0], $0xffff;
	_ =	sdelay $0x3  }
0x27e: {  	v5 =	vadd.f32 v7, v5  }
0x27f: {  	v6 =	vadd.f32 v8, v6  }
0x280: {  	v7 =	vmul.f32 $2.000000030e-01, v5  }
0x281: {  	vm0 =	vgt.f32 v5, $0.0e+00;
	v8 =	vmul.f32 $2.000000030e-01, v6  }
0x282: {  	s11 =	simm.s32 $0x1A0E0;
	vm15 =	vgt.f32 v6, $0.0e+00;
	v5 =	vsel vm0, v5, v7  }
0x283: {  	v7 =	vld [tilespmem:s11+$0x0];
	v6 =	vsel vm15, v6, v8;
	v5 =	vmul.f32 $1.442695020e+00, v5  }
0x284: {  	v6 =	vmul.f32 $1.442695020e+00, v6  }
0x285: {  	(erf) = vpow2.f32 v5  }
0x286: {  	(erf) = vpow2.f32 v6;
	_ =	sdelay $0x1  }
0x287: {  	v5 =	vshll.u32 v7, $0x1  }
0x288: {  	v5 =	vand.u32 $0xE, v5  }
0x289: {  	v2 =	vor.u32 v2, v5  }
0x28a: {  	v4 =	vor.u32 v5, v4  }
0x28b: {  	v5 =	vadd.s32 $0x10, v10  }
0x28c: {  	v6 =	vadd.s32 $0x11, v10  }
0x28d: {  	v7 =	vadd.s32 $0x16, v10;
	v20 =	vpop (erf)  }
0x28e: {  	v8 =	vadd.s32 $0x15, v10;
	[tilespmem:v2+s30+$0x0] =	vst.idx.msk $0xffff, v20;
	v34 =	vpop (erf)  }
0x28f: {  	v9 =	vor.u32 $0x9, v10;
	[tilespmem:v4+s30+$0x0] =	vst.idx.msk $0xffff, v34  }
0x290: {  	v12 =	vor.u32 $0xA, v10;
	v11 =	vld.idx.msk [tilespmem:v5+s26+$0x0], $0xffff  }
0x291: {  	v14 =	vor.u32 $0x6, v10;
	v15 =	vld.idx.msk [tilespmem:v6+s26+$0x0], $0xffff  }
0x292: {  	v23 =	vor.u32 $0x8, v10;
	v16 =	vld.idx.msk [tilespmem:v7+s26+$0x0], $0xffff  }
0x293: {  	v24 =	vor.u32 $0x5, v10;
	v21 =	vld.idx.msk [tilespmem:v8+s26+$0x0], $0xffff  }
0x294: {  	v25 =	vor.u32 $0x4, v10;
	v9 =	vld.idx.msk [tilespmem:v9+s26+$0x0], $0xffff  }
0x295: {  	v28 =	vor.u32 $0x2, v10;
	v26 =	vld.idx.msk [tilespmem:v12+s26+$0x0], $0xffff  }
0x296: {  	v36 =	vadd.s32 $0x1B, v10;
	v29 =	vld.idx.msk [tilespmem:v14+s26+$0x0], $0xffff  }
0x297: {  	v2 =	vadd.s32 $0x17, v10;
	v23 =	vld.idx.msk [tilespmem:v23+s26+$0x0], $0xffff  }
0x298: {  	v4 =	vor.u32 $0xF, v10;
	v24 =	vld.idx.msk [tilespmem:v24+s26+$0x0], $0xffff  }
0x299: {  	v5 =	vadd.s32 $0x12, v10;
	v25 =	vld.idx.msk [tilespmem:v25+s26+$0x0], $0xffff  }
0x29a: {  	v6 =	vadd.s32 $0x13, v10;
	v28 =	vld.idx.msk [tilespmem:v28+s26+$0x0], $0xffff  }
0x29b: {  	v8 =	vor.u32 $0xE, v10;
	v36 =	vld.idx.msk [tilespmem:v36+s26+$0x0], $0xffff  }
0x29c: {  	v12 =	vor.u32 $0x3, v10;
	v19 =	vld.idx.msk [tilespmem:v2+s26+$0x0], $0xffff  }
0x29d: {  	v14 =	vor.u32 $0x1, v10;
	v17 =	vld.idx.msk [tilespmem:v4+s26+$0x0], $0xffff  }
0x29e: {  	v2 =	vadd.s32 $0x1C, v10;
	v13 =	vld.idx.msk [tilespmem:v5+s26+$0x0], $0xffff  }
0x29f: {  	v5 =	vor.u32 $0xC, v10;
	v18 =	vld.idx.msk [tilespmem:v6+s26+$0x0], $0xffff  }
0x2a0: {  	v22 =	vld.idx.msk [tilespmem:v8+s26+$0x0], $0xffff;
	v8 =	vor.u32 $0x7, v10  }
0x2a1: {  	v6 =	vor.u32 $0xB, v10;
	v31 =	vld.idx.msk [tilespmem:v12+s26+$0x0], $0xffff  }
0x2a2: {  	v7 =	vadd.s32 $0x14, v10;
	v35 =	vld.idx.msk [tilespmem:v14+s26+$0x0], $0xffff  }
0x2a3: {  	v3 =	vshll.u32 v3, $0x5;
	v2 =	vld.idx.msk [tilespmem:v2+s26+$0x0], $0xffff  }
0x2a4: {  	v63 =	vor.u32 $0x1, v3;
	v4 =	vor.u32 $0xD, v10;
	v5 =	vld.idx.msk [tilespmem:v5+s26+$0x0], $0xffff  }
0x2a5: {  	v40 =	vor.u32 $0x2, v3;
	v30 =	vadd.s32 $0x18, v10;
	v12 =	vmul.f32 v9, v20;
	v27 =	vld.idx.msk [tilespmem:v8+s26+$0x0], $0xffff  }
0x2a6: {  	v33 =	vadd.s32 $0x1A, v10;
	v14 =	vmul.f32 v26, v20;
	v39 =	vmul.f32 v29, v20;
	v6 =	vld.idx.msk [tilespmem:v6+s26+$0x0], $0xffff  }
0x2a7: {  	v37 =	vadd.s32 $0x1F, v10;
	v7 =	vld.idx.msk [tilespmem:v7+s26+$0x0], $0xffff;
	v28 =	vmul.f32 v28, v20;
	v44 =	vmul.f32 v24, v20  }
0x2a8: {  	v32 =	vadd.s32 $0x19, v10;
	v24 =	vmul.f32 v36, v34;
	v9 =	vmul.f32 v22, v20;
	v22 =	vld.idx.msk [tilespmem:v10+s26+$0x0], $0xffff  }
0x2a9: {  	v38 =	vadd.s32 $0x1E, v10;
	v4 =	vld.idx.msk [tilespmem:v4+s26+$0x0], $0xffff;
	v31 =	vmul.f32 v31, v20;
	v35 =	vmul.f32 v35, v20  }
0x2aa: {  	v30 =	vld.idx.msk [tilespmem:v30+s26+$0x0], $0xffff;
	v2 =	vmul.f32 v2, v34;
	v26 =	vmul.f32 v27, v20;
	v27 =	vadd.s32 $0x1D, v10  }
0x2ab: {  	v41 =	vor.u32 $0x4, v3;
	v62 =	vld.idx.msk [tilespmem:v33+s26+$0x0], $0xffff;
	v5 =	vmul.f32 v5, v20;
	v8 =	vmul.f32 v6, v20  }
0x2ac: {  	v43 =	vor.u32 $0x5, v3;
	v37 =	vld.idx.msk [tilespmem:v37+s26+$0x0], $0xffff;
	v10 =	vmul.f32 v13, v34;
	v13 =	vmul.f32 v11, v34  }
0x2ad: {  	v29 =	vld.idx.msk [tilespmem:v32+s26+$0x0], $0xffff;
	v11 =	vmul.f32 v21, v34;
	v21 =	vor.u32 $0x3, v3;
	v22 =	vmul.f32 v22, v20  }
0x2ae: {  	v45 =	vor.u32 $0x6, v3;
	v38 =	vld.idx.msk [tilespmem:v38+s26+$0x0], $0xffff;
	v6 =	vmul.f32 v4, v20;
	v4 =	vmul.f32 v7, v34  }
0x2af: {  	v7 =	vmul.f32 v18, v34;
	v18 =	vmul.f32 v17, v20;
	v42 =	vld.idx.msk [tilespmem:v27+s26+$0x0], $0xffff;
	[tilespmem:v3+s31+$0x0] =	vst.idx.msk $0xffff, v22  }
0x2b0: {  	v33 =	vor.u32 $0xB, v3;
	v17 =	vmul.f32 v15, v34;
	v15 =	vmul.f32 v16, v34;
	[tilespmem:v63+s31+$0x0] =	vst.idx.msk $0xffff, v35  }
0x2b1: {  	v32 =	vor.u32 $0xA, v3;
	v27 =	vmul.f32 v23, v20;
	v20 =	vmul.f32 v25, v20;
	[tilespmem:v40+s31+$0x0] =	vst.idx.msk $0xffff, v28  }
0x2b2: {  	v16 =	vmul.f32 v19, v34;
	v22 =	vmul.f32 v29, v34;
	v29 =	vor.u32 $0x7, v3;
	[tilespmem:v21+s31+$0x0] =	vst.idx.msk $0xffff, v31  }
0x2b3: {  	v19 =	vmul.f32 v30, v34;
	v30 =	vor.u32 $0x8, v3;
	v23 =	vmul.f32 v62, v34;
	[tilespmem:v41+s31+$0x0] =	vst.idx.msk $0xffff, v20  }
0x2b4: {  	v25 =	vmul.f32 v38, v34;
	v28 =	vor.u32 $0xD, v3;
	v31 =	vor.u32 $0x9, v3;
	[tilespmem:v43+s31+$0x0] =	vst.idx.msk $0xffff, v44  }
0x2b5: {  	s12 =	simm.s32 $0x10;
	v21 =	vmul.f32 v37, v34;
	v20 =	vmul.f32 v42, v34;
	v34 =	vor.u32 $0xC, v3;
	[tilespmem:v45+s31+$0x0] =	vst.idx.msk $0xffff, v39  }
.LBB2_17:
0x2b6: {  	p1 =	sne.s32 s12, $0x60  }
0x2b7: {  	[tilespmem:v29+s31+$0x0] =	vst.idx.msk $0xffff, v26;
	s11 =	sadd.s32 $0x10, s11;
	s15 =	smov.u32 s12;
	s12 =	sadd.s32 $0x10, s12  }
0x2b8: {  	v26 =	vor.u32 $0xE, v3;
	[tilespmem:v30+s31+$0x0] =	vst.idx.msk $0xffff, v27  }
0x2b9: {  	[tilespmem:v31+s31+$0x0] =	vst.idx.msk $0xffff, v12;
	v12 =	vor.u32 $0xF, v3  }
0x2ba: {  	[tilespmem:v32+s31+$0x0] =	vst.idx.msk $0xffff, v14;
	v14 =	vor.u32 $0x10, v3  }
0x2bb: {  	[tilespmem:v33+s31+$0x0] =	vst.idx.msk $0xffff, v8;
	v8 =	vor.u32 $0x11, v3  }
0x2bc: {  	[tilespmem:v34+s31+$0x0] =	vst.idx.msk $0xffff, v5;
	v5 =	vor.u32 $0x12, v3  }
0x2bd: {  	[tilespmem:v28+s31+$0x0] =	vst.idx.msk $0xffff, v6;
	v6 =	vor.u32 $0x13, v3  }
0x2be: {  	[tilespmem:v26+s31+$0x0] =	vst.idx.msk $0xffff, v9;
	v9 =	vor.u32 $0x14, v3  }
0x2bf: {  	[tilespmem:v12+s31+$0x0] =	vst.idx.msk $0xffff, v18;
	v12 =	vor.u32 $0x15, v3  }
0x2c0: {  	[tilespmem:v14+s31+$0x0] =	vst.idx.msk $0xffff, v13;
	v13 =	vor.u32 $0x16, v3  }
0x2c1: {  	[tilespmem:v8+s31+$0x0] =	vst.idx.msk $0xffff, v17;
	v8 =	vor.u32 $0x17, v3  }
0x2c2: {  	[tilespmem:v5+s31+$0x0] =	vst.idx.msk $0xffff, v10;
	v5 =	vor.u32 $0x18, v3  }
0x2c3: {  	[tilespmem:v6+s31+$0x0] =	vst.idx.msk $0xffff, v7;
	v6 =	vor.u32 $0x19, v3  }
0x2c4: {  	[tilespmem:v9+s31+$0x0] =	vst.idx.msk $0xffff, v4;
	v4 =	vor.u32 $0x1A, v3  }
0x2c5: {  	v7 =	vor.u32 $0x1B, v3;
	[tilespmem:v12+s31+$0x0] =	vst.idx.msk $0xffff, v11  }
0x2c6: {  	v9 =	vor.u32 $0x1C, v3;
	[tilespmem:v13+s31+$0x0] =	vst.idx.msk $0xffff, v15  }
0x2c7: {  	[tilespmem:v8+s31+$0x0] =	vst.idx.msk $0xffff, v16;
	v8 =	vor.u32 $0x1D, v3  }
0x2c8: {  	[tilespmem:v5+s31+$0x0] =	vst.idx.msk $0xffff, v19;
	v5 =	vor.u32 $0x1E, v3  }
0x2c9: {  	[tilespmem:v6+s31+$0x0] =	vst.idx.msk $0xffff, v22;
	v6 =	vor.u32 $0x1F, v3  }
0x2ca: {  	v3 =	vor.u32 s15, v1;
	[tilespmem:v4+s31+$0x0] =	vst.idx.msk $0xffff, v23  }
0x2cb: {  	v11 =	vmul.u32 $0x30, v3;
	v4 =	vshll.u32 v3, $0x4;
	[tilespmem:v7+s31+$0x0] =	vst.idx.msk $0xffff, v24  }
0x2cc: {  	v7 =	vor.u32 $0x1, v4;
	[tilespmem:v9+s31+$0x0] =	vst.idx.msk $0xffff, v2  }
0x2cd: {  	v2 =	vadd.s32 $0x20, v11;
	v9 =	vadd.s32 $0x21, v11;
	[tilespmem:v8+s31+$0x0] =	vst.idx.msk $0xffff, v20  }
0x2ce: {  	[tilespmem:v5+s31+$0x0] =	vst.idx.msk $0xffff, v25  }
0x2cf: {  	[tilespmem:v6+s31+$0x0] =	vst.idx.msk $0xffff, v21  }
0x2d0: {  	v5 =	vld.idx.msk [tilespmem:v4+s18+$0x0], $0xffff  }
0x2d1: {  	v6 =	vld.idx.msk [tilespmem:v7+s18+$0x0], $0xffff  }
0x2d2: {  	v2 =	vld.idx.msk [tilespmem:v2+s26+$0x0], $0xffff  }
0x2d3: {  	v8 =	vld.idx.msk [tilespmem:v9+s26+$0x0], $0xffff;
	_ =	sdelay $0x4  }
0x2d4: {  	v2 =	vadd.f32 v5, v2  }
0x2d5: {  	v5 =	vadd.f32 v6, v8  }
0x2d6: {  	v6 =	vmul.f32 $2.000000030e-01, v2  }
0x2d7: {  	vm0 =	vgt.f32 v2, $0.0e+00;
	v8 =	vmul.f32 $2.000000030e-01, v5  }
0x2d8: {  	v2 =	vsel vm0, v2, v6;
	vm0 =	vgt.f32 v5, $0.0e+00  }
0x2d9: {  	v2 =	vmul.f32 $1.442695020e+00, v2;
	v5 =	vsel vm0, v5, v8;
	v6 =	vld [tilespmem:s11+$0x0]  }
0x2da: {  	v5 =	vmul.f32 $1.442695020e+00, v5  }
0x2db: {  	(erf) = vpow2.f32 v2  }
0x2dc: {  	(erf) = vpow2.f32 v5;
	_ =	sdelay $0x1  }
0x2dd: {  	v2 =	vshll.u32 v6, $0x1  }
0x2de: {  	v2 =	vand.u32 $0xE, v2  }
0x2df: {  	v4 =	vor.u32 v4, v2;
	v2 =	vor.u32 v2, v7;
	_ =	sdelay $0x1  }
0x2e0: {  	v5 =	vadd.s32 $0x10, v11;
	v6 =	vadd.s32 $0x12, v11  }
0x2e1: {  	v8 =	vadd.s32 $0x11, v11;
	v7 =	vor.u32 $0xF, v11  }
0x2e2: {  	v10 =	vadd.s32 $0x16, v11;
	v9 =	vadd.s32 $0x15, v11;
	v21 =	vpop (erf)  }
0x2e3: {  	v15 =	vadd.s32 $0x1F, v11;
	[tilespmem:v4+s30+$0x0] =	vst.idx.msk $0xffff, v21;
	v4 =	vadd.s32 $0x17, v11;
	v20 =	vpop (erf)  }
0x2e4: {  	v16 =	vadd.s32 $0x1E, v11;
	[tilespmem:v2+s30+$0x0] =	vst.idx.msk $0xffff, v20  }
0x2e5: {  	v13 =	vld.idx.msk [tilespmem:v5+s26+$0x0], $0xffff  }
0x2e6: {  	v17 =	vld.idx.msk [tilespmem:v8+s26+$0x0], $0xffff  }
0x2e7: {  	v2 =	vadd.s32 $0x13, v11;
	v19 =	vld.idx.msk [tilespmem:v10+s26+$0x0], $0xffff  }
0x2e8: {  	v5 =	vadd.s32 $0x14, v11;
	v22 =	vld.idx.msk [tilespmem:v4+s26+$0x0], $0xffff  }
0x2e9: {  	v4 =	vadd.s32 $0x1C, v11;
	v23 =	vld.idx.msk [tilespmem:v9+s26+$0x0], $0xffff  }
0x2ea: {  	v8 =	vor.u32 $0xE, v11;
	v18 =	vld.idx.msk [tilespmem:v7+s26+$0x0], $0xffff  }
0x2eb: {  	v7 =	vor.u32 $0xD, v11;
	v10 =	vld.idx.msk [tilespmem:v6+s26+$0x0], $0xffff  }
0x2ec: {  	v6 =	vor.u32 $0xC, v11;
	v24 =	vld.idx.msk [tilespmem:v2+s26+$0x0], $0xffff  }
0x2ed: {  	v2 =	vor.u32 $0xB, v11;
	v25 =	vld.idx.msk [tilespmem:v5+s26+$0x0], $0xffff  }
0x2ee: {  	v5 =	vor.u32 $0x9, v11;
	v4 =	vld.idx.msk [tilespmem:v4+s26+$0x0], $0xffff  }
0x2ef: {  	v9 =	vor.u32 $0xA, v11;
	v26 =	vld.idx.msk [tilespmem:v8+s26+$0x0], $0xffff  }
0x2f0: {  	v8 =	vor.u32 $0x7, v11;
	v7 =	vld.idx.msk [tilespmem:v7+s26+$0x0], $0xffff  }
0x2f1: {  	v12 =	vor.u32 $0x6, v11;
	v6 =	vld.idx.msk [tilespmem:v6+s26+$0x0], $0xffff  }
0x2f2: {  	v14 =	vor.u32 $0x8, v11;
	v27 =	vld.idx.msk [tilespmem:v2+s26+$0x0], $0xffff  }
0x2f3: {  	v28 =	vor.u32 $0x5, v11;
	v29 =	vld.idx.msk [tilespmem:v5+s26+$0x0], $0xffff  }
0x2f4: {  	v30 =	vor.u32 $0x4, v11;
	v2 =	vmul.f32 v4, v20;
	v9 =	vld.idx.msk [tilespmem:v9+s26+$0x0], $0xffff  }
0x2f5: {  	v4 =	vor.u32 $0x3, v11;
	v31 =	vld.idx.msk [tilespmem:v8+s26+$0x0], $0xffff  }
0x2f6: {  	v32 =	vor.u32 $0x2, v11;
	v33 =	vld.idx.msk [tilespmem:v12+s26+$0x0], $0xffff  }
0x2f7: {  	v34 =	vor.u32 $0x1, v11;
	v5 =	vmul.f32 v6, v21;
	v35 =	vld.idx.msk [tilespmem:v14+s26+$0x0], $0xffff  }
0x2f8: {  	v6 =	vmul.f32 v7, v21;
	v8 =	vmul.f32 v27, v21;
	v28 =	vld.idx.msk [tilespmem:v28+s26+$0x0], $0xffff  }
0x2f9: {  	v27 =	vadd.s32 $0x18, v11;
	v12 =	vmul.f32 v29, v21;
	v30 =	vld.idx.msk [tilespmem:v30+s26+$0x0], $0xffff  }
0x2fa: {  	v36 =	vadd.s32 $0x19, v11;
	v14 =	vmul.f32 v9, v21;
	v9 =	vmul.f32 v26, v21;
	v29 =	vld.idx.msk [tilespmem:v4+s26+$0x0], $0xffff  }
0x2fb: {  	v37 =	vadd.s32 $0x1A, v11;
	v26 =	vmul.f32 v31, v21;
	v4 =	vmul.f32 v25, v20;
	v32 =	vld.idx.msk [tilespmem:v32+s26+$0x0], $0xffff  }
0x2fc: {  	v7 =	vmul.f32 v24, v20;
	v31 =	vadd.s32 $0x1B, v11;
	v25 =	vld.idx.msk [tilespmem:v34+s26+$0x0], $0xffff;
	v34 =	vmul.f32 v33, v21  }
0x2fd: {  	v10 =	vmul.f32 v10, v20;
	v24 =	vld.idx.msk [tilespmem:v11+s26+$0x0], $0xffff  }
0x2fe: {  	v13 =	vmul.f32 v13, v20;
	v33 =	vld.idx.msk [tilespmem:v27+s26+$0x0], $0xffff  }
0x2ff: {  	v3 =	vshll.u32 v3, $0x5;
	v18 =	vmul.f32 v18, v21;
	v27 =	vadd.s32 $0x1D, v11;
	v36 =	vld.idx.msk [tilespmem:v36+s26+$0x0], $0xffff  }
0x300: {  	v38 =	vor.u32 $0x1, v3;
	v17 =	vmul.f32 v17, v20;
	v39 =	vmul.f32 v29, v21;
	v37 =	vld.idx.msk [tilespmem:v37+s26+$0x0], $0xffff  }
0x301: {  	v40 =	vor.u32 $0x2, v3;
	v11 =	vmul.f32 v23, v20;
	v32 =	vmul.f32 v32, v21;
	v31 =	vld.idx.msk [tilespmem:v31+s26+$0x0], $0xffff  }
0x302: {  	v23 =	vmul.f32 v25, v21;
	v25 =	vor.u32 $0x3, v3;
	v41 =	vld.idx.msk [tilespmem:v15+s26+$0x0], $0xffff;
	v15 =	vmul.f32 v19, v20  }
0x303: {  	v43 =	vor.u32 $0x4, v3;
	v24 =	vmul.f32 v24, v21;
	v42 =	vld.idx.msk [tilespmem:v16+s26+$0x0], $0xffff;
	v16 =	vmul.f32 v22, v20  }
0x304: {  	v45 =	vor.u32 $0x5, v3;
	v19 =	vmul.f32 v33, v20;
	v44 =	vld.idx.msk [tilespmem:v27+s26+$0x0], $0xffff;
	v27 =	vmul.f32 v35, v21  }
0x305: {  	v33 =	vmul.f32 v28, v21;
	v35 =	vor.u32 $0x6, v3;
	v22 =	vmul.f32 v36, v20;
	[tilespmem:v3+s31+$0x0] =	vst.idx.msk $0xffff, v24  }
0x306: {  	v29 =	vor.u32 $0x7, v3;
	v36 =	vmul.f32 v30, v21;
	[tilespmem:v38+s31+$0x0] =	vst.idx.msk $0xffff, v23;
	v23 =	vmul.f32 v37, v20  }
.Ltmp7:
0x307: {  	v28 =	vor.u32 $0xD, v3;
	v30 =	vor.u32 $0x8, v3;
	v24 =	vmul.f32 v31, v20;
	[tilespmem:v40+s31+$0x0] =	vst.idx.msk $0xffff, v32;
	(pc) =	sbr.rel @p1 .LBB2_17-.Ltmp7, $4  }
0x308: {  	v31 =	vor.u32 $0x9, v3;
	v21 =	vmul.f32 v41, v20;
	[tilespmem:v25+s31+$0x0] =	vst.idx.msk $0xffff, v39  }
0x309: {  	v32 =	vor.u32 $0xA, v3;
	v25 =	vmul.f32 v42, v20;
	[tilespmem:v43+s31+$0x0] =	vst.idx.msk $0xffff, v36  }
0x30a: {  	v20 =	vmul.f32 v44, v20;
	[tilespmem:v45+s31+$0x0] =	vst.idx.msk $0xffff, v33;
	v33 =	vor.u32 $0xB, v3  }
0x30b: {  	[tilespmem:v35+s31+$0x0] =	vst.idx.msk $0xffff, v34;
	v34 =	vor.u32 $0xC, v3  }
0x30c: {  	_ =	sdelay $0x3  }
0x30d: {  	[tilespmem:v29+s31+$0x0] =	vst.idx.msk $0xffff, v26  }
0x30e: {  	[tilespmem:v30+s31+$0x0] =	vst.idx.msk $0xffff, v27  }
0x30f: {  	v45 =	vor.u32 $0xE, v3;
	[tilespmem:v31+s31+$0x0] =	vst.idx.msk $0xffff, v12  }
0x310: {  	v46 =	vor.u32 $0xF, v3;
	[tilespmem:v32+s31+$0x0] =	vst.idx.msk $0xffff, v14  }
0x311: {  	v47 =	vor.u32 $0x10, v3;
	[tilespmem:v33+s31+$0x0] =	vst.idx.msk $0xffff, v8  }
0x312: {  	v48 =	vor.u32 $0x11, v3;
	[tilespmem:v34+s31+$0x0] =	vst.idx.msk $0xffff, v5  }
0x313: {  	v49 =	vor.u32 $0x12, v3;
	[tilespmem:v28+s31+$0x0] =	vst.idx.msk $0xffff, v6  }
0x314: {  	v50 =	vor.u32 $0x13, v3;
	[tilespmem:v45+s31+$0x0] =	vst.idx.msk $0xffff, v9  }
0x315: {  	v51 =	vor.u32 $0x14, v3;
	[tilespmem:v46+s31+$0x0] =	vst.idx.msk $0xffff, v18  }
0x316: {  	v52 =	vor.u32 $0x15, v3;
	[tilespmem:v47+s31+$0x0] =	vst.idx.msk $0xffff, v13  }
0x317: {  	v53 =	vor.u32 $0x16, v3;
	[tilespmem:v48+s31+$0x0] =	vst.idx.msk $0xffff, v17  }
0x318: {  	v54 =	vor.u32 $0x17, v3;
	[tilespmem:v49+s31+$0x0] =	vst.idx.msk $0xffff, v10  }
0x319: {  	v55 =	vor.u32 $0x18, v3;
	[tilespmem:v50+s31+$0x0] =	vst.idx.msk $0xffff, v7  }
0x31a: {  	v56 =	vor.u32 $0x19, v3;
	[tilespmem:v51+s31+$0x0] =	vst.idx.msk $0xffff, v4  }
0x31b: {  	v57 =	vor.u32 $0x1A, v3;
	[tilespmem:v52+s31+$0x0] =	vst.idx.msk $0xffff, v11  }
0x31c: {  	v58 =	vor.u32 $0x1B, v3;
	[tilespmem:v53+s31+$0x0] =	vst.idx.msk $0xffff, v15  }
0x31d: {  	v59 =	vor.u32 $0x1C, v3;
	[tilespmem:v54+s31+$0x0] =	vst.idx.msk $0xffff, v16  }
0x31e: {  	v60 =	vor.u32 $0x1D, v3;
	[tilespmem:v55+s31+$0x0] =	vst.idx.msk $0xffff, v19  }
0x31f: {  	v61 =	vor.u32 $0x1E, v3;
	[tilespmem:v56+s31+$0x0] =	vst.idx.msk $0xffff, v22  }
0x320: {  	v3 =	vor.u32 $0x1F, v3;
	[tilespmem:v57+s31+$0x0] =	vst.idx.msk $0xffff, v23  }
0x321: {  	[tilespmem:v58+s31+$0x0] =	vst.idx.msk $0xffff, v24  }
0x322: {  	[tilespmem:v59+s31+$0x0] =	vst.idx.msk $0xffff, v2  }
0x323: {  	[tilespmem:v60+s31+$0x0] =	vst.idx.msk $0xffff, v20  }
0x324: {  	[tilespmem:v61+s31+$0x0] =	vst.idx.msk $0xffff, v25  }
0x325: {  	s11 =	simm.s32 $0x1A0E0;
	[tilespmem:v3+s31+$0x0] =	vst.idx.msk $0xffff, v21  }
0x326: {  	[spmem:s1] =	stream.indirect.scatter.add.f32 [tilespmem:s31], [sflag:$0x5], $0x20, s11, s20, $0xb8;
	[tilespmem:$0x1EFA0] =	vst v63  }
0x327: {  	s12 =	simm.s32 $0x1A1C0  }
0x328: {  	[spmem:s2] =	stream.indirect.scatter.add.f32 [tilespmem:s30], [sflag:$0x5], $0x10, s12, s20, $0xb8;
	[tilespmem:$0x1EFA0] =	vst v63  }
0x329: {  	_ =	swait.ge [sflag:s9], $0x600  }
0x32a: {  	[sflag:s9] =	ssyncset.done $0x0  }
0x32b: {  	[sflag:s9] =	ssyncadd.s32 $0xFFFFFA00  }
0x32c: {  	_ =	swait.ge [sflag:s9], $0x600  }
0x32d: {  	[sflag:s9] =	ssyncset.done $0x0  }
0x32e: {  	[sflag:s9] =	ssyncadd.s32 $0xFFFFFA00  }
0x32f: {  	_ =	swait.ge [sflag:s9], $0x600  }
0x330: {  	[sflag:s9] =	ssyncset.done $0x0  }
0x331: {  	[sflag:s9] =	ssyncadd.s32 $0xFFFFFA00  }
0x332: {  	_ =	swait.ge [sflag:s9], $0x300  }
0x333: {  	[sflag:s9] =	ssyncset.done $0x0  }
0x334: {  	[sflag:s9] =	ssyncadd.s32 $0xFFFFFD00  }
0x335: {  	_ =	swait.ge [sflag:s10], $0x380  }
0x336: {  	[sflag:s10] =	ssyncset.done $0x0  }
0x337: {  	[sflag:s10] =	ssyncadd.s32 $0xFFFFFC80  }
0x338: {  	_ =	swait.ge [sflag:s10], $0x380  }
0x339: {  	[sflag:s10] =	ssyncset.done $0x0  }
0x33a: {  	[sflag:s10] =	ssyncadd.s32 $0xFFFFFC80  }
0x33b: {  	_ =	swait.ge [sflag:s24], $0xE0  }
0x33c: {  	[sflag:s24] =	ssyncset.done $0x0  }
0x33d: {  	[sflag:s24] =	ssyncadd.s32 $0xFFFFFF20  }
0x33e: {  	[tilespmem:s26], [sflag:$0x3] =	stream.indirect.gather [hbm4b:s4+s25], $0x30, s22, s25, $0xb8;
	[tilespmem:$0x1EFA0] =	vst v63  }
0x33f: {  	s15 =	simm.s32 $0x19F40;
	s12 =	simm.s32 $0x1A8A0  }
0x340: {  	[tilespmem:s12], [sflag:$0x3] =	stream.indirect.gather [hbm4b:s4+s25], $0x30, s15, s25, $0xb8;
	[tilespmem:$0x1EFA0] =	vst v63  }
0x341: {  	s12 =	simm.s32 $0x19F60;
	s15 =	simm.s32 $0x1AEA0  }
0x342: {  	[tilespmem:s15], [sflag:$0x3] =	stream.indirect.gather [hbm4b:s4+s25], $0x30, s12, s25, $0xb8;
	[tilespmem:$0x1EFA0] =	vst v63  }
0x343: {  	s12 =	simm.s32 $0x19F80;
	s15 =	simm.s32 $0x1B4A0  }
0x344: {  	[tilespmem:s15], [sflag:$0x3] =	stream.indirect.gather [hbm4b:s4+s23], $0x30, s12, s23, $0xb8;
	[tilespmem:$0x1EFA0] =	vst v63  }
0x345: {  	s15 =	simm.s32 $0x19F90  }
0x346: {  	[tilespmem:s18], [sflag:$0x4] =	stream.indirect.gather [hbm4b:s7+s14], $0x10, s15, s14, $0xb8;
	[tilespmem:$0x1EFA0] =	vst v63  }
0x347: {  	s12 =	simm.s32 $0x19FC8;
	s15 =	simm.s32 $0x1D020  }
0x348: {  	[tilespmem:s15], [sflag:$0x4] =	stream.indirect.gather [hbm4b:s7+s14], $0x10, s12, s14, $0xb8;
	[tilespmem:$0x1EFA0] =	vst v63  }
0x349: {  	v2 =	vld [tilespmem:$0x1A070];
	_ =	sdelay $0x1  }
0x34a: {  	v3 =	vld [tilespmem:$0x1A080]  }
0x34b: {  	v62 =	vld [tilespmem:$0x1A090];
	_ =	sdelay $0x1  }
0x34c: {  	v63 =	vld [tilespmem:$0x1A0C0];
	[tilespmem:$0x1A150] =	vst v2;
	v2 =	vshrl.u32 v2, $0x3  }
0x34d: {  	[tilespmem:$0x1A230] =	vst v2;
	v2 =	vld [tilespmem:$0x1A0A0]  }
0x34e: {  	[tilespmem:$0x1A160] =	vst v3  }
0x34f: {  	v3 =	vshrl.u32 v3, $0x3;
	[tilespmem:$0x1A170] =	vst v62  }
0x350: {  	[tilespmem:$0x1A240] =	vst v3;
	v3 =	vld [tilespmem:$0x1A0B0]  }
0x351: {  	[tilespmem:$0x1A1A0] =	vst v63  }
0x352: {  	[tilespmem:$0x1A180] =	vst v2;
	v2 =	vshrl.u32 v2, $0x3  }
0x353: {  	v4 =	vshrl.u32 v62, $0x3;
	[tilespmem:$0x1A260] =	vst v2;
	v2 =	vld [tilespmem:$0x1A0D0]  }
0x354: {  	[tilespmem:$0x1A250] =	vst v4  }
0x355: {  	[tilespmem:$0x1A190] =	vst v3;
	v3 =	vshrl.u32 v3, $0x3  }
0x356: {  	p1 =	seq.s32 s19, $0xDE;
	[tilespmem:$0x1A270] =	vst v3;
	v3 =	vshrl.u32 v63, $0x3  }
0x357: {  	s11 =	sadd.s32 @!p1 s13, s16;
	[tilespmem:$0x1A280] =	vst v3  }
0x358: {  	s13 =	simm.s32 @!p1 $0xC3900;
	s11 =	sshrl.u32 @!p1 s11, $0x3;
	[tilespmem:$0x1A1B0] =	vst v2;
	v2 =	vshrl.u32 v2, $0x3  }
0x359: {  	s11 =	sadd.s32 @!p1 s8, s11;
	s12 =	simm.s32 @!p1 $0x70;
	s15 =	simm.s32 @!p1 $0x1A000;
	[tilespmem:$0x1A290] =	vst v2  }
0x35a: {  	[tilespmem:s15], [sflag:$0x2] =	stream.strided.gather @!p1 [hbm4b:s11+s12], $0xE0, s13, s12, $0x38;
	[tilespmem:$0x1EFA0] =	vst v63  }
0x35b: {  	_ =	swait.ge [sflag:s17], $0xE00  }
0x35c: {  	[sflag:s17] =	ssyncset.done $0x0  }
0x35d: {  	[sflag:s17] =	ssyncadd.s32 $0xFFFFF200  }
0x35e: {  	_ =	swait.ge [sflag:s17], $0x700  }
0x35f: {  	[sflag:s17] =	ssyncset.done $0x0  }
0x360: {  	s11 =	simm.s32 $0x0;
	s12 =	simm.s32 $0x0;
	[sflag:s17] =	ssyncadd.s32 $0xFFFFF900  }
.LBB2_19:
0x361: {  	p1 =	sne.s32 s12, $0x1BC0  }
.Ltmp8:
0x362: {  	_ = 	snop;
	(pc) =	sbr.rel @p1 .LBB2_19-.Ltmp8, $3  }
0x363: {  	_ =	sdelay $0x1  }
0x364: {  	s13 =	sshra.s32 s12, $0x2  }
0x365: {  	s12 =	sadd.s32 $0x40, s12;
	[tilespmem:s13+$0x1E8A0] =	vst v0  }
0x366: {  	v3 =	vor.u32 s11, v1  }
0x367: {  	v10 =	vmul.u32 $0x30, v3;
	v2 =	vshll.u32 v3, $0x4  }
0x368: {  	v4 =	vor.u32 $0x1, v2  }
0x369: {  	v5 =	vadd.s32 $0x20, v10  }
0x36a: {  	v6 =	vadd.s32 $0x21, v10;
	_ =	sdelay $0x1  }
0x36b: {  	v7 =	vld.idx.msk [tilespmem:v2+s29+$0x0], $0xffff  }
0x36c: {  	v8 =	vld.idx.msk [tilespmem:v4+s29+$0x0], $0xffff  }
0x36d: {  	v5 =	vld.idx.msk [tilespmem:v5+s28+$0x0], $0xffff  }
0x36e: {  	v6 =	vld.idx.msk [tilespmem:v6+s28+$0x0], $0xffff;
	_ =	sdelay $0x3  }
0x36f: {  	v5 =	vadd.f32 v7, v5  }
0x370: {  	v6 =	vadd.f32 v8, v6  }
0x371: {  	v7 =	vmul.f32 $2.000000030e-01, v5  }
0x372: {  	vm0 =	vgt.f32 v5, $0.0e+00;
	v8 =	vmul.f32 $2.000000030e-01, v6  }
0x373: {  	s11 =	simm.s32 $0x1A150;
	vm15 =	vgt.f32 v6, $0.0e+00;
	v5 =	vsel vm0, v5, v7  }
0x374: {  	v7 =	vld [tilespmem:s11+$0x0];
	v6 =	vsel vm15, v6, v8;
	v5 =	vmul.f32 $1.442695020e+00, v5  }
0x375: {  	v6 =	vmul.f32 $1.442695020e+00, v6  }
0x376: {  	(erf) = vpow2.f32 v5  }
0x377: {  	(erf) = vpow2.f32 v6;
	_ =	sdelay $0x1  }
0x378: {  	v5 =	vshll.u32 v7, $0x1  }
0x379: {  	v5 =	vand.u32 $0xE, v5  }
0x37a: {  	v2 =	vor.u32 v2, v5  }
0x37b: {  	v4 =	vor.u32 v5, v4  }
0x37c: {  	v5 =	vadd.s32 $0x10, v10  }
0x37d: {  	v6 =	vadd.s32 $0x11, v10  }
0x37e: {  	v7 =	vadd.s32 $0x16, v10;
	v20 =	vpop (erf)  }
0x37f: {  	v8 =	vadd.s32 $0x15, v10;
	[tilespmem:v2+s30+$0x0] =	vst.idx.msk $0xffff, v20;
	v34 =	vpop (erf)  }
0x380: {  	v9 =	vor.u32 $0x9, v10;
	[tilespmem:v4+s30+$0x0] =	vst.idx.msk $0xffff, v34  }
0x381: {  	v12 =	vor.u32 $0xA, v10;
	v11 =	vld.idx.msk [tilespmem:v5+s28+$0x0], $0xffff  }
0x382: {  	v14 =	vor.u32 $0x6, v10;
	v15 =	vld.idx.msk [tilespmem:v6+s28+$0x0], $0xffff  }
0x383: {  	v23 =	vor.u32 $0x8, v10;
	v16 =	vld.idx.msk [tilespmem:v7+s28+$0x0], $0xffff  }
0x384: {  	v24 =	vor.u32 $0x5, v10;
	v21 =	vld.idx.msk [tilespmem:v8+s28+$0x0], $0xffff  }
0x385: {  	v25 =	vor.u32 $0x4, v10;
	v9 =	vld.idx.msk [tilespmem:v9+s28+$0x0], $0xffff  }
0x386: {  	v28 =	vor.u32 $0x2, v10;
	v26 =	vld.idx.msk [tilespmem:v12+s28+$0x0], $0xffff  }
0x387: {  	v36 =	vadd.s32 $0x1B, v10;
	v29 =	vld.idx.msk [tilespmem:v14+s28+$0x0], $0xffff  }
0x388: {  	v2 =	vadd.s32 $0x17, v10;
	v23 =	vld.idx.msk [tilespmem:v23+s28+$0x0], $0xffff  }
0x389: {  	v4 =	vor.u32 $0xF, v10;
	v24 =	vld.idx.msk [tilespmem:v24+s28+$0x0], $0xffff  }
0x38a: {  	v5 =	vadd.s32 $0x12, v10;
	v25 =	vld.idx.msk [tilespmem:v25+s28+$0x0], $0xffff  }
0x38b: {  	v6 =	vadd.s32 $0x13, v10;
	v28 =	vld.idx.msk [tilespmem:v28+s28+$0x0], $0xffff  }
0x38c: {  	v8 =	vor.u32 $0xE, v10;
	v36 =	vld.idx.msk [tilespmem:v36+s28+$0x0], $0xffff  }
0x38d: {  	v12 =	vor.u32 $0x3, v10;
	v19 =	vld.idx.msk [tilespmem:v2+s28+$0x0], $0xffff  }
0x38e: {  	v14 =	vor.u32 $0x1, v10;
	v17 =	vld.idx.msk [tilespmem:v4+s28+$0x0], $0xffff  }
0x38f: {  	v2 =	vadd.s32 $0x1C, v10;
	v13 =	vld.idx.msk [tilespmem:v5+s28+$0x0], $0xffff  }
0x390: {  	v5 =	vor.u32 $0xC, v10;
	v18 =	vld.idx.msk [tilespmem:v6+s28+$0x0], $0xffff  }
0x391: {  	v22 =	vld.idx.msk [tilespmem:v8+s28+$0x0], $0xffff;
	v8 =	vor.u32 $0x7, v10  }
0x392: {  	v6 =	vor.u32 $0xB, v10;
	v31 =	vld.idx.msk [tilespmem:v12+s28+$0x0], $0xffff  }
0x393: {  	v7 =	vadd.s32 $0x14, v10;
	v35 =	vld.idx.msk [tilespmem:v14+s28+$0x0], $0xffff  }
0x394: {  	v3 =	vshll.u32 v3, $0x5;
	v2 =	vld.idx.msk [tilespmem:v2+s28+$0x0], $0xffff  }
0x395: {  	v63 =	vor.u32 $0x1, v3;
	v4 =	vor.u32 $0xD, v10;
	v5 =	vld.idx.msk [tilespmem:v5+s28+$0x0], $0xffff  }
0x396: {  	v40 =	vor.u32 $0x2, v3;
	v30 =	vadd.s32 $0x18, v10;
	v12 =	vmul.f32 v9, v20;
	v27 =	vld.idx.msk [tilespmem:v8+s28+$0x0], $0xffff  }
0x397: {  	v33 =	vadd.s32 $0x1A, v10;
	v14 =	vmul.f32 v26, v20;
	v39 =	vmul.f32 v29, v20;
	v6 =	vld.idx.msk [tilespmem:v6+s28+$0x0], $0xffff  }
0x398: {  	v37 =	vadd.s32 $0x1F, v10;
	v7 =	vld.idx.msk [tilespmem:v7+s28+$0x0], $0xffff;
	v28 =	vmul.f32 v28, v20;
	v44 =	vmul.f32 v24, v20  }
0x399: {  	v32 =	vadd.s32 $0x19, v10;
	v24 =	vmul.f32 v36, v34;
	v9 =	vmul.f32 v22, v20;
	v22 =	vld.idx.msk [tilespmem:v10+s28+$0x0], $0xffff  }
0x39a: {  	v38 =	vadd.s32 $0x1E, v10;
	v4 =	vld.idx.msk [tilespmem:v4+s28+$0x0], $0xffff;
	v31 =	vmul.f32 v31, v20;
	v35 =	vmul.f32 v35, v20  }
0x39b: {  	v30 =	vld.idx.msk [tilespmem:v30+s28+$0x0], $0xffff;
	v2 =	vmul.f32 v2, v34;
	v26 =	vmul.f32 v27, v20;
	v27 =	vadd.s32 $0x1D, v10  }
0x39c: {  	v41 =	vor.u32 $0x4, v3;
	v62 =	vld.idx.msk [tilespmem:v33+s28+$0x0], $0xffff;
	v5 =	vmul.f32 v5, v20;
	v8 =	vmul.f32 v6, v20  }
0x39d: {  	v43 =	vor.u32 $0x5, v3;
	v37 =	vld.idx.msk [tilespmem:v37+s28+$0x0], $0xffff;
	v10 =	vmul.f32 v13, v34;
	v13 =	vmul.f32 v11, v34  }
0x39e: {  	v29 =	vld.idx.msk [tilespmem:v32+s28+$0x0], $0xffff;
	v11 =	vmul.f32 v21, v34;
	v21 =	vor.u32 $0x3, v3;
	v22 =	vmul.f32 v22, v20  }
0x39f: {  	v45 =	vor.u32 $0x6, v3;
	v38 =	vld.idx.msk [tilespmem:v38+s28+$0x0], $0xffff;
	v6 =	vmul.f32 v4, v20;
	v4 =	vmul.f32 v7, v34  }
0x3a0: {  	v7 =	vmul.f32 v18, v34;
	v18 =	vmul.f32 v17, v20;
	v42 =	vld.idx.msk [tilespmem:v27+s28+$0x0], $0xffff;
	[tilespmem:v3+s31+$0x0] =	vst.idx.msk $0xffff, v22  }
0x3a1: {  	v33 =	vor.u32 $0xB, v3;
	v17 =	vmul.f32 v15, v34;
	v15 =	vmul.f32 v16, v34;
	[tilespmem:v63+s31+$0x0] =	vst.idx.msk $0xffff, v35  }
0x3a2: {  	v32 =	vor.u32 $0xA, v3;
	v27 =	vmul.f32 v23, v20;
	v20 =	vmul.f32 v25, v20;
	[tilespmem:v40+s31+$0x0] =	vst.idx.msk $0xffff, v28  }
0x3a3: {  	v16 =	vmul.f32 v19, v34;
	v22 =	vmul.f32 v29, v34;
	v29 =	vor.u32 $0x7, v3;
	[tilespmem:v21+s31+$0x0] =	vst.idx.msk $0xffff, v31  }
0x3a4: {  	v19 =	vmul.f32 v30, v34;
	v30 =	vor.u32 $0x8, v3;
	v23 =	vmul.f32 v62, v34;
	[tilespmem:v41+s31+$0x0] =	vst.idx.msk $0xffff, v20  }
0x3a5: {  	v25 =	vmul.f32 v38, v34;
	v28 =	vor.u32 $0xD, v3;
	v31 =	vor.u32 $0x9, v3;
	[tilespmem:v43+s31+$0x0] =	vst.idx.msk $0xffff, v44  }
0x3a6: {  	s12 =	simm.s32 $0x10;
	v21 =	vmul.f32 v37, v34;
	v20 =	vmul.f32 v42, v34;
	v34 =	vor.u32 $0xC, v3;
	[tilespmem:v45+s31+$0x0] =	vst.idx.msk $0xffff, v39  }
.LBB2_21:
0x3a7: {  	p1 =	sne.s32 s12, $0x60  }
0x3a8: {  	[tilespmem:v29+s31+$0x0] =	vst.idx.msk $0xffff, v26;
	s11 =	sadd.s32 $0x10, s11;
	s13 =	smov.u32 s12;
	s12 =	sadd.s32 $0x10, s12  }
0x3a9: {  	v26 =	vor.u32 $0xE, v3;
	[tilespmem:v30+s31+$0x0] =	vst.idx.msk $0xffff, v27  }
0x3aa: {  	[tilespmem:v31+s31+$0x0] =	vst.idx.msk $0xffff, v12;
	v12 =	vor.u32 $0xF, v3  }
0x3ab: {  	[tilespmem:v32+s31+$0x0] =	vst.idx.msk $0xffff, v14;
	v14 =	vor.u32 $0x10, v3  }
0x3ac: {  	[tilespmem:v33+s31+$0x0] =	vst.idx.msk $0xffff, v8;
	v8 =	vor.u32 $0x11, v3  }
0x3ad: {  	[tilespmem:v34+s31+$0x0] =	vst.idx.msk $0xffff, v5;
	v5 =	vor.u32 $0x12, v3  }
0x3ae: {  	[tilespmem:v28+s31+$0x0] =	vst.idx.msk $0xffff, v6;
	v6 =	vor.u32 $0x13, v3  }
0x3af: {  	[tilespmem:v26+s31+$0x0] =	vst.idx.msk $0xffff, v9;
	v9 =	vor.u32 $0x14, v3  }
0x3b0: {  	[tilespmem:v12+s31+$0x0] =	vst.idx.msk $0xffff, v18;
	v12 =	vor.u32 $0x15, v3  }
0x3b1: {  	[tilespmem:v14+s31+$0x0] =	vst.idx.msk $0xffff, v13;
	v13 =	vor.u32 $0x16, v3  }
0x3b2: {  	[tilespmem:v8+s31+$0x0] =	vst.idx.msk $0xffff, v17;
	v8 =	vor.u32 $0x17, v3  }
0x3b3: {  	[tilespmem:v5+s31+$0x0] =	vst.idx.msk $0xffff, v10;
	v5 =	vor.u32 $0x18, v3  }
0x3b4: {  	[tilespmem:v6+s31+$0x0] =	vst.idx.msk $0xffff, v7;
	v6 =	vor.u32 $0x19, v3  }
0x3b5: {  	[tilespmem:v9+s31+$0x0] =	vst.idx.msk $0xffff, v4;
	v4 =	vor.u32 $0x1A, v3  }
0x3b6: {  	v7 =	vor.u32 $0x1B, v3;
	[tilespmem:v12+s31+$0x0] =	vst.idx.msk $0xffff, v11  }
0x3b7: {  	v9 =	vor.u32 $0x1C, v3;
	[tilespmem:v13+s31+$0x0] =	vst.idx.msk $0xffff, v15  }
0x3b8: {  	[tilespmem:v8+s31+$0x0] =	vst.idx.msk $0xffff, v16;
	v8 =	vor.u32 $0x1D, v3  }
0x3b9: {  	[tilespmem:v5+s31+$0x0] =	vst.idx.msk $0xffff, v19;
	v5 =	vor.u32 $0x1E, v3  }
0x3ba: {  	[tilespmem:v6+s31+$0x0] =	vst.idx.msk $0xffff, v22;
	v6 =	vor.u32 $0x1F, v3  }
0x3bb: {  	v3 =	vor.u32 s13, v1;
	[tilespmem:v4+s31+$0x0] =	vst.idx.msk $0xffff, v23  }
0x3bc: {  	v11 =	vmul.u32 $0x30, v3;
	v4 =	vshll.u32 v3, $0x4;
	[tilespmem:v7+s31+$0x0] =	vst.idx.msk $0xffff, v24  }
0x3bd: {  	v7 =	vor.u32 $0x1, v4;
	[tilespmem:v9+s31+$0x0] =	vst.idx.msk $0xffff, v2  }
0x3be: {  	v2 =	vadd.s32 $0x20, v11;
	v9 =	vadd.s32 $0x21, v11;
	[tilespmem:v8+s31+$0x0] =	vst.idx.msk $0xffff, v20  }
0x3bf: {  	[tilespmem:v5+s31+$0x0] =	vst.idx.msk $0xffff, v25  }
0x3c0: {  	[tilespmem:v6+s31+$0x0] =	vst.idx.msk $0xffff, v21  }
0x3c1: {  	v5 =	vld.idx.msk [tilespmem:v4+s29+$0x0], $0xffff  }
0x3c2: {  	v6 =	vld.idx.msk [tilespmem:v7+s29+$0x0], $0xffff  }
0x3c3: {  	v2 =	vld.idx.msk [tilespmem:v2+s28+$0x0], $0xffff  }
0x3c4: {  	v8 =	vld.idx.msk [tilespmem:v9+s28+$0x0], $0xffff;
	_ =	sdelay $0x4  }
0x3c5: {  	v2 =	vadd.f32 v5, v2  }
0x3c6: {  	v5 =	vadd.f32 v6, v8  }
0x3c7: {  	v6 =	vmul.f32 $2.000000030e-01, v2  }
0x3c8: {  	vm0 =	vgt.f32 v2, $0.0e+00;
	v8 =	vmul.f32 $2.000000030e-01, v5  }
0x3c9: {  	v2 =	vsel vm0, v2, v6;
	vm0 =	vgt.f32 v5, $0.0e+00  }
0x3ca: {  	v2 =	vmul.f32 $1.442695020e+00, v2;
	v5 =	vsel vm0, v5, v8;
	v6 =	vld [tilespmem:s11+$0x0]  }
0x3cb: {  	v5 =	vmul.f32 $1.442695020e+00, v5  }
0x3cc: {  	(erf) = vpow2.f32 v2  }
0x3cd: {  	(erf) = vpow2.f32 v5;
	_ =	sdelay $0x1  }
0x3ce: {  	v2 =	vshll.u32 v6, $0x1  }
0x3cf: {  	v2 =	vand.u32 $0xE, v2  }
0x3d0: {  	v4 =	vor.u32 v4, v2;
	v2 =	vor.u32 v2, v7;
	_ =	sdelay $0x1  }
0x3d1: {  	v5 =	vadd.s32 $0x10, v11;
	v6 =	vadd.s32 $0x12, v11  }
0x3d2: {  	v8 =	vadd.s32 $0x11, v11;
	v7 =	vor.u32 $0xF, v11  }
0x3d3: {  	v10 =	vadd.s32 $0x16, v11;
	v9 =	vadd.s32 $0x15, v11;
	v21 =	vpop (erf)  }
0x3d4: {  	v15 =	vadd.s32 $0x1F, v11;
	[tilespmem:v4+s30+$0x0] =	vst.idx.msk $0xffff, v21;
	v4 =	vadd.s32 $0x17, v11;
	v20 =	vpop (erf)  }
0x3d5: {  	v16 =	vadd.s32 $0x1E, v11;
	[tilespmem:v2+s30+$0x0] =	vst.idx.msk $0xffff, v20  }
0x3d6: {  	v13 =	vld.idx.msk [tilespmem:v5+s28+$0x0], $0xffff  }
0x3d7: {  	v17 =	vld.idx.msk [tilespmem:v8+s28+$0x0], $0xffff  }
0x3d8: {  	v2 =	vadd.s32 $0x13, v11;
	v19 =	vld.idx.msk [tilespmem:v10+s28+$0x0], $0xffff  }
0x3d9: {  	v5 =	vadd.s32 $0x14, v11;
	v22 =	vld.idx.msk [tilespmem:v4+s28+$0x0], $0xffff  }
0x3da: {  	v4 =	vadd.s32 $0x1C, v11;
	v23 =	vld.idx.msk [tilespmem:v9+s28+$0x0], $0xffff  }
0x3db: {  	v8 =	vor.u32 $0xE, v11;
	v18 =	vld.idx.msk [tilespmem:v7+s28+$0x0], $0xffff  }
0x3dc: {  	v7 =	vor.u32 $0xD, v11;
	v10 =	vld.idx.msk [tilespmem:v6+s28+$0x0], $0xffff  }
0x3dd: {  	v6 =	vor.u32 $0xC, v11;
	v24 =	vld.idx.msk [tilespmem:v2+s28+$0x0], $0xffff  }
0x3de: {  	v2 =	vor.u32 $0xB, v11;
	v25 =	vld.idx.msk [tilespmem:v5+s28+$0x0], $0xffff  }
0x3df: {  	v5 =	vor.u32 $0x9, v11;
	v4 =	vld.idx.msk [tilespmem:v4+s28+$0x0], $0xffff  }
0x3e0: {  	v9 =	vor.u32 $0xA, v11;
	v26 =	vld.idx.msk [tilespmem:v8+s28+$0x0], $0xffff  }
0x3e1: {  	v8 =	vor.u32 $0x7, v11;
	v7 =	vld.idx.msk [tilespmem:v7+s28+$0x0], $0xffff  }
0x3e2: {  	v12 =	vor.u32 $0x6, v11;
	v6 =	vld.idx.msk [tilespmem:v6+s28+$0x0], $0xffff  }
0x3e3: {  	v14 =	vor.u32 $0x8, v11;
	v27 =	vld.idx.msk [tilespmem:v2+s28+$0x0], $0xffff  }
0x3e4: {  	v28 =	vor.u32 $0x5, v11;
	v29 =	vld.idx.msk [tilespmem:v5+s28+$0x0], $0xffff  }
0x3e5: {  	v30 =	vor.u32 $0x4, v11;
	v2 =	vmul.f32 v4, v20;
	v9 =	vld.idx.msk [tilespmem:v9+s28+$0x0], $0xffff  }
0x3e6: {  	v4 =	vor.u32 $0x3, v11;
	v31 =	vld.idx.msk [tilespmem:v8+s28+$0x0], $0xffff  }
0x3e7: {  	v32 =	vor.u32 $0x2, v11;
	v33 =	vld.idx.msk [tilespmem:v12+s28+$0x0], $0xffff  }
0x3e8: {  	v34 =	vor.u32 $0x1, v11;
	v5 =	vmul.f32 v6, v21;
	v35 =	vld.idx.msk [tilespmem:v14+s28+$0x0], $0xffff  }
0x3e9: {  	v6 =	vmul.f32 v7, v21;
	v8 =	vmul.f32 v27, v21;
	v28 =	vld.idx.msk [tilespmem:v28+s28+$0x0], $0xffff  }
0x3ea: {  	v27 =	vadd.s32 $0x18, v11;
	v12 =	vmul.f32 v29, v21;
	v30 =	vld.idx.msk [tilespmem:v30+s28+$0x0], $0xffff  }
0x3eb: {  	v36 =	vadd.s32 $0x19, v11;
	v14 =	vmul.f32 v9, v21;
	v9 =	vmul.f32 v26, v21;
	v29 =	vld.idx.msk [tilespmem:v4+s28+$0x0], $0xffff  }
0x3ec: {  	v37 =	vadd.s32 $0x1A, v11;
	v26 =	vmul.f32 v31, v21;
	v4 =	vmul.f32 v25, v20;
	v32 =	vld.idx.msk [tilespmem:v32+s28+$0x0], $0xffff  }
0x3ed: {  	v7 =	vmul.f32 v24, v20;
	v31 =	vadd.s32 $0x1B, v11;
	v25 =	vld.idx.msk [tilespmem:v34+s28+$0x0], $0xffff;
	v34 =	vmul.f32 v33, v21  }
0x3ee: {  	v10 =	vmul.f32 v10, v20;
	v24 =	vld.idx.msk [tilespmem:v11+s28+$0x0], $0xffff  }
0x3ef: {  	v13 =	vmul.f32 v13, v20;
	v33 =	vld.idx.msk [tilespmem:v27+s28+$0x0], $0xffff  }
0x3f0: {  	v3 =	vshll.u32 v3, $0x5;
	v18 =	vmul.f32 v18, v21;
	v27 =	vadd.s32 $0x1D, v11;
	v36 =	vld.idx.msk [tilespmem:v36+s28+$0x0], $0xffff  }
0x3f1: {  	v38 =	vor.u32 $0x1, v3;
	v17 =	vmul.f32 v17, v20;
	v39 =	vmul.f32 v29, v21;
	v37 =	vld.idx.msk [tilespmem:v37+s28+$0x0], $0xffff  }
0x3f2: {  	v40 =	vor.u32 $0x2, v3;
	v11 =	vmul.f32 v23, v20;
	v32 =	vmul.f32 v32, v21;
	v31 =	vld.idx.msk [tilespmem:v31+s28+$0x0], $0xffff  }
0x3f3: {  	v23 =	vmul.f32 v25, v21;
	v25 =	vor.u32 $0x3, v3;
	v41 =	vld.idx.msk [tilespmem:v15+s28+$0x0], $0xffff;
	v15 =	vmul.f32 v19, v20  }
0x3f4: {  	v43 =	vor.u32 $0x4, v3;
	v24 =	vmul.f32 v24, v21;
	v42 =	vld.idx.msk [tilespmem:v16+s28+$0x0], $0xffff;
	v16 =	vmul.f32 v22, v20  }
0x3f5: {  	v45 =	vor.u32 $0x5, v3;
	v19 =	vmul.f32 v33, v20;
	v44 =	vld.idx.msk [tilespmem:v27+s28+$0x0], $0xffff;
	v27 =	vmul.f32 v35, v21  }
0x3f6: {  	v33 =	vmul.f32 v28, v21;
	v35 =	vor.u32 $0x6, v3;
	v22 =	vmul.f32 v36, v20;
	[tilespmem:v3+s31+$0x0] =	vst.idx.msk $0xffff, v24  }
0x3f7: {  	v29 =	vor.u32 $0x7, v3;
	v36 =	vmul.f32 v30, v21;
	[tilespmem:v38+s31+$0x0] =	vst.idx.msk $0xffff, v23;
	v23 =	vmul.f32 v37, v20  }
.Ltmp9:
0x3f8: {  	v28 =	vor.u32 $0xD, v3;
	v30 =	vor.u32 $0x8, v3;
	v24 =	vmul.f32 v31, v20;
	[tilespmem:v40+s31+$0x0] =	vst.idx.msk $0xffff, v32;
	(pc) =	sbr.rel @p1 .LBB2_21-.Ltmp9, $4  }
0x3f9: {  	v31 =	vor.u32 $0x9, v3;
	v21 =	vmul.f32 v41, v20;
	[tilespmem:v25+s31+$0x0] =	vst.idx.msk $0xffff, v39  }
0x3fa: {  	v32 =	vor.u32 $0xA, v3;
	v25 =	vmul.f32 v42, v20;
	[tilespmem:v43+s31+$0x0] =	vst.idx.msk $0xffff, v36  }
0x3fb: {  	v20 =	vmul.f32 v44, v20;
	[tilespmem:v45+s31+$0x0] =	vst.idx.msk $0xffff, v33;
	v33 =	vor.u32 $0xB, v3  }
0x3fc: {  	[tilespmem:v35+s31+$0x0] =	vst.idx.msk $0xffff, v34;
	v34 =	vor.u32 $0xC, v3  }
0x3fd: {  	_ =	sdelay $0x3  }
0x3fe: {  	[tilespmem:v29+s31+$0x0] =	vst.idx.msk $0xffff, v26  }
0x3ff: {  	[tilespmem:v30+s31+$0x0] =	vst.idx.msk $0xffff, v27  }
0x400: {  	v47 =	vor.u32 $0xE, v3;
	[tilespmem:v31+s31+$0x0] =	vst.idx.msk $0xffff, v12  }
0x401: {  	v48 =	vor.u32 $0xF, v3;
	[tilespmem:v32+s31+$0x0] =	vst.idx.msk $0xffff, v14  }
0x402: {  	v49 =	vor.u32 $0x10, v3;
	[tilespmem:v33+s31+$0x0] =	vst.idx.msk $0xffff, v8  }
0x403: {  	v50 =	vor.u32 $0x11, v3;
	[tilespmem:v34+s31+$0x0] =	vst.idx.msk $0xffff, v5  }
0x404: {  	v51 =	vor.u32 $0x12, v3;
	[tilespmem:v28+s31+$0x0] =	vst.idx.msk $0xffff, v6  }
0x405: {  	v52 =	vor.u32 $0x13, v3;
	[tilespmem:v47+s31+$0x0] =	vst.idx.msk $0xffff, v9  }
0x406: {  	v53 =	vor.u32 $0x14, v3;
	[tilespmem:v48+s31+$0x0] =	vst.idx.msk $0xffff, v18  }
0x407: {  	v54 =	vor.u32 $0x15, v3;
	[tilespmem:v49+s31+$0x0] =	vst.idx.msk $0xffff, v13  }
0x408: {  	v55 =	vor.u32 $0x16, v3;
	[tilespmem:v50+s31+$0x0] =	vst.idx.msk $0xffff, v17  }
0x409: {  	v56 =	vor.u32 $0x17, v3;
	[tilespmem:v51+s31+$0x0] =	vst.idx.msk $0xffff, v10  }
0x40a: {  	v57 =	vor.u32 $0x18, v3;
	[tilespmem:v52+s31+$0x0] =	vst.idx.msk $0xffff, v7  }
0x40b: {  	v58 =	vor.u32 $0x19, v3;
	[tilespmem:v53+s31+$0x0] =	vst.idx.msk $0xffff, v4  }
0x40c: {  	v59 =	vor.u32 $0x1A, v3;
	[tilespmem:v54+s31+$0x0] =	vst.idx.msk $0xffff, v11  }
0x40d: {  	v60 =	vor.u32 $0x1B, v3;
	[tilespmem:v55+s31+$0x0] =	vst.idx.msk $0xffff, v15  }
0x40e: {  	v61 =	vor.u32 $0x1C, v3;
	[tilespmem:v56+s31+$0x0] =	vst.idx.msk $0xffff, v16  }
0x40f: {  	v62 =	vor.u32 $0x1D, v3;
	[tilespmem:v57+s31+$0x0] =	vst.idx.msk $0xffff, v19  }
0x410: {  	v63 =	vor.u32 $0x1E, v3;
	[tilespmem:v58+s31+$0x0] =	vst.idx.msk $0xffff, v22  }
0x411: {  	v3 =	vor.u32 $0x1F, v3;
	[tilespmem:v59+s31+$0x0] =	vst.idx.msk $0xffff, v23  }
0x412: {  	[tilespmem:v60+s31+$0x0] =	vst.idx.msk $0xffff, v24  }
0x413: {  	s19 =	sadd.s32 $0x1, s19;
	[tilespmem:v61+s31+$0x0] =	vst.idx.msk $0xffff, v2  }
0x414: {  	p1 =	sne.s32 s19, $0xDF;
	[tilespmem:v62+s31+$0x0] =	vst.idx.msk $0xffff, v20  }
.Ltmp10:
0x415: {  	[tilespmem:v63+s31+$0x0] =	vst.idx.msk $0xffff, v25;
	(pc) =	sbr.rel @p1 .LBB2_14-.Ltmp10, $4  }
0x416: {  	s11 =	simm.s32 $0x1A150;
	[tilespmem:v3+s31+$0x0] =	vst.idx.msk $0xffff, v21  }
0x417: {  	[spmem:s1] =	stream.indirect.scatter.add.f32 [tilespmem:s31], [sflag:$0x5], $0x20, s11, s20, $0xb8;
	[tilespmem:$0x1EFA0] =	vst v63  }
0x418: {  	s15 =	simm.s32 $0x1A230  }
0x419: {  	[spmem:s2] =	stream.indirect.scatter.add.f32 [tilespmem:s30], [sflag:$0x5], $0x10, s15, s20, $0xb8;
	[tilespmem:$0x1EFA0] =	vst v63  }
0x41a: {  	_ =	swait.ge [sflag:s9], $0x600  }
0x41b: {  	[sflag:s9] =	ssyncset.done $0x0  }
0x41c: {  	[sflag:s9] =	ssyncadd.s32 $0xFFFFFA00  }
0x41d: {  	_ =	swait.ge [sflag:s9], $0x600  }
0x41e: {  	[sflag:s9] =	ssyncset.done $0x0  }
0x41f: {  	[sflag:s9] =	ssyncadd.s32 $0xFFFFFA00  }
0x420: {  	_ =	swait.ge [sflag:s9], $0x600  }
0x421: {  	[sflag:s9] =	ssyncset.done $0x0  }
0x422: {  	[sflag:s9] =	ssyncadd.s32 $0xFFFFFA00  }
0x423: {  	_ =	swait.ge [sflag:s9], $0x300  }
0x424: {  	[sflag:s9] =	ssyncset.done $0x0  }
0x425: {  	[sflag:s9] =	ssyncadd.s32 $0xFFFFFD00  }
0x426: {  	_ =	swait.ge [sflag:s10], $0x380  }
0x427: {  	[sflag:s10] =	ssyncset.done $0x0  }
0x428: {  	[sflag:s10] =	ssyncadd.s32 $0xFFFFFC80  }
0x429: {  	_ =	swait.ge [sflag:s10], $0x380  }
0x42a: {  	[sflag:s10] =	ssyncset.done $0x0  }
0x42b: {  	[sflag:s10] =	ssyncadd.s32 $0xFFFFFC80  }
0x42c: {  	v2 =	vld [tilespmem:$0x19F90];
	_ =	sdelay $0x1  }
0x42d: {  	v3 =	vld [tilespmem:$0x19FA0]  }
0x42e: {  	v4 =	vld [tilespmem:$0x19FB0];
	_ =	sdelay $0x1  }
0x42f: {  	v63 =	vld [tilespmem:$0x19FE0];
	[tilespmem:$0x1A0E0] =	vst v2;
	v2 =	vshrl.u32 v2, $0x3  }
0x430: {  	[tilespmem:$0x1A1C0] =	vst v2;
	v2 =	vld [tilespmem:$0x19FC0]  }
0x431: {  	[tilespmem:$0x1A0F0] =	vst v3  }
0x432: {  	v3 =	vshrl.u32 v3, $0x3;
	[tilespmem:$0x1A100] =	vst v4  }
0x433: {  	[tilespmem:$0x1A1D0] =	vst v3;
	v3 =	vld [tilespmem:$0x19FD0]  }
0x434: {  	[tilespmem:$0x1A130] =	vst v63  }
0x435: {  	[tilespmem:$0x1A110] =	vst v2;
	v2 =	vshrl.u32 v2, $0x3  }
0x436: {  	v4 =	vshrl.u32 v4, $0x3;
	[tilespmem:$0x1A1F0] =	vst v2;
	v2 =	vld [tilespmem:$0x19FF0]  }
0x437: {  	[tilespmem:$0x1A1E0] =	vst v4  }
0x438: {  	[tilespmem:$0x1A120] =	vst v3;
	v3 =	vshrl.u32 v3, $0x3  }
0x439: {  	[tilespmem:$0x1A200] =	vst v3;
	v3 =	vshrl.u32 v63, $0x3  }
0x43a: {  	[tilespmem:$0x1A210] =	vst v3  }
0x43b: {  	[tilespmem:$0x1A140] =	vst v2;
	v2 =	vshrl.u32 v2, $0x3  }
0x43c: {  	[tilespmem:$0x1A220] =	vst v2  }
0x43d: {  	_ =	swait.ge [sflag:s17], $0xE00  }
0x43e: {  	[sflag:s17] =	ssyncset.done $0x0  }
0x43f: {  	[sflag:s17] =	ssyncadd.s32 $0xFFFFF200  }
0x440: {  	_ =	swait.ge [sflag:s17], $0x700  }
0x441: {  	[sflag:s17] =	ssyncset.done $0x0  }
0x442: {  	s11 =	simm.s32 $0x0;
	s12 =	simm.s32 $0x0;
	[sflag:s17] =	ssyncadd.s32 $0xFFFFF900  }
.LBB2_24:
0x443: {  	p1 =	sne.s32 s12, $0x1BC0  }
.Ltmp11:
0x444: {  	_ = 	snop;
	(pc) =	sbr.rel @p1 .LBB2_24-.Ltmp11, $3  }
0x445: {  	_ =	sdelay $0x1  }
0x446: {  	s13 =	sshra.s32 s12, $0x2  }
0x447: {  	s12 =	sadd.s32 $0x40, s12;
	[tilespmem:s13+$0x1E8A0] =	vst v0  }
0x448: {  	v3 =	vor.u32 s11, v1  }
0x449: {  	v10 =	vmul.u32 $0x30, v3;
	v2 =	vshll.u32 v3, $0x4  }
0x44a: {  	v4 =	vor.u32 $0x1, v2  }
0x44b: {  	v5 =	vadd.s32 $0x20, v10  }
0x44c: {  	v6 =	vadd.s32 $0x21, v10;
	_ =	sdelay $0x1  }
0x44d: {  	v7 =	vld.idx.msk [tilespmem:v2+s18+$0x0], $0xffff  }
0x44e: {  	v8 =	vld.idx.msk [tilespmem:v4+s18+$0x0], $0xffff  }
0x44f: {  	v5 =	vld.idx.msk [tilespmem:v5+s26+$0x0], $0xffff  }
0x450: {  	v6 =	vld.idx.msk [tilespmem:v6+s26+$0x0], $0xffff;
	_ =	sdelay $0x3  }
0x451: {  	v5 =	vadd.f32 v7, v5  }
0x452: {  	v6 =	vadd.f32 v8, v6  }
0x453: {  	v7 =	vmul.f32 $2.000000030e-01, v5  }
0x454: {  	vm0 =	vgt.f32 v5, $0.0e+00;
	v8 =	vmul.f32 $2.000000030e-01, v6  }
0x455: {  	s11 =	simm.s32 $0x1A0E0;
	vm15 =	vgt.f32 v6, $0.0e+00;
	v5 =	vsel vm0, v5, v7  }
0x456: {  	v7 =	vld [tilespmem:s11+$0x0];
	v6 =	vsel vm15, v6, v8;
	v5 =	vmul.f32 $1.442695020e+00, v5  }
0x457: {  	v6 =	vmul.f32 $1.442695020e+00, v6  }
0x458: {  	(erf) = vpow2.f32 v5  }
0x459: {  	(erf) = vpow2.f32 v6;
	_ =	sdelay $0x1  }
0x45a: {  	v5 =	vshll.u32 v7, $0x1  }
0x45b: {  	v5 =	vand.u32 $0xE, v5  }
0x45c: {  	v2 =	vor.u32 v2, v5  }
0x45d: {  	v4 =	vor.u32 v5, v4  }
0x45e: {  	v5 =	vadd.s32 $0x10, v10  }
0x45f: {  	v6 =	vadd.s32 $0x11, v10  }
0x460: {  	v7 =	vadd.s32 $0x16, v10;
	v20 =	vpop (erf)  }
0x461: {  	v8 =	vadd.s32 $0x15, v10;
	[tilespmem:v2+s30+$0x0] =	vst.idx.msk $0xffff, v20;
	v34 =	vpop (erf)  }
0x462: {  	v9 =	vor.u32 $0x9, v10;
	[tilespmem:v4+s30+$0x0] =	vst.idx.msk $0xffff, v34  }
0x463: {  	v12 =	vor.u32 $0xA, v10;
	v11 =	vld.idx.msk [tilespmem:v5+s26+$0x0], $0xffff  }
0x464: {  	v14 =	vor.u32 $0x6, v10;
	v15 =	vld.idx.msk [tilespmem:v6+s26+$0x0], $0xffff  }
0x465: {  	v23 =	vor.u32 $0x8, v10;
	v16 =	vld.idx.msk [tilespmem:v7+s26+$0x0], $0xffff  }
0x466: {  	v24 =	vor.u32 $0x5, v10;
	v21 =	vld.idx.msk [tilespmem:v8+s26+$0x0], $0xffff  }
0x467: {  	v25 =	vor.u32 $0x4, v10;
	v9 =	vld.idx.msk [tilespmem:v9+s26+$0x0], $0xffff  }
0x468: {  	v28 =	vor.u32 $0x2, v10;
	v26 =	vld.idx.msk [tilespmem:v12+s26+$0x0], $0xffff  }
0x469: {  	v36 =	vadd.s32 $0x1B, v10;
	v29 =	vld.idx.msk [tilespmem:v14+s26+$0x0], $0xffff  }
0x46a: {  	v2 =	vadd.s32 $0x17, v10;
	v23 =	vld.idx.msk [tilespmem:v23+s26+$0x0], $0xffff  }
0x46b: {  	v4 =	vor.u32 $0xF, v10;
	v24 =	vld.idx.msk [tilespmem:v24+s26+$0x0], $0xffff  }
0x46c: {  	v5 =	vadd.s32 $0x12, v10;
	v25 =	vld.idx.msk [tilespmem:v25+s26+$0x0], $0xffff  }
0x46d: {  	v6 =	vadd.s32 $0x13, v10;
	v28 =	vld.idx.msk [tilespmem:v28+s26+$0x0], $0xffff  }
0x46e: {  	v8 =	vor.u32 $0xE, v10;
	v36 =	vld.idx.msk [tilespmem:v36+s26+$0x0], $0xffff  }
0x46f: {  	v12 =	vor.u32 $0x3, v10;
	v19 =	vld.idx.msk [tilespmem:v2+s26+$0x0], $0xffff  }
0x470: {  	v14 =	vor.u32 $0x1, v10;
	v17 =	vld.idx.msk [tilespmem:v4+s26+$0x0], $0xffff  }
0x471: {  	v2 =	vadd.s32 $0x1C, v10;
	v13 =	vld.idx.msk [tilespmem:v5+s26+$0x0], $0xffff  }
0x472: {  	v5 =	vor.u32 $0xC, v10;
	v18 =	vld.idx.msk [tilespmem:v6+s26+$0x0], $0xffff  }
0x473: {  	v22 =	vld.idx.msk [tilespmem:v8+s26+$0x0], $0xffff;
	v8 =	vor.u32 $0x7, v10  }
0x474: {  	v6 =	vor.u32 $0xB, v10;
	v31 =	vld.idx.msk [tilespmem:v12+s26+$0x0], $0xffff  }
0x475: {  	v7 =	vadd.s32 $0x14, v10;
	v35 =	vld.idx.msk [tilespmem:v14+s26+$0x0], $0xffff  }
0x476: {  	v3 =	vshll.u32 v3, $0x5;
	v2 =	vld.idx.msk [tilespmem:v2+s26+$0x0], $0xffff  }
0x477: {  	v63 =	vor.u32 $0x1, v3;
	v4 =	vor.u32 $0xD, v10;
	v5 =	vld.idx.msk [tilespmem:v5+s26+$0x0], $0xffff  }
0x478: {  	v40 =	vor.u32 $0x2, v3;
	v30 =	vadd.s32 $0x18, v10;
	v12 =	vmul.f32 v9, v20;
	v27 =	vld.idx.msk [tilespmem:v8+s26+$0x0], $0xffff  }
0x479: {  	v33 =	vadd.s32 $0x1A, v10;
	v14 =	vmul.f32 v26, v20;
	v39 =	vmul.f32 v29, v20;
	v6 =	vld.idx.msk [tilespmem:v6+s26+$0x0], $0xffff  }
0x47a: {  	v37 =	vadd.s32 $0x1F, v10;
	v7 =	vld.idx.msk [tilespmem:v7+s26+$0x0], $0xffff;
	v28 =	vmul.f32 v28, v20;
	v44 =	vmul.f32 v24, v20  }
0x47b: {  	v32 =	vadd.s32 $0x19, v10;
	v24 =	vmul.f32 v36, v34;
	v9 =	vmul.f32 v22, v20;
	v22 =	vld.idx.msk [tilespmem:v10+s26+$0x0], $0xffff  }
0x47c: {  	v38 =	vadd.s32 $0x1E, v10;
	v4 =	vld.idx.msk [tilespmem:v4+s26+$0x0], $0xffff;
	v31 =	vmul.f32 v31, v20;
	v35 =	vmul.f32 v35, v20  }
0x47d: {  	v30 =	vld.idx.msk [tilespmem:v30+s26+$0x0], $0xffff;
	v2 =	vmul.f32 v2, v34;
	v26 =	vmul.f32 v27, v20;
	v27 =	vadd.s32 $0x1D, v10  }
0x47e: {  	v41 =	vor.u32 $0x4, v3;
	v62 =	vld.idx.msk [tilespmem:v33+s26+$0x0], $0xffff;
	v5 =	vmul.f32 v5, v20;
	v8 =	vmul.f32 v6, v20  }
0x47f: {  	v43 =	vor.u32 $0x5, v3;
	v37 =	vld.idx.msk [tilespmem:v37+s26+$0x0], $0xffff;
	v10 =	vmul.f32 v13, v34;
	v13 =	vmul.f32 v11, v34  }
0x480: {  	v29 =	vld.idx.msk [tilespmem:v32+s26+$0x0], $0xffff;
	v11 =	vmul.f32 v21, v34;
	v21 =	vor.u32 $0x3, v3;
	v22 =	vmul.f32 v22, v20  }
0x481: {  	v45 =	vor.u32 $0x6, v3;
	v38 =	vld.idx.msk [tilespmem:v38+s26+$0x0], $0xffff;
	v6 =	vmul.f32 v4, v20;
	v4 =	vmul.f32 v7, v34  }
0x482: {  	v7 =	vmul.f32 v18, v34;
	v18 =	vmul.f32 v17, v20;
	v42 =	vld.idx.msk [tilespmem:v27+s26+$0x0], $0xffff;
	[tilespmem:v3+s31+$0x0] =	vst.idx.msk $0xffff, v22  }
0x483: {  	v33 =	vor.u32 $0xB, v3;
	v17 =	vmul.f32 v15, v34;
	v15 =	vmul.f32 v16, v34;
	[tilespmem:v63+s31+$0x0] =	vst.idx.msk $0xffff, v35  }
0x484: {  	v32 =	vor.u32 $0xA, v3;
	v27 =	vmul.f32 v23, v20;
	v20 =	vmul.f32 v25, v20;
	[tilespmem:v40+s31+$0x0] =	vst.idx.msk $0xffff, v28  }
0x485: {  	v16 =	vmul.f32 v19, v34;
	v22 =	vmul.f32 v29, v34;
	v29 =	vor.u32 $0x7, v3;
	[tilespmem:v21+s31+$0x0] =	vst.idx.msk $0xffff, v31  }
0x486: {  	v19 =	vmul.f32 v30, v34;
	v30 =	vor.u32 $0x8, v3;
	v23 =	vmul.f32 v62, v34;
	[tilespmem:v41+s31+$0x0] =	vst.idx.msk $0xffff, v20  }
0x487: {  	v25 =	vmul.f32 v38, v34;
	v28 =	vor.u32 $0xD, v3;
	v31 =	vor.u32 $0x9, v3;
	[tilespmem:v43+s31+$0x0] =	vst.idx.msk $0xffff, v44  }
0x488: {  	s12 =	simm.s32 $0x10;
	v21 =	vmul.f32 v37, v34;
	v20 =	vmul.f32 v42, v34;
	v34 =	vor.u32 $0xC, v3;
	[tilespmem:v45+s31+$0x0] =	vst.idx.msk $0xffff, v39  }
.LBB2_26:
0x489: {  	p1 =	sne.s32 s12, $0x60  }
0x48a: {  	[tilespmem:v29+s31+$0x0] =	vst.idx.msk $0xffff, v26;
	s11 =	sadd.s32 $0x10, s11;
	s13 =	smov.u32 s12;
	s12 =	sadd.s32 $0x10, s12  }
0x48b: {  	v26 =	vor.u32 $0xE, v3;
	[tilespmem:v30+s31+$0x0] =	vst.idx.msk $0xffff, v27  }
0x48c: {  	[tilespmem:v31+s31+$0x0] =	vst.idx.msk $0xffff, v12;
	v12 =	vor.u32 $0xF, v3  }
0x48d: {  	[tilespmem:v32+s31+$0x0] =	vst.idx.msk $0xffff, v14;
	v14 =	vor.u32 $0x10, v3  }
0x48e: {  	[tilespmem:v33+s31+$0x0] =	vst.idx.msk $0xffff, v8;
	v8 =	vor.u32 $0x11, v3  }
0x48f: {  	[tilespmem:v34+s31+$0x0] =	vst.idx.msk $0xffff, v5;
	v5 =	vor.u32 $0x12, v3  }
0x490: {  	[tilespmem:v28+s31+$0x0] =	vst.idx.msk $0xffff, v6;
	v6 =	vor.u32 $0x13, v3  }
0x491: {  	[tilespmem:v26+s31+$0x0] =	vst.idx.msk $0xffff, v9;
	v9 =	vor.u32 $0x14, v3  }
0x492: {  	[tilespmem:v12+s31+$0x0] =	vst.idx.msk $0xffff, v18;
	v12 =	vor.u32 $0x15, v3  }
0x493: {  	[tilespmem:v14+s31+$0x0] =	vst.idx.msk $0xffff, v13;
	v13 =	vor.u32 $0x16, v3  }
0x494: {  	[tilespmem:v8+s31+$0x0] =	vst.idx.msk $0xffff, v17;
	v8 =	vor.u32 $0x17, v3  }
0x495: {  	[tilespmem:v5+s31+$0x0] =	vst.idx.msk $0xffff, v10;
	v5 =	vor.u32 $0x18, v3  }
0x496: {  	[tilespmem:v6+s31+$0x0] =	vst.idx.msk $0xffff, v7;
	v6 =	vor.u32 $0x19, v3  }
0x497: {  	[tilespmem:v9+s31+$0x0] =	vst.idx.msk $0xffff, v4;
	v4 =	vor.u32 $0x1A, v3  }
0x498: {  	v7 =	vor.u32 $0x1B, v3;
	[tilespmem:v12+s31+$0x0] =	vst.idx.msk $0xffff, v11  }
0x499: {  	v9 =	vor.u32 $0x1C, v3;
	[tilespmem:v13+s31+$0x0] =	vst.idx.msk $0xffff, v15  }
0x49a: {  	[tilespmem:v8+s31+$0x0] =	vst.idx.msk $0xffff, v16;
	v8 =	vor.u32 $0x1D, v3  }
0x49b: {  	[tilespmem:v5+s31+$0x0] =	vst.idx.msk $0xffff, v19;
	v5 =	vor.u32 $0x1E, v3  }
0x49c: {  	[tilespmem:v6+s31+$0x0] =	vst.idx.msk $0xffff, v22;
	v6 =	vor.u32 $0x1F, v3  }
0x49d: {  	v3 =	vor.u32 s13, v1;
	[tilespmem:v4+s31+$0x0] =	vst.idx.msk $0xffff, v23  }
0x49e: {  	v11 =	vmul.u32 $0x30, v3;
	v4 =	vshll.u32 v3, $0x4;
	[tilespmem:v7+s31+$0x0] =	vst.idx.msk $0xffff, v24  }
0x49f: {  	v7 =	vor.u32 $0x1, v4;
	[tilespmem:v9+s31+$0x0] =	vst.idx.msk $0xffff, v2  }
0x4a0: {  	v2 =	vadd.s32 $0x20, v11;
	v9 =	vadd.s32 $0x21, v11;
	[tilespmem:v8+s31+$0x0] =	vst.idx.msk $0xffff, v20  }
0x4a1: {  	[tilespmem:v5+s31+$0x0] =	vst.idx.msk $0xffff, v25  }
0x4a2: {  	[tilespmem:v6+s31+$0x0] =	vst.idx.msk $0xffff, v21  }
0x4a3: {  	v5 =	vld.idx.msk [tilespmem:v4+s18+$0x0], $0xffff  }
0x4a4: {  	v6 =	vld.idx.msk [tilespmem:v7+s18+$0x0], $0xffff  }
0x4a5: {  	v2 =	vld.idx.msk [tilespmem:v2+s26+$0x0], $0xffff  }
0x4a6: {  	v8 =	vld.idx.msk [tilespmem:v9+s26+$0x0], $0xffff;
	_ =	sdelay $0x4  }
0x4a7: {  	v2 =	vadd.f32 v5, v2  }
0x4a8: {  	v5 =	vadd.f32 v6, v8  }
0x4a9: {  	v6 =	vmul.f32 $2.000000030e-01, v2  }
0x4aa: {  	vm0 =	vgt.f32 v2, $0.0e+00;
	v8 =	vmul.f32 $2.000000030e-01, v5  }
0x4ab: {  	v2 =	vsel vm0, v2, v6;
	vm0 =	vgt.f32 v5, $0.0e+00  }
0x4ac: {  	v2 =	vmul.f32 $1.442695020e+00, v2;
	v5 =	vsel vm0, v5, v8;
	v6 =	vld [tilespmem:s11+$0x0]  }
0x4ad: {  	v5 =	vmul.f32 $1.442695020e+00, v5  }
0x4ae: {  	(erf) = vpow2.f32 v2  }
0x4af: {  	(erf) = vpow2.f32 v5;
	_ =	sdelay $0x1  }
0x4b0: {  	v2 =	vshll.u32 v6, $0x1  }
0x4b1: {  	v2 =	vand.u32 $0xE, v2  }
0x4b2: {  	v4 =	vor.u32 v4, v2;
	v2 =	vor.u32 v2, v7;
	_ =	sdelay $0x1  }
0x4b3: {  	v5 =	vadd.s32 $0x10, v11;
	v6 =	vadd.s32 $0x12, v11  }
0x4b4: {  	v8 =	vadd.s32 $0x11, v11;
	v7 =	vor.u32 $0xF, v11  }
0x4b5: {  	v10 =	vadd.s32 $0x16, v11;
	v9 =	vadd.s32 $0x15, v11;
	v21 =	vpop (erf)  }
0x4b6: {  	v15 =	vadd.s32 $0x1F, v11;
	[tilespmem:v4+s30+$0x0] =	vst.idx.msk $0xffff, v21;
	v4 =	vadd.s32 $0x17, v11;
	v20 =	vpop (erf)  }
0x4b7: {  	v16 =	vadd.s32 $0x1E, v11;
	[tilespmem:v2+s30+$0x0] =	vst.idx.msk $0xffff, v20  }
0x4b8: {  	v13 =	vld.idx.msk [tilespmem:v5+s26+$0x0], $0xffff  }
0x4b9: {  	v17 =	vld.idx.msk [tilespmem:v8+s26+$0x0], $0xffff  }
0x4ba: {  	v2 =	vadd.s32 $0x13, v11;
	v19 =	vld.idx.msk [tilespmem:v10+s26+$0x0], $0xffff  }
0x4bb: {  	v5 =	vadd.s32 $0x14, v11;
	v22 =	vld.idx.msk [tilespmem:v4+s26+$0x0], $0xffff  }
0x4bc: {  	v4 =	vadd.s32 $0x1C, v11;
	v23 =	vld.idx.msk [tilespmem:v9+s26+$0x0], $0xffff  }
0x4bd: {  	v8 =	vor.u32 $0xE, v11;
	v18 =	vld.idx.msk [tilespmem:v7+s26+$0x0], $0xffff  }
0x4be: {  	v7 =	vor.u32 $0xD, v11;
	v10 =	vld.idx.msk [tilespmem:v6+s26+$0x0], $0xffff  }
0x4bf: {  	v6 =	vor.u32 $0xC, v11;
	v24 =	vld.idx.msk [tilespmem:v2+s26+$0x0], $0xffff  }
0x4c0: {  	v2 =	vor.u32 $0xB, v11;
	v25 =	vld.idx.msk [tilespmem:v5+s26+$0x0], $0xffff  }
0x4c1: {  	v5 =	vor.u32 $0x9, v11;
	v4 =	vld.idx.msk [tilespmem:v4+s26+$0x0], $0xffff  }
0x4c2: {  	v9 =	vor.u32 $0xA, v11;
	v26 =	vld.idx.msk [tilespmem:v8+s26+$0x0], $0xffff  }
0x4c3: {  	v8 =	vor.u32 $0x7, v11;
	v7 =	vld.idx.msk [tilespmem:v7+s26+$0x0], $0xffff  }
0x4c4: {  	v12 =	vor.u32 $0x6, v11;
	v6 =	vld.idx.msk [tilespmem:v6+s26+$0x0], $0xffff  }
0x4c5: {  	v14 =	vor.u32 $0x8, v11;
	v27 =	vld.idx.msk [tilespmem:v2+s26+$0x0], $0xffff  }
0x4c6: {  	v28 =	vor.u32 $0x5, v11;
	v29 =	vld.idx.msk [tilespmem:v5+s26+$0x0], $0xffff  }
0x4c7: {  	v30 =	vor.u32 $0x4, v11;
	v2 =	vmul.f32 v4, v20;
	v9 =	vld.idx.msk [tilespmem:v9+s26+$0x0], $0xffff  }
0x4c8: {  	v4 =	vor.u32 $0x3, v11;
	v31 =	vld.idx.msk [tilespmem:v8+s26+$0x0], $0xffff  }
0x4c9: {  	v32 =	vor.u32 $0x2, v11;
	v33 =	vld.idx.msk [tilespmem:v12+s26+$0x0], $0xffff  }
0x4ca: {  	v34 =	vor.u32 $0x1, v11;
	v5 =	vmul.f32 v6, v21;
	v35 =	vld.idx.msk [tilespmem:v14+s26+$0x0], $0xffff  }
0x4cb: {  	v6 =	vmul.f32 v7, v21;
	v8 =	vmul.f32 v27, v21;
	v28 =	vld.idx.msk [tilespmem:v28+s26+$0x0], $0xffff  }
0x4cc: {  	v27 =	vadd.s32 $0x18, v11;
	v12 =	vmul.f32 v29, v21;
	v30 =	vld.idx.msk [tilespmem:v30+s26+$0x0], $0xffff  }
0x4cd: {  	v36 =	vadd.s32 $0x19, v11;
	v14 =	vmul.f32 v9, v21;
	v9 =	vmul.f32 v26, v21;
	v29 =	vld.idx.msk [tilespmem:v4+s26+$0x0], $0xffff  }
0x4ce: {  	v37 =	vadd.s32 $0x1A, v11;
	v26 =	vmul.f32 v31, v21;
	v4 =	vmul.f32 v25, v20;
	v32 =	vld.idx.msk [tilespmem:v32+s26+$0x0], $0xffff  }
0x4cf: {  	v7 =	vmul.f32 v24, v20;
	v31 =	vadd.s32 $0x1B, v11;
	v25 =	vld.idx.msk [tilespmem:v34+s26+$0x0], $0xffff;
	v34 =	vmul.f32 v33, v21  }
0x4d0: {  	v10 =	vmul.f32 v10, v20;
	v24 =	vld.idx.msk [tilespmem:v11+s26+$0x0], $0xffff  }
0x4d1: {  	v13 =	vmul.f32 v13, v20;
	v33 =	vld.idx.msk [tilespmem:v27+s26+$0x0], $0xffff  }
0x4d2: {  	v3 =	vshll.u32 v3, $0x5;
	v18 =	vmul.f32 v18, v21;
	v27 =	vadd.s32 $0x1D, v11;
	v36 =	vld.idx.msk [tilespmem:v36+s26+$0x0], $0xffff  }
0x4d3: {  	v38 =	vor.u32 $0x1, v3;
	v17 =	vmul.f32 v17, v20;
	v39 =	vmul.f32 v29, v21;
	v37 =	vld.idx.msk [tilespmem:v37+s26+$0x0], $0xffff  }
0x4d4: {  	v40 =	vor.u32 $0x2, v3;
	v11 =	vmul.f32 v23, v20;
	v32 =	vmul.f32 v32, v21;
	v31 =	vld.idx.msk [tilespmem:v31+s26+$0x0], $0xffff  }
0x4d5: {  	v23 =	vmul.f32 v25, v21;
	v25 =	vor.u32 $0x3, v3;
	v41 =	vld.idx.msk [tilespmem:v15+s26+$0x0], $0xffff;
	v15 =	vmul.f32 v19, v20  }
0x4d6: {  	v43 =	vor.u32 $0x4, v3;
	v24 =	vmul.f32 v24, v21;
	v42 =	vld.idx.msk [tilespmem:v16+s26+$0x0], $0xffff;
	v16 =	vmul.f32 v22, v20  }
0x4d7: {  	v45 =	vor.u32 $0x5, v3;
	v19 =	vmul.f32 v33, v20;
	v44 =	vld.idx.msk [tilespmem:v27+s26+$0x0], $0xffff;
	v27 =	vmul.f32 v35, v21  }
0x4d8: {  	v33 =	vmul.f32 v28, v21;
	v35 =	vor.u32 $0x6, v3;
	v22 =	vmul.f32 v36, v20;
	[tilespmem:v3+s31+$0x0] =	vst.idx.msk $0xffff, v24  }
0x4d9: {  	v29 =	vor.u32 $0x7, v3;
	v36 =	vmul.f32 v30, v21;
	[tilespmem:v38+s31+$0x0] =	vst.idx.msk $0xffff, v23;
	v23 =	vmul.f32 v37, v20  }
.Ltmp12:
0x4da: {  	v28 =	vor.u32 $0xD, v3;
	v30 =	vor.u32 $0x8, v3;
	v24 =	vmul.f32 v31, v20;
	[tilespmem:v40+s31+$0x0] =	vst.idx.msk $0xffff, v32;
	(pc) =	sbr.rel @p1 .LBB2_26-.Ltmp12, $4  }
0x4db: {  	v31 =	vor.u32 $0x9, v3;
	v21 =	vmul.f32 v41, v20;
	[tilespmem:v25+s31+$0x0] =	vst.idx.msk $0xffff, v39  }
0x4dc: {  	v32 =	vor.u32 $0xA, v3;
	v25 =	vmul.f32 v42, v20;
	[tilespmem:v43+s31+$0x0] =	vst.idx.msk $0xffff, v36  }
0x4dd: {  	v20 =	vmul.f32 v44, v20;
	[tilespmem:v45+s31+$0x0] =	vst.idx.msk $0xffff, v33;
	v33 =	vor.u32 $0xB, v3  }
0x4de: {  	[tilespmem:v35+s31+$0x0] =	vst.idx.msk $0xffff, v34;
	v34 =	vor.u32 $0xC, v3  }
0x4df: {  	_ =	sdelay $0x3  }
0x4e0: {  	[tilespmem:v29+s31+$0x0] =	vst.idx.msk $0xffff, v26  }
0x4e1: {  	[tilespmem:v30+s31+$0x0] =	vst.idx.msk $0xffff, v27  }
0x4e2: {  	v47 =	vor.u32 $0xE, v3;
	[tilespmem:v31+s31+$0x0] =	vst.idx.msk $0xffff, v12  }
0x4e3: {  	v48 =	vor.u32 $0xF, v3;
	[tilespmem:v32+s31+$0x0] =	vst.idx.msk $0xffff, v14  }
0x4e4: {  	v49 =	vor.u32 $0x10, v3;
	[tilespmem:v33+s31+$0x0] =	vst.idx.msk $0xffff, v8  }
0x4e5: {  	v50 =	vor.u32 $0x11, v3;
	[tilespmem:v34+s31+$0x0] =	vst.idx.msk $0xffff, v5  }
0x4e6: {  	v51 =	vor.u32 $0x12, v3;
	[tilespmem:v28+s31+$0x0] =	vst.idx.msk $0xffff, v6  }
0x4e7: {  	v52 =	vor.u32 $0x13, v3;
	[tilespmem:v47+s31+$0x0] =	vst.idx.msk $0xffff, v9  }
0x4e8: {  	v53 =	vor.u32 $0x14, v3;
	[tilespmem:v48+s31+$0x0] =	vst.idx.msk $0xffff, v18  }
0x4e9: {  	v54 =	vor.u32 $0x15, v3;
	[tilespmem:v49+s31+$0x0] =	vst.idx.msk $0xffff, v13  }
0x4ea: {  	v55 =	vor.u32 $0x16, v3;
	[tilespmem:v50+s31+$0x0] =	vst.idx.msk $0xffff, v17  }
0x4eb: {  	v56 =	vor.u32 $0x17, v3;
	[tilespmem:v51+s31+$0x0] =	vst.idx.msk $0xffff, v10  }
0x4ec: {  	v57 =	vor.u32 $0x18, v3;
	[tilespmem:v52+s31+$0x0] =	vst.idx.msk $0xffff, v7  }
0x4ed: {  	v58 =	vor.u32 $0x19, v3;
	[tilespmem:v53+s31+$0x0] =	vst.idx.msk $0xffff, v4  }
0x4ee: {  	v59 =	vor.u32 $0x1A, v3;
	[tilespmem:v54+s31+$0x0] =	vst.idx.msk $0xffff, v11  }
0x4ef: {  	v60 =	vor.u32 $0x1B, v3;
	[tilespmem:v55+s31+$0x0] =	vst.idx.msk $0xffff, v15  }
0x4f0: {  	v61 =	vor.u32 $0x1C, v3;
	[tilespmem:v56+s31+$0x0] =	vst.idx.msk $0xffff, v16  }
0x4f1: {  	v62 =	vor.u32 $0x1D, v3;
	[tilespmem:v57+s31+$0x0] =	vst.idx.msk $0xffff, v19  }
0x4f2: {  	v63 =	vor.u32 $0x1E, v3;
	[tilespmem:v58+s31+$0x0] =	vst.idx.msk $0xffff, v22  }
0x4f3: {  	v3 =	vor.u32 $0x1F, v3;
	[tilespmem:v59+s31+$0x0] =	vst.idx.msk $0xffff, v23  }
0x4f4: {  	[tilespmem:v60+s31+$0x0] =	vst.idx.msk $0xffff, v24  }
0x4f5: {  	[tilespmem:v61+s31+$0x0] =	vst.idx.msk $0xffff, v2  }
0x4f6: {  	[tilespmem:v62+s31+$0x0] =	vst.idx.msk $0xffff, v20  }
0x4f7: {  	[tilespmem:v63+s31+$0x0] =	vst.idx.msk $0xffff, v25  }
0x4f8: {  	s0 =	simm.s32 $0x1A0E0;
	[tilespmem:v3+s31+$0x0] =	vst.idx.msk $0xffff, v21  }
0x4f9: {  	[spmem:s1] =	stream.indirect.scatter.add.f32 [tilespmem:s31], [sflag:$0x5], $0x20, s0, s20, $0xb8;
	[tilespmem:$0x1EFA0] =	vst v63  }
0x4fa: {  	s23 =	simm.s32 $0x1A1C0  }
0x4fb: {  	[spmem:s2] =	stream.indirect.scatter.add.f32 [tilespmem:s30], [sflag:$0x5], $0x10, s23, s20, $0xb8;
	[tilespmem:$0x1EFA0] =	vst v63  }
0x4fc: {  	_ =	swait.ge [sflag:s17], $0xE00  }
0x4fd: {  	[sflag:s17] =	ssyncset.done $0x0  }
0x4fe: {  	[sflag:s17] =	ssyncadd.s32 $0xFFFFF200  }
0x4ff: {  	s11 =	simm.s32 $0x0;
	_ =	swait.ge [sflag:s17], $0x700  }
0x500: {  	s12 =	sand.u32 $0xF, s11;
	[sflag:s17] =	ssyncset.done $0x0  }
0x501: {  	p1 =	sne.s32 s12, s5;
	[sflag:s17] =	ssyncadd.s32 $0xFFFFF900  }
0x502: {  	s13 =	simm.s32 @!p1 $0x1DAA0;
	s19 =	simm.s32 @!p1 $0x7;
	[bflag:$0x0] =	sbarrier.arrive $0xFFFF  }
0x503: {  	[tilespmem:s13], [sflag:$0x7] =	stream.linear.gather @!p1 [spmem:s1], $0xA00, $0x38;
	[tilespmem:$0x1EFA0] =	vst v63  }
0x504: {  	s21 =	simm.s32 $0x2;
	p2 =	seq.s32 @!p1 s6, $0x0;
	_ =	swait.ge @!p1 [sflag:s19], $0xA00  }
0x505: {  	s15 =	simm.s32 @!p1 $0x0;
	p2 =	por !p2, p1;
	[sflag:s19] =	ssyncset.done @!p1 $0x0  }
0x506: {  	s0 =	rddreg [dreg:$0x8];
	[sflag:s19] =	ssyncadd.s32 @!p1 $0xFFFFF600;
	s19 =	simm.s32 @p2 $0x6  }
0x507: {  	[hbm4b:s0+s15] =	stream.linear.scatter @!p1 [tilespmem:s13], [sflag:s19], $0xA00, $0x38;
	[tilespmem:$0x1EFA0] =	vst v63  }
0x508: {  	s11 =	simm.s32 $0x1;
	s23 =	sadd.s32 $0xA00, s1;
	_ =	swait.ge @!p1 [sflag:s19], $0xA00  }
0x509: {  	s15 =	sand.u32 $0xF, s11;
	s13 =	sadd.s32 $0x140, s0;
	[sflag:s19] =	ssyncset.done @!p1 $0x0  }
.LBB2_28:
0x50a: {  	[sflag:s19] =	ssyncadd.s32 @!p1 $0xFFFFF600  }
0x50b: {  	p1 =	sne.s32 s15, s5;
	s15 =	smov.u32 s21;
	s21 =	sadd.s32 $0x1, s21  }
0x50c: {  	p3 =	seq.s32 @!p1 s6, $0x0;
	s16 =	simm.s32 @!p1 $0x1DAA0;
	s19 =	simm.s32 @!p1 $0x7  }
0x50d: {  	[tilespmem:s16], [sflag:$0x7] =	stream.linear.gather @!p1 [spmem:s23], $0xA00, $0x38;
	[tilespmem:$0x1EFA0] =	vst v63  }
0x50e: {  	p2 =	sne.s32 s21, $0x271;
	p3 =	por !p3, p1;
	_ =	swait.ge @!p1 [sflag:s19], $0xA00  }
.Ltmp13:
0x50f: {  	[sflag:s19] =	ssyncset.done @!p1 $0x0;
	(pc) =	sbr.rel @p2 .LBB2_28-.Ltmp13, $4  }
0x510: {  	s0 =	simm.s32 @!p1 $0x0;
	[sflag:s19] =	ssyncadd.s32 @!p1 $0xFFFFF600;
	s19 =	simm.s32 @p3 $0x6  }
0x511: {  	[hbm4b:s13+s0] =	stream.linear.scatter @!p1 [tilespmem:s16], [sflag:s19], $0xA00, $0x38;
	[tilespmem:$0x1EFA0] =	vst v63  }
0x512: {  	s23 =	sadd.s32 $0xA00, s23;
	_ =	swait.ge @!p1 [sflag:s19], $0xA00  }
0x513: {  	s15 =	sand.u32 $0xF, s15;
	s13 =	sadd.s32 $0x140, s13;
	[sflag:s19] =	ssyncset.done @!p1 $0x0  }
0x514: {  	p2 =	sne.s32 s15, s5  }
0x515: {  	[sflag:s19] =	ssyncadd.s32 @!p1 $0xFFFFF600;
	s0 =	simm.s32 @!p2 $0x1DAA0;
	s15 =	simm.s32 @!p2 $0x7  }
0x516: {  	[tilespmem:s0], [sflag:$0x7] =	stream.linear.gather @!p2 [spmem:s23], $0xA00, $0x38;
	[tilespmem:$0x1EFA0] =	vst v63  }
0x517: {  	p1 =	seq.s32 @!p2 s6, $0x0;
	_ =	swait.ge @!p2 [sflag:s15], $0xA00  }
0x518: {  	p1 =	por !p1, p2;
	[sflag:s15] =	ssyncset.done @!p2 $0x0  }
0x519: {  	s16 =	simm.s32 @!p2 $0x0;
	[sflag:s15] =	ssyncadd.s32 @!p2 $0xFFFFF600;
	s15 =	simm.s32 @p1 $0x6  }
0x51a: {  	[hbm4b:s13+s16] =	stream.linear.scatter @!p2 [tilespmem:s0], [sflag:s15], $0xA00, $0x38;
	[tilespmem:$0x1EFA0] =	vst v63  }
0x51b: {  	_ =	swait.ge @!p2 [sflag:s15], $0xA00  }
0x51c: {  	p1 =	sne.s32 s12, s5;
	[sflag:s15] =	ssyncset.done @!p2 $0x0  }
0x51d: {  	s0 =	simm.s32 @!p1 $0x1E8A0;
	s12 =	simm.s32 @!p1 $0x7;
	[sflag:s15] =	ssyncadd.s32 @!p2 $0xFFFFF600  }
0x51e: {  	[tilespmem:s0], [sflag:$0x7] =	stream.linear.gather @!p1 [spmem:s2], $0x320, $0x38;
	[tilespmem:$0x1EFA0] =	vst v63  }
0x51f: {  	p2 =	seq.s32 @!p1 s6, $0x0;
	_ =	swait.ge @!p1 [sflag:s12], $0x320  }
0x520: {  	s13 =	simm.s32 @!p1 $0x0;
	p2 =	por !p2, p1;
	[sflag:s12] =	ssyncset.done @!p1 $0x0  }
0x521: {  	s16 =	rddreg [dreg:$0x9];
	[sflag:s12] =	ssyncadd.s32 @!p1 $0xFFFFFCE0;
	s12 =	simm.s32 @p2 $0x6  }
0x522: {  	[hbm4b:s16+s13] =	stream.linear.scatter @!p1 [tilespmem:s0], [sflag:s12], $0x320, $0x38;
	[tilespmem:$0x1EFA0] =	vst v63  }
0x523: {  	s19 =	simm.s32 $0x2;
	s15 =	sand.u32 $0xF, s11;
	_ =	swait.ge @!p1 [sflag:s12], $0x320  }
0x524: {  	s11 =	sadd.s32 $0x64, s16;
	s13 =	sadd.s32 $0x320, s2;
	[sflag:s12] =	ssyncset.done @!p1 $0x0  }
.LBB2_30:
0x525: {  	[sflag:s12] =	ssyncadd.s32 @!p1 $0xFFFFFCE0  }
0x526: {  	p1 =	sne.s32 s15, s5;
	s0 =	smov.u32 s19;
	s19 =	sadd.s32 $0x1, s19  }
0x527: {  	p3 =	seq.s32 @!p1 s6, $0x0;
	s15 =	simm.s32 @!p1 $0x1E8A0;
	s12 =	simm.s32 @!p1 $0x7  }
0x528: {  	[tilespmem:s15], [sflag:$0x7] =	stream.linear.gather @!p1 [spmem:s13], $0x320, $0x38;
	[tilespmem:$0x1EFA0] =	vst v63  }
0x529: {  	p2 =	sne.s32 s19, $0x7D;
	p3 =	por !p3, p1;
	_ =	swait.ge @!p1 [sflag:s12], $0x320  }
.Ltmp14:
0x52a: {  	[sflag:s12] =	ssyncset.done @!p1 $0x0;
	(pc) =	sbr.rel @p2 .LBB2_30-.Ltmp14, $4  }
0x52b: {  	s16 =	simm.s32 @!p1 $0x0;
	[sflag:s12] =	ssyncadd.s32 @!p1 $0xFFFFFCE0;
	s12 =	simm.s32 @p3 $0x6  }
0x52c: {  	[hbm4b:s11+s16] =	stream.linear.scatter @!p1 [tilespmem:s15], [sflag:s12], $0x320, $0x38;
	[tilespmem:$0x1EFA0] =	vst v63  }
0x52d: {  	s13 =	sadd.s32 $0x320, s13;
	_ =	swait.ge @!p1 [sflag:s12], $0x320  }
0x52e: {  	s15 =	sand.u32 $0xF, s0;
	s11 =	sadd.s32 $0x64, s11;
	[sflag:s12] =	ssyncset.done @!p1 $0x0  }
0x52f: {  	p2 =	sne.s32 s15, s5  }
0x530: {  	[sflag:s12] =	ssyncadd.s32 @!p1 $0xFFFFFCE0;
	s0 =	simm.s32 @!p2 $0x1E8A0;
	s12 =	simm.s32 @!p2 $0x7  }
0x531: {  	[tilespmem:s0], [sflag:$0x7] =	stream.linear.gather @!p2 [spmem:s13], $0x320, $0x38;
	[tilespmem:$0x1EFA0] =	vst v63  }
0x532: {  	p1 =	seq.s32 @!p2 s6, $0x0;
	_ =	swait.ge @!p2 [sflag:s12], $0x320  }
0x533: {  	p1 =	por !p1, p2;
	[sflag:s12] =	ssyncset.done @!p2 $0x0  }
0x534: {  	s13 =	simm.s32 @!p2 $0x0;
	[sflag:s12] =	ssyncadd.s32 @!p2 $0xFFFFFCE0;
	s12 =	simm.s32 @p1 $0x6  }
0x535: {  	[hbm4b:s11+s13] =	stream.linear.scatter @!p2 [tilespmem:s0], [sflag:s12], $0x320, $0x38;
	[tilespmem:$0x1EFA0] =	vst v63  }
0x536: {  	_ =	swait.ge @!p2 [sflag:s12], $0x320  }
0x537: {  	s21 =	rddreg [dreg:$0x7]  }
0x538: {  	s23 =	rddreg [dreg:$0x12];
	s15 =	sadd.s32 $0x1, s21  }
0x539: {  	p1 =	sne.s32 s15, s23  }
.Ltmp15:
0x53a: {  	_ = 	snop;
	(pc) =	sbr.rel @p1 .LBB2_1-.Ltmp15, $3  }
0x53b: {  	_ =	sdelay $0x1  }
0x53c: {  	[sflag:s12] =	ssyncset.done @!p2 $0x0  }
0x53d: {  	[sflag:s12] =	ssyncadd.s32 @!p2 $0xFFFFFCE0  }
0x53e: {  	_ =	sfence.sel $0x180000  }
0x53f: {  	[bflag:$0x0] =	sbarrier.arrive $0xFFFF  }
0x540: {  	_ =	strace $0x90000047  }
0x541: {  	[bflag:$0x2] =	sbarrier.arrive $0xFFFF  }
0x542: {  	s0 =	rddreg [dreg:$0x6]  }
0x543: {  	s0 =	sadd.s32 @!p0 $0x100000, s0  }
0x544: {  	[sflag:s0] =	ssyncadd.tile.s32 @!p0 $0x1;
	_ =	shalt  }
.Lfunc_end2:
_tile_overlayer_lowered:
.L_overlay_start_2:
0x545: {  	(tag) =	ssettag $0x2  }
0x546: {  	s0 =	rddreg [dreg:$0x0];
	s2 =	stileid.u32  }
0x547: {  	s1 =	rddreg [dreg:$0x1];
	p0 =	sne.s32 s2, $0x0  }
0x548: {  	s3 =	rddreg [dreg:$0x2];
	[bflag:$0x3] =	sbarrier.arrive $0xFFFF;
	s2 =	simm.s32 @!p0 $0x1C06  }
0x549: {  	[timem:s3], [sflag:s2] =	dma.local @!p0 [hbm:s0], s1  }
0x54a: {  	s0 =	simm.s32 @!p0 $0x6  }
0x54b: {  	_ =	swait.ge @!p0 [sflag:s0], s1  }
0x54c: {  	s1 =	ssub.s32 @!p0 $0x0, s1;
	[sflag:s0] =	ssyncset.done @!p0 $0x0  }
0x54d: {  	[sflag:s0] =	ssyncadd.s32 @!p0 s1  }
0x54e: {  	[bflag:$0x3] =	sbarrier.arrive $0xFFFF  }
0x54f: {  	_ =	shalt  }

</sc_bundles>
